<compile_context>
chip_gen: v7x
topology: tpu7x:2x2x1
jax: 0.10.2.dev20260603
libtpu: 0.0.44.dev20260713+nightly
codegen_flags: <defaults>
</compile_context>

<pallas_src>
import jax
import jax.numpy as jnp
from jax import lax
from jax.experimental import pallas as pl
from jax.experimental.pallas import tpu as pltpu
from jax.experimental.pallas import tpu_sc as plsc

N = 10000
D_IN = 128
D_H = 128
D_OUT = 64

NC = 2
NS = 16
NW = NC * NS
K = 128
CPW = 80
E_PAD = NW * CPW * K
N_PAD = 10240
RPS = N_PAD // NS
CW = 16

_mesh = plsc.VectorSubcoreMesh(core_axis_name="c", subcore_axis_name="s")



def _hist_body(dst_hbm, zeros_hbm, ones_hbm, out_hbm, dst_v, ones_v, cnt_sh):
    c = lax.axis_index("c")
    s = lax.axis_index("s")
    w = c * NS + s
    sl = pl.ds(s * RPS, RPS)
    pltpu.sync_copy(zeros_hbm.at[sl], cnt_sh.at[sl])
    pltpu.sync_copy(ones_hbm, ones_v)
    pltpu.sync_copy(dst_hbm.at[w], dst_v)
    plsc.subcore_barrier()

    def body(j, carry):
        pltpu.sync_copy(ones_v, cnt_sh.at[dst_v.at[j]], add=True)
        return carry

    lax.fori_loop(0, CPW, body, 0)
    plsc.subcore_barrier()
    pltpu.sync_copy(cnt_sh.at[sl], out_hbm.at[c].at[sl])


_hist = pl.kernel(
    _hist_body,
    out_type=jax.ShapeDtypeStruct((NC, N_PAD, CW), jnp.float32),
    mesh=_mesh,
    compiler_params=pltpu.CompilerParams(use_tc_tiling_on_sc=False),
    scratch_types=[
        pltpu.VMEM((CPW, K), jnp.int32),
        pltpu.VMEM((K, CW), jnp.float32),
        pltpu.VMEM_SHARED((N_PAD, CW), jnp.float32),
    ],
)



IDX_SHIFT = 14
IDX_MASK = (1 << IDX_SHIFT) - 1
KA = 64
NBUF = 4
CPT = E_PAD // NS // KA


def _agg_body(hsplit_hbm, pidx_hbm, out_hbm,
              idx_v, sstg, dstg, rows0, rows1, rows2, rows3,
              g0, g1, g2, g3, table_sh, acc_sh):
    rows = (rows0, rows1, rows2, rows3)
    gsem = (g0, g1, g2, g3)
    c = lax.axis_index("c")
    s = lax.axis_index("s")
    sl = pl.ds(s * RPS, RPS)

    pltpu.sync_copy(hsplit_hbm.at[c].at[sl], table_sh.at[sl])
    pltpu.sync_copy(hsplit_hbm.at[c].at[sl], acc_sh.at[sl])
    pltpu.sync_copy(pidx_hbm.at[s], idx_v)
    plsc.subcore_barrier()

    def decode(j, p):
        for i in range(KA // 16):
            ds = pl.ds(i * 16, 16)
            pk = idx_v[j, ds]
            sstg[p, ds] = jnp.right_shift(pk, IDX_SHIFT)
            dstg[p, ds] = jnp.bitwise_and(pk, IDX_MASK)

    def gather_start(b):
        pltpu.async_copy(table_sh.at[sstg.at[b]], rows[b], gsem[b])

    def gather_wait(b):
        pltpu.make_async_copy(table_sh.at[sstg.at[b]], rows[b], gsem[b]).wait()

    def scatter(b):
        pltpu.sync_copy(rows[b], acc_sh.at[dstg.at[b]], add=True)

    for b in range(NBUF):
        decode(b, b)
        gather_start(b)

    def group_body(g, carry):
        for b in range(NBUF):
            j = g * NBUF + b
            gather_wait(b)
            scatter(b)
            decode(j + NBUF, b)
            gather_start(b)
        return carry

    lax.fori_loop(0, CPT // NBUF - 1, group_body, 0)
    for b in range(NBUF):
        gather_wait(b)
        scatter(b)
    plsc.subcore_barrier()
    pltpu.sync_copy(acc_sh.at[sl], out_hbm.at[c].at[sl])


def _make_agg(dh):
    return pl.kernel(
        _agg_body,
        out_type=jax.ShapeDtypeStruct((NC, N_PAD, dh), jnp.float32),
        mesh=_mesh,
        compiler_params=pltpu.CompilerParams(use_tc_tiling_on_sc=False),
        scratch_types=[
            pltpu.VMEM((CPT, KA), jnp.int32),
            pltpu.VMEM((NBUF, KA), jnp.int32),
            pltpu.VMEM((NBUF, KA), jnp.int32),
        ] + [pltpu.VMEM((KA, dh), jnp.float32) for _ in range(NBUF)]
          + [pltpu.SemaphoreType.DMA for _ in range(NBUF)]
          + [pltpu.VMEM_SHARED((N_PAD, dh), jnp.float32),
             pltpu.VMEM_SHARED((N_PAD, dh), jnp.float32)],
    )


_agg128 = _make_agg(D_H // 2)
_agg64 = _make_agg(D_OUT // 2)



BLK = 512
GRID = N_PAD // BLK


def _deg_mm_body(cnt_ref, x_ref, w_ref, h_ref, dinv_ref):
    cnt = cnt_ref[0][:, 0:1] + cnt_ref[1][:, 0:1] + 1.0
    d = lax.rsqrt(cnt)
    h = jnp.dot(x_ref[...], w_ref[...], preferred_element_type=jnp.float32) * d
    h_ref[0] = h[:, :D_H // 2]
    h_ref[1] = h[:, D_H // 2:]
    dinv_ref[...] = jnp.broadcast_to(d, (BLK, CW))


_deg_mm = pl.pallas_call(
    _deg_mm_body,
    grid=(GRID,),
    in_specs=[
        pl.BlockSpec((NC, BLK, CW), lambda i: (0, i, 0)),
        pl.BlockSpec((BLK, D_IN), lambda i: (i, 0)),
        pl.BlockSpec((D_IN, D_H), lambda i: (0, 0)),
    ],
    out_specs=[
        pl.BlockSpec((NC, BLK, D_H // 2), lambda i: (0, i, 0)),
        pl.BlockSpec((BLK, CW), lambda i: (i, 0)),
    ],
    out_shape=[
        jax.ShapeDtypeStruct((NC, N_PAD, D_H // 2), jnp.float32),
        jax.ShapeDtypeStruct((N_PAD, CW), jnp.float32),
    ],
)


def _mid_body(p_ref, dinv_ref, b_ref, w_ref, h2_ref):
    d = dinv_ref[:, 0:1]
    u = jnp.concatenate([p_ref[0], p_ref[1]], axis=1)
    r = jnp.maximum(u * d + b_ref[...], 0.0)
    h2 = jnp.dot(r, w_ref[...], preferred_element_type=jnp.float32) * d
    h2_ref[0] = h2[:, :D_OUT // 2]
    h2_ref[1] = h2[:, D_OUT // 2:]


_mid = pl.pallas_call(
    _mid_body,
    grid=(GRID,),
    in_specs=[
        pl.BlockSpec((NC, BLK, D_H // 2), lambda i: (0, i, 0)),
        pl.BlockSpec((BLK, CW), lambda i: (i, 0)),
        pl.BlockSpec((1, D_H), lambda i: (0, 0)),
        pl.BlockSpec((D_H, D_OUT), lambda i: (0, 0)),
    ],
    out_specs=pl.BlockSpec((NC, BLK, D_OUT // 2), lambda i: (0, i, 0)),
    out_shape=jax.ShapeDtypeStruct((NC, N_PAD, D_OUT // 2), jnp.float32),
)


def _final_body(q_ref, dinv_ref, b_ref, out_ref):
    d = dinv_ref[:, 0:1]
    u = jnp.concatenate([q_ref[0], q_ref[1]], axis=1)
    out_ref[...] = u * d + b_ref[...]


BLKF = 400

_final = pl.pallas_call(
    _final_body,
    grid=(N // BLKF,),
    in_specs=[
        pl.BlockSpec((NC, BLKF, D_OUT // 2), lambda i: (0, i, 0)),
        pl.BlockSpec((BLKF, CW), lambda i: (i, 0)),
        pl.BlockSpec((1, D_OUT), lambda i: (0, 0)),
    ],
    out_specs=pl.BlockSpec((BLKF, D_OUT), lambda i: (i, 0)),
    out_shape=jax.ShapeDtypeStruct((N, D_OUT), jnp.float32),
)


def kernel(x, edge_index, train_mask, labels, W1, b1, W2, b2):
    del train_mask, labels
    padv = jnp.full((E_PAD - edge_index.shape[1],), N_PAD - 1, dtype=jnp.int32)
    src = jnp.concatenate([edge_index[0], padv])
    dst = jnp.concatenate([edge_index[1], padv])
    pidx = jnp.bitwise_or(jnp.left_shift(src, IDX_SHIFT), dst).reshape(NS, CPT, KA)
    dst_h = dst.reshape(NW, E_PAD // NW // K, K)

    x_pad = jnp.pad(x, ((0, N_PAD - N), (0, 0)))
    zeros_cnt = jnp.zeros((N_PAD, CW), jnp.float32)
    ones_k = jnp.ones((K, CW), jnp.float32)

    counts = _hist(dst_h, zeros_cnt, ones_k)
    hsplit, dinv = _deg_mm(counts, x_pad, W1)
    p = _agg128(hsplit, pidx)
    h2split = _mid(p, dinv, b1.reshape(1, D_H), W2)
    q = _agg64(h2split, pidx)
    return _final(q, dinv, b2.reshape(1, D_OUT))

# --- scband reference (transcript-rebuilt; emitter-appended) ---
"""Pipeline reference for scband-gnnwith-xgb-66262755442783 (READ-ONLY COPY).

The authoritative reference and input builder live on the scoring server;
editing this copy changes nothing except your own understanding.
"""

import jax, jax.numpy as jnp
import numpy as np

N = 10000
E = 320000
D_IN = 128
D_H = 128
D_OUT = 64
NC = 10


def gcn_conv(x, edge_index, W, b):
    n = x.shape[0]
    src = edge_index[0]
    dst = edge_index[1]
    loop = jnp.arange(n, dtype=src.dtype)
    src = jnp.concatenate([src, loop])
    dst = jnp.concatenate([dst, loop])
    deg = jnp.zeros((n,), dtype=x.dtype).at[dst].add(1.0)
    dinv = jnp.where(deg > 0, 1.0 / jnp.sqrt(deg), 0.0)
    norm = dinv[src] * dinv[dst]
    h = x @ W
    msg = h[src] * norm[:, None]
    out = jnp.zeros((n, W.shape[1]), dtype=x.dtype).at[dst].add(msg)
    return out + b


def setup_inputs(seed: int = 0):
    key = jax.random.key(seed)
    ks = jax.random.split(key, 8)
    x = jax.random.normal(ks[0], (N, D_IN), dtype=jnp.float32)
    edge_index = jax.random.randint(ks[1], (2, E), 0, N, dtype=jnp.int32)
    train_mask = jax.random.randint(ks[2], (N,), 0, 2, dtype=jnp.int32) > 0
    labels = jax.random.randint(ks[3], (N,), 0, NC, dtype=jnp.int32)
    W1 = jax.random.normal(ks[4], (D_IN, D_H), dtype=jnp.float32) * (1.0 / np.sqrt(D_IN))
    b1 = jnp.zeros((D_H,), dtype=jnp.float32)
    W2 = jax.random.normal(ks[5], (D_H, D_OUT), dtype=jnp.float32) * (1.0 / np.sqrt(D_H))
    b2 = jnp.zeros((D_OUT,), dtype=jnp.float32)
    return {"x": x, "edge_index": edge_index, "train_mask": train_mask, "labels": labels,
            "W1": W1, "b1": b1, "W2": W2, "b2": b2}


def reference(x, edge_index, train_mask, labels, W1, b1, W2, b2):
    # GCN part of GNNWithXGB.forward (training branch returns embeddings;
    # the XGBoost fit/predict is an external non-differentiable side effect, skipped).
    h = jax.nn.relu(gcn_conv(x, edge_index, W1, b1))
    embeddings = gcn_conv(h, edge_index, W2, b2)
    return embeddings

if __name__ == "__main__":
    import jax
    _d = setup_inputs()
    print(jax.jit(kernel)(*tuple(_d.values())))

</pallas_src>

<mosaic_0001>
#map = affine_map<(d0, d1) -> (0, 0, 0)>
module attributes {stable_mosaic.version = 14 : i64} {
  func.func @_agg_body(%arg0: i32, %arg1: i32, %arg2: memref<2x10240x64xf32, #tpu.memory_space<hbm>>, %arg3: memref<16x320x64xi32, #tpu.memory_space<hbm>>, %arg4: memref<2x10240x64xf32, #tpu.memory_space<hbm>>, %arg5: memref<320x64xi32, #tpu.memory_space<vmem>>, %arg6: memref<4x64xi32, #tpu.memory_space<vmem>>, %arg7: memref<4x64xi32, #tpu.memory_space<vmem>>, %arg8: memref<64x64xf32, #tpu.memory_space<vmem>>, %arg9: memref<64x64xf32, #tpu.memory_space<vmem>>, %arg10: memref<64x64xf32, #tpu.memory_space<vmem>>, %arg11: memref<64x64xf32, #tpu.memory_space<vmem>>, %arg12: memref<!tpu.dma_semaphore, #tpu.memory_space<semaphore_mem>>, %arg13: memref<!tpu.dma_semaphore, #tpu.memory_space<semaphore_mem>>, %arg14: memref<!tpu.dma_semaphore, #tpu.memory_space<semaphore_mem>>, %arg15: memref<!tpu.dma_semaphore, #tpu.memory_space<semaphore_mem>>, %arg16: memref<10240x64xf32, #tpu.memory_space<vmem_shared>>, %arg17: memref<10240x64xf32, #tpu.memory_space<vmem_shared>>) attributes {dimension_semantics = [#tpu.dimension_semantics<core_parallel>, #tpu.dimension_semantics<subcore_parallel>], iteration_bounds = array<i64: 2, 16>, scalar_prefetch = 0 : i64, scratch_operands = 13 : i64, tpu.core_type = #tpu.core_type<sc_vector_subcore>, window_params = [{transform_indices = #map}, {transform_indices = #map}, {transform_indices = #map}]} {
    %mul3A = arith.constant 640 : i32
    %mul3A_0 = arith.muli %arg1, %mul3A : i32
    "tpu.region"() ({
      %run_scoped3A_428 = tpu.sem_alloc : memref<!tpu.dma_semaphore, #tpu.memory_space<semaphore_mem>>
      %dma_start3A_429 = arith.constant 0 : i32
      %dma_start3A_430 = tpu.memref_slice %arg16[%mul3A_0, %dma_start3A_429] : memref<10240x64xf32, #tpu.memory_space<vmem_shared>> -> memref<640x64xf32, #tpu.memory_space<vmem_shared>>
      %dma_start3A_431 = arith.constant 0 : i32
      %dma_start3A_432 = arith.constant 0 : i32
      %dma_start3A_433 = tpu.memref_slice %arg2[%arg0, %dma_start3A_431, %dma_start3A_432] : memref<2x10240x64xf32, #tpu.memory_space<hbm>> -> memref<1x10240x64xf32, #tpu.memory_space<hbm>>
      %dma_start3A_434 = tpu.memref_squeeze %dma_start3A_433 : memref<1x10240x64xf32, #tpu.memory_space<hbm>> -> memref<10240x64xf32, #tpu.memory_space<hbm>>
      %dma_start3A_435 = arith.constant 0 : i32
      %dma_start3A_436 = tpu.memref_slice %dma_start3A_434[%mul3A_0, %dma_start3A_435] : memref<10240x64xf32, #tpu.memory_space<hbm>> -> memref<640x64xf32, #tpu.memory_space<hbm>>
      tpu.enqueue_dma source(%dma_start3A_436 : memref<640x64xf32, #tpu.memory_space<hbm>>) target(%dma_start3A_430 : memref<640x64xf32, #tpu.memory_space<vmem_shared>>) target_semaphore(%run_scoped3A_428 : memref<!tpu.dma_semaphore, #tpu.memory_space<semaphore_mem>>)
      %dma_wait3A_437 = arith.constant 0 : i32
      %dma_wait3A_438 = tpu.memref_slice %arg16[%mul3A_0, %dma_wait3A_437] : memref<10240x64xf32, #tpu.memory_space<vmem_shared>> -> memref<640x64xf32, #tpu.memory_space<vmem_shared>>
      %dma_wait3A_439 = arith.constant 0 : i32
      %dma_wait3A_440 = arith.constant 0 : i32
      %dma_wait3A_441 = tpu.memref_slice %arg2[%arg0, %dma_wait3A_439, %dma_wait3A_440] : memref<2x10240x64xf32, #tpu.memory_space<hbm>> -> memref<1x10240x64xf32, #tpu.memory_space<hbm>>
      %dma_wait3A_442 = tpu.memref_squeeze %dma_wait3A_441 : memref<1x10240x64xf32, #tpu.memory_space<hbm>> -> memref<10240x64xf32, #tpu.memory_space<hbm>>
      %dma_wait3A_443 = arith.constant 0 : i32
      %dma_wait3A_444 = tpu.memref_slice %dma_wait3A_442[%mul3A_0, %dma_wait3A_443] : memref<10240x64xf32, #tpu.memory_space<hbm>> -> memref<640x64xf32, #tpu.memory_space<hbm>>
      tpu.wait_dma2 semaphore(%run_scoped3A_428 : memref<!tpu.dma_semaphore, #tpu.memory_space<semaphore_mem>>) src(%dma_wait3A_444 : memref<640x64xf32, #tpu.memory_space<hbm>>) dst(%dma_wait3A_438 : memref<640x64xf32, #tpu.memory_space<vmem_shared>>)
      tpu.yield
    }) : () -> ()
    "tpu.region"() ({
      %run_scoped3A_428 = tpu.sem_alloc : memref<!tpu.dma_semaphore, #tpu.memory_space<semaphore_mem>>
      %dma_start3A_429 = arith.constant 0 : i32
      %dma_start3A_430 = tpu.memref_slice %arg17[%mul3A_0, %dma_start3A_429] : memref<10240x64xf32, #tpu.memory_space<vmem_shared>> -> memref<640x64xf32, #tpu.memory_space<vmem_shared>>
      %dma_start3A_431 = arith.constant 0 : i32
      %dma_start3A_432 = arith.constant 0 : i32
      %dma_start3A_433 = tpu.memref_slice %arg2[%arg0, %dma_start3A_431, %dma_start3A_432] : memref<2x10240x64xf32, #tpu.memory_space<hbm>> -> memref<1x10240x64xf32, #tpu.memory_space<hbm>>
      %dma_start3A_434 = tpu.memref_squeeze %dma_start3A_433 : memref<1x10240x64xf32, #tpu.memory_space<hbm>> -> memref<10240x64xf32, #tpu.memory_space<hbm>>
      %dma_start3A_435 = arith.constant 0 : i32
      %dma_start3A_436 = tpu.memref_slice %dma_start3A_434[%mul3A_0, %dma_start3A_435] : memref<10240x64xf32, #tpu.memory_space<hbm>> -> memref<640x64xf32, #tpu.memory_space<hbm>>
      tpu.enqueue_dma source(%dma_start3A_436 : memref<640x64xf32, #tpu.memory_space<hbm>>) target(%dma_start3A_430 : memref<640x64xf32, #tpu.memory_space<vmem_shared>>) target_semaphore(%run_scoped3A_428 : memref<!tpu.dma_semaphore, #tpu.memory_space<semaphore_mem>>)
      %dma_wait3A_437 = arith.constant 0 : i32
      %dma_wait3A_438 = tpu.memref_slice %arg17[%mul3A_0, %dma_wait3A_437] : memref<10240x64xf32, #tpu.memory_space<vmem_shared>> -> memref<640x64xf32, #tpu.memory_space<vmem_shared>>
      %dma_wait3A_439 = arith.constant 0 : i32
      %dma_wait3A_440 = arith.constant 0 : i32
      %dma_wait3A_441 = tpu.memref_slice %arg2[%arg0, %dma_wait3A_439, %dma_wait3A_440] : memref<2x10240x64xf32, #tpu.memory_space<hbm>> -> memref<1x10240x64xf32, #tpu.memory_space<hbm>>
      %dma_wait3A_442 = tpu.memref_squeeze %dma_wait3A_441 : memref<1x10240x64xf32, #tpu.memory_space<hbm>> -> memref<10240x64xf32, #tpu.memory_space<hbm>>
      %dma_wait3A_443 = arith.constant 0 : i32
      %dma_wait3A_444 = tpu.memref_slice %dma_wait3A_442[%mul3A_0, %dma_wait3A_443] : memref<10240x64xf32, #tpu.memory_space<hbm>> -> memref<640x64xf32, #tpu.memory_space<hbm>>
      tpu.wait_dma2 semaphore(%run_scoped3A_428 : memref<!tpu.dma_semaphore, #tpu.memory_space<semaphore_mem>>) src(%dma_wait3A_444 : memref<640x64xf32, #tpu.memory_space<hbm>>) dst(%dma_wait3A_438 : memref<640x64xf32, #tpu.memory_space<vmem_shared>>)
      tpu.yield
    }) : () -> ()
    "tpu.region"() ({
      %run_scoped3A_428 = tpu.sem_alloc : memref<!tpu.dma_semaphore, #tpu.memory_space<semaphore_mem>>
      %dma_start3A_429 = arith.constant 0 : i32
      %dma_start3A_430 = arith.constant 0 : i32
      %dma_start3A_431 = tpu.memref_slice %arg3[%arg1, %dma_start3A_429, %dma_start3A_430] : memref<16x320x64xi32, #tpu.memory_space<hbm>> -> memref<1x320x64xi32, #tpu.memory_space<hbm>>
      %dma_start3A_432 = tpu.memref_squeeze %dma_start3A_431 : memref<1x320x64xi32, #tpu.memory_space<hbm>> -> memref<320x64xi32, #tpu.memory_space<hbm>>
      %dma_start3A_433 = arith.constant 0 : i32
      %dma_start3A_434 = arith.constant 0 : i32
      %dma_start3A_435 = tpu.memref_slice %arg3[%arg1, %dma_start3A_433, %dma_start3A_434] : memref<16x320x64xi32, #tpu.memory_space<hbm>> -> memref<1x320x64xi32, #tpu.memory_space<hbm>>
      %dma_start3A_436 = tpu.memref_squeeze %dma_start3A_435 : memref<1x320x64xi32, #tpu.memory_space<hbm>> -> memref<320x64xi32, #tpu.memory_space<hbm>>
      tpu.enqueue_dma source(%dma_start3A_436 : memref<320x64xi32, #tpu.memory_space<hbm>>) target(%arg5 : memref<320x64xi32, #tpu.memory_space<vmem>>) target_semaphore(%run_scoped3A_428 : memref<!tpu.dma_semaphore, #tpu.memory_space<semaphore_mem>>)
      %dma_wait3A_437 = arith.constant 0 : i32
      %dma_wait3A_438 = arith.constant 0 : i32
      %dma_wait3A_439 = tpu.memref_slice %arg3[%arg1, %dma_wait3A_437, %dma_wait3A_438] : memref<16x320x64xi32, #tpu.memory_space<hbm>> -> memref<1x320x64xi32, #tpu.memory_space<hbm>>
      %dma_wait3A_440 = tpu.memref_squeeze %dma_wait3A_439 : memref<1x320x64xi32, #tpu.memory_space<hbm>> -> memref<320x64xi32, #tpu.memory_space<hbm>>
      %dma_wait3A_441 = arith.constant 0 : i32
      %dma_wait3A_442 = arith.constant 0 : i32
      %dma_wait3A_443 = tpu.memref_slice %arg3[%arg1, %dma_wait3A_441, %dma_wait3A_442] : memref<16x320x64xi32, #tpu.memory_space<hbm>> -> memref<1x320x64xi32, #tpu.memory_space<hbm>>
      %dma_wait3A_444 = tpu.memref_squeeze %dma_wait3A_443 : memref<1x320x64xi32, #tpu.memory_space<hbm>> -> memref<320x64xi32, #tpu.memory_space<hbm>>
      tpu.wait_dma2 semaphore(%run_scoped3A_428 : memref<!tpu.dma_semaphore, #tpu.memory_space<semaphore_mem>>) src(%dma_wait3A_444 : memref<320x64xi32, #tpu.memory_space<hbm>>) dst(%arg5 : memref<320x64xi32, #tpu.memory_space<vmem>>)
      tpu.yield
    }) : () -> ()
    %barrier3A = arith.constant 0 : index
    tpu.barrier barrier_id(%barrier3A)
    %get3A = arith.constant 0 : i32
    %get3A_1 = arith.index_cast %get3A : i32 to index
    %get3A_2 = arith.constant 0 : index
    %get3A_3 = tpu.vector_load %arg5[%get3A_1, %get3A_2] {strides = array<i32>} : memref<320x64xi32, #tpu.memory_space<vmem>>, vector<1x16xi32>,
    %get3A_4 = vector.shape_cast %get3A_3 : vector<1x16xi32> to vector<16xi32>
    %shift_right_arithmetic3A = arith.constant 14 : i32
    %shift_right_arithmetic3A_5 = vector.broadcast %shift_right_arithmetic3A : i32 to vector<16xi32>
    %shift_right_arithmetic3A_6 = arith.shrsi %get3A_4, %shift_right_arithmetic3A_5 : vector<16xi32>
    %swap3A = arith.constant 0 : i32
    %swap3A_7 = arith.index_cast %swap3A : i32 to index
    %swap3A_8 = arith.constant 0 : index
    %swap3A_9 = tpu.vector_load %arg6[%swap3A_7, %swap3A_8] {strides = array<i32>} : memref<4x64xi32, #tpu.memory_space<vmem>>, vector<1x16xi32>,
    %swap3A_10 = vector.shape_cast %swap3A_9 : vector<1x16xi32> to vector<16xi32>
    %swap3A_11 = vector.shape_cast %shift_right_arithmetic3A_6 : vector<16xi32> to vector<1x16xi32>
    tpu.vector_store %arg6[%swap3A_7, %swap3A_8], %swap3A_11 {strides = array<i32>} : memref<4x64xi32, #tpu.memory_space<vmem>>, vector<1x16xi32>,
    %and3A = arith.constant 16383 : i32
    %and3A_12 = vector.broadcast %and3A : i32 to vector<16xi32>
    %and3A_13 = arith.andi %get3A_4, %and3A_12 : vector<16xi32>
    %swap3A_14 = arith.constant 0 : i32
    %swap3A_15 = arith.index_cast %swap3A_14 : i32 to index
    %swap3A_16 = arith.constant 0 : index
    %swap3A_17 = tpu.vector_load %arg7[%swap3A_15, %swap3A_16] {strides = array<i32>} : memref<4x64xi32, #tpu.memory_space<vmem>>, vector<1x16xi32>,
    %swap3A_18 = vector.shape_cast %swap3A_17 : vector<1x16xi32> to vector<16xi32>
    %swap3A_19 = vector.shape_cast %and3A_13 : vector<16xi32> to vector<1x16xi32>
    tpu.vector_store %arg7[%swap3A_15, %swap3A_16], %swap3A_19 {strides = array<i32>} : memref<4x64xi32, #tpu.memory_space<vmem>>, vector<1x16xi32>,
    %get3A_20 = arith.constant 0 : i32
    %get3A_21 = arith.index_cast %get3A_20 : i32 to index
    %get3A_22 = arith.constant 16 : index
    %get3A_23 = tpu.vector_load %arg5[%get3A_21, %get3A_22] {strides = array<i32>} : memref<320x64xi32, #tpu.memory_space<vmem>>, vector<1x16xi32>,
    %get3A_24 = vector.shape_cast %get3A_23 : vector<1x16xi32> to vector<16xi32>
    %shift_right_arithmetic3A_25 = arith.constant 14 : i32
    %shift_right_arithmetic3A_26 = vector.broadcast %shift_right_arithmetic3A_25 : i32 to vector<16xi32>
    %shift_right_arithmetic3A_27 = arith.shrsi %get3A_24, %shift_right_arithmetic3A_26 : vector<16xi32>
    %swap3A_28 = arith.constant 0 : i32
    %swap3A_29 = arith.index_cast %swap3A_28 : i32 to index
    %swap3A_30 = arith.constant 16 : index
    %swap3A_31 = tpu.vector_load %arg6[%swap3A_29, %swap3A_30] {strides = array<i32>} : memref<4x64xi32, #tpu.memory_space<vmem>>, vector<1x16xi32>,
    %swap3A_32 = vector.shape_cast %swap3A_31 : vector<1x16xi32> to vector<16xi32>
    %swap3A_33 = vector.shape_cast %shift_right_arithmetic3A_27 : vector<16xi32> to vector<1x16xi32>
    tpu.vector_store %arg6[%swap3A_29, %swap3A_30], %swap3A_33 {strides = array<i32>} : memref<4x64xi32, #tpu.memory_space<vmem>>, vector<1x16xi32>,
    %and3A_34 = arith.constant 16383 : i32
    %and3A_35 = vector.broadcast %and3A_34 : i32 to vector<16xi32>
    %and3A_36 = arith.andi %get3A_24, %and3A_35 : vector<16xi32>
    %swap3A_37 = arith.constant 0 : i32
    %swap3A_38 = arith.index_cast %swap3A_37 : i32 to index
    %swap3A_39 = arith.constant 16 : index
    %swap3A_40 = tpu.vector_load %arg7[%swap3A_38, %swap3A_39] {strides = array<i32>} : memref<4x64xi32, #tpu.memory_space<vmem>>, vector<1x16xi32>,
    %swap3A_41 = vector.shape_cast %swap3A_40 : vector<1x16xi32> to vector<16xi32>
    %swap3A_42 = vector.shape_cast %and3A_36 : vector<16xi32> to vector<1x16xi32>
    tpu.vector_store %arg7[%swap3A_38, %swap3A_39], %swap3A_42 {strides = array<i32>} : memref<4x64xi32, #tpu.memory_space<vmem>>, vector<1x16xi32>,
    %get3A_43 = arith.constant 0 : i32
    %get3A_44 = arith.index_cast %get3A_43 : i32 to index
    %get3A_45 = arith.constant 32 : index
    %get3A_46 = tpu.vector_load %arg5[%get3A_44, %get3A_45] {strides = array<i32>} : memref<320x64xi32, #tpu.memory_space<vmem>>, vector<1x16xi32>,
    %get3A_47 = vector.shape_cast %get3A_46 : vector<1x16xi32> to vector<16xi32>
    %shift_right_arithmetic3A_48 = arith.constant 14 : i32
    %shift_right_arithmetic3A_49 = vector.broadcast %shift_right_arithmetic3A_48 : i32 to vector<16xi32>
    %shift_right_arithmetic3A_50 = arith.shrsi %get3A_47, %shift_right_arithmetic3A_49 : vector<16xi32>
    %swap3A_51 = arith.constant 0 : i32
    %swap3A_52 = arith.index_cast %swap3A_51 : i32 to index
    %swap3A_53 = arith.constant 32 : index
    %swap3A_54 = tpu.vector_load %arg6[%swap3A_52, %swap3A_53] {strides = array<i32>} : memref<4x64xi32, #tpu.memory_space<vmem>>, vector<1x16xi32>,
    %swap3A_55 = vector.shape_cast %swap3A_54 : vector<1x16xi32> to vector<16xi32>
    %swap3A_56 = vector.shape_cast %shift_right_arithmetic3A_50 : vector<16xi32> to vector<1x16xi32>
    tpu.vector_store %arg6[%swap3A_52, %swap3A_53], %swap3A_56 {strides = array<i32>} : memref<4x64xi32, #tpu.memory_space<vmem>>, vector<1x16xi32>,
    %and3A_57 = arith.constant 16383 : i32
    %and3A_58 = vector.broadcast %and3A_57 : i32 to vector<16xi32>
    %and3A_59 = arith.andi %get3A_47, %and3A_58 : vector<16xi32>
    %swap3A_60 = arith.constant 0 : i32
    %swap3A_61 = arith.index_cast %swap3A_60 : i32 to index
    %swap3A_62 = arith.constant 32 : index
    %swap3A_63 = tpu.vector_load %arg7[%swap3A_61, %swap3A_62] {strides = array<i32>} : memref<4x64xi32, #tpu.memory_space<vmem>>, vector<1x16xi32>,
    %swap3A_64 = vector.shape_cast %swap3A_63 : vector<1x16xi32> to vector<16xi32>
    %swap3A_65 = vector.shape_cast %and3A_59 : vector<16xi32> to vector<1x16xi32>
    tpu.vector_store %arg7[%swap3A_61, %swap3A_62], %swap3A_65 {strides = array<i32>} : memref<4x64xi32, #tpu.memory_space<vmem>>, vector<1x16xi32>,
    %get3A_66 = arith.constant 0 : i32
    %get3A_67 = arith.index_cast %get3A_66 : i32 to index
    %get3A_68 = arith.constant 48 : index
    %get3A_69 = tpu.vector_load %arg5[%get3A_67, %get3A_68] {strides = array<i32>} : memref<320x64xi32, #tpu.memory_space<vmem>>, vector<1x16xi32>,
    %get3A_70 = vector.shape_cast %get3A_69 : vector<1x16xi32> to vector<16xi32>
    %shift_right_arithmetic3A_71 = arith.constant 14 : i32
    %shift_right_arithmetic3A_72 = vector.broadcast %shift_right_arithmetic3A_71 : i32 to vector<16xi32>
    %shift_right_arithmetic3A_73 = arith.shrsi %get3A_70, %shift_right_arithmetic3A_72 : vector<16xi32>
    %swap3A_74 = arith.constant 0 : i32
    %swap3A_75 = arith.index_cast %swap3A_74 : i32 to index
    %swap3A_76 = arith.constant 48 : index
    %swap3A_77 = tpu.vector_load %arg6[%swap3A_75, %swap3A_76] {strides = array<i32>} : memref<4x64xi32, #tpu.memory_space<vmem>>, vector<1x16xi32>,
    %swap3A_78 = vector.shape_cast %swap3A_77 : vector<1x16xi32> to vector<16xi32>
    %swap3A_79 = vector.shape_cast %shift_right_arithmetic3A_73 : vector<16xi32> to vector<1x16xi32>
    tpu.vector_store %arg6[%swap3A_75, %swap3A_76], %swap3A_79 {strides = array<i32>} : memref<4x64xi32, #tpu.memory_space<vmem>>, vector<1x16xi32>,
    %and3A_80 = arith.constant 16383 : i32
    %and3A_81 = vector.broadcast %and3A_80 : i32 to vector<16xi32>
    %and3A_82 = arith.andi %get3A_70, %and3A_81 : vector<16xi32>
    %swap3A_83 = arith.constant 0 : i32
    %swap3A_84 = arith.index_cast %swap3A_83 : i32 to index
    %swap3A_85 = arith.constant 48 : index
    %swap3A_86 = tpu.vector_load %arg7[%swap3A_84, %swap3A_85] {strides = array<i32>} : memref<4x64xi32, #tpu.memory_space<vmem>>, vector<1x16xi32>,
    %swap3A_87 = vector.shape_cast %swap3A_86 : vector<1x16xi32> to vector<16xi32>
    %swap3A_88 = vector.shape_cast %and3A_82 : vector<16xi32> to vector<1x16xi32>
    tpu.vector_store %arg7[%swap3A_84, %swap3A_85], %swap3A_88 {strides = array<i32>} : memref<4x64xi32, #tpu.memory_space<vmem>>, vector<1x16xi32>,
    %dma_start3A = arith.constant 0 : i32
    %dma_start3A_89 = arith.constant 0 : i32
    %dma_start3A_90 = tpu.memref_slice %arg6[%dma_start3A, %dma_start3A_89] : memref<4x64xi32, #tpu.memory_space<vmem>> -> memref<1x64xi32, #tpu.memory_space<vmem>>
    %dma_start3A_91 = tpu.memref_squeeze %dma_start3A_90 : memref<1x64xi32, #tpu.memory_space<vmem>> -> memref<64xi32, #tpu.memory_space<vmem>>
    %dma_start3A_92 = arith.constant 0 : i32
    %dma_start3A_93 = arith.constant 0 : i32
    %dma_start3A_94 = tpu.memref_slice %arg16[%dma_start3A_92, %dma_start3A_93] : memref<10240x64xf32, #tpu.memory_space<vmem_shared>> -> memref<10240x64xf32, #tpu.memory_space<vmem_shared>>
    tpu.enqueue_indirect_dma source(%dma_start3A_94 : memref<10240x64xf32, #tpu.memory_space<vmem_shared>>) target(%arg8 : memref<64x64xf32, #tpu.memory_space<vmem>>) offsets(%dma_start3A_91 : memref<64xi32, #tpu.memory_space<vmem>>) semaphore(%arg12 : memref<!tpu.dma_semaphore, #tpu.memory_space<semaphore_mem>>)
    %get3A_95 = arith.constant 1 : i32
    %get3A_96 = arith.index_cast %get3A_95 : i32 to index
    %get3A_97 = arith.constant 0 : index
    %get3A_98 = tpu.vector_load %arg5[%get3A_96, %get3A_97] {strides = array<i32>} : memref<320x64xi32, #tpu.memory_space<vmem>>, vector<1x16xi32>,
    %get3A_99 = vector.shape_cast %get3A_98 : vector<1x16xi32> to vector<16xi32>
    %shift_right_arithmetic3A_100 = arith.constant 14 : i32
    %shift_right_arithmetic3A_101 = vector.broadcast %shift_right_arithmetic3A_100 : i32 to vector<16xi32>
    %shift_right_arithmetic3A_102 = arith.shrsi %get3A_99, %shift_right_arithmetic3A_101 : vector<16xi32>
    %swap3A_103 = arith.constant 1 : i32
    %swap3A_104 = arith.index_cast %swap3A_103 : i32 to index
    %swap3A_105 = arith.constant 0 : index
    %swap3A_106 = tpu.vector_load %arg6[%swap3A_104, %swap3A_105] {strides = array<i32>} : memref<4x64xi32, #tpu.memory_space<vmem>>, vector<1x16xi32>,
    %swap3A_107 = vector.shape_cast %swap3A_106 : vector<1x16xi32> to vector<16xi32>
    %swap3A_108 = vector.shape_cast %shift_right_arithmetic3A_102 : vector<16xi32> to vector<1x16xi32>
    tpu.vector_store %arg6[%swap3A_104, %swap3A_105], %swap3A_108 {strides = array<i32>} : memref<4x64xi32, #tpu.memory_space<vmem>>, vector<1x16xi32>,
    %and3A_109 = arith.constant 16383 : i32
    %and3A_110 = vector.broadcast %and3A_109 : i32 to vector<16xi32>
    %and3A_111 = arith.andi %get3A_99, %and3A_110 : vector<16xi32>
    %swap3A_112 = arith.constant 1 : i32
    %swap3A_113 = arith.index_cast %swap3A_112 : i32 to index
    %swap3A_114 = arith.constant 0 : index
    %swap3A_115 = tpu.vector_load %arg7[%swap3A_113, %swap3A_114] {strides = array<i32>} : memref<4x64xi32, #tpu.memory_space<vmem>>, vector<1x16xi32>,
    %swap3A_116 = vector.shape_cast %swap3A_115 : vector<1x16xi32> to vector<16xi32>
    %swap3A_117 = vector.shape_cast %and3A_111 : vector<16xi32> to vector<1x16xi32>
    tpu.vector_store %arg7[%swap3A_113, %swap3A_114], %swap3A_117 {strides = array<i32>} : memref<4x64xi32, #tpu.memory_space<vmem>>, vector<1x16xi32>,
    %get3A_118 = arith.constant 1 : i32
    %get3A_119 = arith.index_cast %get3A_118 : i32 to index
    %get3A_120 = arith.constant 16 : index
    %get3A_121 = tpu.vector_load %arg5[%get3A_119, %get3A_120] {strides = array<i32>} : memref<320x64xi32, #tpu.memory_space<vmem>>, vector<1x16xi32>,
    %get3A_122 = vector.shape_cast %get3A_121 : vector<1x16xi32> to vector<16xi32>
    %shift_right_arithmetic3A_123 = arith.constant 14 : i32
    %shift_right_arithmetic3A_124 = vector.broadcast %shift_right_arithmetic3A_123 : i32 to vector<16xi32>
    %shift_right_arithmetic3A_125 = arith.shrsi %get3A_122, %shift_right_arithmetic3A_124 : vector<16xi32>
    %swap3A_126 = arith.constant 1 : i32
    %swap3A_127 = arith.index_cast %swap3A_126 : i32 to index
    %swap3A_128 = arith.constant 16 : index
    %swap3A_129 = tpu.vector_load %arg6[%swap3A_127, %swap3A_128] {strides = array<i32>} : memref<4x64xi32, #tpu.memory_space<vmem>>, vector<1x16xi32>,
    %swap3A_130 = vector.shape_cast %swap3A_129 : vector<1x16xi32> to vector<16xi32>
    %swap3A_131 = vector.shape_cast %shift_right_arithmetic3A_125 : vector<16xi32> to vector<1x16xi32>
    tpu.vector_store %arg6[%swap3A_127, %swap3A_128], %swap3A_131 {strides = array<i32>} : memref<4x64xi32, #tpu.memory_space<vmem>>, vector<1x16xi32>,
    %and3A_132 = arith.constant 16383 : i32
    %and3A_133 = vector.broadcast %and3A_132 : i32 to vector<16xi32>
    %and3A_134 = arith.andi %get3A_122, %and3A_133 : vector<16xi32>
    %swap3A_135 = arith.constant 1 : i32
    %swap3A_136 = arith.index_cast %swap3A_135 : i32 to index
    %swap3A_137 = arith.constant 16 : index
    %swap3A_138 = tpu.vector_load %arg7[%swap3A_136, %swap3A_137] {strides = array<i32>} : memref<4x64xi32, #tpu.memory_space<vmem>>, vector<1x16xi32>,
    %swap3A_139 = vector.shape_cast %swap3A_138 : vector<1x16xi32> to vector<16xi32>
    %swap3A_140 = vector.shape_cast %and3A_134 : vector<16xi32> to vector<1x16xi32>
    tpu.vector_store %arg7[%swap3A_136, %swap3A_137], %swap3A_140 {strides = array<i32>} : memref<4x64xi32, #tpu.memory_space<vmem>>, vector<1x16xi32>,
    %get3A_141 = arith.constant 1 : i32
    %get3A_142 = arith.index_cast %get3A_141 : i32 to index
    %get3A_143 = arith.constant 32 : index
    %get3A_144 = tpu.vector_load %arg5[%get3A_142, %get3A_143] {strides = array<i32>} : memref<320x64xi32, #tpu.memory_space<vmem>>, vector<1x16xi32>,
    %get3A_145 = vector.shape_cast %get3A_144 : vector<1x16xi32> to vector<16xi32>
    %shift_right_arithmetic3A_146 = arith.constant 14 : i32
    %shift_right_arithmetic3A_147 = vector.broadcast %shift_right_arithmetic3A_146 : i32 to vector<16xi32>
    %shift_right_arithmetic3A_148 = arith.shrsi %get3A_145, %shift_right_arithmetic3A_147 : vector<16xi32>
    %swap3A_149 = arith.constant 1 : i32
    %swap3A_150 = arith.index_cast %swap3A_149 : i32 to index
    %swap3A_151 = arith.constant 32 : index
    %swap3A_152 = tpu.vector_load %arg6[%swap3A_150, %swap3A_151] {strides = array<i32>} : memref<4x64xi32, #tpu.memory_space<vmem>>, vector<1x16xi32>,
    %swap3A_153 = vector.shape_cast %swap3A_152 : vector<1x16xi32> to vector<16xi32>
    %swap3A_154 = vector.shape_cast %shift_right_arithmetic3A_148 : vector<16xi32> to vector<1x16xi32>
    tpu.vector_store %arg6[%swap3A_150, %swap3A_151], %swap3A_154 {strides = array<i32>} : memref<4x64xi32, #tpu.memory_space<vmem>>, vector<1x16xi32>,
    %and3A_155 = arith.constant 16383 : i32
    %and3A_156 = vector.broadcast %and3A_155 : i32 to vector<16xi32>
    %and3A_157 = arith.andi %get3A_145, %and3A_156 : vector<16xi32>
    %swap3A_158 = arith.constant 1 : i32
    %swap3A_159 = arith.index_cast %swap3A_158 : i32 to index
    %swap3A_160 = arith.constant 32 : index
    %swap3A_161 = tpu.vector_load %arg7[%swap3A_159, %swap3A_160] {strides = array<i32>} : memref<4x64xi32, #tpu.memory_space<vmem>>, vector<1x16xi32>,
    %swap3A_162 = vector.shape_cast %swap3A_161 : vector<1x16xi32> to vector<16xi32>
    %swap3A_163 = vector.shape_cast %and3A_157 : vector<16xi32> to vector<1x16xi32>
    tpu.vector_store %arg7[%swap3A_159, %swap3A_160], %swap3A_163 {strides = array<i32>} : memref<4x64xi32, #tpu.memory_space<vmem>>, vector<1x16xi32>,
    %get3A_164 = arith.constant 1 : i32
    %get3A_165 = arith.index_cast %get3A_164 : i32 to index
    %get3A_166 = arith.constant 48 : index
    %get3A_167 = tpu.vector_load %arg5[%get3A_165, %get3A_166] {strides = array<i32>} : memref<320x64xi32, #tpu.memory_space<vmem>>, vector<1x16xi32>,
    %get3A_168 = vector.shape_cast %get3A_167 : vector<1x16xi32> to vector<16xi32>
    %shift_right_arithmetic3A_169 = arith.constant 14 : i32
    %shift_right_arithmetic3A_170 = vector.broadcast %shift_right_arithmetic3A_169 : i32 to vector<16xi32>
    %shift_right_arithmetic3A_171 = arith.shrsi %get3A_168, %shift_right_arithmetic3A_170 : vector<16xi32>
    %swap3A_172 = arith.constant 1 : i32
    %swap3A_173 = arith.index_cast %swap3A_172 : i32 to index
    %swap3A_174 = arith.constant 48 : index
    %swap3A_175 = tpu.vector_load %arg6[%swap3A_173, %swap3A_174] {strides = array<i32>} : memref<4x64xi32, #tpu.memory_space<vmem>>, vector<1x16xi32>,
    %swap3A_176 = vector.shape_cast %swap3A_175 : vector<1x16xi32> to vector<16xi32>
    %swap3A_177 = vector.shape_cast %shift_right_arithmetic3A_171 : vector<16xi32> to vector<1x16xi32>
    tpu.vector_store %arg6[%swap3A_173, %swap3A_174], %swap3A_177 {strides = array<i32>} : memref<4x64xi32, #tpu.memory_space<vmem>>, vector<1x16xi32>,
    %and3A_178 = arith.constant 16383 : i32
    %and3A_179 = vector.broadcast %and3A_178 : i32 to vector<16xi32>
    %and3A_180 = arith.andi %get3A_168, %and3A_179 : vector<16xi32>
    %swap3A_181 = arith.constant 1 : i32
    %swap3A_182 = arith.index_cast %swap3A_181 : i32 to index
    %swap3A_183 = arith.constant 48 : index
    %swap3A_184 = tpu.vector_load %arg7[%swap3A_182, %swap3A_183] {strides = array<i32>} : memref<4x64xi32, #tpu.memory_space<vmem>>, vector<1x16xi32>,
    %swap3A_185 = vector.shape_cast %swap3A_184 : vector<1x16xi32> to vector<16xi32>
    %swap3A_186 = vector.shape_cast %and3A_180 : vector<16xi32> to vector<1x16xi32>
    tpu.vector_store %arg7[%swap3A_182, %swap3A_183], %swap3A_186 {strides = array<i32>} : memref<4x64xi32, #tpu.memory_space<vmem>>, vector<1x16xi32>,
    %dma_start3A_187 = arith.constant 1 : i32
    %dma_start3A_188 = arith.constant 0 : i32
    %dma_start3A_189 = tpu.memref_slice %arg6[%dma_start3A_187, %dma_start3A_188] : memref<4x64xi32, #tpu.memory_space<vmem>> -> memref<1x64xi32, #tpu.memory_space<vmem>>
    %dma_start3A_190 = tpu.memref_squeeze %dma_start3A_189 : memref<1x64xi32, #tpu.memory_space<vmem>> -> memref<64xi32, #tpu.memory_space<vmem>>
    %dma_start3A_191 = arith.constant 0 : i32
    %dma_start3A_192 = arith.constant 0 : i32
    %dma_start3A_193 = tpu.memref_slice %arg16[%dma_start3A_191, %dma_start3A_192] : memref<10240x64xf32, #tpu.memory_space<vmem_shared>> -> memref<10240x64xf32, #tpu.memory_space<vmem_shared>>
    tpu.enqueue_indirect_dma source(%dma_start3A_193 : memref<10240x64xf32, #tpu.memory_space<vmem_shared>>) target(%arg9 : memref<64x64xf32, #tpu.memory_space<vmem>>) offsets(%dma_start3A_190 : memref<64xi32, #tpu.memory_space<vmem>>) semaphore(%arg13 : memref<!tpu.dma_semaphore, #tpu.memory_space<semaphore_mem>>)
    %get3A_194 = arith.constant 2 : i32
    %get3A_195 = arith.index_cast %get3A_194 : i32 to index
    %get3A_196 = arith.constant 0 : index
    %get3A_197 = tpu.vector_load %arg5[%get3A_195, %get3A_196] {strides = array<i32>} : memref<320x64xi32, #tpu.memory_space<vmem>>, vector<1x16xi32>,
    %get3A_198 = vector.shape_cast %get3A_197 : vector<1x16xi32> to vector<16xi32>
    %shift_right_arithmetic3A_199 = arith.constant 14 : i32
    %shift_right_arithmetic3A_200 = vector.broadcast %shift_right_arithmetic3A_199 : i32 to vector<16xi32>
    %shift_right_arithmetic3A_201 = arith.shrsi %get3A_198, %shift_right_arithmetic3A_200 : vector<16xi32>
    %swap3A_202 = arith.constant 2 : i32
    %swap3A_203 = arith.index_cast %swap3A_202 : i32 to index
    %swap3A_204 = arith.constant 0 : index
    %swap3A_205 = tpu.vector_load %arg6[%swap3A_203, %swap3A_204] {strides = array<i32>} : memref<4x64xi32, #tpu.memory_space<vmem>>, vector<1x16xi32>,
    %swap3A_206 = vector.shape_cast %swap3A_205 : vector<1x16xi32> to vector<16xi32>
    %swap3A_207 = vector.shape_cast %shift_right_arithmetic3A_201 : vector<16xi32> to vector<1x16xi32>
    tpu.vector_store %arg6[%swap3A_203, %swap3A_204], %swap3A_207 {strides = array<i32>} : memref<4x64xi32, #tpu.memory_space<vmem>>, vector<1x16xi32>,
    %and3A_208 = arith.constant 16383 : i32
    %and3A_209 = vector.broadcast %and3A_208 : i32 to vector<16xi32>
    %and3A_210 = arith.andi %get3A_198, %and3A_209 : vector<16xi32>
    %swap3A_211 = arith.constant 2 : i32
    %swap3A_212 = arith.index_cast %swap3A_211 : i32 to index
    %swap3A_213 = arith.constant 0 : index
    %swap3A_214 = tpu.vector_load %arg7[%swap3A_212, %swap3A_213] {strides = array<i32>} : memref<4x64xi32, #tpu.memory_space<vmem>>, vector<1x16xi32>,
    %swap3A_215 = vector.shape_cast %swap3A_214 : vector<1x16xi32> to vector<16xi32>
    %swap3A_216 = vector.shape_cast %and3A_210 : vector<16xi32> to vector<1x16xi32>
    tpu.vector_store %arg7[%swap3A_212, %swap3A_213], %swap3A_216 {strides = array<i32>} : memref<4x64xi32, #tpu.memory_space<vmem>>, vector<1x16xi32>,
    %get3A_217 = arith.constant 2 : i32
    %get3A_218 = arith.index_cast %get3A_217 : i32 to index
    %get3A_219 = arith.constant 16 : index
    %get3A_220 = tpu.vector_load %arg5[%get3A_218, %get3A_219] {strides = array<i32>} : memref<320x64xi32, #tpu.memory_space<vmem>>, vector<1x16xi32>,
    %get3A_221 = vector.shape_cast %get3A_220 : vector<1x16xi32> to vector<16xi32>
    %shift_right_arithmetic3A_222 = arith.constant 14 : i32
    %shift_right_arithmetic3A_223 = vector.broadcast %shift_right_arithmetic3A_222 : i32 to vector<16xi32>
    %shift_right_arithmetic3A_224 = arith.shrsi %get3A_221, %shift_right_arithmetic3A_223 : vector<16xi32>
    %swap3A_225 = arith.constant 2 : i32
    %swap3A_226 = arith.index_cast %swap3A_225 : i32 to index
    %swap3A_227 = arith.constant 16 : index
    %swap3A_228 = tpu.vector_load %arg6[%swap3A_226, %swap3A_227] {strides = array<i32>} : memref<4x64xi32, #tpu.memory_space<vmem>>, vector<1x16xi32>,
    %swap3A_229 = vector.shape_cast %swap3A_228 : vector<1x16xi32> to vector<16xi32>
    %swap3A_230 = vector.shape_cast %shift_right_arithmetic3A_224 : vector<16xi32> to vector<1x16xi32>
    tpu.vector_store %arg6[%swap3A_226, %swap3A_227], %swap3A_230 {strides = array<i32>} : memref<4x64xi32, #tpu.memory_space<vmem>>, vector<1x16xi32>,
    %and3A_231 = arith.constant 16383 : i32
    %and3A_232 = vector.broadcast %and3A_231 : i32 to vector<16xi32>
    %and3A_233 = arith.andi %get3A_221, %and3A_232 : vector<16xi32>
    %swap3A_234 = arith.constant 2 : i32
    %swap3A_235 = arith.index_cast %swap3A_234 : i32 to index
    %swap3A_236 = arith.constant 16 : index
    %swap3A_237 = tpu.vector_load %arg7[%swap3A_235, %swap3A_236] {strides = array<i32>} : memref<4x64xi32, #tpu.memory_space<vmem>>, vector<1x16xi32>,
    %swap3A_238 = vector.shape_cast %swap3A_237 : vector<1x16xi32> to vector<16xi32>
    %swap3A_239 = vector.shape_cast %and3A_233 : vector<16xi32> to vector<1x16xi32>
    tpu.vector_store %arg7[%swap3A_235, %swap3A_236], %swap3A_239 {strides = array<i32>} : memref<4x64xi32, #tpu.memory_space<vmem>>, vector<1x16xi32>,
    %get3A_240 = arith.constant 2 : i32
    %get3A_241 = arith.index_cast %get3A_240 : i32 to index
    %get3A_242 = arith.constant 32 : index
    %get3A_243 = tpu.vector_load %arg5[%get3A_241, %get3A_242] {strides = array<i32>} : memref<320x64xi32, #tpu.memory_space<vmem>>, vector<1x16xi32>,
    %get3A_244 = vector.shape_cast %get3A_243 : vector<1x16xi32> to vector<16xi32>
    %shift_right_arithmetic3A_245 = arith.constant 14 : i32
    %shift_right_arithmetic3A_246 = vector.broadcast %shift_right_arithmetic3A_245 : i32 to vector<16xi32>
    %shift_right_arithmetic3A_247 = arith.shrsi %get3A_244, %shift_right_arithmetic3A_246 : vector<16xi32>
    %swap3A_248 = arith.constant 2 : i32
    %swap3A_249 = arith.index_cast %swap3A_248 : i32 to index
    %swap3A_250 = arith.constant 32 : index
    %swap3A_251 = tpu.vector_load %arg6[%swap3A_249, %swap3A_250] {strides = array<i32>} : memref<4x64xi32, #tpu.memory_space<vmem>>, vector<1x16xi32>,
    %swap3A_252 = vector.shape_cast %swap3A_251 : vector<1x16xi32> to vector<16xi32>
    %swap3A_253 = vector.shape_cast %shift_right_arithmetic3A_247 : vector<16xi32> to vector<1x16xi32>
    tpu.vector_store %arg6[%swap3A_249, %swap3A_250], %swap3A_253 {strides = array<i32>} : memref<4x64xi32, #tpu.memory_space<vmem>>, vector<1x16xi32>,
    %and3A_254 = arith.constant 16383 : i32
    %and3A_255 = vector.broadcast %and3A_254 : i32 to vector<16xi32>
    %and3A_256 = arith.andi %get3A_244, %and3A_255 : vector<16xi32>
    %swap3A_257 = arith.constant 2 : i32
    %swap3A_258 = arith.index_cast %swap3A_257 : i32 to index
    %swap3A_259 = arith.constant 32 : index
    %swap3A_260 = tpu.vector_load %arg7[%swap3A_258, %swap3A_259] {strides = array<i32>} : memref<4x64xi32, #tpu.memory_space<vmem>>, vector<1x16xi32>,
    %swap3A_261 = vector.shape_cast %swap3A_260 : vector<1x16xi32> to vector<16xi32>
    %swap3A_262 = vector.shape_cast %and3A_256 : vector<16xi32> to vector<1x16xi32>
    tpu.vector_store %arg7[%swap3A_258, %swap3A_259], %swap3A_262 {strides = array<i32>} : memref<4x64xi32, #tpu.memory_space<vmem>>, vector<1x16xi32>,
    %get3A_263 = arith.constant 2 : i32
    %get3A_264 = arith.index_cast %get3A_263 : i32 to index
    %get3A_265 = arith.constant 48 : index
    %get3A_266 = tpu.vector_load %arg5[%get3A_264, %get3A_265] {strides = array<i32>} : memref<320x64xi32, #tpu.memory_space<vmem>>, vector<1x16xi32>,
    %get3A_267 = vector.shape_cast %get3A_266 : vector<1x16xi32> to vector<16xi32>
    %shift_right_arithmetic3A_268 = arith.constant 14 : i32
    %shift_right_arithmetic3A_269 = vector.broadcast %shift_right_arithmetic3A_268 : i32 to vector<16xi32>
    %shift_right_arithmetic3A_270 = arith.shrsi %get3A_267, %shift_right_arithmetic3A_269 : vector<16xi32>
    %swap3A_271 = arith.constant 2 : i32
    %swap3A_272 = arith.index_cast %swap3A_271 : i32 to index
    %swap3A_273 = arith.constant 48 : index
    %swap3A_274 = tpu.vector_load %arg6[%swap3A_272, %swap3A_273] {strides = array<i32>} : memref<4x64xi32, #tpu.memory_space<vmem>>, vector<1x16xi32>,
    %swap3A_275 = vector.shape_cast %swap3A_274 : vector<1x16xi32> to vector<16xi32>
    %swap3A_276 = vector.shape_cast %shift_right_arithmetic3A_270 : vector<16xi32> to vector<1x16xi32>
    tpu.vector_store %arg6[%swap3A_272, %swap3A_273], %swap3A_276 {strides = array<i32>} : memref<4x64xi32, #tpu.memory_space<vmem>>, vector<1x16xi32>,
    %and3A_277 = arith.constant 16383 : i32
    %and3A_278 = vector.broadcast %and3A_277 : i32 to vector<16xi32>
    %and3A_279 = arith.andi %get3A_267, %and3A_278 : vector<16xi32>
    %swap3A_280 = arith.constant 2 : i32
    %swap3A_281 = arith.index_cast %swap3A_280 : i32 to index
    %swap3A_282 = arith.constant 48 : index
    %swap3A_283 = tpu.vector_load %arg7[%swap3A_281, %swap3A_282] {strides = array<i32>} : memref<4x64xi32, #tpu.memory_space<vmem>>, vector<1x16xi32>,
    %swap3A_284 = vector.shape_cast %swap3A_283 : vector<1x16xi32> to vector<16xi32>
    %swap3A_285 = vector.shape_cast %and3A_279 : vector<16xi32> to vector<1x16xi32>
    tpu.vector_store %arg7[%swap3A_281, %swap3A_282], %swap3A_285 {strides = array<i32>} : memref<4x64xi32, #tpu.memory_space<vmem>>, vector<1x16xi32>,
    %dma_start3A_286 = arith.constant 2 : i32
    %dma_start3A_287 = arith.constant 0 : i32
    %dma_start3A_288 = tpu.memref_slice %arg6[%dma_start3A_286, %dma_start3A_287] : memref<4x64xi32, #tpu.memory_space<vmem>> -> memref<1x64xi32, #tpu.memory_space<vmem>>
    %dma_start3A_289 = tpu.memref_squeeze %dma_start3A_288 : memref<1x64xi32, #tpu.memory_space<vmem>> -> memref<64xi32, #tpu.memory_space<vmem>>
    %dma_start3A_290 = arith.constant 0 : i32
    %dma_start3A_291 = arith.constant 0 : i32
    %dma_start3A_292 = tpu.memref_slice %arg16[%dma_start3A_290, %dma_start3A_291] : memref<10240x64xf32, #tpu.memory_space<vmem_shared>> -> memref<10240x64xf32, #tpu.memory_space<vmem_shared>>
    tpu.enqueue_indirect_dma source(%dma_start3A_292 : memref<10240x64xf32, #tpu.memory_space<vmem_shared>>) target(%arg10 : memref<64x64xf32, #tpu.memory_space<vmem>>) offsets(%dma_start3A_289 : memref<64xi32, #tpu.memory_space<vmem>>) semaphore(%arg14 : memref<!tpu.dma_semaphore, #tpu.memory_space<semaphore_mem>>)
    %get3A_293 = arith.constant 3 : i32
    %get3A_294 = arith.index_cast %get3A_293 : i32 to index
    %get3A_295 = arith.constant 0 : index
    %get3A_296 = tpu.vector_load %arg5[%get3A_294, %get3A_295] {strides = array<i32>} : memref<320x64xi32, #tpu.memory_space<vmem>>, vector<1x16xi32>,
    %get3A_297 = vector.shape_cast %get3A_296 : vector<1x16xi32> to vector<16xi32>
    %shift_right_arithmetic3A_298 = arith.constant 14 : i32
    %shift_right_arithmetic3A_299 = vector.broadcast %shift_right_arithmetic3A_298 : i32 to vector<16xi32>
    %shift_right_arithmetic3A_300 = arith.shrsi %get3A_297, %shift_right_arithmetic3A_299 : vector<16xi32>
    %swap3A_301 = arith.constant 3 : i32
    %swap3A_302 = arith.index_cast %swap3A_301 : i32 to index
    %swap3A_303 = arith.constant 0 : index
    %swap3A_304 = tpu.vector_load %arg6[%swap3A_302, %swap3A_303] {strides = array<i32>} : memref<4x64xi32, #tpu.memory_space<vmem>>, vector<1x16xi32>,
    %swap3A_305 = vector.shape_cast %swap3A_304 : vector<1x16xi32> to vector<16xi32>
    %swap3A_306 = vector.shape_cast %shift_right_arithmetic3A_300 : vector<16xi32> to vector<1x16xi32>
    tpu.vector_store %arg6[%swap3A_302, %swap3A_303], %swap3A_306 {strides = array<i32>} : memref<4x64xi32, #tpu.memory_space<vmem>>, vector<1x16xi32>,
    %and3A_307 = arith.constant 16383 : i32
    %and3A_308 = vector.broadcast %and3A_307 : i32 to vector<16xi32>
    %and3A_309 = arith.andi %get3A_297, %and3A_308 : vector<16xi32>
    %swap3A_310 = arith.constant 3 : i32
    %swap3A_311 = arith.index_cast %swap3A_310 : i32 to index
    %swap3A_312 = arith.constant 0 : index
    %swap3A_313 = tpu.vector_load %arg7[%swap3A_311, %swap3A_312] {strides = array<i32>} : memref<4x64xi32, #tpu.memory_space<vmem>>, vector<1x16xi32>,
    %swap3A_314 = vector.shape_cast %swap3A_313 : vector<1x16xi32> to vector<16xi32>
    %swap3A_315 = vector.shape_cast %and3A_309 : vector<16xi32> to vector<1x16xi32>
    tpu.vector_store %arg7[%swap3A_311, %swap3A_312], %swap3A_315 {strides = array<i32>} : memref<4x64xi32, #tpu.memory_space<vmem>>, vector<1x16xi32>,
    %get3A_316 = arith.constant 3 : i32
    %get3A_317 = arith.index_cast %get3A_316 : i32 to index
    %get3A_318 = arith.constant 16 : index
    %get3A_319 = tpu.vector_load %arg5[%get3A_317, %get3A_318] {strides = array<i32>} : memref<320x64xi32, #tpu.memory_space<vmem>>, vector<1x16xi32>,
    %get3A_320 = vector.shape_cast %get3A_319 : vector<1x16xi32> to vector<16xi32>
    %shift_right_arithmetic3A_321 = arith.constant 14 : i32
    %shift_right_arithmetic3A_322 = vector.broadcast %shift_right_arithmetic3A_321 : i32 to vector<16xi32>
    %shift_right_arithmetic3A_323 = arith.shrsi %get3A_320, %shift_right_arithmetic3A_322 : vector<16xi32>
    %swap3A_324 = arith.constant 3 : i32
    %swap3A_325 = arith.index_cast %swap3A_324 : i32 to index
    %swap3A_326 = arith.constant 16 : index
    %swap3A_327 = tpu.vector_load %arg6[%swap3A_325, %swap3A_326] {strides = array<i32>} : memref<4x64xi32, #tpu.memory_space<vmem>>, vector<1x16xi32>,
    %swap3A_328 = vector.shape_cast %swap3A_327 : vector<1x16xi32> to vector<16xi32>
    %swap3A_329 = vector.shape_cast %shift_right_arithmetic3A_323 : vector<16xi32> to vector<1x16xi32>
    tpu.vector_store %arg6[%swap3A_325, %swap3A_326], %swap3A_329 {strides = array<i32>} : memref<4x64xi32, #tpu.memory_space<vmem>>, vector<1x16xi32>,
    %and3A_330 = arith.constant 16383 : i32
    %and3A_331 = vector.broadcast %and3A_330 : i32 to vector<16xi32>
    %and3A_332 = arith.andi %get3A_320, %and3A_331 : vector<16xi32>
    %swap3A_333 = arith.constant 3 : i32
    %swap3A_334 = arith.index_cast %swap3A_333 : i32 to index
    %swap3A_335 = arith.constant 16 : index
    %swap3A_336 = tpu.vector_load %arg7[%swap3A_334, %swap3A_335] {strides = array<i32>} : memref<4x64xi32, #tpu.memory_space<vmem>>, vector<1x16xi32>,
    %swap3A_337 = vector.shape_cast %swap3A_336 : vector<1x16xi32> to vector<16xi32>
    %swap3A_338 = vector.shape_cast %and3A_332 : vector<16xi32> to vector<1x16xi32>
    tpu.vector_store %arg7[%swap3A_334, %swap3A_335], %swap3A_338 {strides = array<i32>} : memref<4x64xi32, #tpu.memory_space<vmem>>, vector<1x16xi32>,
    %get3A_339 = arith.constant 3 : i32
    %get3A_340 = arith.index_cast %get3A_339 : i32 to index
    %get3A_341 = arith.constant 32 : index
    %get3A_342 = tpu.vector_load %arg5[%get3A_340, %get3A_341] {strides = array<i32>} : memref<320x64xi32, #tpu.memory_space<vmem>>, vector<1x16xi32>,
    %get3A_343 = vector.shape_cast %get3A_342 : vector<1x16xi32> to vector<16xi32>
    %shift_right_arithmetic3A_344 = arith.constant 14 : i32
    %shift_right_arithmetic3A_345 = vector.broadcast %shift_right_arithmetic3A_344 : i32 to vector<16xi32>
    %shift_right_arithmetic3A_346 = arith.shrsi %get3A_343, %shift_right_arithmetic3A_345 : vector<16xi32>
    %swap3A_347 = arith.constant 3 : i32
    %swap3A_348 = arith.index_cast %swap3A_347 : i32 to index
    %swap3A_349 = arith.constant 32 : index
    %swap3A_350 = tpu.vector_load %arg6[%swap3A_348, %swap3A_349] {strides = array<i32>} : memref<4x64xi32, #tpu.memory_space<vmem>>, vector<1x16xi32>,
    %swap3A_351 = vector.shape_cast %swap3A_350 : vector<1x16xi32> to vector<16xi32>
    %swap3A_352 = vector.shape_cast %shift_right_arithmetic3A_346 : vector<16xi32> to vector<1x16xi32>
    tpu.vector_store %arg6[%swap3A_348, %swap3A_349], %swap3A_352 {strides = array<i32>} : memref<4x64xi32, #tpu.memory_space<vmem>>, vector<1x16xi32>,
    %and3A_353 = arith.constant 16383 : i32
    %and3A_354 = vector.broadcast %and3A_353 : i32 to vector<16xi32>
    %and3A_355 = arith.andi %get3A_343, %and3A_354 : vector<16xi32>
    %swap3A_356 = arith.constant 3 : i32
    %swap3A_357 = arith.index_cast %swap3A_356 : i32 to index
    %swap3A_358 = arith.constant 32 : index
    %swap3A_359 = tpu.vector_load %arg7[%swap3A_357, %swap3A_358] {strides = array<i32>} : memref<4x64xi32, #tpu.memory_space<vmem>>, vector<1x16xi32>,
    %swap3A_360 = vector.shape_cast %swap3A_359 : vector<1x16xi32> to vector<16xi32>
    %swap3A_361 = vector.shape_cast %and3A_355 : vector<16xi32> to vector<1x16xi32>
    tpu.vector_store %arg7[%swap3A_357, %swap3A_358], %swap3A_361 {strides = array<i32>} : memref<4x64xi32, #tpu.memory_space<vmem>>, vector<1x16xi32>,
    %get3A_362 = arith.constant 3 : i32
    %get3A_363 = arith.index_cast %get3A_362 : i32 to index
    %get3A_364 = arith.constant 48 : index
    %get3A_365 = tpu.vector_load %arg5[%get3A_363, %get3A_364] {strides = array<i32>} : memref<320x64xi32, #tpu.memory_space<vmem>>, vector<1x16xi32>,
    %get3A_366 = vector.shape_cast %get3A_365 : vector<1x16xi32> to vector<16xi32>
    %shift_right_arithmetic3A_367 = arith.constant 14 : i32
    %shift_right_arithmetic3A_368 = vector.broadcast %shift_right_arithmetic3A_367 : i32 to vector<16xi32>
    %shift_right_arithmetic3A_369 = arith.shrsi %get3A_366, %shift_right_arithmetic3A_368 : vector<16xi32>
    %swap3A_370 = arith.constant 3 : i32
    %swap3A_371 = arith.index_cast %swap3A_370 : i32 to index
    %swap3A_372 = arith.constant 48 : index
    %swap3A_373 = tpu.vector_load %arg6[%swap3A_371, %swap3A_372] {strides = array<i32>} : memref<4x64xi32, #tpu.memory_space<vmem>>, vector<1x16xi32>,
    %swap3A_374 = vector.shape_cast %swap3A_373 : vector<1x16xi32> to vector<16xi32>
    %swap3A_375 = vector.shape_cast %shift_right_arithmetic3A_369 : vector<16xi32> to vector<1x16xi32>
    tpu.vector_store %arg6[%swap3A_371, %swap3A_372], %swap3A_375 {strides = array<i32>} : memref<4x64xi32, #tpu.memory_space<vmem>>, vector<1x16xi32>,
    %and3A_376 = arith.constant 16383 : i32
    %and3A_377 = vector.broadcast %and3A_376 : i32 to vector<16xi32>
    %and3A_378 = arith.andi %get3A_366, %and3A_377 : vector<16xi32>
    %swap3A_379 = arith.constant 3 : i32
    %swap3A_380 = arith.index_cast %swap3A_379 : i32 to index
    %swap3A_381 = arith.constant 48 : index
    %swap3A_382 = tpu.vector_load %arg7[%swap3A_380, %swap3A_381] {strides = array<i32>} : memref<4x64xi32, #tpu.memory_space<vmem>>, vector<1x16xi32>,
    %swap3A_383 = vector.shape_cast %swap3A_382 : vector<1x16xi32> to vector<16xi32>
    %swap3A_384 = vector.shape_cast %and3A_378 : vector<16xi32> to vector<1x16xi32>
    tpu.vector_store %arg7[%swap3A_380, %swap3A_381], %swap3A_384 {strides = array<i32>} : memref<4x64xi32, #tpu.memory_space<vmem>>, vector<1x16xi32>,
    %dma_start3A_385 = arith.constant 3 : i32
    %dma_start3A_386 = arith.constant 0 : i32
    %dma_start3A_387 = tpu.memref_slice %arg6[%dma_start3A_385, %dma_start3A_386] : memref<4x64xi32, #tpu.memory_space<vmem>> -> memref<1x64xi32, #tpu.memory_space<vmem>>
    %dma_start3A_388 = tpu.memref_squeeze %dma_start3A_387 : memref<1x64xi32, #tpu.memory_space<vmem>> -> memref<64xi32, #tpu.memory_space<vmem>>
    %dma_start3A_389 = arith.constant 0 : i32
    %dma_start3A_390 = arith.constant 0 : i32
    %dma_start3A_391 = tpu.memref_slice %arg16[%dma_start3A_389, %dma_start3A_390] : memref<10240x64xf32, #tpu.memory_space<vmem_shared>> -> memref<10240x64xf32, #tpu.memory_space<vmem_shared>>
    tpu.enqueue_indirect_dma source(%dma_start3A_391 : memref<10240x64xf32, #tpu.memory_space<vmem_shared>>) target(%arg11 : memref<64x64xf32, #tpu.memory_space<vmem>>) offsets(%dma_start3A_388 : memref<64xi32, #tpu.memory_space<vmem>>) semaphore(%arg15 : memref<!tpu.dma_semaphore, #tpu.memory_space<semaphore_mem>>)
    %scan3A = arith.constant 0 : i32
    %scan3A_392 = arith.constant 0 : i32
    %scan3A_393 = arith.constant 79 : i32
    %scan3A_394 = arith.addi %scan3A_392, %scan3A_393 : i32
    %scan3A_395 = arith.constant 1 : i32
    scf.for %scan3A_428 = %scan3A_392 to %scan3A_394 step %scan3A_395  : i32 {
      %mul3A_429 = arith.constant 4 : i32
      %mul3A_430 = arith.muli %scan3A_428, %mul3A_429 : i32
      %add3A = arith.constant 0 : i32
      %add3A_431 = arith.addi %mul3A_430, %add3A : i32
      %dma_wait3A_432 = arith.constant 0 : i32
      %dma_wait3A_433 = arith.constant 0 : i32
      %dma_wait3A_434 = tpu.memref_slice %arg6[%dma_wait3A_432, %dma_wait3A_433] : memref<4x64xi32, #tpu.memory_space<vmem>> -> memref<1x64xi32, #tpu.memory_space<vmem>>
      %dma_wait3A_435 = tpu.memref_squeeze %dma_wait3A_434 : memref<1x64xi32, #tpu.memory_space<vmem>> -> memref<64xi32, #tpu.memory_space<vmem>>
      %dma_wait3A_436 = arith.constant 0 : i32
      %dma_wait3A_437 = arith.constant 0 : i32
      %dma_wait3A_438 = tpu.memref_slice %arg16[%dma_wait3A_436, %dma_wait3A_437] : memref<10240x64xf32, #tpu.memory_space<vmem_shared>> -> memref<10240x64xf32, #tpu.memory_space<vmem_shared>>
      tpu.wait_indirect_dma semaphore(%arg12 : memref<!tpu.dma_semaphore, #tpu.memory_space<semaphore_mem>>) src(%dma_wait3A_438 : memref<10240x64xf32, #tpu.memory_space<vmem_shared>>) dst(%arg8 : memref<64x64xf32, #tpu.memory_space<vmem>>)
      %run_scoped3A_439 = arith.constant 0 : i32
      "tpu.region"() ({
        %run_scoped3A_864 = tpu.sem_alloc : memref<!tpu.dma_semaphore, #tpu.memory_space<semaphore_mem>>
        %dma_start3A_865 = arith.constant 0 : i32
        %dma_start3A_866 = tpu.memref_slice %arg7[%run_scoped3A_439, %dma_start3A_865] : memref<4x64xi32, #tpu.memory_space<vmem>> -> memref<1x64xi32, #tpu.memory_space<vmem>>
        %dma_start3A_867 = tpu.memref_squeeze %dma_start3A_866 : memref<1x64xi32, #tpu.memory_space<vmem>> -> memref<64xi32, #tpu.memory_space<vmem>>
        %dma_start3A_868 = arith.constant 0 : i32
        %dma_start3A_869 = arith.constant 0 : i32
        %dma_start3A_870 = tpu.memref_slice %arg17[%dma_start3A_868, %dma_start3A_869] : memref<10240x64xf32, #tpu.memory_space<vmem_shared>> -> memref<10240x64xf32, #tpu.memory_space<vmem_shared>>
        tpu.enqueue_indirect_dma source(%arg8 : memref<64x64xf32, #tpu.memory_space<vmem>>) target(%dma_start3A_870 : memref<10240x64xf32, #tpu.memory_space<vmem_shared>>) offsets(%dma_start3A_867 : memref<64xi32, #tpu.memory_space<vmem>>) semaphore(%run_scoped3A_864 : memref<!tpu.dma_semaphore, #tpu.memory_space<semaphore_mem>>) {add = true}
        %dma_wait3A_871 = arith.constant 0 : i32
        %dma_wait3A_872 = tpu.memref_slice %arg7[%run_scoped3A_439, %dma_wait3A_871] : memref<4x64xi32, #tpu.memory_space<vmem>> -> memref<1x64xi32, #tpu.memory_space<vmem>>
        %dma_wait3A_873 = tpu.memref_squeeze %dma_wait3A_872 : memref<1x64xi32, #tpu.memory_space<vmem>> -> memref<64xi32, #tpu.memory_space<vmem>>
        %dma_wait3A_874 = arith.constant 0 : i32
        %dma_wait3A_875 = arith.constant 0 : i32
        %dma_wait3A_876 = tpu.memref_slice %arg17[%dma_wait3A_874, %dma_wait3A_875] : memref<10240x64xf32, #tpu.memory_space<vmem_shared>> -> memref<10240x64xf32, #tpu.memory_space<vmem_shared>>
        tpu.wait_indirect_dma semaphore(%run_scoped3A_864 : memref<!tpu.dma_semaphore, #tpu.memory_space<semaphore_mem>>) src(%arg8 : memref<64x64xf32, #tpu.memory_space<vmem>>) dst(%dma_wait3A_876 : memref<10240x64xf32, #tpu.memory_space<vmem_shared>>)
        tpu.yield
      }) : () -> ()
      %add3A_440 = arith.constant 4 : i32
      %add3A_441 = arith.addi %add3A_431, %add3A_440 : i32
      %get3A_442 = arith.index_cast %add3A_441 : i32 to index
      %get3A_443 = arith.constant 0 : index
      %get3A_444 = tpu.vector_load %arg5[%get3A_442, %get3A_443] {strides = array<i32>} : memref<320x64xi32, #tpu.memory_space<vmem>>, vector<1x16xi32>,
      %get3A_445 = vector.shape_cast %get3A_444 : vector<1x16xi32> to vector<16xi32>
      %shift_right_arithmetic3A_446 = arith.constant 14 : i32
      %shift_right_arithmetic3A_447 = vector.broadcast %shift_right_arithmetic3A_446 : i32 to vector<16xi32>
      %shift_right_arithmetic3A_448 = arith.shrsi %get3A_445, %shift_right_arithmetic3A_447 : vector<16xi32>
      %swap3A_449 = arith.constant 0 : i32
      %swap3A_450 = arith.index_cast %swap3A_449 : i32 to index
      %swap3A_451 = arith.constant 0 : index
      %swap3A_452 = tpu.vector_load %arg6[%swap3A_450, %swap3A_451] {strides = array<i32>} : memref<4x64xi32, #tpu.memory_space<vmem>>, vector<1x16xi32>,
      %swap3A_453 = vector.shape_cast %swap3A_452 : vector<1x16xi32> to vector<16xi32>
      %swap3A_454 = vector.shape_cast %shift_right_arithmetic3A_448 : vector<16xi32> to vector<1x16xi32>
      tpu.vector_store %arg6[%swap3A_450, %swap3A_451], %swap3A_454 {strides = array<i32>} : memref<4x64xi32, #tpu.memory_space<vmem>>, vector<1x16xi32>,
      %and3A_455 = arith.constant 16383 : i32
      %and3A_456 = vector.broadcast %and3A_455 : i32 to vector<16xi32>
      %and3A_457 = arith.andi %get3A_445, %and3A_456 : vector<16xi32>
      %swap3A_458 = arith.constant 0 : i32
      %swap3A_459 = arith.index_cast %swap3A_458 : i32 to index
      %swap3A_460 = arith.constant 0 : index
      %swap3A_461 = tpu.vector_load %arg7[%swap3A_459, %swap3A_460] {strides = array<i32>} : memref<4x64xi32, #tpu.memory_space<vmem>>, vector<1x16xi32>,
      %swap3A_462 = vector.shape_cast %swap3A_461 : vector<1x16xi32> to vector<16xi32>
      %swap3A_463 = vector.shape_cast %and3A_457 : vector<16xi32> to vector<1x16xi32>
      tpu.vector_store %arg7[%swap3A_459, %swap3A_460], %swap3A_463 {strides = array<i32>} : memref<4x64xi32, #tpu.memory_space<vmem>>, vector<1x16xi32>,
      %get3A_464 = arith.index_cast %add3A_441 : i32 to index
      %get3A_465 = arith.constant 16 : index
      %get3A_466 = tpu.vector_load %arg5[%get3A_464, %get3A_465] {strides = array<i32>} : memref<320x64xi32, #tpu.memory_space<vmem>>, vector<1x16xi32>,
      %get3A_467 = vector.shape_cast %get3A_466 : vector<1x16xi32> to vector<16xi32>
      %shift_right_arithmetic3A_468 = arith.constant 14 : i32
      %shift_right_arithmetic3A_469 = vector.broadcast %shift_right_arithmetic3A_468 : i32 to vector<16xi32>
      %shift_right_arithmetic3A_470 = arith.shrsi %get3A_467, %shift_right_arithmetic3A_469 : vector<16xi32>
      %swap3A_471 = arith.constant 0 : i32
      %swap3A_472 = arith.index_cast %swap3A_471 : i32 to index
      %swap3A_473 = arith.constant 16 : index
      %swap3A_474 = tpu.vector_load %arg6[%swap3A_472, %swap3A_473] {strides = array<i32>} : memref<4x64xi32, #tpu.memory_space<vmem>>, vector<1x16xi32>,
      %swap3A_475 = vector.shape_cast %swap3A_474 : vector<1x16xi32> to vector<16xi32>
      %swap3A_476 = vector.shape_cast %shift_right_arithmetic3A_470 : vector<16xi32> to vector<1x16xi32>
      tpu.vector_store %arg6[%swap3A_472, %swap3A_473], %swap3A_476 {strides = array<i32>} : memref<4x64xi32, #tpu.memory_space<vmem>>, vector<1x16xi32>,
      %and3A_477 = arith.constant 16383 : i32
      %and3A_478 = vector.broadcast %and3A_477 : i32 to vector<16xi32>
      %and3A_479 = arith.andi %get3A_467, %and3A_478 : vector<16xi32>
      %swap3A_480 = arith.constant 0 : i32
      %swap3A_481 = arith.index_cast %swap3A_480 : i32 to index
      %swap3A_482 = arith.constant 16 : index
      %swap3A_483 = tpu.vector_load %arg7[%swap3A_481, %swap3A_482] {strides = array<i32>} : memref<4x64xi32, #tpu.memory_space<vmem>>, vector<1x16xi32>,
      %swap3A_484 = vector.shape_cast %swap3A_483 : vector<1x16xi32> to vector<16xi32>
      %swap3A_485 = vector.shape_cast %and3A_479 : vector<16xi32> to vector<1x16xi32>
      tpu.vector_store %arg7[%swap3A_481, %swap3A_482], %swap3A_485 {strides = array<i32>} : memref<4x64xi32, #tpu.memory_space<vmem>>, vector<1x16xi32>,
      %get3A_486 = arith.index_cast %add3A_441 : i32 to index
      %get3A_487 = arith.constant 32 : index
      %get3A_488 = tpu.vector_load %arg5[%get3A_486, %get3A_487] {strides = array<i32>} : memref<320x64xi32, #tpu.memory_space<vmem>>, vector<1x16xi32>,
      %get3A_489 = vector.shape_cast %get3A_488 : vector<1x16xi32> to vector<16xi32>
      %shift_right_arithmetic3A_490 = arith.constant 14 : i32
      %shift_right_arithmetic3A_491 = vector.broadcast %shift_right_arithmetic3A_490 : i32 to vector<16xi32>
      %shift_right_arithmetic3A_492 = arith.shrsi %get3A_489, %shift_right_arithmetic3A_491 : vector<16xi32>
      %swap3A_493 = arith.constant 0 : i32
      %swap3A_494 = arith.index_cast %swap3A_493 : i32 to index
      %swap3A_495 = arith.constant 32 : index
      %swap3A_496 = tpu.vector_load %arg6[%swap3A_494, %swap3A_495] {strides = array<i32>} : memref<4x64xi32, #tpu.memory_space<vmem>>, vector<1x16xi32>,
      %swap3A_497 = vector.shape_cast %swap3A_496 : vector<1x16xi32> to vector<16xi32>
      %swap3A_498 = vector.shape_cast %shift_right_arithmetic3A_492 : vector<16xi32> to vector<1x16xi32>
      tpu.vector_store %arg6[%swap3A_494, %swap3A_495], %swap3A_498 {strides = array<i32>} : memref<4x64xi32, #tpu.memory_space<vmem>>, vector<1x16xi32>,
      %and3A_499 = arith.constant 16383 : i32
      %and3A_500 = vector.broadcast %and3A_499 : i32 to vector<16xi32>
      %and3A_501 = arith.andi %get3A_489, %and3A_500 : vector<16xi32>
      %swap3A_502 = arith.constant 0 : i32
      %swap3A_503 = arith.index_cast %swap3A_502 : i32 to index
      %swap3A_504 = arith.constant 32 : index
      %swap3A_505 = tpu.vector_load %arg7[%swap3A_503, %swap3A_504] {strides = array<i32>} : memref<4x64xi32, #tpu.memory_space<vmem>>, vector<1x16xi32>,
      %swap3A_506 = vector.shape_cast %swap3A_505 : vector<1x16xi32> to vector<16xi32>
      %swap3A_507 = vector.shape_cast %and3A_501 : vector<16xi32> to vector<1x16xi32>
      tpu.vector_store %arg7[%swap3A_503, %swap3A_504], %swap3A_507 {strides = array<i32>} : memref<4x64xi32, #tpu.memory_space<vmem>>, vector<1x16xi32>,
      %get3A_508 = arith.index_cast %add3A_441 : i32 to index
      %get3A_509 = arith.constant 48 : index
      %get3A_510 = tpu.vector_load %arg5[%get3A_508, %get3A_509] {strides = array<i32>} : memref<320x64xi32, #tpu.memory_space<vmem>>, vector<1x16xi32>,
      %get3A_511 = vector.shape_cast %get3A_510 : vector<1x16xi32> to vector<16xi32>
      %shift_right_arithmetic3A_512 = arith.constant 14 : i32
      %shift_right_arithmetic3A_513 = vector.broadcast %shift_right_arithmetic3A_512 : i32 to vector<16xi32>
      %shift_right_arithmetic3A_514 = arith.shrsi %get3A_511, %shift_right_arithmetic3A_513 : vector<16xi32>
      %swap3A_515 = arith.constant 0 : i32
      %swap3A_516 = arith.index_cast %swap3A_515 : i32 to index
      %swap3A_517 = arith.constant 48 : index
      %swap3A_518 = tpu.vector_load %arg6[%swap3A_516, %swap3A_517] {strides = array<i32>} : memref<4x64xi32, #tpu.memory_space<vmem>>, vector<1x16xi32>,
      %swap3A_519 = vector.shape_cast %swap3A_518 : vector<1x16xi32> to vector<16xi32>
      %swap3A_520 = vector.shape_cast %shift_right_arithmetic3A_514 : vector<16xi32> to vector<1x16xi32>
      tpu.vector_store %arg6[%swap3A_516, %swap3A_517], %swap3A_520 {strides = array<i32>} : memref<4x64xi32, #tpu.memory_space<vmem>>, vector<1x16xi32>,
      %and3A_521 = arith.constant 16383 : i32
      %and3A_522 = vector.broadcast %and3A_521 : i32 to vector<16xi32>
      %and3A_523 = arith.andi %get3A_511, %and3A_522 : vector<16xi32>
      %swap3A_524 = arith.constant 0 : i32
      %swap3A_525 = arith.index_cast %swap3A_524 : i32 to index
      %swap3A_526 = arith.constant 48 : index
      %swap3A_527 = tpu.vector_load %arg7[%swap3A_525, %swap3A_526] {strides = array<i32>} : memref<4x64xi32, #tpu.memory_space<vmem>>, vector<1x16xi32>,
      %swap3A_528 = vector.shape_cast %swap3A_527 : vector<1x16xi32> to vector<16xi32>
      %swap3A_529 = vector.shape_cast %and3A_523 : vector<16xi32> to vector<1x16xi32>
      tpu.vector_store %arg7[%swap3A_525, %swap3A_526], %swap3A_529 {strides = array<i32>} : memref<4x64xi32, #tpu.memory_space<vmem>>, vector<1x16xi32>,
      %dma_start3A_530 = arith.constant 0 : i32
      %dma_start3A_531 = arith.constant 0 : i32
      %dma_start3A_532 = tpu.memref_slice %arg6[%dma_start3A_530, %dma_start3A_531] : memref<4x64xi32, #tpu.memory_space<vmem>> -> memref<1x64xi32, #tpu.memory_space<vmem>>
      %dma_start3A_533 = tpu.memref_squeeze %dma_start3A_532 : memref<1x64xi32, #tpu.memory_space<vmem>> -> memref<64xi32, #tpu.memory_space<vmem>>
      %dma_start3A_534 = arith.constant 0 : i32
      %dma_start3A_535 = arith.constant 0 : i32
      %dma_start3A_536 = tpu.memref_slice %arg16[%dma_start3A_534, %dma_start3A_535] : memref<10240x64xf32, #tpu.memory_space<vmem_shared>> -> memref<10240x64xf32, #tpu.memory_space<vmem_shared>>
      tpu.enqueue_indirect_dma source(%dma_start3A_536 : memref<10240x64xf32, #tpu.memory_space<vmem_shared>>) target(%arg8 : memref<64x64xf32, #tpu.memory_space<vmem>>) offsets(%dma_start3A_533 : memref<64xi32, #tpu.memory_space<vmem>>) semaphore(%arg12 : memref<!tpu.dma_semaphore, #tpu.memory_space<semaphore_mem>>)
      %mul3A_537 = arith.constant 4 : i32
      %mul3A_538 = arith.muli %scan3A_428, %mul3A_537 : i32
      %add3A_539 = arith.constant 1 : i32
      %add3A_540 = arith.addi %mul3A_538, %add3A_539 : i32
      %dma_wait3A_541 = arith.constant 1 : i32
      %dma_wait3A_542 = arith.constant 0 : i32
      %dma_wait3A_543 = tpu.memref_slice %arg6[%dma_wait3A_541, %dma_wait3A_542] : memref<4x64xi32, #tpu.memory_space<vmem>> -> memref<1x64xi32, #tpu.memory_space<vmem>>
      %dma_wait3A_544 = tpu.memref_squeeze %dma_wait3A_543 : memref<1x64xi32, #tpu.memory_space<vmem>> -> memref<64xi32, #tpu.memory_space<vmem>>
      %dma_wait3A_545 = arith.constant 0 : i32
      %dma_wait3A_546 = arith.constant 0 : i32
      %dma_wait3A_547 = tpu.memref_slice %arg16[%dma_wait3A_545, %dma_wait3A_546] : memref<10240x64xf32, #tpu.memory_space<vmem_shared>> -> memref<10240x64xf32, #tpu.memory_space<vmem_shared>>
      tpu.wait_indirect_dma semaphore(%arg13 : memref<!tpu.dma_semaphore, #tpu.memory_space<semaphore_mem>>) src(%dma_wait3A_547 : memref<10240x64xf32, #tpu.memory_space<vmem_shared>>) dst(%arg9 : memref<64x64xf32, #tpu.memory_space<vmem>>)
      %run_scoped3A_548 = arith.constant 1 : i32
      "tpu.region"() ({
        %run_scoped3A_864 = tpu.sem_alloc : memref<!tpu.dma_semaphore, #tpu.memory_space<semaphore_mem>>
        %dma_start3A_865 = arith.constant 0 : i32
        %dma_start3A_866 = tpu.memref_slice %arg7[%run_scoped3A_548, %dma_start3A_865] : memref<4x64xi32, #tpu.memory_space<vmem>> -> memref<1x64xi32, #tpu.memory_space<vmem>>
        %dma_start3A_867 = tpu.memref_squeeze %dma_start3A_866 : memref<1x64xi32, #tpu.memory_space<vmem>> -> memref<64xi32, #tpu.memory_space<vmem>>
        %dma_start3A_868 = arith.constant 0 : i32
        %dma_start3A_869 = arith.constant 0 : i32
        %dma_start3A_870 = tpu.memref_slice %arg17[%dma_start3A_868, %dma_start3A_869] : memref<10240x64xf32, #tpu.memory_space<vmem_shared>> -> memref<10240x64xf32, #tpu.memory_space<vmem_shared>>
        tpu.enqueue_indirect_dma source(%arg9 : memref<64x64xf32, #tpu.memory_space<vmem>>) target(%dma_start3A_870 : memref<10240x64xf32, #tpu.memory_space<vmem_shared>>) offsets(%dma_start3A_867 : memref<64xi32, #tpu.memory_space<vmem>>) semaphore(%run_scoped3A_864 : memref<!tpu.dma_semaphore, #tpu.memory_space<semaphore_mem>>) {add = true}
        %dma_wait3A_871 = arith.constant 0 : i32
        %dma_wait3A_872 = tpu.memref_slice %arg7[%run_scoped3A_548, %dma_wait3A_871] : memref<4x64xi32, #tpu.memory_space<vmem>> -> memref<1x64xi32, #tpu.memory_space<vmem>>
        %dma_wait3A_873 = tpu.memref_squeeze %dma_wait3A_872 : memref<1x64xi32, #tpu.memory_space<vmem>> -> memref<64xi32, #tpu.memory_space<vmem>>
        %dma_wait3A_874 = arith.constant 0 : i32
        %dma_wait3A_875 = arith.constant 0 : i32
        %dma_wait3A_876 = tpu.memref_slice %arg17[%dma_wait3A_874, %dma_wait3A_875] : memref<10240x64xf32, #tpu.memory_space<vmem_shared>> -> memref<10240x64xf32, #tpu.memory_space<vmem_shared>>
        tpu.wait_indirect_dma semaphore(%run_scoped3A_864 : memref<!tpu.dma_semaphore, #tpu.memory_space<semaphore_mem>>) src(%arg9 : memref<64x64xf32, #tpu.memory_space<vmem>>) dst(%dma_wait3A_876 : memref<10240x64xf32, #tpu.memory_space<vmem_shared>>)
        tpu.yield
      }) : () -> ()
      %add3A_549 = arith.constant 4 : i32
      %add3A_550 = arith.addi %add3A_540, %add3A_549 : i32
      %get3A_551 = arith.index_cast %add3A_550 : i32 to index
      %get3A_552 = arith.constant 0 : index
      %get3A_553 = tpu.vector_load %arg5[%get3A_551, %get3A_552] {strides = array<i32>} : memref<320x64xi32, #tpu.memory_space<vmem>>, vector<1x16xi32>,
      %get3A_554 = vector.shape_cast %get3A_553 : vector<1x16xi32> to vector<16xi32>
      %shift_right_arithmetic3A_555 = arith.constant 14 : i32
      %shift_right_arithmetic3A_556 = vector.broadcast %shift_right_arithmetic3A_555 : i32 to vector<16xi32>
      %shift_right_arithmetic3A_557 = arith.shrsi %get3A_554, %shift_right_arithmetic3A_556 : vector<16xi32>
      %swap3A_558 = arith.constant 1 : i32
      %swap3A_559 = arith.index_cast %swap3A_558 : i32 to index
      %swap3A_560 = arith.constant 0 : index
      %swap3A_561 = tpu.vector_load %arg6[%swap3A_559, %swap3A_560] {strides = array<i32>} : memref<4x64xi32, #tpu.memory_space<vmem>>, vector<1x16xi32>,
      %swap3A_562 = vector.shape_cast %swap3A_561 : vector<1x16xi32> to vector<16xi32>
      %swap3A_563 = vector.shape_cast %shift_right_arithmetic3A_557 : vector<16xi32> to vector<1x16xi32>
      tpu.vector_store %arg6[%swap3A_559, %swap3A_560], %swap3A_563 {strides = array<i32>} : memref<4x64xi32, #tpu.memory_space<vmem>>, vector<1x16xi32>,
      %and3A_564 = arith.constant 16383 : i32
      %and3A_565 = vector.broadcast %and3A_564 : i32 to vector<16xi32>
      %and3A_566 = arith.andi %get3A_554, %and3A_565 : vector<16xi32>
      %swap3A_567 = arith.constant 1 : i32
      %swap3A_568 = arith.index_cast %swap3A_567 : i32 to index
      %swap3A_569 = arith.constant 0 : index
      %swap3A_570 = tpu.vector_load %arg7[%swap3A_568, %swap3A_569] {strides = array<i32>} : memref<4x64xi32, #tpu.memory_space<vmem>>, vector<1x16xi32>,
      %swap3A_571 = vector.shape_cast %swap3A_570 : vector<1x16xi32> to vector<16xi32>
      %swap3A_572 = vector.shape_cast %and3A_566 : vector<16xi32> to vector<1x16xi32>
      tpu.vector_store %arg7[%swap3A_568, %swap3A_569], %swap3A_572 {strides = array<i32>} : memref<4x64xi32, #tpu.memory_space<vmem>>, vector<1x16xi32>,
      %get3A_573 = arith.index_cast %add3A_550 : i32 to index
      %get3A_574 = arith.constant 16 : index
      %get3A_575 = tpu.vector_load %arg5[%get3A_573, %get3A_574] {strides = array<i32>} : memref<320x64xi32, #tpu.memory_space<vmem>>, vector<1x16xi32>,
      %get3A_576 = vector.shape_cast %get3A_575 : vector<1x16xi32> to vector<16xi32>
      %shift_right_arithmetic3A_577 = arith.constant 14 : i32
      %shift_right_arithmetic3A_578 = vector.broadcast %shift_right_arithmetic3A_577 : i32 to vector<16xi32>
      %shift_right_arithmetic3A_579 = arith.shrsi %get3A_576, %shift_right_arithmetic3A_578 : vector<16xi32>
      %swap3A_580 = arith.constant 1 : i32
      %swap3A_581 = arith.index_cast %swap3A_580 : i32 to index
      %swap3A_582 = arith.constant 16 : index
      %swap3A_583 = tpu.vector_load %arg6[%swap3A_581, %swap3A_582] {strides = array<i32>} : memref<4x64xi32, #tpu.memory_space<vmem>>, vector<1x16xi32>,
      %swap3A_584 = vector.shape_cast %swap3A_583 : vector<1x16xi32> to vector<16xi32>
      %swap3A_585 = vector.shape_cast %shift_right_arithmetic3A_579 : vector<16xi32> to vector<1x16xi32>
      tpu.vector_store %arg6[%swap3A_581, %swap3A_582], %swap3A_585 {strides = array<i32>} : memref<4x64xi32, #tpu.memory_space<vmem>>, vector<1x16xi32>,
      %and3A_586 = arith.constant 16383 : i32
      %and3A_587 = vector.broadcast %and3A_586 : i32 to vector<16xi32>
      %and3A_588 = arith.andi %get3A_576, %and3A_587 : vector<16xi32>
      %swap3A_589 = arith.constant 1 : i32
      %swap3A_590 = arith.index_cast %swap3A_589 : i32 to index
      %swap3A_591 = arith.constant 16 : index
      %swap3A_592 = tpu.vector_load %arg7[%swap3A_590, %swap3A_591] {strides = array<i32>} : memref<4x64xi32, #tpu.memory_space<vmem>>, vector<1x16xi32>,
      %swap3A_593 = vector.shape_cast %swap3A_592 : vector<1x16xi32> to vector<16xi32>
      %swap3A_594 = vector.shape_cast %and3A_588 : vector<16xi32> to vector<1x16xi32>
      tpu.vector_store %arg7[%swap3A_590, %swap3A_591], %swap3A_594 {strides = array<i32>} : memref<4x64xi32, #tpu.memory_space<vmem>>, vector<1x16xi32>,
      %get3A_595 = arith.index_cast %add3A_550 : i32 to index
      %get3A_596 = arith.constant 32 : index
      %get3A_597 = tpu.vector_load %arg5[%get3A_595, %get3A_596] {strides = array<i32>} : memref<320x64xi32, #tpu.memory_space<vmem>>, vector<1x16xi32>,
      %get3A_598 = vector.shape_cast %get3A_597 : vector<1x16xi32> to vector<16xi32>
      %shift_right_arithmetic3A_599 = arith.constant 14 : i32
      %shift_right_arithmetic3A_600 = vector.broadcast %shift_right_arithmetic3A_599 : i32 to vector<16xi32>
      %shift_right_arithmetic3A_601 = arith.shrsi %get3A_598, %shift_right_arithmetic3A_600 : vector<16xi32>
      %swap3A_602 = arith.constant 1 : i32
      %swap3A_603 = arith.index_cast %swap3A_602 : i32 to index
      %swap3A_604 = arith.constant 32 : index
      %swap3A_605 = tpu.vector_load %arg6[%swap3A_603, %swap3A_604] {strides = array<i32>} : memref<4x64xi32, #tpu.memory_space<vmem>>, vector<1x16xi32>,
      %swap3A_606 = vector.shape_cast %swap3A_605 : vector<1x16xi32> to vector<16xi32>
      %swap3A_607 = vector.shape_cast %shift_right_arithmetic3A_601 : vector<16xi32> to vector<1x16xi32>
      tpu.vector_store %arg6[%swap3A_603, %swap3A_604], %swap3A_607 {strides = array<i32>} : memref<4x64xi32, #tpu.memory_space<vmem>>, vector<1x16xi32>,
      %and3A_608 = arith.constant 16383 : i32
      %and3A_609 = vector.broadcast %and3A_608 : i32 to vector<16xi32>
      %and3A_610 = arith.andi %get3A_598, %and3A_609 : vector<16xi32>
      %swap3A_611 = arith.constant 1 : i32
      %swap3A_612 = arith.index_cast %swap3A_611 : i32 to index
      %swap3A_613 = arith.constant 32 : index
      %swap3A_614 = tpu.vector_load %arg7[%swap3A_612, %swap3A_613] {strides = array<i32>} : memref<4x64xi32, #tpu.memory_space<vmem>>, vector<1x16xi32>,
      %swap3A_615 = vector.shape_cast %swap3A_614 : vector<1x16xi32> to vector<16xi32>
      %swap3A_616 = vector.shape_cast %and3A_610 : vector<16xi32> to vector<1x16xi32>
      tpu.vector_store %arg7[%swap3A_612, %swap3A_613], %swap3A_616 {strides = array<i32>} : memref<4x64xi32, #tpu.memory_space<vmem>>, vector<1x16xi32>,
      %get3A_617 = arith.index_cast %add3A_550 : i32 to index
      %get3A_618 = arith.constant 48 : index
      %get3A_619 = tpu.vector_load %arg5[%get3A_617, %get3A_618] {strides = array<i32>} : memref<320x64xi32, #tpu.memory_space<vmem>>, vector<1x16xi32>,
      %get3A_620 = vector.shape_cast %get3A_619 : vector<1x16xi32> to vector<16xi32>
      %shift_right_arithmetic3A_621 = arith.constant 14 : i32
      %shift_right_arithmetic3A_622 = vector.broadcast %shift_right_arithmetic3A_621 : i32 to vector<16xi32>
      %shift_right_arithmetic3A_623 = arith.shrsi %get3A_620, %shift_right_arithmetic3A_622 : vector<16xi32>
      %swap3A_624 = arith.constant 1 : i32
      %swap3A_625 = arith.index_cast %swap3A_624 : i32 to index
      %swap3A_626 = arith.constant 48 : index
      %swap3A_627 = tpu.vector_load %arg6[%swap3A_625, %swap3A_626] {strides = array<i32>} : memref<4x64xi32, #tpu.memory_space<vmem>>, vector<1x16xi32>,
      %swap3A_628 = vector.shape_cast %swap3A_627 : vector<1x16xi32> to vector<16xi32>
      %swap3A_629 = vector.shape_cast %shift_right_arithmetic3A_623 : vector<16xi32> to vector<1x16xi32>
      tpu.vector_store %arg6[%swap3A_625, %swap3A_626], %swap3A_629 {strides = array<i32>} : memref<4x64xi32, #tpu.memory_space<vmem>>, vector<1x16xi32>,
      %and3A_630 = arith.constant 16383 : i32
      %and3A_631 = vector.broadcast %and3A_630 : i32 to vector<16xi32>
      %and3A_632 = arith.andi %get3A_620, %and3A_631 : vector<16xi32>
      %swap3A_633 = arith.constant 1 : i32
      %swap3A_634 = arith.index_cast %swap3A_633 : i32 to index
      %swap3A_635 = arith.constant 48 : index
      %swap3A_636 = tpu.vector_load %arg7[%swap3A_634, %swap3A_635] {strides = array<i32>} : memref<4x64xi32, #tpu.memory_space<vmem>>, vector<1x16xi32>,
      %swap3A_637 = vector.shape_cast %swap3A_636 : vector<1x16xi32> to vector<16xi32>
      %swap3A_638 = vector.shape_cast %and3A_632 : vector<16xi32> to vector<1x16xi32>
      tpu.vector_store %arg7[%swap3A_634, %swap3A_635], %swap3A_638 {strides = array<i32>} : memref<4x64xi32, #tpu.memory_space<vmem>>, vector<1x16xi32>,
      %dma_start3A_639 = arith.constant 1 : i32
      %dma_start3A_640 = arith.constant 0 : i32
      %dma_start3A_641 = tpu.memref_slice %arg6[%dma_start3A_639, %dma_start3A_640] : memref<4x64xi32, #tpu.memory_space<vmem>> -> memref<1x64xi32, #tpu.memory_space<vmem>>
      %dma_start3A_642 = tpu.memref_squeeze %dma_start3A_641 : memref<1x64xi32, #tpu.memory_space<vmem>> -> memref<64xi32, #tpu.memory_space<vmem>>
      %dma_start3A_643 = arith.constant 0 : i32
      %dma_start3A_644 = arith.constant 0 : i32
      %dma_start3A_645 = tpu.memref_slice %arg16[%dma_start3A_643, %dma_start3A_644] : memref<10240x64xf32, #tpu.memory_space<vmem_shared>> -> memref<10240x64xf32, #tpu.memory_space<vmem_shared>>
      tpu.enqueue_indirect_dma source(%dma_start3A_645 : memref<10240x64xf32, #tpu.memory_space<vmem_shared>>) target(%arg9 : memref<64x64xf32, #tpu.memory_space<vmem>>) offsets(%dma_start3A_642 : memref<64xi32, #tpu.memory_space<vmem>>) semaphore(%arg13 : memref<!tpu.dma_semaphore, #tpu.memory_space<semaphore_mem>>)
      %mul3A_646 = arith.constant 4 : i32
      %mul3A_647 = arith.muli %scan3A_428, %mul3A_646 : i32
      %add3A_648 = arith.constant 2 : i32
      %add3A_649 = arith.addi %mul3A_647, %add3A_648 : i32
      %dma_wait3A_650 = arith.constant 2 : i32
      %dma_wait3A_651 = arith.constant 0 : i32
      %dma_wait3A_652 = tpu.memref_slice %arg6[%dma_wait3A_650, %dma_wait3A_651] : memref<4x64xi32, #tpu.memory_space<vmem>> -> memref<1x64xi32, #tpu.memory_space<vmem>>
      %dma_wait3A_653 = tpu.memref_squeeze %dma_wait3A_652 : memref<1x64xi32, #tpu.memory_space<vmem>> -> memref<64xi32, #tpu.memory_space<vmem>>
      %dma_wait3A_654 = arith.constant 0 : i32
      %dma_wait3A_655 = arith.constant 0 : i32
      %dma_wait3A_656 = tpu.memref_slice %arg16[%dma_wait3A_654, %dma_wait3A_655] : memref<10240x64xf32, #tpu.memory_space<vmem_shared>> -> memref<10240x64xf32, #tpu.memory_space<vmem_shared>>
      tpu.wait_indirect_dma semaphore(%arg14 : memref<!tpu.dma_semaphore, #tpu.memory_space<semaphore_mem>>) src(%dma_wait3A_656 : memref<10240x64xf32, #tpu.memory_space<vmem_shared>>) dst(%arg10 : memref<64x64xf32, #tpu.memory_space<vmem>>)
      %run_scoped3A_657 = arith.constant 2 : i32
      "tpu.region"() ({
        %run_scoped3A_864 = tpu.sem_alloc : memref<!tpu.dma_semaphore, #tpu.memory_space<semaphore_mem>>
        %dma_start3A_865 = arith.constant 0 : i32
        %dma_start3A_866 = tpu.memref_slice %arg7[%run_scoped3A_657, %dma_start3A_865] : memref<4x64xi32, #tpu.memory_space<vmem>> -> memref<1x64xi32, #tpu.memory_space<vmem>>
        %dma_start3A_867 = tpu.memref_squeeze %dma_start3A_866 : memref<1x64xi32, #tpu.memory_space<vmem>> -> memref<64xi32, #tpu.memory_space<vmem>>
        %dma_start3A_868 = arith.constant 0 : i32
        %dma_start3A_869 = arith.constant 0 : i32
        %dma_start3A_870 = tpu.memref_slice %arg17[%dma_start3A_868, %dma_start3A_869] : memref<10240x64xf32, #tpu.memory_space<vmem_shared>> -> memref<10240x64xf32, #tpu.memory_space<vmem_shared>>
        tpu.enqueue_indirect_dma source(%arg10 : memref<64x64xf32, #tpu.memory_space<vmem>>) target(%dma_start3A_870 : memref<10240x64xf32, #tpu.memory_space<vmem_shared>>) offsets(%dma_start3A_867 : memref<64xi32, #tpu.memory_space<vmem>>) semaphore(%run_scoped3A_864 : memref<!tpu.dma_semaphore, #tpu.memory_space<semaphore_mem>>) {add = true}
        %dma_wait3A_871 = arith.constant 0 : i32
        %dma_wait3A_872 = tpu.memref_slice %arg7[%run_scoped3A_657, %dma_wait3A_871] : memref<4x64xi32, #tpu.memory_space<vmem>> -> memref<1x64xi32, #tpu.memory_space<vmem>>
        %dma_wait3A_873 = tpu.memref_squeeze %dma_wait3A_872 : memref<1x64xi32, #tpu.memory_space<vmem>> -> memref<64xi32, #tpu.memory_space<vmem>>
        %dma_wait3A_874 = arith.constant 0 : i32
        %dma_wait3A_875 = arith.constant 0 : i32
        %dma_wait3A_876 = tpu.memref_slice %arg17[%dma_wait3A_874, %dma_wait3A_875] : memref<10240x64xf32, #tpu.memory_space<vmem_shared>> -> memref<10240x64xf32, #tpu.memory_space<vmem_shared>>
        tpu.wait_indirect_dma semaphore(%run_scoped3A_864 : memref<!tpu.dma_semaphore, #tpu.memory_space<semaphore_mem>>) src(%arg10 : memref<64x64xf32, #tpu.memory_space<vmem>>) dst(%dma_wait3A_876 : memref<10240x64xf32, #tpu.memory_space<vmem_shared>>)
        tpu.yield
      }) : () -> ()
      %add3A_658 = arith.constant 4 : i32
      %add3A_659 = arith.addi %add3A_649, %add3A_658 : i32
      %get3A_660 = arith.index_cast %add3A_659 : i32 to index
      %get3A_661 = arith.constant 0 : index
      %get3A_662 = tpu.vector_load %arg5[%get3A_660, %get3A_661] {strides = array<i32>} : memref<320x64xi32, #tpu.memory_space<vmem>>, vector<1x16xi32>,
      %get3A_663 = vector.shape_cast %get3A_662 : vector<1x16xi32> to vector<16xi32>
      %shift_right_arithmetic3A_664 = arith.constant 14 : i32
      %shift_right_arithmetic3A_665 = vector.broadcast %shift_right_arithmetic3A_664 : i32 to vector<16xi32>
      %shift_right_arithmetic3A_666 = arith.shrsi %get3A_663, %shift_right_arithmetic3A_665 : vector<16xi32>
      %swap3A_667 = arith.constant 2 : i32
      %swap3A_668 = arith.index_cast %swap3A_667 : i32 to index
      %swap3A_669 = arith.constant 0 : index
      %swap3A_670 = tpu.vector_load %arg6[%swap3A_668, %swap3A_669] {strides = array<i32>} : memref<4x64xi32, #tpu.memory_space<vmem>>, vector<1x16xi32>,
      %swap3A_671 = vector.shape_cast %swap3A_670 : vector<1x16xi32> to vector<16xi32>
      %swap3A_672 = vector.shape_cast %shift_right_arithmetic3A_666 : vector<16xi32> to vector<1x16xi32>
      tpu.vector_store %arg6[%swap3A_668, %swap3A_669], %swap3A_672 {strides = array<i32>} : memref<4x64xi32, #tpu.memory_space<vmem>>, vector<1x16xi32>,
      %and3A_673 = arith.constant 16383 : i32
      %and3A_674 = vector.broadcast %and3A_673 : i32 to vector<16xi32>
      %and3A_675 = arith.andi %get3A_663, %and3A_674 : vector<16xi32>
      %swap3A_676 = arith.constant 2 : i32
      %swap3A_677 = arith.index_cast %swap3A_676 : i32 to index
      %swap3A_678 = arith.constant 0 : index
      %swap3A_679 = tpu.vector_load %arg7[%swap3A_677, %swap3A_678] {strides = array<i32>} : memref<4x64xi32, #tpu.memory_space<vmem>>, vector<1x16xi32>,
      %swap3A_680 = vector.shape_cast %swap3A_679 : vector<1x16xi32> to vector<16xi32>
      %swap3A_681 = vector.shape_cast %and3A_675 : vector<16xi32> to vector<1x16xi32>
      tpu.vector_store %arg7[%swap3A_677, %swap3A_678], %swap3A_681 {strides = array<i32>} : memref<4x64xi32, #tpu.memory_space<vmem>>, vector<1x16xi32>,
      %get3A_682 = arith.index_cast %add3A_659 : i32 to index
      %get3A_683 = arith.constant 16 : index
      %get3A_684 = tpu.vector_load %arg5[%get3A_682, %get3A_683] {strides = array<i32>} : memref<320x64xi32, #tpu.memory_space<vmem>>, vector<1x16xi32>,
      %get3A_685 = vector.shape_cast %get3A_684 : vector<1x16xi32> to vector<16xi32>
      %shift_right_arithmetic3A_686 = arith.constant 14 : i32
      %shift_right_arithmetic3A_687 = vector.broadcast %shift_right_arithmetic3A_686 : i32 to vector<16xi32>
      %shift_right_arithmetic3A_688 = arith.shrsi %get3A_685, %shift_right_arithmetic3A_687 : vector<16xi32>
      %swap3A_689 = arith.constant 2 : i32
      %swap3A_690 = arith.index_cast %swap3A_689 : i32 to index
      %swap3A_691 = arith.constant 16 : index
      %swap3A_692 = tpu.vector_load %arg6[%swap3A_690, %swap3A_691] {strides = array<i32>} : memref<4x64xi32, #tpu.memory_space<vmem>>, vector<1x16xi32>,
      %swap3A_693 = vector.shape_cast %swap3A_692 : vector<1x16xi32> to vector<16xi32>
      %swap3A_694 = vector.shape_cast %shift_right_arithmetic3A_688 : vector<16xi32> to vector<1x16xi32>
      tpu.vector_store %arg6[%swap3A_690, %swap3A_691], %swap3A_694 {strides = array<i32>} : memref<4x64xi32, #tpu.memory_space<vmem>>, vector<1x16xi32>,
      %and3A_695 = arith.constant 16383 : i32
      %and3A_696 = vector.broadcast %and3A_695 : i32 to vector<16xi32>
      %and3A_697 = arith.andi %get3A_685, %and3A_696 : vector<16xi32>
      %swap3A_698 = arith.constant 2 : i32
      %swap3A_699 = arith.index_cast %swap3A_698 : i32 to index
      %swap3A_700 = arith.constant 16 : index
      %swap3A_701 = tpu.vector_load %arg7[%swap3A_699, %swap3A_700] {strides = array<i32>} : memref<4x64xi32, #tpu.memory_space<vmem>>, vector<1x16xi32>,
      %swap3A_702 = vector.shape_cast %swap3A_701 : vector<1x16xi32> to vector<16xi32>
      %swap3A_703 = vector.shape_cast %and3A_697 : vector<16xi32> to vector<1x16xi32>
      tpu.vector_store %arg7[%swap3A_699, %swap3A_700], %swap3A_703 {strides = array<i32>} : memref<4x64xi32, #tpu.memory_space<vmem>>, vector<1x16xi32>,
      %get3A_704 = arith.index_cast %add3A_659 : i32 to index
      %get3A_705 = arith.constant 32 : index
      %get3A_706 = tpu.vector_load %arg5[%get3A_704, %get3A_705] {strides = array<i32>} : memref<320x64xi32, #tpu.memory_space<vmem>>, vector<1x16xi32>,
      %get3A_707 = vector.shape_cast %get3A_706 : vector<1x16xi32> to vector<16xi32>
      %shift_right_arithmetic3A_708 = arith.constant 14 : i32
      %shift_right_arithmetic3A_709 = vector.broadcast %shift_right_arithmetic3A_708 : i32 to vector<16xi32>
      %shift_right_arithmetic3A_710 = arith.shrsi %get3A_707, %shift_right_arithmetic3A_709 : vector<16xi32>
      %swap3A_711 = arith.constant 2 : i32
      %swap3A_712 = arith.index_cast %swap3A_711 : i32 to index
      %swap3A_713 = arith.constant 32 : index
      %swap3A_714 = tpu.vector_load %arg6[%swap3A_712, %swap3A_713] {strides = array<i32>} : memref<4x64xi32, #tpu.memory_space<vmem>>, vector<1x16xi32>,
      %swap3A_715 = vector.shape_cast %swap3A_714 : vector<1x16xi32> to vector<16xi32>
      %swap3A_716 = vector.shape_cast %shift_right_arithmetic3A_710 : vector<16xi32> to vector<1x16xi32>
      tpu.vector_store %arg6[%swap3A_712, %swap3A_713], %swap3A_716 {strides = array<i32>} : memref<4x64xi32, #tpu.memory_space<vmem>>, vector<1x16xi32>,
      %and3A_717 = arith.constant 16383 : i32
      %and3A_718 = vector.broadcast %and3A_717 : i32 to vector<16xi32>
      %and3A_719 = arith.andi %get3A_707, %and3A_718 : vector<16xi32>
      %swap3A_720 = arith.constant 2 : i32
      %swap3A_721 = arith.index_cast %swap3A_720 : i32 to index
      %swap3A_722 = arith.constant 32 : index
      %swap3A_723 = tpu.vector_load %arg7[%swap3A_721, %swap3A_722] {strides = array<i32>} : memref<4x64xi32, #tpu.memory_space<vmem>>, vector<1x16xi32>,
      %swap3A_724 = vector.shape_cast %swap3A_723 : vector<1x16xi32> to vector<16xi32>
      %swap3A_725 = vector.shape_cast %and3A_719 : vector<16xi32> to vector<1x16xi32>
      tpu.vector_store %arg7[%swap3A_721, %swap3A_722], %swap3A_725 {strides = array<i32>} : memref<4x64xi32, #tpu.memory_space<vmem>>, vector<1x16xi32>,
      %get3A_726 = arith.index_cast %add3A_659 : i32 to index
      %get3A_727 = arith.constant 48 : index
      %get3A_728 = tpu.vector_load %arg5[%get3A_726, %get3A_727] {strides = array<i32>} : memref<320x64xi32, #tpu.memory_space<vmem>>, vector<1x16xi32>,
      %get3A_729 = vector.shape_cast %get3A_728 : vector<1x16xi32> to vector<16xi32>
      %shift_right_arithmetic3A_730 = arith.constant 14 : i32
      %shift_right_arithmetic3A_731 = vector.broadcast %shift_right_arithmetic3A_730 : i32 to vector<16xi32>
      %shift_right_arithmetic3A_732 = arith.shrsi %get3A_729, %shift_right_arithmetic3A_731 : vector<16xi32>
      %swap3A_733 = arith.constant 2 : i32
      %swap3A_734 = arith.index_cast %swap3A_733 : i32 to index
      %swap3A_735 = arith.constant 48 : index
      %swap3A_736 = tpu.vector_load %arg6[%swap3A_734, %swap3A_735] {strides = array<i32>} : memref<4x64xi32, #tpu.memory_space<vmem>>, vector<1x16xi32>,
      %swap3A_737 = vector.shape_cast %swap3A_736 : vector<1x16xi32> to vector<16xi32>
      %swap3A_738 = vector.shape_cast %shift_right_arithmetic3A_732 : vector<16xi32> to vector<1x16xi32>
      tpu.vector_store %arg6[%swap3A_734, %swap3A_735], %swap3A_738 {strides = array<i32>} : memref<4x64xi32, #tpu.memory_space<vmem>>, vector<1x16xi32>,
      %and3A_739 = arith.constant 16383 : i32
      %and3A_740 = vector.broadcast %and3A_739 : i32 to vector<16xi32>
      %and3A_741 = arith.andi %get3A_729, %and3A_740 : vector<16xi32>
      %swap3A_742 = arith.constant 2 : i32
      %swap3A_743 = arith.index_cast %swap3A_742 : i32 to index
      %swap3A_744 = arith.constant 48 : index
      %swap3A_745 = tpu.vector_load %arg7[%swap3A_743, %swap3A_744] {strides = array<i32>} : memref<4x64xi32, #tpu.memory_space<vmem>>, vector<1x16xi32>,
      %swap3A_746 = vector.shape_cast %swap3A_745 : vector<1x16xi32> to vector<16xi32>
      %swap3A_747 = vector.shape_cast %and3A_741 : vector<16xi32> to vector<1x16xi32>
      tpu.vector_store %arg7[%swap3A_743, %swap3A_744], %swap3A_747 {strides = array<i32>} : memref<4x64xi32, #tpu.memory_space<vmem>>, vector<1x16xi32>,
      %dma_start3A_748 = arith.constant 2 : i32
      %dma_start3A_749 = arith.constant 0 : i32
      %dma_start3A_750 = tpu.memref_slice %arg6[%dma_start3A_748, %dma_start3A_749] : memref<4x64xi32, #tpu.memory_space<vmem>> -> memref<1x64xi32, #tpu.memory_space<vmem>>
      %dma_start3A_751 = tpu.memref_squeeze %dma_start3A_750 : memref<1x64xi32, #tpu.memory_space<vmem>> -> memref<64xi32, #tpu.memory_space<vmem>>
      %dma_start3A_752 = arith.constant 0 : i32
      %dma_start3A_753 = arith.constant 0 : i32
      %dma_start3A_754 = tpu.memref_slice %arg16[%dma_start3A_752, %dma_start3A_753] : memref<10240x64xf32, #tpu.memory_space<vmem_shared>> -> memref<10240x64xf32, #tpu.memory_space<vmem_shared>>
      tpu.enqueue_indirect_dma source(%dma_start3A_754 : memref<10240x64xf32, #tpu.memory_space<vmem_shared>>) target(%arg10 : memref<64x64xf32, #tpu.memory_space<vmem>>) offsets(%dma_start3A_751 : memref<64xi32, #tpu.memory_space<vmem>>) semaphore(%arg14 : memref<!tpu.dma_semaphore, #tpu.memory_space<semaphore_mem>>)
      %mul3A_755 = arith.constant 4 : i32
      %mul3A_756 = arith.muli %scan3A_428, %mul3A_755 : i32
      %add3A_757 = arith.constant 3 : i32
      %add3A_758 = arith.addi %mul3A_756, %add3A_757 : i32
      %dma_wait3A_759 = arith.constant 3 : i32
      %dma_wait3A_760 = arith.constant 0 : i32
      %dma_wait3A_761 = tpu.memref_slice %arg6[%dma_wait3A_759, %dma_wait3A_760] : memref<4x64xi32, #tpu.memory_space<vmem>> -> memref<1x64xi32, #tpu.memory_space<vmem>>
      %dma_wait3A_762 = tpu.memref_squeeze %dma_wait3A_761 : memref<1x64xi32, #tpu.memory_space<vmem>> -> memref<64xi32, #tpu.memory_space<vmem>>
      %dma_wait3A_763 = arith.constant 0 : i32
      %dma_wait3A_764 = arith.constant 0 : i32
      %dma_wait3A_765 = tpu.memref_slice %arg16[%dma_wait3A_763, %dma_wait3A_764] : memref<10240x64xf32, #tpu.memory_space<vmem_shared>> -> memref<10240x64xf32, #tpu.memory_space<vmem_shared>>
      tpu.wait_indirect_dma semaphore(%arg15 : memref<!tpu.dma_semaphore, #tpu.memory_space<semaphore_mem>>) src(%dma_wait3A_765 : memref<10240x64xf32, #tpu.memory_space<vmem_shared>>) dst(%arg11 : memref<64x64xf32, #tpu.memory_space<vmem>>)
      %run_scoped3A_766 = arith.constant 3 : i32
      "tpu.region"() ({
        %run_scoped3A_864 = tpu.sem_alloc : memref<!tpu.dma_semaphore, #tpu.memory_space<semaphore_mem>>
        %dma_start3A_865 = arith.constant 0 : i32
        %dma_start3A_866 = tpu.memref_slice %arg7[%run_scoped3A_766, %dma_start3A_865] : memref<4x64xi32, #tpu.memory_space<vmem>> -> memref<1x64xi32, #tpu.memory_space<vmem>>
        %dma_start3A_867 = tpu.memref_squeeze %dma_start3A_866 : memref<1x64xi32, #tpu.memory_space<vmem>> -> memref<64xi32, #tpu.memory_space<vmem>>
        %dma_start3A_868 = arith.constant 0 : i32
        %dma_start3A_869 = arith.constant 0 : i32
        %dma_start3A_870 = tpu.memref_slice %arg17[%dma_start3A_868, %dma_start3A_869] : memref<10240x64xf32, #tpu.memory_space<vmem_shared>> -> memref<10240x64xf32, #tpu.memory_space<vmem_shared>>
        tpu.enqueue_indirect_dma source(%arg11 : memref<64x64xf32, #tpu.memory_space<vmem>>) target(%dma_start3A_870 : memref<10240x64xf32, #tpu.memory_space<vmem_shared>>) offsets(%dma_start3A_867 : memref<64xi32, #tpu.memory_space<vmem>>) semaphore(%run_scoped3A_864 : memref<!tpu.dma_semaphore, #tpu.memory_space<semaphore_mem>>) {add = true}
        %dma_wait3A_871 = arith.constant 0 : i32
        %dma_wait3A_872 = tpu.memref_slice %arg7[%run_scoped3A_766, %dma_wait3A_871] : memref<4x64xi32, #tpu.memory_space<vmem>> -> memref<1x64xi32, #tpu.memory_space<vmem>>
        %dma_wait3A_873 = tpu.memref_squeeze %dma_wait3A_872 : memref<1x64xi32, #tpu.memory_space<vmem>> -> memref<64xi32, #tpu.memory_space<vmem>>
        %dma_wait3A_874 = arith.constant 0 : i32
        %dma_wait3A_875 = arith.constant 0 : i32
        %dma_wait3A_876 = tpu.memref_slice %arg17[%dma_wait3A_874, %dma_wait3A_875] : memref<10240x64xf32, #tpu.memory_space<vmem_shared>> -> memref<10240x64xf32, #tpu.memory_space<vmem_shared>>
        tpu.wait_indirect_dma semaphore(%run_scoped3A_864 : memref<!tpu.dma_semaphore, #tpu.memory_space<semaphore_mem>>) src(%arg11 : memref<64x64xf32, #tpu.memory_space<vmem>>) dst(%dma_wait3A_876 : memref<10240x64xf32, #tpu.memory_space<vmem_shared>>)
        tpu.yield
      }) : () -> ()
      %add3A_767 = arith.constant 4 : i32
      %add3A_768 = arith.addi %add3A_758, %add3A_767 : i32
      %get3A_769 = arith.index_cast %add3A_768 : i32 to index
      %get3A_770 = arith.constant 0 : index
      %get3A_771 = tpu.vector_load %arg5[%get3A_769, %get3A_770] {strides = array<i32>} : memref<320x64xi32, #tpu.memory_space<vmem>>, vector<1x16xi32>,
      %get3A_772 = vector.shape_cast %get3A_771 : vector<1x16xi32> to vector<16xi32>
      %shift_right_arithmetic3A_773 = arith.constant 14 : i32
      %shift_right_arithmetic3A_774 = vector.broadcast %shift_right_arithmetic3A_773 : i32 to vector<16xi32>
      %shift_right_arithmetic3A_775 = arith.shrsi %get3A_772, %shift_right_arithmetic3A_774 : vector<16xi32>
      %swap3A_776 = arith.constant 3 : i32
      %swap3A_777 = arith.index_cast %swap3A_776 : i32 to index
      %swap3A_778 = arith.constant 0 : index
      %swap3A_779 = tpu.vector_load %arg6[%swap3A_777, %swap3A_778] {strides = array<i32>} : memref<4x64xi32, #tpu.memory_space<vmem>>, vector<1x16xi32>,
      %swap3A_780 = vector.shape_cast %swap3A_779 : vector<1x16xi32> to vector<16xi32>
      %swap3A_781 = vector.shape_cast %shift_right_arithmetic3A_775 : vector<16xi32> to vector<1x16xi32>
      tpu.vector_store %arg6[%swap3A_777, %swap3A_778], %swap3A_781 {strides = array<i32>} : memref<4x64xi32, #tpu.memory_space<vmem>>, vector<1x16xi32>,
      %and3A_782 = arith.constant 16383 : i32
      %and3A_783 = vector.broadcast %and3A_782 : i32 to vector<16xi32>
      %and3A_784 = arith.andi %get3A_772, %and3A_783 : vector<16xi32>
      %swap3A_785 = arith.constant 3 : i32
      %swap3A_786 = arith.index_cast %swap3A_785 : i32 to index
      %swap3A_787 = arith.constant 0 : index
      %swap3A_788 = tpu.vector_load %arg7[%swap3A_786, %swap3A_787] {strides = array<i32>} : memref<4x64xi32, #tpu.memory_space<vmem>>, vector<1x16xi32>,
      %swap3A_789 = vector.shape_cast %swap3A_788 : vector<1x16xi32> to vector<16xi32>
      %swap3A_790 = vector.shape_cast %and3A_784 : vector<16xi32> to vector<1x16xi32>
      tpu.vector_store %arg7[%swap3A_786, %swap3A_787], %swap3A_790 {strides = array<i32>} : memref<4x64xi32, #tpu.memory_space<vmem>>, vector<1x16xi32>,
      %get3A_791 = arith.index_cast %add3A_768 : i32 to index
      %get3A_792 = arith.constant 16 : index
      %get3A_793 = tpu.vector_load %arg5[%get3A_791, %get3A_792] {strides = array<i32>} : memref<320x64xi32, #tpu.memory_space<vmem>>, vector<1x16xi32>,
      %get3A_794 = vector.shape_cast %get3A_793 : vector<1x16xi32> to vector<16xi32>
      %shift_right_arithmetic3A_795 = arith.constant 14 : i32
      %shift_right_arithmetic3A_796 = vector.broadcast %shift_right_arithmetic3A_795 : i32 to vector<16xi32>
      %shift_right_arithmetic3A_797 = arith.shrsi %get3A_794, %shift_right_arithmetic3A_796 : vector<16xi32>
      %swap3A_798 = arith.constant 3 : i32
      %swap3A_799 = arith.index_cast %swap3A_798 : i32 to index
      %swap3A_800 = arith.constant 16 : index
      %swap3A_801 = tpu.vector_load %arg6[%swap3A_799, %swap3A_800] {strides = array<i32>} : memref<4x64xi32, #tpu.memory_space<vmem>>, vector<1x16xi32>,
      %swap3A_802 = vector.shape_cast %swap3A_801 : vector<1x16xi32> to vector<16xi32>
      %swap3A_803 = vector.shape_cast %shift_right_arithmetic3A_797 : vector<16xi32> to vector<1x16xi32>
      tpu.vector_store %arg6[%swap3A_799, %swap3A_800], %swap3A_803 {strides = array<i32>} : memref<4x64xi32, #tpu.memory_space<vmem>>, vector<1x16xi32>,
      %and3A_804 = arith.constant 16383 : i32
      %and3A_805 = vector.broadcast %and3A_804 : i32 to vector<16xi32>
      %and3A_806 = arith.andi %get3A_794, %and3A_805 : vector<16xi32>
      %swap3A_807 = arith.constant 3 : i32
      %swap3A_808 = arith.index_cast %swap3A_807 : i32 to index
      %swap3A_809 = arith.constant 16 : index
      %swap3A_810 = tpu.vector_load %arg7[%swap3A_808, %swap3A_809] {strides = array<i32>} : memref<4x64xi32, #tpu.memory_space<vmem>>, vector<1x16xi32>,
      %swap3A_811 = vector.shape_cast %swap3A_810 : vector<1x16xi32> to vector<16xi32>
      %swap3A_812 = vector.shape_cast %and3A_806 : vector<16xi32> to vector<1x16xi32>
      tpu.vector_store %arg7[%swap3A_808, %swap3A_809], %swap3A_812 {strides = array<i32>} : memref<4x64xi32, #tpu.memory_space<vmem>>, vector<1x16xi32>,
      %get3A_813 = arith.index_cast %add3A_768 : i32 to index
      %get3A_814 = arith.constant 32 : index
      %get3A_815 = tpu.vector_load %arg5[%get3A_813, %get3A_814] {strides = array<i32>} : memref<320x64xi32, #tpu.memory_space<vmem>>, vector<1x16xi32>,
      %get3A_816 = vector.shape_cast %get3A_815 : vector<1x16xi32> to vector<16xi32>
      %shift_right_arithmetic3A_817 = arith.constant 14 : i32
      %shift_right_arithmetic3A_818 = vector.broadcast %shift_right_arithmetic3A_817 : i32 to vector<16xi32>
      %shift_right_arithmetic3A_819 = arith.shrsi %get3A_816, %shift_right_arithmetic3A_818 : vector<16xi32>
      %swap3A_820 = arith.constant 3 : i32
      %swap3A_821 = arith.index_cast %swap3A_820 : i32 to index
      %swap3A_822 = arith.constant 32 : index
      %swap3A_823 = tpu.vector_load %arg6[%swap3A_821, %swap3A_822] {strides = array<i32>} : memref<4x64xi32, #tpu.memory_space<vmem>>, vector<1x16xi32>,
      %swap3A_824 = vector.shape_cast %swap3A_823 : vector<1x16xi32> to vector<16xi32>
      %swap3A_825 = vector.shape_cast %shift_right_arithmetic3A_819 : vector<16xi32> to vector<1x16xi32>
      tpu.vector_store %arg6[%swap3A_821, %swap3A_822], %swap3A_825 {strides = array<i32>} : memref<4x64xi32, #tpu.memory_space<vmem>>, vector<1x16xi32>,
      %and3A_826 = arith.constant 16383 : i32
      %and3A_827 = vector.broadcast %and3A_826 : i32 to vector<16xi32>
      %and3A_828 = arith.andi %get3A_816, %and3A_827 : vector<16xi32>
      %swap3A_829 = arith.constant 3 : i32
      %swap3A_830 = arith.index_cast %swap3A_829 : i32 to index
      %swap3A_831 = arith.constant 32 : index
      %swap3A_832 = tpu.vector_load %arg7[%swap3A_830, %swap3A_831] {strides = array<i32>} : memref<4x64xi32, #tpu.memory_space<vmem>>, vector<1x16xi32>,
      %swap3A_833 = vector.shape_cast %swap3A_832 : vector<1x16xi32> to vector<16xi32>
      %swap3A_834 = vector.shape_cast %and3A_828 : vector<16xi32> to vector<1x16xi32>
      tpu.vector_store %arg7[%swap3A_830, %swap3A_831], %swap3A_834 {strides = array<i32>} : memref<4x64xi32, #tpu.memory_space<vmem>>, vector<1x16xi32>,
      %get3A_835 = arith.index_cast %add3A_768 : i32 to index
      %get3A_836 = arith.constant 48 : index
      %get3A_837 = tpu.vector_load %arg5[%get3A_835, %get3A_836] {strides = array<i32>} : memref<320x64xi32, #tpu.memory_space<vmem>>, vector<1x16xi32>,
      %get3A_838 = vector.shape_cast %get3A_837 : vector<1x16xi32> to vector<16xi32>
      %shift_right_arithmetic3A_839 = arith.constant 14 : i32
      %shift_right_arithmetic3A_840 = vector.broadcast %shift_right_arithmetic3A_839 : i32 to vector<16xi32>
      %shift_right_arithmetic3A_841 = arith.shrsi %get3A_838, %shift_right_arithmetic3A_840 : vector<16xi32>
      %swap3A_842 = arith.constant 3 : i32
      %swap3A_843 = arith.index_cast %swap3A_842 : i32 to index
      %swap3A_844 = arith.constant 48 : index
      %swap3A_845 = tpu.vector_load %arg6[%swap3A_843, %swap3A_844] {strides = array<i32>} : memref<4x64xi32, #tpu.memory_space<vmem>>, vector<1x16xi32>,
      %swap3A_846 = vector.shape_cast %swap3A_845 : vector<1x16xi32> to vector<16xi32>
      %swap3A_847 = vector.shape_cast %shift_right_arithmetic3A_841 : vector<16xi32> to vector<1x16xi32>
      tpu.vector_store %arg6[%swap3A_843, %swap3A_844], %swap3A_847 {strides = array<i32>} : memref<4x64xi32, #tpu.memory_space<vmem>>, vector<1x16xi32>,
      %and3A_848 = arith.constant 16383 : i32
      %and3A_849 = vector.broadcast %and3A_848 : i32 to vector<16xi32>
      %and3A_850 = arith.andi %get3A_838, %and3A_849 : vector<16xi32>
      %swap3A_851 = arith.constant 3 : i32
      %swap3A_852 = arith.index_cast %swap3A_851 : i32 to index
      %swap3A_853 = arith.constant 48 : index
      %swap3A_854 = tpu.vector_load %arg7[%swap3A_852, %swap3A_853] {strides = array<i32>} : memref<4x64xi32, #tpu.memory_space<vmem>>, vector<1x16xi32>,
      %swap3A_855 = vector.shape_cast %swap3A_854 : vector<1x16xi32> to vector<16xi32>
      %swap3A_856 = vector.shape_cast %and3A_850 : vector<16xi32> to vector<1x16xi32>
      tpu.vector_store %arg7[%swap3A_852, %swap3A_853], %swap3A_856 {strides = array<i32>} : memref<4x64xi32, #tpu.memory_space<vmem>>, vector<1x16xi32>,
      %dma_start3A_857 = arith.constant 3 : i32
      %dma_start3A_858 = arith.constant 0 : i32
      %dma_start3A_859 = tpu.memref_slice %arg6[%dma_start3A_857, %dma_start3A_858] : memref<4x64xi32, #tpu.memory_space<vmem>> -> memref<1x64xi32, #tpu.memory_space<vmem>>
      %dma_start3A_860 = tpu.memref_squeeze %dma_start3A_859 : memref<1x64xi32, #tpu.memory_space<vmem>> -> memref<64xi32, #tpu.memory_space<vmem>>
      %dma_start3A_861 = arith.constant 0 : i32
      %dma_start3A_862 = arith.constant 0 : i32
      %dma_start3A_863 = tpu.memref_slice %arg16[%dma_start3A_861, %dma_start3A_862] : memref<10240x64xf32, #tpu.memory_space<vmem_shared>> -> memref<10240x64xf32, #tpu.memory_space<vmem_shared>>
      tpu.enqueue_indirect_dma source(%dma_start3A_863 : memref<10240x64xf32, #tpu.memory_space<vmem_shared>>) target(%arg11 : memref<64x64xf32, #tpu.memory_space<vmem>>) offsets(%dma_start3A_860 : memref<64xi32, #tpu.memory_space<vmem>>) semaphore(%arg15 : memref<!tpu.dma_semaphore, #tpu.memory_space<semaphore_mem>>)
    }
    %scan3A_396 = arith.constant 79 : i32
    %dma_wait3A = arith.constant 0 : i32
    %dma_wait3A_397 = arith.constant 0 : i32
    %dma_wait3A_398 = tpu.memref_slice %arg6[%dma_wait3A, %dma_wait3A_397] : memref<4x64xi32, #tpu.memory_space<vmem>> -> memref<1x64xi32, #tpu.memory_space<vmem>>
    %dma_wait3A_399 = tpu.memref_squeeze %dma_wait3A_398 : memref<1x64xi32, #tpu.memory_space<vmem>> -> memref<64xi32, #tpu.memory_space<vmem>>
    %dma_wait3A_400 = arith.constant 0 : i32
    %dma_wait3A_401 = arith.constant 0 : i32
    %dma_wait3A_402 = tpu.memref_slice %arg16[%dma_wait3A_400, %dma_wait3A_401] : memref<10240x64xf32, #tpu.memory_space<vmem_shared>> -> memref<10240x64xf32, #tpu.memory_space<vmem_shared>>
    tpu.wait_indirect_dma semaphore(%arg12 : memref<!tpu.dma_semaphore, #tpu.memory_space<semaphore_mem>>) src(%dma_wait3A_402 : memref<10240x64xf32, #tpu.memory_space<vmem_shared>>) dst(%arg8 : memref<64x64xf32, #tpu.memory_space<vmem>>)
    %run_scoped3A = arith.constant 0 : i32
    "tpu.region"() ({
      %run_scoped3A_428 = tpu.sem_alloc : memref<!tpu.dma_semaphore, #tpu.memory_space<semaphore_mem>>
      %dma_start3A_429 = arith.constant 0 : i32
      %dma_start3A_430 = tpu.memref_slice %arg7[%run_scoped3A, %dma_start3A_429] : memref<4x64xi32, #tpu.memory_space<vmem>> -> memref<1x64xi32, #tpu.memory_space<vmem>>
      %dma_start3A_431 = tpu.memref_squeeze %dma_start3A_430 : memref<1x64xi32, #tpu.memory_space<vmem>> -> memref<64xi32, #tpu.memory_space<vmem>>
      %dma_start3A_432 = arith.constant 0 : i32
      %dma_start3A_433 = arith.constant 0 : i32
      %dma_start3A_434 = tpu.memref_slice %arg17[%dma_start3A_432, %dma_start3A_433] : memref<10240x64xf32, #tpu.memory_space<vmem_shared>> -> memref<10240x64xf32, #tpu.memory_space<vmem_shared>>
      tpu.enqueue_indirect_dma source(%arg8 : memref<64x64xf32, #tpu.memory_space<vmem>>) target(%dma_start3A_434 : memref<10240x64xf32, #tpu.memory_space<vmem_shared>>) offsets(%dma_start3A_431 : memref<64xi32, #tpu.memory_space<vmem>>) semaphore(%run_scoped3A_428 : memref<!tpu.dma_semaphore, #tpu.memory_space<semaphore_mem>>) {add = true}
      %dma_wait3A_435 = arith.constant 0 : i32
      %dma_wait3A_436 = tpu.memref_slice %arg7[%run_scoped3A, %dma_wait3A_435] : memref<4x64xi32, #tpu.memory_space<vmem>> -> memref<1x64xi32, #tpu.memory_space<vmem>>
      %dma_wait3A_437 = tpu.memref_squeeze %dma_wait3A_436 : memref<1x64xi32, #tpu.memory_space<vmem>> -> memref<64xi32, #tpu.memory_space<vmem>>
      %dma_wait3A_438 = arith.constant 0 : i32
      %dma_wait3A_439 = arith.constant 0 : i32
      %dma_wait3A_440 = tpu.memref_slice %arg17[%dma_wait3A_438, %dma_wait3A_439] : memref<10240x64xf32, #tpu.memory_space<vmem_shared>> -> memref<10240x64xf32, #tpu.memory_space<vmem_shared>>
      tpu.wait_indirect_dma semaphore(%run_scoped3A_428 : memref<!tpu.dma_semaphore, #tpu.memory_space<semaphore_mem>>) src(%arg8 : memref<64x64xf32, #tpu.memory_space<vmem>>) dst(%dma_wait3A_440 : memref<10240x64xf32, #tpu.memory_space<vmem_shared>>)
      tpu.yield
    }) : () -> ()
    %dma_wait3A_403 = arith.constant 1 : i32
    %dma_wait3A_404 = arith.constant 0 : i32
    %dma_wait3A_405 = tpu.memref_slice %arg6[%dma_wait3A_403, %dma_wait3A_404] : memref<4x64xi32, #tpu.memory_space<vmem>> -> memref<1x64xi32, #tpu.memory_space<vmem>>
    %dma_wait3A_406 = tpu.memref_squeeze %dma_wait3A_405 : memref<1x64xi32, #tpu.memory_space<vmem>> -> memref<64xi32, #tpu.memory_space<vmem>>
    %dma_wait3A_407 = arith.constant 0 : i32
    %dma_wait3A_408 = arith.constant 0 : i32
    %dma_wait3A_409 = tpu.memref_slice %arg16[%dma_wait3A_407, %dma_wait3A_408] : memref<10240x64xf32, #tpu.memory_space<vmem_shared>> -> memref<10240x64xf32, #tpu.memory_space<vmem_shared>>
    tpu.wait_indirect_dma semaphore(%arg13 : memref<!tpu.dma_semaphore, #tpu.memory_space<semaphore_mem>>) src(%dma_wait3A_409 : memref<10240x64xf32, #tpu.memory_space<vmem_shared>>) dst(%arg9 : memref<64x64xf32, #tpu.memory_space<vmem>>)
    %run_scoped3A_410 = arith.constant 1 : i32
    "tpu.region"() ({
      %run_scoped3A_428 = tpu.sem_alloc : memref<!tpu.dma_semaphore, #tpu.memory_space<semaphore_mem>>
      %dma_start3A_429 = arith.constant 0 : i32
      %dma_start3A_430 = tpu.memref_slice %arg7[%run_scoped3A_410, %dma_start3A_429] : memref<4x64xi32, #tpu.memory_space<vmem>> -> memref<1x64xi32, #tpu.memory_space<vmem>>
      %dma_start3A_431 = tpu.memref_squeeze %dma_start3A_430 : memref<1x64xi32, #tpu.memory_space<vmem>> -> memref<64xi32, #tpu.memory_space<vmem>>
      %dma_start3A_432 = arith.constant 0 : i32
      %dma_start3A_433 = arith.constant 0 : i32
      %dma_start3A_434 = tpu.memref_slice %arg17[%dma_start3A_432, %dma_start3A_433] : memref<10240x64xf32, #tpu.memory_space<vmem_shared>> -> memref<10240x64xf32, #tpu.memory_space<vmem_shared>>
      tpu.enqueue_indirect_dma source(%arg9 : memref<64x64xf32, #tpu.memory_space<vmem>>) target(%dma_start3A_434 : memref<10240x64xf32, #tpu.memory_space<vmem_shared>>) offsets(%dma_start3A_431 : memref<64xi32, #tpu.memory_space<vmem>>) semaphore(%run_scoped3A_428 : memref<!tpu.dma_semaphore, #tpu.memory_space<semaphore_mem>>) {add = true}
      %dma_wait3A_435 = arith.constant 0 : i32
      %dma_wait3A_436 = tpu.memref_slice %arg7[%run_scoped3A_410, %dma_wait3A_435] : memref<4x64xi32, #tpu.memory_space<vmem>> -> memref<1x64xi32, #tpu.memory_space<vmem>>
      %dma_wait3A_437 = tpu.memref_squeeze %dma_wait3A_436 : memref<1x64xi32, #tpu.memory_space<vmem>> -> memref<64xi32, #tpu.memory_space<vmem>>
      %dma_wait3A_438 = arith.constant 0 : i32
      %dma_wait3A_439 = arith.constant 0 : i32
      %dma_wait3A_440 = tpu.memref_slice %arg17[%dma_wait3A_438, %dma_wait3A_439] : memref<10240x64xf32, #tpu.memory_space<vmem_shared>> -> memref<10240x64xf32, #tpu.memory_space<vmem_shared>>
      tpu.wait_indirect_dma semaphore(%run_scoped3A_428 : memref<!tpu.dma_semaphore, #tpu.memory_space<semaphore_mem>>) src(%arg9 : memref<64x64xf32, #tpu.memory_space<vmem>>) dst(%dma_wait3A_440 : memref<10240x64xf32, #tpu.memory_space<vmem_shared>>)
      tpu.yield
    }) : () -> ()
    %dma_wait3A_411 = arith.constant 2 : i32
    %dma_wait3A_412 = arith.constant 0 : i32
    %dma_wait3A_413 = tpu.memref_slice %arg6[%dma_wait3A_411, %dma_wait3A_412] : memref<4x64xi32, #tpu.memory_space<vmem>> -> memref<1x64xi32, #tpu.memory_space<vmem>>
    %dma_wait3A_414 = tpu.memref_squeeze %dma_wait3A_413 : memref<1x64xi32, #tpu.memory_space<vmem>> -> memref<64xi32, #tpu.memory_space<vmem>>
    %dma_wait3A_415 = arith.constant 0 : i32
    %dma_wait3A_416 = arith.constant 0 : i32
    %dma_wait3A_417 = tpu.memref_slice %arg16[%dma_wait3A_415, %dma_wait3A_416] : memref<10240x64xf32, #tpu.memory_space<vmem_shared>> -> memref<10240x64xf32, #tpu.memory_space<vmem_shared>>
    tpu.wait_indirect_dma semaphore(%arg14 : memref<!tpu.dma_semaphore, #tpu.memory_space<semaphore_mem>>) src(%dma_wait3A_417 : memref<10240x64xf32, #tpu.memory_space<vmem_shared>>) dst(%arg10 : memref<64x64xf32, #tpu.memory_space<vmem>>)
    %run_scoped3A_418 = arith.constant 2 : i32
    "tpu.region"() ({
      %run_scoped3A_428 = tpu.sem_alloc : memref<!tpu.dma_semaphore, #tpu.memory_space<semaphore_mem>>
      %dma_start3A_429 = arith.constant 0 : i32
      %dma_start3A_430 = tpu.memref_slice %arg7[%run_scoped3A_418, %dma_start3A_429] : memref<4x64xi32, #tpu.memory_space<vmem>> -> memref<1x64xi32, #tpu.memory_space<vmem>>
      %dma_start3A_431 = tpu.memref_squeeze %dma_start3A_430 : memref<1x64xi32, #tpu.memory_space<vmem>> -> memref<64xi32, #tpu.memory_space<vmem>>
      %dma_start3A_432 = arith.constant 0 : i32
      %dma_start3A_433 = arith.constant 0 : i32
      %dma_start3A_434 = tpu.memref_slice %arg17[%dma_start3A_432, %dma_start3A_433] : memref<10240x64xf32, #tpu.memory_space<vmem_shared>> -> memref<10240x64xf32, #tpu.memory_space<vmem_shared>>
      tpu.enqueue_indirect_dma source(%arg10 : memref<64x64xf32, #tpu.memory_space<vmem>>) target(%dma_start3A_434 : memref<10240x64xf32, #tpu.memory_space<vmem_shared>>) offsets(%dma_start3A_431 : memref<64xi32, #tpu.memory_space<vmem>>) semaphore(%run_scoped3A_428 : memref<!tpu.dma_semaphore, #tpu.memory_space<semaphore_mem>>) {add = true}
      %dma_wait3A_435 = arith.constant 0 : i32
      %dma_wait3A_436 = tpu.memref_slice %arg7[%run_scoped3A_418, %dma_wait3A_435] : memref<4x64xi32, #tpu.memory_space<vmem>> -> memref<1x64xi32, #tpu.memory_space<vmem>>
      %dma_wait3A_437 = tpu.memref_squeeze %dma_wait3A_436 : memref<1x64xi32, #tpu.memory_space<vmem>> -> memref<64xi32, #tpu.memory_space<vmem>>
      %dma_wait3A_438 = arith.constant 0 : i32
      %dma_wait3A_439 = arith.constant 0 : i32
      %dma_wait3A_440 = tpu.memref_slice %arg17[%dma_wait3A_438, %dma_wait3A_439] : memref<10240x64xf32, #tpu.memory_space<vmem_shared>> -> memref<10240x64xf32, #tpu.memory_space<vmem_shared>>
      tpu.wait_indirect_dma semaphore(%run_scoped3A_428 : memref<!tpu.dma_semaphore, #tpu.memory_space<semaphore_mem>>) src(%arg10 : memref<64x64xf32, #tpu.memory_space<vmem>>) dst(%dma_wait3A_440 : memref<10240x64xf32, #tpu.memory_space<vmem_shared>>)
      tpu.yield
    }) : () -> ()
    %dma_wait3A_419 = arith.constant 3 : i32
    %dma_wait3A_420 = arith.constant 0 : i32
    %dma_wait3A_421 = tpu.memref_slice %arg6[%dma_wait3A_419, %dma_wait3A_420] : memref<4x64xi32, #tpu.memory_space<vmem>> -> memref<1x64xi32, #tpu.memory_space<vmem>>
    %dma_wait3A_422 = tpu.memref_squeeze %dma_wait3A_421 : memref<1x64xi32, #tpu.memory_space<vmem>> -> memref<64xi32, #tpu.memory_space<vmem>>
    %dma_wait3A_423 = arith.constant 0 : i32
    %dma_wait3A_424 = arith.constant 0 : i32
    %dma_wait3A_425 = tpu.memref_slice %arg16[%dma_wait3A_423, %dma_wait3A_424] : memref<10240x64xf32, #tpu.memory_space<vmem_shared>> -> memref<10240x64xf32, #tpu.memory_space<vmem_shared>>
    tpu.wait_indirect_dma semaphore(%arg15 : memref<!tpu.dma_semaphore, #tpu.memory_space<semaphore_mem>>) src(%dma_wait3A_425 : memref<10240x64xf32, #tpu.memory_space<vmem_shared>>) dst(%arg11 : memref<64x64xf32, #tpu.memory_space<vmem>>)
    %run_scoped3A_426 = arith.constant 3 : i32
    "tpu.region"() ({
      %run_scoped3A_428 = tpu.sem_alloc : memref<!tpu.dma_semaphore, #tpu.memory_space<semaphore_mem>>
      %dma_start3A_429 = arith.constant 0 : i32
      %dma_start3A_430 = tpu.memref_slice %arg7[%run_scoped3A_426, %dma_start3A_429] : memref<4x64xi32, #tpu.memory_space<vmem>> -> memref<1x64xi32, #tpu.memory_space<vmem>>
      %dma_start3A_431 = tpu.memref_squeeze %dma_start3A_430 : memref<1x64xi32, #tpu.memory_space<vmem>> -> memref<64xi32, #tpu.memory_space<vmem>>
      %dma_start3A_432 = arith.constant 0 : i32
      %dma_start3A_433 = arith.constant 0 : i32
      %dma_start3A_434 = tpu.memref_slice %arg17[%dma_start3A_432, %dma_start3A_433] : memref<10240x64xf32, #tpu.memory_space<vmem_shared>> -> memref<10240x64xf32, #tpu.memory_space<vmem_shared>>
      tpu.enqueue_indirect_dma source(%arg11 : memref<64x64xf32, #tpu.memory_space<vmem>>) target(%dma_start3A_434 : memref<10240x64xf32, #tpu.memory_space<vmem_shared>>) offsets(%dma_start3A_431 : memref<64xi32, #tpu.memory_space<vmem>>) semaphore(%run_scoped3A_428 : memref<!tpu.dma_semaphore, #tpu.memory_space<semaphore_mem>>) {add = true}
      %dma_wait3A_435 = arith.constant 0 : i32
      %dma_wait3A_436 = tpu.memref_slice %arg7[%run_scoped3A_426, %dma_wait3A_435] : memref<4x64xi32, #tpu.memory_space<vmem>> -> memref<1x64xi32, #tpu.memory_space<vmem>>
      %dma_wait3A_437 = tpu.memref_squeeze %dma_wait3A_436 : memref<1x64xi32, #tpu.memory_space<vmem>> -> memref<64xi32, #tpu.memory_space<vmem>>
      %dma_wait3A_438 = arith.constant 0 : i32
      %dma_wait3A_439 = arith.constant 0 : i32
      %dma_wait3A_440 = tpu.memref_slice %arg17[%dma_wait3A_438, %dma_wait3A_439] : memref<10240x64xf32, #tpu.memory_space<vmem_shared>> -> memref<10240x64xf32, #tpu.memory_space<vmem_shared>>
      tpu.wait_indirect_dma semaphore(%run_scoped3A_428 : memref<!tpu.dma_semaphore, #tpu.memory_space<semaphore_mem>>) src(%arg11 : memref<64x64xf32, #tpu.memory_space<vmem>>) dst(%dma_wait3A_440 : memref<10240x64xf32, #tpu.memory_space<vmem_shared>>)
      tpu.yield
    }) : () -> ()
    %barrier3A_427 = arith.constant 0 : index
    tpu.barrier barrier_id(%barrier3A_427)
    "tpu.region"() ({
      %run_scoped3A_428 = tpu.sem_alloc : memref<!tpu.dma_semaphore, #tpu.memory_space<semaphore_mem>>
      %dma_start3A_429 = arith.constant 0 : i32
      %dma_start3A_430 = arith.constant 0 : i32
      %dma_start3A_431 = tpu.memref_slice %arg4[%arg0, %dma_start3A_429, %dma_start3A_430] : memref<2x10240x64xf32, #tpu.memory_space<hbm>> -> memref<1x10240x64xf32, #tpu.memory_space<hbm>>
      %dma_start3A_432 = tpu.memref_squeeze %dma_start3A_431 : memref<1x10240x64xf32, #tpu.memory_space<hbm>> -> memref<10240x64xf32, #tpu.memory_space<hbm>>
      %dma_start3A_433 = arith.constant 0 : i32
      %dma_start3A_434 = tpu.memref_slice %dma_start3A_432[%mul3A_0, %dma_start3A_433] : memref<10240x64xf32, #tpu.memory_space<hbm>> -> memref<640x64xf32, #tpu.memory_space<hbm>>
      %dma_start3A_435 = arith.constant 0 : i32
      %dma_start3A_436 = tpu.memref_slice %arg17[%mul3A_0, %dma_start3A_435] : memref<10240x64xf32, #tpu.memory_space<vmem_shared>> -> memref<640x64xf32, #tpu.memory_space<vmem_shared>>
      tpu.enqueue_dma source(%dma_start3A_436 : memref<640x64xf32, #tpu.memory_space<vmem_shared>>) target(%dma_start3A_434 : memref<640x64xf32, #tpu.memory_space<hbm>>) target_semaphore(%run_scoped3A_428 : memref<!tpu.dma_semaphore, #tpu.memory_space<semaphore_mem>>)
      %dma_wait3A_437 = arith.constant 0 : i32
      %dma_wait3A_438 = arith.constant 0 : i32
      %dma_wait3A_439 = tpu.memref_slice %arg4[%arg0, %dma_wait3A_437, %dma_wait3A_438] : memref<2x10240x64xf32, #tpu.memory_space<hbm>> -> memref<1x10240x64xf32, #tpu.memory_space<hbm>>
      %dma_wait3A_440 = tpu.memref_squeeze %dma_wait3A_439 : memref<1x10240x64xf32, #tpu.memory_space<hbm>> -> memref<10240x64xf32, #tpu.memory_space<hbm>>
      %dma_wait3A_441 = arith.constant 0 : i32
      %dma_wait3A_442 = tpu.memref_slice %dma_wait3A_440[%mul3A_0, %dma_wait3A_441] : memref<10240x64xf32, #tpu.memory_space<hbm>> -> memref<640x64xf32, #tpu.memory_space<hbm>>
      %dma_wait3A_443 = arith.constant 0 : i32
      %dma_wait3A_444 = tpu.memref_slice %arg17[%mul3A_0, %dma_wait3A_443] : memref<10240x64xf32, #tpu.memory_space<vmem_shared>> -> memref<640x64xf32, #tpu.memory_space<vmem_shared>>
      tpu.wait_dma2 semaphore(%run_scoped3A_428 : memref<!tpu.dma_semaphore, #tpu.memory_space<semaphore_mem>>) src(%dma_wait3A_444 : memref<640x64xf32, #tpu.memory_space<vmem_shared>>) dst(%dma_wait3A_442 : memref<640x64xf32, #tpu.memory_space<hbm>>)
      tpu.yield
    }) : () -> ()
    return
  }
}

#map = affine_map<(d0, d1) -> (0, 0, 0)>
#map1 = affine_map<(d0, d1) -> (0, 0)>
module attributes {stable_mosaic.version = 14 : i64} {
  func.func @_hist_body(%arg0: i32, %arg1: i32, %arg2: memref<32x80x128xi32, #tpu.memory_space<hbm>>, %arg3: memref<10240x16xf32, #tpu.memory_space<hbm>>, %arg4: memref<128x16xf32, #tpu.memory_space<hbm>>, %arg5: memref<2x10240x16xf32, #tpu.memory_space<hbm>>, %arg6: memref<80x128xi32, #tpu.memory_space<vmem>>, %arg7: memref<128x16xf32, #tpu.memory_space<vmem>>, %arg8: memref<10240x16xf32, #tpu.memory_space<vmem_shared>>) attributes {dimension_semantics = [#tpu.dimension_semantics<core_parallel>, #tpu.dimension_semantics<subcore_parallel>], iteration_bounds = array<i64: 2, 16>, scalar_prefetch = 0 : i64, scratch_operands = 3 : i64, tpu.core_type = #tpu.core_type<sc_vector_subcore>, window_params = [{transform_indices = #map}, {transform_indices = #map1}, {transform_indices = #map1}, {transform_indices = #map}]} {
    %mul3A = arith.constant 16 : i32
    %mul3A_0 = arith.muli %arg0, %mul3A : i32
    %add3A = arith.addi %mul3A_0, %arg1 : i32
    %mul3A_1 = arith.constant 640 : i32
    %mul3A_2 = arith.muli %arg1, %mul3A_1 : i32
    "tpu.region"() ({
      %run_scoped3A = tpu.sem_alloc : memref<!tpu.dma_semaphore, #tpu.memory_space<semaphore_mem>>
      %dma_start3A = arith.constant 0 : i32
      %dma_start3A_9 = tpu.memref_slice %arg8[%mul3A_2, %dma_start3A] : memref<10240x16xf32, #tpu.memory_space<vmem_shared>> -> memref<640x16xf32, #tpu.memory_space<vmem_shared>>
      %dma_start3A_10 = arith.constant 0 : i32
      %dma_start3A_11 = tpu.memref_slice %arg3[%mul3A_2, %dma_start3A_10] : memref<10240x16xf32, #tpu.memory_space<hbm>> -> memref<640x16xf32, #tpu.memory_space<hbm>>
      tpu.enqueue_dma source(%dma_start3A_11 : memref<640x16xf32, #tpu.memory_space<hbm>>) target(%dma_start3A_9 : memref<640x16xf32, #tpu.memory_space<vmem_shared>>) target_semaphore(%run_scoped3A : memref<!tpu.dma_semaphore, #tpu.memory_space<semaphore_mem>>)
      %dma_wait3A = arith.constant 0 : i32
      %dma_wait3A_12 = tpu.memref_slice %arg8[%mul3A_2, %dma_wait3A] : memref<10240x16xf32, #tpu.memory_space<vmem_shared>> -> memref<640x16xf32, #tpu.memory_space<vmem_shared>>
      %dma_wait3A_13 = arith.constant 0 : i32
      %dma_wait3A_14 = tpu.memref_slice %arg3[%mul3A_2, %dma_wait3A_13] : memref<10240x16xf32, #tpu.memory_space<hbm>> -> memref<640x16xf32, #tpu.memory_space<hbm>>
      tpu.wait_dma2 semaphore(%run_scoped3A : memref<!tpu.dma_semaphore, #tpu.memory_space<semaphore_mem>>) src(%dma_wait3A_14 : memref<640x16xf32, #tpu.memory_space<hbm>>) dst(%dma_wait3A_12 : memref<640x16xf32, #tpu.memory_space<vmem_shared>>)
      tpu.yield
    }) : () -> ()
    "tpu.region"() ({
      %run_scoped3A = tpu.sem_alloc : memref<!tpu.dma_semaphore, #tpu.memory_space<semaphore_mem>>
      tpu.enqueue_dma source(%arg4 : memref<128x16xf32, #tpu.memory_space<hbm>>) target(%arg7 : memref<128x16xf32, #tpu.memory_space<vmem>>) target_semaphore(%run_scoped3A : memref<!tpu.dma_semaphore, #tpu.memory_space<semaphore_mem>>)
      tpu.wait_dma2 semaphore(%run_scoped3A : memref<!tpu.dma_semaphore, #tpu.memory_space<semaphore_mem>>) src(%arg4 : memref<128x16xf32, #tpu.memory_space<hbm>>) dst(%arg7 : memref<128x16xf32, #tpu.memory_space<vmem>>)
      tpu.yield
    }) : () -> ()
    "tpu.region"() ({
      %run_scoped3A = tpu.sem_alloc : memref<!tpu.dma_semaphore, #tpu.memory_space<semaphore_mem>>
      %dma_start3A = arith.constant 0 : i32
      %dma_start3A_9 = arith.constant 0 : i32
      %dma_start3A_10 = tpu.memref_slice %arg2[%add3A, %dma_start3A, %dma_start3A_9] : memref<32x80x128xi32, #tpu.memory_space<hbm>> -> memref<1x80x128xi32, #tpu.memory_space<hbm>>
      %dma_start3A_11 = tpu.memref_squeeze %dma_start3A_10 : memref<1x80x128xi32, #tpu.memory_space<hbm>> -> memref<80x128xi32, #tpu.memory_space<hbm>>
      %dma_start3A_12 = arith.constant 0 : i32
      %dma_start3A_13 = arith.constant 0 : i32
      %dma_start3A_14 = tpu.memref_slice %arg2[%add3A, %dma_start3A_12, %dma_start3A_13] : memref<32x80x128xi32, #tpu.memory_space<hbm>> -> memref<1x80x128xi32, #tpu.memory_space<hbm>>
      %dma_start3A_15 = tpu.memref_squeeze %dma_start3A_14 : memref<1x80x128xi32, #tpu.memory_space<hbm>> -> memref<80x128xi32, #tpu.memory_space<hbm>>
      tpu.enqueue_dma source(%dma_start3A_15 : memref<80x128xi32, #tpu.memory_space<hbm>>) target(%arg6 : memref<80x128xi32, #tpu.memory_space<vmem>>) target_semaphore(%run_scoped3A : memref<!tpu.dma_semaphore, #tpu.memory_space<semaphore_mem>>)
      %dma_wait3A = arith.constant 0 : i32
      %dma_wait3A_16 = arith.constant 0 : i32
      %dma_wait3A_17 = tpu.memref_slice %arg2[%add3A, %dma_wait3A, %dma_wait3A_16] : memref<32x80x128xi32, #tpu.memory_space<hbm>> -> memref<1x80x128xi32, #tpu.memory_space<hbm>>
      %dma_wait3A_18 = tpu.memref_squeeze %dma_wait3A_17 : memref<1x80x128xi32, #tpu.memory_space<hbm>> -> memref<80x128xi32, #tpu.memory_space<hbm>>
      %dma_wait3A_19 = arith.constant 0 : i32
      %dma_wait3A_20 = arith.constant 0 : i32
      %dma_wait3A_21 = tpu.memref_slice %arg2[%add3A, %dma_wait3A_19, %dma_wait3A_20] : memref<32x80x128xi32, #tpu.memory_space<hbm>> -> memref<1x80x128xi32, #tpu.memory_space<hbm>>
      %dma_wait3A_22 = tpu.memref_squeeze %dma_wait3A_21 : memref<1x80x128xi32, #tpu.memory_space<hbm>> -> memref<80x128xi32, #tpu.memory_space<hbm>>
      tpu.wait_dma2 semaphore(%run_scoped3A : memref<!tpu.dma_semaphore, #tpu.memory_space<semaphore_mem>>) src(%dma_wait3A_22 : memref<80x128xi32, #tpu.memory_space<hbm>>) dst(%arg6 : memref<80x128xi32, #tpu.memory_space<vmem>>)
      tpu.yield
    }) : () -> ()
    %barrier3A = arith.constant 0 : index
    tpu.barrier barrier_id(%barrier3A)
    %scan3A = arith.constant 0 : i32
    %scan3A_3 = arith.constant 0 : i32
    %scan3A_4 = arith.constant 80 : i32
    %scan3A_5 = arith.addi %scan3A_3, %scan3A_4 : i32
    %scan3A_6 = arith.constant 1 : i32
    scf.for %scan3A_9 = %scan3A_3 to %scan3A_5 step %scan3A_6  : i32 {
      "tpu.region"() ({
        %run_scoped3A = tpu.sem_alloc : memref<!tpu.dma_semaphore, #tpu.memory_space<semaphore_mem>>
        %dma_start3A = arith.constant 0 : i32
        %dma_start3A_10 = tpu.memref_slice %arg6[%scan3A_9, %dma_start3A] : memref<80x128xi32, #tpu.memory_space<vmem>> -> memref<1x128xi32, #tpu.memory_space<vmem>>
        %dma_start3A_11 = tpu.memref_squeeze %dma_start3A_10 : memref<1x128xi32, #tpu.memory_space<vmem>> -> memref<128xi32, #tpu.memory_space<vmem>>
        %dma_start3A_12 = arith.constant 0 : i32
        %dma_start3A_13 = arith.constant 0 : i32
        %dma_start3A_14 = tpu.memref_slice %arg8[%dma_start3A_12, %dma_start3A_13] : memref<10240x16xf32, #tpu.memory_space<vmem_shared>> -> memref<10240x16xf32, #tpu.memory_space<vmem_shared>>
        tpu.enqueue_indirect_dma source(%arg7 : memref<128x16xf32, #tpu.memory_space<vmem>>) target(%dma_start3A_14 : memref<10240x16xf32, #tpu.memory_space<vmem_shared>>) offsets(%dma_start3A_11 : memref<128xi32, #tpu.memory_space<vmem>>) semaphore(%run_scoped3A : memref<!tpu.dma_semaphore, #tpu.memory_space<semaphore_mem>>) {add = true}
        %dma_wait3A = arith.constant 0 : i32
        %dma_wait3A_15 = tpu.memref_slice %arg6[%scan3A_9, %dma_wait3A] : memref<80x128xi32, #tpu.memory_space<vmem>> -> memref<1x128xi32, #tpu.memory_space<vmem>>
        %dma_wait3A_16 = tpu.memref_squeeze %dma_wait3A_15 : memref<1x128xi32, #tpu.memory_space<vmem>> -> memref<128xi32, #tpu.memory_space<vmem>>
        %dma_wait3A_17 = arith.constant 0 : i32
        %dma_wait3A_18 = arith.constant 0 : i32
        %dma_wait3A_19 = tpu.memref_slice %arg8[%dma_wait3A_17, %dma_wait3A_18] : memref<10240x16xf32, #tpu.memory_space<vmem_shared>> -> memref<10240x16xf32, #tpu.memory_space<vmem_shared>>
        tpu.wait_indirect_dma semaphore(%run_scoped3A : memref<!tpu.dma_semaphore, #tpu.memory_space<semaphore_mem>>) src(%arg7 : memref<128x16xf32, #tpu.memory_space<vmem>>) dst(%dma_wait3A_19 : memref<10240x16xf32, #tpu.memory_space<vmem_shared>>)
        tpu.yield
      }) : () -> ()
    }
    %scan3A_7 = arith.constant 80 : i32
    %barrier3A_8 = arith.constant 0 : index
    tpu.barrier barrier_id(%barrier3A_8)
    "tpu.region"() ({
      %run_scoped3A = tpu.sem_alloc : memref<!tpu.dma_semaphore, #tpu.memory_space<semaphore_mem>>
      %dma_start3A = arith.constant 0 : i32
      %dma_start3A_9 = arith.constant 0 : i32
      %dma_start3A_10 = tpu.memref_slice %arg5[%arg0, %dma_start3A, %dma_start3A_9] : memref<2x10240x16xf32, #tpu.memory_space<hbm>> -> memref<1x10240x16xf32, #tpu.memory_space<hbm>>
      %dma_start3A_11 = tpu.memref_squeeze %dma_start3A_10 : memref<1x10240x16xf32, #tpu.memory_space<hbm>> -> memref<10240x16xf32, #tpu.memory_space<hbm>>
      %dma_start3A_12 = arith.constant 0 : i32
      %dma_start3A_13 = tpu.memref_slice %dma_start3A_11[%mul3A_2, %dma_start3A_12] : memref<10240x16xf32, #tpu.memory_space<hbm>> -> memref<640x16xf32, #tpu.memory_space<hbm>>
      %dma_start3A_14 = arith.constant 0 : i32
      %dma_start3A_15 = tpu.memref_slice %arg8[%mul3A_2, %dma_start3A_14] : memref<10240x16xf32, #tpu.memory_space<vmem_shared>> -> memref<640x16xf32, #tpu.memory_space<vmem_shared>>
      tpu.enqueue_dma source(%dma_start3A_15 : memref<640x16xf32, #tpu.memory_space<vmem_shared>>) target(%dma_start3A_13 : memref<640x16xf32, #tpu.memory_space<hbm>>) target_semaphore(%run_scoped3A : memref<!tpu.dma_semaphore, #tpu.memory_space<semaphore_mem>>)
      %dma_wait3A = arith.constant 0 : i32
      %dma_wait3A_16 = arith.constant 0 : i32
      %dma_wait3A_17 = tpu.memref_slice %arg5[%arg0, %dma_wait3A, %dma_wait3A_16] : memref<2x10240x16xf32, #tpu.memory_space<hbm>> -> memref<1x10240x16xf32, #tpu.memory_space<hbm>>
      %dma_wait3A_18 = tpu.memref_squeeze %dma_wait3A_17 : memref<1x10240x16xf32, #tpu.memory_space<hbm>> -> memref<10240x16xf32, #tpu.memory_space<hbm>>
      %dma_wait3A_19 = arith.constant 0 : i32
      %dma_wait3A_20 = tpu.memref_slice %dma_wait3A_18[%mul3A_2, %dma_wait3A_19] : memref<10240x16xf32, #tpu.memory_space<hbm>> -> memref<640x16xf32, #tpu.memory_space<hbm>>
      %dma_wait3A_21 = arith.constant 0 : i32
      %dma_wait3A_22 = tpu.memref_slice %arg8[%mul3A_2, %dma_wait3A_21] : memref<10240x16xf32, #tpu.memory_space<vmem_shared>> -> memref<640x16xf32, #tpu.memory_space<vmem_shared>>
      tpu.wait_dma2 semaphore(%run_scoped3A : memref<!tpu.dma_semaphore, #tpu.memory_space<semaphore_mem>>) src(%dma_wait3A_22 : memref<640x16xf32, #tpu.memory_space<vmem_shared>>) dst(%dma_wait3A_20 : memref<640x16xf32, #tpu.memory_space<hbm>>)
      tpu.yield
    }) : () -> ()
    return
  }
}

#map = affine_map<(d0, d1) -> (0, 0, 0)>
module attributes {stable_mosaic.version = 14 : i64} {
  func.func @_agg_body(%arg0: i32, %arg1: i32, %arg2: memref<2x10240x32xf32, #tpu.memory_space<hbm>>, %arg3: memref<16x320x64xi32, #tpu.memory_space<hbm>>, %arg4: memref<2x10240x32xf32, #tpu.memory_space<hbm>>, %arg5: memref<320x64xi32, #tpu.memory_space<vmem>>, %arg6: memref<4x64xi32, #tpu.memory_space<vmem>>, %arg7: memref<4x64xi32, #tpu.memory_space<vmem>>, %arg8: memref<64x32xf32, #tpu.memory_space<vmem>>, %arg9: memref<64x32xf32, #tpu.memory_space<vmem>>, %arg10: memref<64x32xf32, #tpu.memory_space<vmem>>, %arg11: memref<64x32xf32, #tpu.memory_space<vmem>>, %arg12: memref<!tpu.dma_semaphore, #tpu.memory_space<semaphore_mem>>, %arg13: memref<!tpu.dma_semaphore, #tpu.memory_space<semaphore_mem>>, %arg14: memref<!tpu.dma_semaphore, #tpu.memory_space<semaphore_mem>>, %arg15: memref<!tpu.dma_semaphore, #tpu.memory_space<semaphore_mem>>, %arg16: memref<10240x32xf32, #tpu.memory_space<vmem_shared>>, %arg17: memref<10240x32xf32, #tpu.memory_space<vmem_shared>>) attributes {dimension_semantics = [#tpu.dimension_semantics<core_parallel>, #tpu.dimension_semantics<subcore_parallel>], iteration_bounds = array<i64: 2, 16>, scalar_prefetch = 0 : i64, scratch_operands = 13 : i64, tpu.core_type = #tpu.core_type<sc_vector_subcore>, window_params = [{transform_indices = #map}, {transform_indices = #map}, {transform_indices = #map}]} {
    %mul3A = arith.constant 640 : i32
    %mul3A_0 = arith.muli %arg1, %mul3A : i32
    "tpu.region"() ({
      %run_scoped3A_428 = tpu.sem_alloc : memref<!tpu.dma_semaphore, #tpu.memory_space<semaphore_mem>>
      %dma_start3A_429 = arith.constant 0 : i32
      %dma_start3A_430 = tpu.memref_slice %arg16[%mul3A_0, %dma_start3A_429] : memref<10240x32xf32, #tpu.memory_space<vmem_shared>> -> memref<640x32xf32, #tpu.memory_space<vmem_shared>>
      %dma_start3A_431 = arith.constant 0 : i32
      %dma_start3A_432 = arith.constant 0 : i32
      %dma_start3A_433 = tpu.memref_slice %arg2[%arg0, %dma_start3A_431, %dma_start3A_432] : memref<2x10240x32xf32, #tpu.memory_space<hbm>> -> memref<1x10240x32xf32, #tpu.memory_space<hbm>>
      %dma_start3A_434 = tpu.memref_squeeze %dma_start3A_433 : memref<1x10240x32xf32, #tpu.memory_space<hbm>> -> memref<10240x32xf32, #tpu.memory_space<hbm>>
      %dma_start3A_435 = arith.constant 0 : i32
      %dma_start3A_436 = tpu.memref_slice %dma_start3A_434[%mul3A_0, %dma_start3A_435] : memref<10240x32xf32, #tpu.memory_space<hbm>> -> memref<640x32xf32, #tpu.memory_space<hbm>>
      tpu.enqueue_dma source(%dma_start3A_436 : memref<640x32xf32, #tpu.memory_space<hbm>>) target(%dma_start3A_430 : memref<640x32xf32, #tpu.memory_space<vmem_shared>>) target_semaphore(%run_scoped3A_428 : memref<!tpu.dma_semaphore, #tpu.memory_space<semaphore_mem>>)
      %dma_wait3A_437 = arith.constant 0 : i32
      %dma_wait3A_438 = tpu.memref_slice %arg16[%mul3A_0, %dma_wait3A_437] : memref<10240x32xf32, #tpu.memory_space<vmem_shared>> -> memref<640x32xf32, #tpu.memory_space<vmem_shared>>
      %dma_wait3A_439 = arith.constant 0 : i32
      %dma_wait3A_440 = arith.constant 0 : i32
      %dma_wait3A_441 = tpu.memref_slice %arg2[%arg0, %dma_wait3A_439, %dma_wait3A_440] : memref<2x10240x32xf32, #tpu.memory_space<hbm>> -> memref<1x10240x32xf32, #tpu.memory_space<hbm>>
      %dma_wait3A_442 = tpu.memref_squeeze %dma_wait3A_441 : memref<1x10240x32xf32, #tpu.memory_space<hbm>> -> memref<10240x32xf32, #tpu.memory_space<hbm>>
      %dma_wait3A_443 = arith.constant 0 : i32
      %dma_wait3A_444 = tpu.memref_slice %dma_wait3A_442[%mul3A_0, %dma_wait3A_443] : memref<10240x32xf32, #tpu.memory_space<hbm>> -> memref<640x32xf32, #tpu.memory_space<hbm>>
      tpu.wait_dma2 semaphore(%run_scoped3A_428 : memref<!tpu.dma_semaphore, #tpu.memory_space<semaphore_mem>>) src(%dma_wait3A_444 : memref<640x32xf32, #tpu.memory_space<hbm>>) dst(%dma_wait3A_438 : memref<640x32xf32, #tpu.memory_space<vmem_shared>>)
      tpu.yield
    }) : () -> ()
    "tpu.region"() ({
      %run_scoped3A_428 = tpu.sem_alloc : memref<!tpu.dma_semaphore, #tpu.memory_space<semaphore_mem>>
      %dma_start3A_429 = arith.constant 0 : i32
      %dma_start3A_430 = tpu.memref_slice %arg17[%mul3A_0, %dma_start3A_429] : memref<10240x32xf32, #tpu.memory_space<vmem_shared>> -> memref<640x32xf32, #tpu.memory_space<vmem_shared>>
      %dma_start3A_431 = arith.constant 0 : i32
      %dma_start3A_432 = arith.constant 0 : i32
      %dma_start3A_433 = tpu.memref_slice %arg2[%arg0, %dma_start3A_431, %dma_start3A_432] : memref<2x10240x32xf32, #tpu.memory_space<hbm>> -> memref<1x10240x32xf32, #tpu.memory_space<hbm>>
      %dma_start3A_434 = tpu.memref_squeeze %dma_start3A_433 : memref<1x10240x32xf32, #tpu.memory_space<hbm>> -> memref<10240x32xf32, #tpu.memory_space<hbm>>
      %dma_start3A_435 = arith.constant 0 : i32
      %dma_start3A_436 = tpu.memref_slice %dma_start3A_434[%mul3A_0, %dma_start3A_435] : memref<10240x32xf32, #tpu.memory_space<hbm>> -> memref<640x32xf32, #tpu.memory_space<hbm>>
      tpu.enqueue_dma source(%dma_start3A_436 : memref<640x32xf32, #tpu.memory_space<hbm>>) target(%dma_start3A_430 : memref<640x32xf32, #tpu.memory_space<vmem_shared>>) target_semaphore(%run_scoped3A_428 : memref<!tpu.dma_semaphore, #tpu.memory_space<semaphore_mem>>)
      %dma_wait3A_437 = arith.constant 0 : i32
      %dma_wait3A_438 = tpu.memref_slice %arg17[%mul3A_0, %dma_wait3A_437] : memref<10240x32xf32, #tpu.memory_space<vmem_shared>> -> memref<640x32xf32, #tpu.memory_space<vmem_shared>>
      %dma_wait3A_439 = arith.constant 0 : i32
      %dma_wait3A_440 = arith.constant 0 : i32
      %dma_wait3A_441 = tpu.memref_slice %arg2[%arg0, %dma_wait3A_439, %dma_wait3A_440] : memref<2x10240x32xf32, #tpu.memory_space<hbm>> -> memref<1x10240x32xf32, #tpu.memory_space<hbm>>
      %dma_wait3A_442 = tpu.memref_squeeze %dma_wait3A_441 : memref<1x10240x32xf32, #tpu.memory_space<hbm>> -> memref<10240x32xf32, #tpu.memory_space<hbm>>
      %dma_wait3A_443 = arith.constant 0 : i32
      %dma_wait3A_444 = tpu.memref_slice %dma_wait3A_442[%mul3A_0, %dma_wait3A_443] : memref<10240x32xf32, #tpu.memory_space<hbm>> -> memref<640x32xf32, #tpu.memory_space<hbm>>
      tpu.wait_dma2 semaphore(%run_scoped3A_428 : memref<!tpu.dma_semaphore, #tpu.memory_space<semaphore_mem>>) src(%dma_wait3A_444 : memref<640x32xf32, #tpu.memory_space<hbm>>) dst(%dma_wait3A_438 : memref<640x32xf32, #tpu.memory_space<vmem_shared>>)
      tpu.yield
    }) : () -> ()
    "tpu.region"() ({
      %run_scoped3A_428 = tpu.sem_alloc : memref<!tpu.dma_semaphore, #tpu.memory_space<semaphore_mem>>
      %dma_start3A_429 = arith.constant 0 : i32
      %dma_start3A_430 = arith.constant 0 : i32
      %dma_start3A_431 = tpu.memref_slice %arg3[%arg1, %dma_start3A_429, %dma_start3A_430] : memref<16x320x64xi32, #tpu.memory_space<hbm>> -> memref<1x320x64xi32, #tpu.memory_space<hbm>>
      %dma_start3A_432 = tpu.memref_squeeze %dma_start3A_431 : memref<1x320x64xi32, #tpu.memory_space<hbm>> -> memref<320x64xi32, #tpu.memory_space<hbm>>
      %dma_start3A_433 = arith.constant 0 : i32
      %dma_start3A_434 = arith.constant 0 : i32
      %dma_start3A_435 = tpu.memref_slice %arg3[%arg1, %dma_start3A_433, %dma_start3A_434] : memref<16x320x64xi32, #tpu.memory_space<hbm>> -> memref<1x320x64xi32, #tpu.memory_space<hbm>>
      %dma_start3A_436 = tpu.memref_squeeze %dma_start3A_435 : memref<1x320x64xi32, #tpu.memory_space<hbm>> -> memref<320x64xi32, #tpu.memory_space<hbm>>
      tpu.enqueue_dma source(%dma_start3A_436 : memref<320x64xi32, #tpu.memory_space<hbm>>) target(%arg5 : memref<320x64xi32, #tpu.memory_space<vmem>>) target_semaphore(%run_scoped3A_428 : memref<!tpu.dma_semaphore, #tpu.memory_space<semaphore_mem>>)
      %dma_wait3A_437 = arith.constant 0 : i32
      %dma_wait3A_438 = arith.constant 0 : i32
      %dma_wait3A_439 = tpu.memref_slice %arg3[%arg1, %dma_wait3A_437, %dma_wait3A_438] : memref<16x320x64xi32, #tpu.memory_space<hbm>> -> memref<1x320x64xi32, #tpu.memory_space<hbm>>
      %dma_wait3A_440 = tpu.memref_squeeze %dma_wait3A_439 : memref<1x320x64xi32, #tpu.memory_space<hbm>> -> memref<320x64xi32, #tpu.memory_space<hbm>>
      %dma_wait3A_441 = arith.constant 0 : i32
      %dma_wait3A_442 = arith.constant 0 : i32
      %dma_wait3A_443 = tpu.memref_slice %arg3[%arg1, %dma_wait3A_441, %dma_wait3A_442] : memref<16x320x64xi32, #tpu.memory_space<hbm>> -> memref<1x320x64xi32, #tpu.memory_space<hbm>>
      %dma_wait3A_444 = tpu.memref_squeeze %dma_wait3A_443 : memref<1x320x64xi32, #tpu.memory_space<hbm>> -> memref<320x64xi32, #tpu.memory_space<hbm>>
      tpu.wait_dma2 semaphore(%run_scoped3A_428 : memref<!tpu.dma_semaphore, #tpu.memory_space<semaphore_mem>>) src(%dma_wait3A_444 : memref<320x64xi32, #tpu.memory_space<hbm>>) dst(%arg5 : memref<320x64xi32, #tpu.memory_space<vmem>>)
      tpu.yield
    }) : () -> ()
    %barrier3A = arith.constant 0 : index
    tpu.barrier barrier_id(%barrier3A)
    %get3A = arith.constant 0 : i32
    %get3A_1 = arith.index_cast %get3A : i32 to index
    %get3A_2 = arith.constant 0 : index
    %get3A_3 = tpu.vector_load %arg5[%get3A_1, %get3A_2] {strides = array<i32>} : memref<320x64xi32, #tpu.memory_space<vmem>>, vector<1x16xi32>,
    %get3A_4 = vector.shape_cast %get3A_3 : vector<1x16xi32> to vector<16xi32>
    %shift_right_arithmetic3A = arith.constant 14 : i32
    %shift_right_arithmetic3A_5 = vector.broadcast %shift_right_arithmetic3A : i32 to vector<16xi32>
    %shift_right_arithmetic3A_6 = arith.shrsi %get3A_4, %shift_right_arithmetic3A_5 : vector<16xi32>
    %swap3A = arith.constant 0 : i32
    %swap3A_7 = arith.index_cast %swap3A : i32 to index
    %swap3A_8 = arith.constant 0 : index
    %swap3A_9 = tpu.vector_load %arg6[%swap3A_7, %swap3A_8] {strides = array<i32>} : memref<4x64xi32, #tpu.memory_space<vmem>>, vector<1x16xi32>,
    %swap3A_10 = vector.shape_cast %swap3A_9 : vector<1x16xi32> to vector<16xi32>
    %swap3A_11 = vector.shape_cast %shift_right_arithmetic3A_6 : vector<16xi32> to vector<1x16xi32>
    tpu.vector_store %arg6[%swap3A_7, %swap3A_8], %swap3A_11 {strides = array<i32>} : memref<4x64xi32, #tpu.memory_space<vmem>>, vector<1x16xi32>,
    %and3A = arith.constant 16383 : i32
    %and3A_12 = vector.broadcast %and3A : i32 to vector<16xi32>
    %and3A_13 = arith.andi %get3A_4, %and3A_12 : vector<16xi32>
    %swap3A_14 = arith.constant 0 : i32
    %swap3A_15 = arith.index_cast %swap3A_14 : i32 to index
    %swap3A_16 = arith.constant 0 : index
    %swap3A_17 = tpu.vector_load %arg7[%swap3A_15, %swap3A_16] {strides = array<i32>} : memref<4x64xi32, #tpu.memory_space<vmem>>, vector<1x16xi32>,
    %swap3A_18 = vector.shape_cast %swap3A_17 : vector<1x16xi32> to vector<16xi32>
    %swap3A_19 = vector.shape_cast %and3A_13 : vector<16xi32> to vector<1x16xi32>
    tpu.vector_store %arg7[%swap3A_15, %swap3A_16], %swap3A_19 {strides = array<i32>} : memref<4x64xi32, #tpu.memory_space<vmem>>, vector<1x16xi32>,
    %get3A_20 = arith.constant 0 : i32
    %get3A_21 = arith.index_cast %get3A_20 : i32 to index
    %get3A_22 = arith.constant 16 : index
    %get3A_23 = tpu.vector_load %arg5[%get3A_21, %get3A_22] {strides = array<i32>} : memref<320x64xi32, #tpu.memory_space<vmem>>, vector<1x16xi32>,
    %get3A_24 = vector.shape_cast %get3A_23 : vector<1x16xi32> to vector<16xi32>
    %shift_right_arithmetic3A_25 = arith.constant 14 : i32
    %shift_right_arithmetic3A_26 = vector.broadcast %shift_right_arithmetic3A_25 : i32 to vector<16xi32>
    %shift_right_arithmetic3A_27 = arith.shrsi %get3A_24, %shift_right_arithmetic3A_26 : vector<16xi32>
    %swap3A_28 = arith.constant 0 : i32
    %swap3A_29 = arith.index_cast %swap3A_28 : i32 to index
    %swap3A_30 = arith.constant 16 : index
    %swap3A_31 = tpu.vector_load %arg6[%swap3A_29, %swap3A_30] {strides = array<i32>} : memref<4x64xi32, #tpu.memory_space<vmem>>, vector<1x16xi32>,
    %swap3A_32 = vector.shape_cast %swap3A_31 : vector<1x16xi32> to vector<16xi32>
    %swap3A_33 = vector.shape_cast %shift_right_arithmetic3A_27 : vector<16xi32> to vector<1x16xi32>
    tpu.vector_store %arg6[%swap3A_29, %swap3A_30], %swap3A_33 {strides = array<i32>} : memref<4x64xi32, #tpu.memory_space<vmem>>, vector<1x16xi32>,
    %and3A_34 = arith.constant 16383 : i32
    %and3A_35 = vector.broadcast %and3A_34 : i32 to vector<16xi32>
    %and3A_36 = arith.andi %get3A_24, %and3A_35 : vector<16xi32>
    %swap3A_37 = arith.constant 0 : i32
    %swap3A_38 = arith.index_cast %swap3A_37 : i32 to index
    %swap3A_39 = arith.constant 16 : index
    %swap3A_40 = tpu.vector_load %arg7[%swap3A_38, %swap3A_39] {strides = array<i32>} : memref<4x64xi32, #tpu.memory_space<vmem>>, vector<1x16xi32>,
    %swap3A_41 = vector.shape_cast %swap3A_40 : vector<1x16xi32> to vector<16xi32>
    %swap3A_42 = vector.shape_cast %and3A_36 : vector<16xi32> to vector<1x16xi32>
    tpu.vector_store %arg7[%swap3A_38, %swap3A_39], %swap3A_42 {strides = array<i32>} : memref<4x64xi32, #tpu.memory_space<vmem>>, vector<1x16xi32>,
    %get3A_43 = arith.constant 0 : i32
    %get3A_44 = arith.index_cast %get3A_43 : i32 to index
    %get3A_45 = arith.constant 32 : index
    %get3A_46 = tpu.vector_load %arg5[%get3A_44, %get3A_45] {strides = array<i32>} : memref<320x64xi32, #tpu.memory_space<vmem>>, vector<1x16xi32>,
    %get3A_47 = vector.shape_cast %get3A_46 : vector<1x16xi32> to vector<16xi32>
    %shift_right_arithmetic3A_48 = arith.constant 14 : i32
    %shift_right_arithmetic3A_49 = vector.broadcast %shift_right_arithmetic3A_48 : i32 to vector<16xi32>
    %shift_right_arithmetic3A_50 = arith.shrsi %get3A_47, %shift_right_arithmetic3A_49 : vector<16xi32>
    %swap3A_51 = arith.constant 0 : i32
    %swap3A_52 = arith.index_cast %swap3A_51 : i32 to index
    %swap3A_53 = arith.constant 32 : index
    %swap3A_54 = tpu.vector_load %arg6[%swap3A_52, %swap3A_53] {strides = array<i32>} : memref<4x64xi32, #tpu.memory_space<vmem>>, vector<1x16xi32>,
    %swap3A_55 = vector.shape_cast %swap3A_54 : vector<1x16xi32> to vector<16xi32>
    %swap3A_56 = vector.shape_cast %shift_right_arithmetic3A_50 : vector<16xi32> to vector<1x16xi32>
    tpu.vector_store %arg6[%swap3A_52, %swap3A_53], %swap3A_56 {strides = array<i32>} : memref<4x64xi32, #tpu.memory_space<vmem>>, vector<1x16xi32>,
    %and3A_57 = arith.constant 16383 : i32
    %and3A_58 = vector.broadcast %and3A_57 : i32 to vector<16xi32>
    %and3A_59 = arith.andi %get3A_47, %and3A_58 : vector<16xi32>
    %swap3A_60 = arith.constant 0 : i32
    %swap3A_61 = arith.index_cast %swap3A_60 : i32 to index
    %swap3A_62 = arith.constant 32 : index
    %swap3A_63 = tpu.vector_load %arg7[%swap3A_61, %swap3A_62] {strides = array<i32>} : memref<4x64xi32, #tpu.memory_space<vmem>>, vector<1x16xi32>,
    %swap3A_64 = vector.shape_cast %swap3A_63 : vector<1x16xi32> to vector<16xi32>
    %swap3A_65 = vector.shape_cast %and3A_59 : vector<16xi32> to vector<1x16xi32>
    tpu.vector_store %arg7[%swap3A_61, %swap3A_62], %swap3A_65 {strides = array<i32>} : memref<4x64xi32, #tpu.memory_space<vmem>>, vector<1x16xi32>,
    %get3A_66 = arith.constant 0 : i32
    %get3A_67 = arith.index_cast %get3A_66 : i32 to index
    %get3A_68 = arith.constant 48 : index
    %get3A_69 = tpu.vector_load %arg5[%get3A_67, %get3A_68] {strides = array<i32>} : memref<320x64xi32, #tpu.memory_space<vmem>>, vector<1x16xi32>,
    %get3A_70 = vector.shape_cast %get3A_69 : vector<1x16xi32> to vector<16xi32>
    %shift_right_arithmetic3A_71 = arith.constant 14 : i32
    %shift_right_arithmetic3A_72 = vector.broadcast %shift_right_arithmetic3A_71 : i32 to vector<16xi32>
    %shift_right_arithmetic3A_73 = arith.shrsi %get3A_70, %shift_right_arithmetic3A_72 : vector<16xi32>
    %swap3A_74 = arith.constant 0 : i32
    %swap3A_75 = arith.index_cast %swap3A_74 : i32 to index
    %swap3A_76 = arith.constant 48 : index
    %swap3A_77 = tpu.vector_load %arg6[%swap3A_75, %swap3A_76] {strides = array<i32>} : memref<4x64xi32, #tpu.memory_space<vmem>>, vector<1x16xi32>,
    %swap3A_78 = vector.shape_cast %swap3A_77 : vector<1x16xi32> to vector<16xi32>
    %swap3A_79 = vector.shape_cast %shift_right_arithmetic3A_73 : vector<16xi32> to vector<1x16xi32>
    tpu.vector_store %arg6[%swap3A_75, %swap3A_76], %swap3A_79 {strides = array<i32>} : memref<4x64xi32, #tpu.memory_space<vmem>>, vector<1x16xi32>,
    %and3A_80 = arith.constant 16383 : i32
    %and3A_81 = vector.broadcast %and3A_80 : i32 to vector<16xi32>
    %and3A_82 = arith.andi %get3A_70, %and3A_81 : vector<16xi32>
    %swap3A_83 = arith.constant 0 : i32
    %swap3A_84 = arith.index_cast %swap3A_83 : i32 to index
    %swap3A_85 = arith.constant 48 : index
    %swap3A_86 = tpu.vector_load %arg7[%swap3A_84, %swap3A_85] {strides = array<i32>} : memref<4x64xi32, #tpu.memory_space<vmem>>, vector<1x16xi32>,
    %swap3A_87 = vector.shape_cast %swap3A_86 : vector<1x16xi32> to vector<16xi32>
    %swap3A_88 = vector.shape_cast %and3A_82 : vector<16xi32> to vector<1x16xi32>
    tpu.vector_store %arg7[%swap3A_84, %swap3A_85], %swap3A_88 {strides = array<i32>} : memref<4x64xi32, #tpu.memory_space<vmem>>, vector<1x16xi32>,
    %dma_start3A = arith.constant 0 : i32
    %dma_start3A_89 = arith.constant 0 : i32
    %dma_start3A_90 = tpu.memref_slice %arg6[%dma_start3A, %dma_start3A_89] : memref<4x64xi32, #tpu.memory_space<vmem>> -> memref<1x64xi32, #tpu.memory_space<vmem>>
    %dma_start3A_91 = tpu.memref_squeeze %dma_start3A_90 : memref<1x64xi32, #tpu.memory_space<vmem>> -> memref<64xi32, #tpu.memory_space<vmem>>
    %dma_start3A_92 = arith.constant 0 : i32
    %dma_start3A_93 = arith.constant 0 : i32
    %dma_start3A_94 = tpu.memref_slice %arg16[%dma_start3A_92, %dma_start3A_93] : memref<10240x32xf32, #tpu.memory_space<vmem_shared>> -> memref<10240x32xf32, #tpu.memory_space<vmem_shared>>
    tpu.enqueue_indirect_dma source(%dma_start3A_94 : memref<10240x32xf32, #tpu.memory_space<vmem_shared>>) target(%arg8 : memref<64x32xf32, #tpu.memory_space<vmem>>) offsets(%dma_start3A_91 : memref<64xi32, #tpu.memory_space<vmem>>) semaphore(%arg12 : memref<!tpu.dma_semaphore, #tpu.memory_space<semaphore_mem>>)
    %get3A_95 = arith.constant 1 : i32
    %get3A_96 = arith.index_cast %get3A_95 : i32 to index
    %get3A_97 = arith.constant 0 : index
    %get3A_98 = tpu.vector_load %arg5[%get3A_96, %get3A_97] {strides = array<i32>} : memref<320x64xi32, #tpu.memory_space<vmem>>, vector<1x16xi32>,
    %get3A_99 = vector.shape_cast %get3A_98 : vector<1x16xi32> to vector<16xi32>
    %shift_right_arithmetic3A_100 = arith.constant 14 : i32
    %shift_right_arithmetic3A_101 = vector.broadcast %shift_right_arithmetic3A_100 : i32 to vector<16xi32>
    %shift_right_arithmetic3A_102 = arith.shrsi %get3A_99, %shift_right_arithmetic3A_101 : vector<16xi32>
    %swap3A_103 = arith.constant 1 : i32
    %swap3A_104 = arith.index_cast %swap3A_103 : i32 to index
    %swap3A_105 = arith.constant 0 : index
    %swap3A_106 = tpu.vector_load %arg6[%swap3A_104, %swap3A_105] {strides = array<i32>} : memref<4x64xi32, #tpu.memory_space<vmem>>, vector<1x16xi32>,
    %swap3A_107 = vector.shape_cast %swap3A_106 : vector<1x16xi32> to vector<16xi32>
    %swap3A_108 = vector.shape_cast %shift_right_arithmetic3A_102 : vector<16xi32> to vector<1x16xi32>
    tpu.vector_store %arg6[%swap3A_104, %swap3A_105], %swap3A_108 {strides = array<i32>} : memref<4x64xi32, #tpu.memory_space<vmem>>, vector<1x16xi32>,
    %and3A_109 = arith.constant 16383 : i32
    %and3A_110 = vector.broadcast %and3A_109 : i32 to vector<16xi32>
    %and3A_111 = arith.andi %get3A_99, %and3A_110 : vector<16xi32>
    %swap3A_112 = arith.constant 1 : i32
    %swap3A_113 = arith.index_cast %swap3A_112 : i32 to index
    %swap3A_114 = arith.constant 0 : index
    %swap3A_115 = tpu.vector_load %arg7[%swap3A_113, %swap3A_114] {strides = array<i32>} : memref<4x64xi32, #tpu.memory_space<vmem>>, vector<1x16xi32>,
    %swap3A_116 = vector.shape_cast %swap3A_115 : vector<1x16xi32> to vector<16xi32>
    %swap3A_117 = vector.shape_cast %and3A_111 : vector<16xi32> to vector<1x16xi32>
    tpu.vector_store %arg7[%swap3A_113, %swap3A_114], %swap3A_117 {strides = array<i32>} : memref<4x64xi32, #tpu.memory_space<vmem>>, vector<1x16xi32>,
    %get3A_118 = arith.constant 1 : i32
    %get3A_119 = arith.index_cast %get3A_118 : i32 to index
    %get3A_120 = arith.constant 16 : index
    %get3A_121 = tpu.vector_load %arg5[%get3A_119, %get3A_120] {strides = array<i32>} : memref<320x64xi32, #tpu.memory_space<vmem>>, vector<1x16xi32>,
    %get3A_122 = vector.shape_cast %get3A_121 : vector<1x16xi32> to vector<16xi32>
    %shift_right_arithmetic3A_123 = arith.constant 14 : i32
    %shift_right_arithmetic3A_124 = vector.broadcast %shift_right_arithmetic3A_123 : i32 to vector<16xi32>
    %shift_right_arithmetic3A_125 = arith.shrsi %get3A_122, %shift_right_arithmetic3A_124 : vector<16xi32>
    %swap3A_126 = arith.constant 1 : i32
    %swap3A_127 = arith.index_cast %swap3A_126 : i32 to index
    %swap3A_128 = arith.constant 16 : index
    %swap3A_129 = tpu.vector_load %arg6[%swap3A_127, %swap3A_128] {strides = array<i32>} : memref<4x64xi32, #tpu.memory_space<vmem>>, vector<1x16xi32>,
    %swap3A_130 = vector.shape_cast %swap3A_129 : vector<1x16xi32> to vector<16xi32>
    %swap3A_131 = vector.shape_cast %shift_right_arithmetic3A_125 : vector<16xi32> to vector<1x16xi32>
    tpu.vector_store %arg6[%swap3A_127, %swap3A_128], %swap3A_131 {strides = array<i32>} : memref<4x64xi32, #tpu.memory_space<vmem>>, vector<1x16xi32>,
    %and3A_132 = arith.constant 16383 : i32
    %and3A_133 = vector.broadcast %and3A_132 : i32 to vector<16xi32>
    %and3A_134 = arith.andi %get3A_122, %and3A_133 : vector<16xi32>
    %swap3A_135 = arith.constant 1 : i32
    %swap3A_136 = arith.index_cast %swap3A_135 : i32 to index
    %swap3A_137 = arith.constant 16 : index
    %swap3A_138 = tpu.vector_load %arg7[%swap3A_136, %swap3A_137] {strides = array<i32>} : memref<4x64xi32, #tpu.memory_space<vmem>>, vector<1x16xi32>,
    %swap3A_139 = vector.shape_cast %swap3A_138 : vector<1x16xi32> to vector<16xi32>
    %swap3A_140 = vector.shape_cast %and3A_134 : vector<16xi32> to vector<1x16xi32>
    tpu.vector_store %arg7[%swap3A_136, %swap3A_137], %swap3A_140 {strides = array<i32>} : memref<4x64xi32, #tpu.memory_space<vmem>>, vector<1x16xi32>,
    %get3A_141 = arith.constant 1 : i32
    %get3A_142 = arith.index_cast %get3A_141 : i32 to index
    %get3A_143 = arith.constant 32 : index
    %get3A_144 = tpu.vector_load %arg5[%get3A_142, %get3A_143] {strides = array<i32>} : memref<320x64xi32, #tpu.memory_space<vmem>>, vector<1x16xi32>,
    %get3A_145 = vector.shape_cast %get3A_144 : vector<1x16xi32> to vector<16xi32>
    %shift_right_arithmetic3A_146 = arith.constant 14 : i32
    %shift_right_arithmetic3A_147 = vector.broadcast %shift_right_arithmetic3A_146 : i32 to vector<16xi32>
    %shift_right_arithmetic3A_148 = arith.shrsi %get3A_145, %shift_right_arithmetic3A_147 : vector<16xi32>
    %swap3A_149 = arith.constant 1 : i32
    %swap3A_150 = arith.index_cast %swap3A_149 : i32 to index
    %swap3A_151 = arith.constant 32 : index
    %swap3A_152 = tpu.vector_load %arg6[%swap3A_150, %swap3A_151] {strides = array<i32>} : memref<4x64xi32, #tpu.memory_space<vmem>>, vector<1x16xi32>,
    %swap3A_153 = vector.shape_cast %swap3A_152 : vector<1x16xi32> to vector<16xi32>
    %swap3A_154 = vector.shape_cast %shift_right_arithmetic3A_148 : vector<16xi32> to vector<1x16xi32>
    tpu.vector_store %arg6[%swap3A_150, %swap3A_151], %swap3A_154 {strides = array<i32>} : memref<4x64xi32, #tpu.memory_space<vmem>>, vector<1x16xi32>,
    %and3A_155 = arith.constant 16383 : i32
    %and3A_156 = vector.broadcast %and3A_155 : i32 to vector<16xi32>
    %and3A_157 = arith.andi %get3A_145, %and3A_156 : vector<16xi32>
    %swap3A_158 = arith.constant 1 : i32
    %swap3A_159 = arith.index_cast %swap3A_158 : i32 to index
    %swap3A_160 = arith.constant 32 : index
    %swap3A_161 = tpu.vector_load %arg7[%swap3A_159, %swap3A_160] {strides = array<i32>} : memref<4x64xi32, #tpu.memory_space<vmem>>, vector<1x16xi32>,
    %swap3A_162 = vector.shape_cast %swap3A_161 : vector<1x16xi32> to vector<16xi32>
    %swap3A_163 = vector.shape_cast %and3A_157 : vector<16xi32> to vector<1x16xi32>
    tpu.vector_store %arg7[%swap3A_159, %swap3A_160], %swap3A_163 {strides = array<i32>} : memref<4x64xi32, #tpu.memory_space<vmem>>, vector<1x16xi32>,
    %get3A_164 = arith.constant 1 : i32
    %get3A_165 = arith.index_cast %get3A_164 : i32 to index
    %get3A_166 = arith.constant 48 : index
    %get3A_167 = tpu.vector_load %arg5[%get3A_165, %get3A_166] {strides = array<i32>} : memref<320x64xi32, #tpu.memory_space<vmem>>, vector<1x16xi32>,
    %get3A_168 = vector.shape_cast %get3A_167 : vector<1x16xi32> to vector<16xi32>
    %shift_right_arithmetic3A_169 = arith.constant 14 : i32
    %shift_right_arithmetic3A_170 = vector.broadcast %shift_right_arithmetic3A_169 : i32 to vector<16xi32>
    %shift_right_arithmetic3A_171 = arith.shrsi %get3A_168, %shift_right_arithmetic3A_170 : vector<16xi32>
    %swap3A_172 = arith.constant 1 : i32
    %swap3A_173 = arith.index_cast %swap3A_172 : i32 to index
    %swap3A_174 = arith.constant 48 : index
    %swap3A_175 = tpu.vector_load %arg6[%swap3A_173, %swap3A_174] {strides = array<i32>} : memref<4x64xi32, #tpu.memory_space<vmem>>, vector<1x16xi32>,
    %swap3A_176 = vector.shape_cast %swap3A_175 : vector<1x16xi32> to vector<16xi32>
    %swap3A_177 = vector.shape_cast %shift_right_arithmetic3A_171 : vector<16xi32> to vector<1x16xi32>
    tpu.vector_store %arg6[%swap3A_173, %swap3A_174], %swap3A_177 {strides = array<i32>} : memref<4x64xi32, #tpu.memory_space<vmem>>, vector<1x16xi32>,
    %and3A_178 = arith.constant 16383 : i32
    %and3A_179 = vector.broadcast %and3A_178 : i32 to vector<16xi32>
    %and3A_180 = arith.andi %get3A_168, %and3A_179 : vector<16xi32>
    %swap3A_181 = arith.constant 1 : i32
    %swap3A_182 = arith.index_cast %swap3A_181 : i32 to index
    %swap3A_183 = arith.constant 48 : index
    %swap3A_184 = tpu.vector_load %arg7[%swap3A_182, %swap3A_183] {strides = array<i32>} : memref<4x64xi32, #tpu.memory_space<vmem>>, vector<1x16xi32>,
    %swap3A_185 = vector.shape_cast %swap3A_184 : vector<1x16xi32> to vector<16xi32>
    %swap3A_186 = vector.shape_cast %and3A_180 : vector<16xi32> to vector<1x16xi32>
    tpu.vector_store %arg7[%swap3A_182, %swap3A_183], %swap3A_186 {strides = array<i32>} : memref<4x64xi32, #tpu.memory_space<vmem>>, vector<1x16xi32>,
    %dma_start3A_187 = arith.constant 1 : i32
    %dma_start3A_188 = arith.constant 0 : i32
    %dma_start3A_189 = tpu.memref_slice %arg6[%dma_start3A_187, %dma_start3A_188] : memref<4x64xi32, #tpu.memory_space<vmem>> -> memref<1x64xi32, #tpu.memory_space<vmem>>
    %dma_start3A_190 = tpu.memref_squeeze %dma_start3A_189 : memref<1x64xi32, #tpu.memory_space<vmem>> -> memref<64xi32, #tpu.memory_space<vmem>>
    %dma_start3A_191 = arith.constant 0 : i32
    %dma_start3A_192 = arith.constant 0 : i32
    %dma_start3A_193 = tpu.memref_slice %arg16[%dma_start3A_191, %dma_start3A_192] : memref<10240x32xf32, #tpu.memory_space<vmem_shared>> -> memref<10240x32xf32, #tpu.memory_space<vmem_shared>>
    tpu.enqueue_indirect_dma source(%dma_start3A_193 : memref<10240x32xf32, #tpu.memory_space<vmem_shared>>) target(%arg9 : memref<64x32xf32, #tpu.memory_space<vmem>>) offsets(%dma_start3A_190 : memref<64xi32, #tpu.memory_space<vmem>>) semaphore(%arg13 : memref<!tpu.dma_semaphore, #tpu.memory_space<semaphore_mem>>)
    %get3A_194 = arith.constant 2 : i32
    %get3A_195 = arith.index_cast %get3A_194 : i32 to index
    %get3A_196 = arith.constant 0 : index
    %get3A_197 = tpu.vector_load %arg5[%get3A_195, %get3A_196] {strides = array<i32>} : memref<320x64xi32, #tpu.memory_space<vmem>>, vector<1x16xi32>,
    %get3A_198 = vector.shape_cast %get3A_197 : vector<1x16xi32> to vector<16xi32>
    %shift_right_arithmetic3A_199 = arith.constant 14 : i32
    %shift_right_arithmetic3A_200 = vector.broadcast %shift_right_arithmetic3A_199 : i32 to vector<16xi32>
    %shift_right_arithmetic3A_201 = arith.shrsi %get3A_198, %shift_right_arithmetic3A_200 : vector<16xi32>
    %swap3A_202 = arith.constant 2 : i32
    %swap3A_203 = arith.index_cast %swap3A_202 : i32 to index
    %swap3A_204 = arith.constant 0 : index
    %swap3A_205 = tpu.vector_load %arg6[%swap3A_203, %swap3A_204] {strides = array<i32>} : memref<4x64xi32, #tpu.memory_space<vmem>>, vector<1x16xi32>,
    %swap3A_206 = vector.shape_cast %swap3A_205 : vector<1x16xi32> to vector<16xi32>
    %swap3A_207 = vector.shape_cast %shift_right_arithmetic3A_201 : vector<16xi32> to vector<1x16xi32>
    tpu.vector_store %arg6[%swap3A_203, %swap3A_204], %swap3A_207 {strides = array<i32>} : memref<4x64xi32, #tpu.memory_space<vmem>>, vector<1x16xi32>,
    %and3A_208 = arith.constant 16383 : i32
    %and3A_209 = vector.broadcast %and3A_208 : i32 to vector<16xi32>
    %and3A_210 = arith.andi %get3A_198, %and3A_209 : vector<16xi32>
    %swap3A_211 = arith.constant 2 : i32
    %swap3A_212 = arith.index_cast %swap3A_211 : i32 to index
    %swap3A_213 = arith.constant 0 : index
    %swap3A_214 = tpu.vector_load %arg7[%swap3A_212, %swap3A_213] {strides = array<i32>} : memref<4x64xi32, #tpu.memory_space<vmem>>, vector<1x16xi32>,
    %swap3A_215 = vector.shape_cast %swap3A_214 : vector<1x16xi32> to vector<16xi32>
    %swap3A_216 = vector.shape_cast %and3A_210 : vector<16xi32> to vector<1x16xi32>
    tpu.vector_store %arg7[%swap3A_212, %swap3A_213], %swap3A_216 {strides = array<i32>} : memref<4x64xi32, #tpu.memory_space<vmem>>, vector<1x16xi32>,
    %get3A_217 = arith.constant 2 : i32
    %get3A_218 = arith.index_cast %get3A_217 : i32 to index
    %get3A_219 = arith.constant 16 : index
    %get3A_220 = tpu.vector_load %arg5[%get3A_218, %get3A_219] {strides = array<i32>} : memref<320x64xi32, #tpu.memory_space<vmem>>, vector<1x16xi32>,
    %get3A_221 = vector.shape_cast %get3A_220 : vector<1x16xi32> to vector<16xi32>
    %shift_right_arithmetic3A_222 = arith.constant 14 : i32
    %shift_right_arithmetic3A_223 = vector.broadcast %shift_right_arithmetic3A_222 : i32 to vector<16xi32>
    %shift_right_arithmetic3A_224 = arith.shrsi %get3A_221, %shift_right_arithmetic3A_223 : vector<16xi32>
    %swap3A_225 = arith.constant 2 : i32
    %swap3A_226 = arith.index_cast %swap3A_225 : i32 to index
    %swap3A_227 = arith.constant 16 : index
    %swap3A_228 = tpu.vector_load %arg6[%swap3A_226, %swap3A_227] {strides = array<i32>} : memref<4x64xi32, #tpu.memory_space<vmem>>, vector<1x16xi32>,
    %swap3A_229 = vector.shape_cast %swap3A_228 : vector<1x16xi32> to vector<16xi32>
    %swap3A_230 = vector.shape_cast %shift_right_arithmetic3A_224 : vector<16xi32> to vector<1x16xi32>
    tpu.vector_store %arg6[%swap3A_226, %swap3A_227], %swap3A_230 {strides = array<i32>} : memref<4x64xi32, #tpu.memory_space<vmem>>, vector<1x16xi32>,
    %and3A_231 = arith.constant 16383 : i32
    %and3A_232 = vector.broadcast %and3A_231 : i32 to vector<16xi32>
    %and3A_233 = arith.andi %get3A_221, %and3A_232 : vector<16xi32>
    %swap3A_234 = arith.constant 2 : i32
    %swap3A_235 = arith.index_cast %swap3A_234 : i32 to index
    %swap3A_236 = arith.constant 16 : index
    %swap3A_237 = tpu.vector_load %arg7[%swap3A_235, %swap3A_236] {strides = array<i32>} : memref<4x64xi32, #tpu.memory_space<vmem>>, vector<1x16xi32>,
    %swap3A_238 = vector.shape_cast %swap3A_237 : vector<1x16xi32> to vector<16xi32>
    %swap3A_239 = vector.shape_cast %and3A_233 : vector<16xi32> to vector<1x16xi32>
    tpu.vector_store %arg7[%swap3A_235, %swap3A_236], %swap3A_239 {strides = array<i32>} : memref<4x64xi32, #tpu.memory_space<vmem>>, vector<1x16xi32>,
    %get3A_240 = arith.constant 2 : i32
    %get3A_241 = arith.index_cast %get3A_240 : i32 to index
    %get3A_242 = arith.constant 32 : index
    %get3A_243 = tpu.vector_load %arg5[%get3A_241, %get3A_242] {strides = array<i32>} : memref<320x64xi32, #tpu.memory_space<vmem>>, vector<1x16xi32>,
    %get3A_244 = vector.shape_cast %get3A_243 : vector<1x16xi32> to vector<16xi32>
    %shift_right_arithmetic3A_245 = arith.constant 14 : i32
    %shift_right_arithmetic3A_246 = vector.broadcast %shift_right_arithmetic3A_245 : i32 to vector<16xi32>
    %shift_right_arithmetic3A_247 = arith.shrsi %get3A_244, %shift_right_arithmetic3A_246 : vector<16xi32>
    %swap3A_248 = arith.constant 2 : i32
    %swap3A_249 = arith.index_cast %swap3A_248 : i32 to index
    %swap3A_250 = arith.constant 32 : index
    %swap3A_251 = tpu.vector_load %arg6[%swap3A_249, %swap3A_250] {strides = array<i32>} : memref<4x64xi32, #tpu.memory_space<vmem>>, vector<1x16xi32>,
    %swap3A_252 = vector.shape_cast %swap3A_251 : vector<1x16xi32> to vector<16xi32>
    %swap3A_253 = vector.shape_cast %shift_right_arithmetic3A_247 : vector<16xi32> to vector<1x16xi32>
    tpu.vector_store %arg6[%swap3A_249, %swap3A_250], %swap3A_253 {strides = array<i32>} : memref<4x64xi32, #tpu.memory_space<vmem>>, vector<1x16xi32>,
    %and3A_254 = arith.constant 16383 : i32
    %and3A_255 = vector.broadcast %and3A_254 : i32 to vector<16xi32>
    %and3A_256 = arith.andi %get3A_244, %and3A_255 : vector<16xi32>
    %swap3A_257 = arith.constant 2 : i32
    %swap3A_258 = arith.index_cast %swap3A_257 : i32 to index
    %swap3A_259 = arith.constant 32 : index
    %swap3A_260 = tpu.vector_load %arg7[%swap3A_258, %swap3A_259] {strides = array<i32>} : memref<4x64xi32, #tpu.memory_space<vmem>>, vector<1x16xi32>,
    %swap3A_261 = vector.shape_cast %swap3A_260 : vector<1x16xi32> to vector<16xi32>
    %swap3A_262 = vector.shape_cast %and3A_256 : vector<16xi32> to vector<1x16xi32>
    tpu.vector_store %arg7[%swap3A_258, %swap3A_259], %swap3A_262 {strides = array<i32>} : memref<4x64xi32, #tpu.memory_space<vmem>>, vector<1x16xi32>,
    %get3A_263 = arith.constant 2 : i32
    %get3A_264 = arith.index_cast %get3A_263 : i32 to index
    %get3A_265 = arith.constant 48 : index
    %get3A_266 = tpu.vector_load %arg5[%get3A_264, %get3A_265] {strides = array<i32>} : memref<320x64xi32, #tpu.memory_space<vmem>>, vector<1x16xi32>,
    %get3A_267 = vector.shape_cast %get3A_266 : vector<1x16xi32> to vector<16xi32>
    %shift_right_arithmetic3A_268 = arith.constant 14 : i32
    %shift_right_arithmetic3A_269 = vector.broadcast %shift_right_arithmetic3A_268 : i32 to vector<16xi32>
    %shift_right_arithmetic3A_270 = arith.shrsi %get3A_267, %shift_right_arithmetic3A_269 : vector<16xi32>
    %swap3A_271 = arith.constant 2 : i32
    %swap3A_272 = arith.index_cast %swap3A_271 : i32 to index
    %swap3A_273 = arith.constant 48 : index
    %swap3A_274 = tpu.vector_load %arg6[%swap3A_272, %swap3A_273] {strides = array<i32>} : memref<4x64xi32, #tpu.memory_space<vmem>>, vector<1x16xi32>,
    %swap3A_275 = vector.shape_cast %swap3A_274 : vector<1x16xi32> to vector<16xi32>
    %swap3A_276 = vector.shape_cast %shift_right_arithmetic3A_270 : vector<16xi32> to vector<1x16xi32>
    tpu.vector_store %arg6[%swap3A_272, %swap3A_273], %swap3A_276 {strides = array<i32>} : memref<4x64xi32, #tpu.memory_space<vmem>>, vector<1x16xi32>,
    %and3A_277 = arith.constant 16383 : i32
    %and3A_278 = vector.broadcast %and3A_277 : i32 to vector<16xi32>
    %and3A_279 = arith.andi %get3A_267, %and3A_278 : vector<16xi32>
    %swap3A_280 = arith.constant 2 : i32
    %swap3A_281 = arith.index_cast %swap3A_280 : i32 to index
    %swap3A_282 = arith.constant 48 : index
    %swap3A_283 = tpu.vector_load %arg7[%swap3A_281, %swap3A_282] {strides = array<i32>} : memref<4x64xi32, #tpu.memory_space<vmem>>, vector<1x16xi32>,
    %swap3A_284 = vector.shape_cast %swap3A_283 : vector<1x16xi32> to vector<16xi32>
    %swap3A_285 = vector.shape_cast %and3A_279 : vector<16xi32> to vector<1x16xi32>
    tpu.vector_store %arg7[%swap3A_281, %swap3A_282], %swap3A_285 {strides = array<i32>} : memref<4x64xi32, #tpu.memory_space<vmem>>, vector<1x16xi32>,
    %dma_start3A_286 = arith.constant 2 : i32
    %dma_start3A_287 = arith.constant 0 : i32
    %dma_start3A_288 = tpu.memref_slice %arg6[%dma_start3A_286, %dma_start3A_287] : memref<4x64xi32, #tpu.memory_space<vmem>> -> memref<1x64xi32, #tpu.memory_space<vmem>>
    %dma_start3A_289 = tpu.memref_squeeze %dma_start3A_288 : memref<1x64xi32, #tpu.memory_space<vmem>> -> memref<64xi32, #tpu.memory_space<vmem>>
    %dma_start3A_290 = arith.constant 0 : i32
    %dma_start3A_291 = arith.constant 0 : i32
    %dma_start3A_292 = tpu.memref_slice %arg16[%dma_start3A_290, %dma_start3A_291] : memref<10240x32xf32, #tpu.memory_space<vmem_shared>> -> memref<10240x32xf32, #tpu.memory_space<vmem_shared>>
    tpu.enqueue_indirect_dma source(%dma_start3A_292 : memref<10240x32xf32, #tpu.memory_space<vmem_shared>>) target(%arg10 : memref<64x32xf32, #tpu.memory_space<vmem>>) offsets(%dma_start3A_289 : memref<64xi32, #tpu.memory_space<vmem>>) semaphore(%arg14 : memref<!tpu.dma_semaphore, #tpu.memory_space<semaphore_mem>>)
    %get3A_293 = arith.constant 3 : i32
    %get3A_294 = arith.index_cast %get3A_293 : i32 to index
    %get3A_295 = arith.constant 0 : index
    %get3A_296 = tpu.vector_load %arg5[%get3A_294, %get3A_295] {strides = array<i32>} : memref<320x64xi32, #tpu.memory_space<vmem>>, vector<1x16xi32>,
    %get3A_297 = vector.shape_cast %get3A_296 : vector<1x16xi32> to vector<16xi32>
    %shift_right_arithmetic3A_298 = arith.constant 14 : i32
    %shift_right_arithmetic3A_299 = vector.broadcast %shift_right_arithmetic3A_298 : i32 to vector<16xi32>
    %shift_right_arithmetic3A_300 = arith.shrsi %get3A_297, %shift_right_arithmetic3A_299 : vector<16xi32>
    %swap3A_301 = arith.constant 3 : i32
    %swap3A_302 = arith.index_cast %swap3A_301 : i32 to index
    %swap3A_303 = arith.constant 0 : index
    %swap3A_304 = tpu.vector_load %arg6[%swap3A_302, %swap3A_303] {strides = array<i32>} : memref<4x64xi32, #tpu.memory_space<vmem>>, vector<1x16xi32>,
    %swap3A_305 = vector.shape_cast %swap3A_304 : vector<1x16xi32> to vector<16xi32>
    %swap3A_306 = vector.shape_cast %shift_right_arithmetic3A_300 : vector<16xi32> to vector<1x16xi32>
    tpu.vector_store %arg6[%swap3A_302, %swap3A_303], %swap3A_306 {strides = array<i32>} : memref<4x64xi32, #tpu.memory_space<vmem>>, vector<1x16xi32>,
    %and3A_307 = arith.constant 16383 : i32
    %and3A_308 = vector.broadcast %and3A_307 : i32 to vector<16xi32>
    %and3A_309 = arith.andi %get3A_297, %and3A_308 : vector<16xi32>
    %swap3A_310 = arith.constant 3 : i32
    %swap3A_311 = arith.index_cast %swap3A_310 : i32 to index
    %swap3A_312 = arith.constant 0 : index
    %swap3A_313 = tpu.vector_load %arg7[%swap3A_311, %swap3A_312] {strides = array<i32>} : memref<4x64xi32, #tpu.memory_space<vmem>>, vector<1x16xi32>,
    %swap3A_314 = vector.shape_cast %swap3A_313 : vector<1x16xi32> to vector<16xi32>
    %swap3A_315 = vector.shape_cast %and3A_309 : vector<16xi32> to vector<1x16xi32>
    tpu.vector_store %arg7[%swap3A_311, %swap3A_312], %swap3A_315 {strides = array<i32>} : memref<4x64xi32, #tpu.memory_space<vmem>>, vector<1x16xi32>,
    %get3A_316 = arith.constant 3 : i32
    %get3A_317 = arith.index_cast %get3A_316 : i32 to index
    %get3A_318 = arith.constant 16 : index
    %get3A_319 = tpu.vector_load %arg5[%get3A_317, %get3A_318] {strides = array<i32>} : memref<320x64xi32, #tpu.memory_space<vmem>>, vector<1x16xi32>,
    %get3A_320 = vector.shape_cast %get3A_319 : vector<1x16xi32> to vector<16xi32>
    %shift_right_arithmetic3A_321 = arith.constant 14 : i32
    %shift_right_arithmetic3A_322 = vector.broadcast %shift_right_arithmetic3A_321 : i32 to vector<16xi32>
    %shift_right_arithmetic3A_323 = arith.shrsi %get3A_320, %shift_right_arithmetic3A_322 : vector<16xi32>
    %swap3A_324 = arith.constant 3 : i32
    %swap3A_325 = arith.index_cast %swap3A_324 : i32 to index
    %swap3A_326 = arith.constant 16 : index
    %swap3A_327 = tpu.vector_load %arg6[%swap3A_325, %swap3A_326] {strides = array<i32>} : memref<4x64xi32, #tpu.memory_space<vmem>>, vector<1x16xi32>,
    %swap3A_328 = vector.shape_cast %swap3A_327 : vector<1x16xi32> to vector<16xi32>
    %swap3A_329 = vector.shape_cast %shift_right_arithmetic3A_323 : vector<16xi32> to vector<1x16xi32>
    tpu.vector_store %arg6[%swap3A_325, %swap3A_326], %swap3A_329 {strides = array<i32>} : memref<4x64xi32, #tpu.memory_space<vmem>>, vector<1x16xi32>,
    %and3A_330 = arith.constant 16383 : i32
    %and3A_331 = vector.broadcast %and3A_330 : i32 to vector<16xi32>
    %and3A_332 = arith.andi %get3A_320, %and3A_331 : vector<16xi32>
    %swap3A_333 = arith.constant 3 : i32
    %swap3A_334 = arith.index_cast %swap3A_333 : i32 to index
    %swap3A_335 = arith.constant 16 : index
    %swap3A_336 = tpu.vector_load %arg7[%swap3A_334, %swap3A_335] {strides = array<i32>} : memref<4x64xi32, #tpu.memory_space<vmem>>, vector<1x16xi32>,
    %swap3A_337 = vector.shape_cast %swap3A_336 : vector<1x16xi32> to vector<16xi32>
    %swap3A_338 = vector.shape_cast %and3A_332 : vector<16xi32> to vector<1x16xi32>
    tpu.vector_store %arg7[%swap3A_334, %swap3A_335], %swap3A_338 {strides = array<i32>} : memref<4x64xi32, #tpu.memory_space<vmem>>, vector<1x16xi32>,
    %get3A_339 = arith.constant 3 : i32
    %get3A_340 = arith.index_cast %get3A_339 : i32 to index
    %get3A_341 = arith.constant 32 : index
    %get3A_342 = tpu.vector_load %arg5[%get3A_340, %get3A_341] {strides = array<i32>} : memref<320x64xi32, #tpu.memory_space<vmem>>, vector<1x16xi32>,
    %get3A_343 = vector.shape_cast %get3A_342 : vector<1x16xi32> to vector<16xi32>
    %shift_right_arithmetic3A_344 = arith.constant 14 : i32
    %shift_right_arithmetic3A_345 = vector.broadcast %shift_right_arithmetic3A_344 : i32 to vector<16xi32>
    %shift_right_arithmetic3A_346 = arith.shrsi %get3A_343, %shift_right_arithmetic3A_345 : vector<16xi32>
    %swap3A_347 = arith.constant 3 : i32
    %swap3A_348 = arith.index_cast %swap3A_347 : i32 to index
    %swap3A_349 = arith.constant 32 : index
    %swap3A_350 = tpu.vector_load %arg6[%swap3A_348, %swap3A_349] {strides = array<i32>} : memref<4x64xi32, #tpu.memory_space<vmem>>, vector<1x16xi32>,
    %swap3A_351 = vector.shape_cast %swap3A_350 : vector<1x16xi32> to vector<16xi32>
    %swap3A_352 = vector.shape_cast %shift_right_arithmetic3A_346 : vector<16xi32> to vector<1x16xi32>
    tpu.vector_store %arg6[%swap3A_348, %swap3A_349], %swap3A_352 {strides = array<i32>} : memref<4x64xi32, #tpu.memory_space<vmem>>, vector<1x16xi32>,
    %and3A_353 = arith.constant 16383 : i32
    %and3A_354 = vector.broadcast %and3A_353 : i32 to vector<16xi32>
    %and3A_355 = arith.andi %get3A_343, %and3A_354 : vector<16xi32>
    %swap3A_356 = arith.constant 3 : i32
    %swap3A_357 = arith.index_cast %swap3A_356 : i32 to index
    %swap3A_358 = arith.constant 32 : index
    %swap3A_359 = tpu.vector_load %arg7[%swap3A_357, %swap3A_358] {strides = array<i32>} : memref<4x64xi32, #tpu.memory_space<vmem>>, vector<1x16xi32>,
    %swap3A_360 = vector.shape_cast %swap3A_359 : vector<1x16xi32> to vector<16xi32>
    %swap3A_361 = vector.shape_cast %and3A_355 : vector<16xi32> to vector<1x16xi32>
    tpu.vector_store %arg7[%swap3A_357, %swap3A_358], %swap3A_361 {strides = array<i32>} : memref<4x64xi32, #tpu.memory_space<vmem>>, vector<1x16xi32>,
    %get3A_362 = arith.constant 3 : i32
    %get3A_363 = arith.index_cast %get3A_362 : i32 to index
    %get3A_364 = arith.constant 48 : index
    %get3A_365 = tpu.vector_load %arg5[%get3A_363, %get3A_364] {strides = array<i32>} : memref<320x64xi32, #tpu.memory_space<vmem>>, vector<1x16xi32>,
    %get3A_366 = vector.shape_cast %get3A_365 : vector<1x16xi32> to vector<16xi32>
    %shift_right_arithmetic3A_367 = arith.constant 14 : i32
    %shift_right_arithmetic3A_368 = vector.broadcast %shift_right_arithmetic3A_367 : i32 to vector<16xi32>
    %shift_right_arithmetic3A_369 = arith.shrsi %get3A_366, %shift_right_arithmetic3A_368 : vector<16xi32>
    %swap3A_370 = arith.constant 3 : i32
    %swap3A_371 = arith.index_cast %swap3A_370 : i32 to index
    %swap3A_372 = arith.constant 48 : index
    %swap3A_373 = tpu.vector_load %arg6[%swap3A_371, %swap3A_372] {strides = array<i32>} : memref<4x64xi32, #tpu.memory_space<vmem>>, vector<1x16xi32>,
    %swap3A_374 = vector.shape_cast %swap3A_373 : vector<1x16xi32> to vector<16xi32>
    %swap3A_375 = vector.shape_cast %shift_right_arithmetic3A_369 : vector<16xi32> to vector<1x16xi32>
    tpu.vector_store %arg6[%swap3A_371, %swap3A_372], %swap3A_375 {strides = array<i32>} : memref<4x64xi32, #tpu.memory_space<vmem>>, vector<1x16xi32>,
    %and3A_376 = arith.constant 16383 : i32
    %and3A_377 = vector.broadcast %and3A_376 : i32 to vector<16xi32>
    %and3A_378 = arith.andi %get3A_366, %and3A_377 : vector<16xi32>
    %swap3A_379 = arith.constant 3 : i32
    %swap3A_380 = arith.index_cast %swap3A_379 : i32 to index
    %swap3A_381 = arith.constant 48 : index
    %swap3A_382 = tpu.vector_load %arg7[%swap3A_380, %swap3A_381] {strides = array<i32>} : memref<4x64xi32, #tpu.memory_space<vmem>>, vector<1x16xi32>,
    %swap3A_383 = vector.shape_cast %swap3A_382 : vector<1x16xi32> to vector<16xi32>
    %swap3A_384 = vector.shape_cast %and3A_378 : vector<16xi32> to vector<1x16xi32>
    tpu.vector_store %arg7[%swap3A_380, %swap3A_381], %swap3A_384 {strides = array<i32>} : memref<4x64xi32, #tpu.memory_space<vmem>>, vector<1x16xi32>,
    %dma_start3A_385 = arith.constant 3 : i32
    %dma_start3A_386 = arith.constant 0 : i32
    %dma_start3A_387 = tpu.memref_slice %arg6[%dma_start3A_385, %dma_start3A_386] : memref<4x64xi32, #tpu.memory_space<vmem>> -> memref<1x64xi32, #tpu.memory_space<vmem>>
    %dma_start3A_388 = tpu.memref_squeeze %dma_start3A_387 : memref<1x64xi32, #tpu.memory_space<vmem>> -> memref<64xi32, #tpu.memory_space<vmem>>
    %dma_start3A_389 = arith.constant 0 : i32
    %dma_start3A_390 = arith.constant 0 : i32
    %dma_start3A_391 = tpu.memref_slice %arg16[%dma_start3A_389, %dma_start3A_390] : memref<10240x32xf32, #tpu.memory_space<vmem_shared>> -> memref<10240x32xf32, #tpu.memory_space<vmem_shared>>
    tpu.enqueue_indirect_dma source(%dma_start3A_391 : memref<10240x32xf32, #tpu.memory_space<vmem_shared>>) target(%arg11 : memref<64x32xf32, #tpu.memory_space<vmem>>) offsets(%dma_start3A_388 : memref<64xi32, #tpu.memory_space<vmem>>) semaphore(%arg15 : memref<!tpu.dma_semaphore, #tpu.memory_space<semaphore_mem>>)
    %scan3A = arith.constant 0 : i32
    %scan3A_392 = arith.constant 0 : i32
    %scan3A_393 = arith.constant 79 : i32
    %scan3A_394 = arith.addi %scan3A_392, %scan3A_393 : i32
    %scan3A_395 = arith.constant 1 : i32
    scf.for %scan3A_428 = %scan3A_392 to %scan3A_394 step %scan3A_395  : i32 {
      %mul3A_429 = arith.constant 4 : i32
      %mul3A_430 = arith.muli %scan3A_428, %mul3A_429 : i32
      %add3A = arith.constant 0 : i32
      %add3A_431 = arith.addi %mul3A_430, %add3A : i32
      %dma_wait3A_432 = arith.constant 0 : i32
      %dma_wait3A_433 = arith.constant 0 : i32
      %dma_wait3A_434 = tpu.memref_slice %arg6[%dma_wait3A_432, %dma_wait3A_433] : memref<4x64xi32, #tpu.memory_space<vmem>> -> memref<1x64xi32, #tpu.memory_space<vmem>>
      %dma_wait3A_435 = tpu.memref_squeeze %dma_wait3A_434 : memref<1x64xi32, #tpu.memory_space<vmem>> -> memref<64xi32, #tpu.memory_space<vmem>>
      %dma_wait3A_436 = arith.constant 0 : i32
      %dma_wait3A_437 = arith.constant 0 : i32
      %dma_wait3A_438 = tpu.memref_slice %arg16[%dma_wait3A_436, %dma_wait3A_437] : memref<10240x32xf32, #tpu.memory_space<vmem_shared>> -> memref<10240x32xf32, #tpu.memory_space<vmem_shared>>
      tpu.wait_indirect_dma semaphore(%arg12 : memref<!tpu.dma_semaphore, #tpu.memory_space<semaphore_mem>>) src(%dma_wait3A_438 : memref<10240x32xf32, #tpu.memory_space<vmem_shared>>) dst(%arg8 : memref<64x32xf32, #tpu.memory_space<vmem>>)
      %run_scoped3A_439 = arith.constant 0 : i32
      "tpu.region"() ({
        %run_scoped3A_864 = tpu.sem_alloc : memref<!tpu.dma_semaphore, #tpu.memory_space<semaphore_mem>>
        %dma_start3A_865 = arith.constant 0 : i32
        %dma_start3A_866 = tpu.memref_slice %arg7[%run_scoped3A_439, %dma_start3A_865] : memref<4x64xi32, #tpu.memory_space<vmem>> -> memref<1x64xi32, #tpu.memory_space<vmem>>
        %dma_start3A_867 = tpu.memref_squeeze %dma_start3A_866 : memref<1x64xi32, #tpu.memory_space<vmem>> -> memref<64xi32, #tpu.memory_space<vmem>>
        %dma_start3A_868 = arith.constant 0 : i32
        %dma_start3A_869 = arith.constant 0 : i32
        %dma_start3A_870 = tpu.memref_slice %arg17[%dma_start3A_868, %dma_start3A_869] : memref<10240x32xf32, #tpu.memory_space<vmem_shared>> -> memref<10240x32xf32, #tpu.memory_space<vmem_shared>>
        tpu.enqueue_indirect_dma source(%arg8 : memref<64x32xf32, #tpu.memory_space<vmem>>) target(%dma_start3A_870 : memref<10240x32xf32, #tpu.memory_space<vmem_shared>>) offsets(%dma_start3A_867 : memref<64xi32, #tpu.memory_space<vmem>>) semaphore(%run_scoped3A_864 : memref<!tpu.dma_semaphore, #tpu.memory_space<semaphore_mem>>) {add = true}
        %dma_wait3A_871 = arith.constant 0 : i32
        %dma_wait3A_872 = tpu.memref_slice %arg7[%run_scoped3A_439, %dma_wait3A_871] : memref<4x64xi32, #tpu.memory_space<vmem>> -> memref<1x64xi32, #tpu.memory_space<vmem>>
        %dma_wait3A_873 = tpu.memref_squeeze %dma_wait3A_872 : memref<1x64xi32, #tpu.memory_space<vmem>> -> memref<64xi32, #tpu.memory_space<vmem>>
        %dma_wait3A_874 = arith.constant 0 : i32
        %dma_wait3A_875 = arith.constant 0 : i32
        %dma_wait3A_876 = tpu.memref_slice %arg17[%dma_wait3A_874, %dma_wait3A_875] : memref<10240x32xf32, #tpu.memory_space<vmem_shared>> -> memref<10240x32xf32, #tpu.memory_space<vmem_shared>>
        tpu.wait_indirect_dma semaphore(%run_scoped3A_864 : memref<!tpu.dma_semaphore, #tpu.memory_space<semaphore_mem>>) src(%arg8 : memref<64x32xf32, #tpu.memory_space<vmem>>) dst(%dma_wait3A_876 : memref<10240x32xf32, #tpu.memory_space<vmem_shared>>)
        tpu.yield
      }) : () -> ()
      %add3A_440 = arith.constant 4 : i32
      %add3A_441 = arith.addi %add3A_431, %add3A_440 : i32
      %get3A_442 = arith.index_cast %add3A_441 : i32 to index
      %get3A_443 = arith.constant 0 : index
      %get3A_444 = tpu.vector_load %arg5[%get3A_442, %get3A_443] {strides = array<i32>} : memref<320x64xi32, #tpu.memory_space<vmem>>, vector<1x16xi32>,
      %get3A_445 = vector.shape_cast %get3A_444 : vector<1x16xi32> to vector<16xi32>
      %shift_right_arithmetic3A_446 = arith.constant 14 : i32
      %shift_right_arithmetic3A_447 = vector.broadcast %shift_right_arithmetic3A_446 : i32 to vector<16xi32>
      %shift_right_arithmetic3A_448 = arith.shrsi %get3A_445, %shift_right_arithmetic3A_447 : vector<16xi32>
      %swap3A_449 = arith.constant 0 : i32
      %swap3A_450 = arith.index_cast %swap3A_449 : i32 to index
      %swap3A_451 = arith.constant 0 : index
      %swap3A_452 = tpu.vector_load %arg6[%swap3A_450, %swap3A_451] {strides = array<i32>} : memref<4x64xi32, #tpu.memory_space<vmem>>, vector<1x16xi32>,
      %swap3A_453 = vector.shape_cast %swap3A_452 : vector<1x16xi32> to vector<16xi32>
      %swap3A_454 = vector.shape_cast %shift_right_arithmetic3A_448 : vector<16xi32> to vector<1x16xi32>
      tpu.vector_store %arg6[%swap3A_450, %swap3A_451], %swap3A_454 {strides = array<i32>} : memref<4x64xi32, #tpu.memory_space<vmem>>, vector<1x16xi32>,
      %and3A_455 = arith.constant 16383 : i32
      %and3A_456 = vector.broadcast %and3A_455 : i32 to vector<16xi32>
      %and3A_457 = arith.andi %get3A_445, %and3A_456 : vector<16xi32>
      %swap3A_458 = arith.constant 0 : i32
      %swap3A_459 = arith.index_cast %swap3A_458 : i32 to index
      %swap3A_460 = arith.constant 0 : index
      %swap3A_461 = tpu.vector_load %arg7[%swap3A_459, %swap3A_460] {strides = array<i32>} : memref<4x64xi32, #tpu.memory_space<vmem>>, vector<1x16xi32>,
      %swap3A_462 = vector.shape_cast %swap3A_461 : vector<1x16xi32> to vector<16xi32>
      %swap3A_463 = vector.shape_cast %and3A_457 : vector<16xi32> to vector<1x16xi32>
      tpu.vector_store %arg7[%swap3A_459, %swap3A_460], %swap3A_463 {strides = array<i32>} : memref<4x64xi32, #tpu.memory_space<vmem>>, vector<1x16xi32>,
      %get3A_464 = arith.index_cast %add3A_441 : i32 to index
      %get3A_465 = arith.constant 16 : index
      %get3A_466 = tpu.vector_load %arg5[%get3A_464, %get3A_465] {strides = array<i32>} : memref<320x64xi32, #tpu.memory_space<vmem>>, vector<1x16xi32>,
      %get3A_467 = vector.shape_cast %get3A_466 : vector<1x16xi32> to vector<16xi32>
      %shift_right_arithmetic3A_468 = arith.constant 14 : i32
      %shift_right_arithmetic3A_469 = vector.broadcast %shift_right_arithmetic3A_468 : i32 to vector<16xi32>
      %shift_right_arithmetic3A_470 = arith.shrsi %get3A_467, %shift_right_arithmetic3A_469 : vector<16xi32>
      %swap3A_471 = arith.constant 0 : i32
      %swap3A_472 = arith.index_cast %swap3A_471 : i32 to index
      %swap3A_473 = arith.constant 16 : index
      %swap3A_474 = tpu.vector_load %arg6[%swap3A_472, %swap3A_473] {strides = array<i32>} : memref<4x64xi32, #tpu.memory_space<vmem>>, vector<1x16xi32>,
      %swap3A_475 = vector.shape_cast %swap3A_474 : vector<1x16xi32> to vector<16xi32>
      %swap3A_476 = vector.shape_cast %shift_right_arithmetic3A_470 : vector<16xi32> to vector<1x16xi32>
      tpu.vector_store %arg6[%swap3A_472, %swap3A_473], %swap3A_476 {strides = array<i32>} : memref<4x64xi32, #tpu.memory_space<vmem>>, vector<1x16xi32>,
      %and3A_477 = arith.constant 16383 : i32
      %and3A_478 = vector.broadcast %and3A_477 : i32 to vector<16xi32>
      %and3A_479 = arith.andi %get3A_467, %and3A_478 : vector<16xi32>
      %swap3A_480 = arith.constant 0 : i32
      %swap3A_481 = arith.index_cast %swap3A_480 : i32 to index
      %swap3A_482 = arith.constant 16 : index
      %swap3A_483 = tpu.vector_load %arg7[%swap3A_481, %swap3A_482] {strides = array<i32>} : memref<4x64xi32, #tpu.memory_space<vmem>>, vector<1x16xi32>,
      %swap3A_484 = vector.shape_cast %swap3A_483 : vector<1x16xi32> to vector<16xi32>
      %swap3A_485 = vector.shape_cast %and3A_479 : vector<16xi32> to vector<1x16xi32>
      tpu.vector_store %arg7[%swap3A_481, %swap3A_482], %swap3A_485 {strides = array<i32>} : memref<4x64xi32, #tpu.memory_space<vmem>>, vector<1x16xi32>,
      %get3A_486 = arith.index_cast %add3A_441 : i32 to index
      %get3A_487 = arith.constant 32 : index
      %get3A_488 = tpu.vector_load %arg5[%get3A_486, %get3A_487] {strides = array<i32>} : memref<320x64xi32, #tpu.memory_space<vmem>>, vector<1x16xi32>,
      %get3A_489 = vector.shape_cast %get3A_488 : vector<1x16xi32> to vector<16xi32>
      %shift_right_arithmetic3A_490 = arith.constant 14 : i32
      %shift_right_arithmetic3A_491 = vector.broadcast %shift_right_arithmetic3A_490 : i32 to vector<16xi32>
      %shift_right_arithmetic3A_492 = arith.shrsi %get3A_489, %shift_right_arithmetic3A_491 : vector<16xi32>
      %swap3A_493 = arith.constant 0 : i32
      %swap3A_494 = arith.index_cast %swap3A_493 : i32 to index
      %swap3A_495 = arith.constant 32 : index
      %swap3A_496 = tpu.vector_load %arg6[%swap3A_494, %swap3A_495] {strides = array<i32>} : memref<4x64xi32, #tpu.memory_space<vmem>>, vector<1x16xi32>,
      %swap3A_497 = vector.shape_cast %swap3A_496 : vector<1x16xi32> to vector<16xi32>
      %swap3A_498 = vector.shape_cast %shift_right_arithmetic3A_492 : vector<16xi32> to vector<1x16xi32>
      tpu.vector_store %arg6[%swap3A_494, %swap3A_495], %swap3A_498 {strides = array<i32>} : memref<4x64xi32, #tpu.memory_space<vmem>>, vector<1x16xi32>,
      %and3A_499 = arith.constant 16383 : i32
      %and3A_500 = vector.broadcast %and3A_499 : i32 to vector<16xi32>
      %and3A_501 = arith.andi %get3A_489, %and3A_500 : vector<16xi32>
      %swap3A_502 = arith.constant 0 : i32
      %swap3A_503 = arith.index_cast %swap3A_502 : i32 to index
      %swap3A_504 = arith.constant 32 : index
      %swap3A_505 = tpu.vector_load %arg7[%swap3A_503, %swap3A_504] {strides = array<i32>} : memref<4x64xi32, #tpu.memory_space<vmem>>, vector<1x16xi32>,
      %swap3A_506 = vector.shape_cast %swap3A_505 : vector<1x16xi32> to vector<16xi32>
      %swap3A_507 = vector.shape_cast %and3A_501 : vector<16xi32> to vector<1x16xi32>
      tpu.vector_store %arg7[%swap3A_503, %swap3A_504], %swap3A_507 {strides = array<i32>} : memref<4x64xi32, #tpu.memory_space<vmem>>, vector<1x16xi32>,
      %get3A_508 = arith.index_cast %add3A_441 : i32 to index
      %get3A_509 = arith.constant 48 : index
      %get3A_510 = tpu.vector_load %arg5[%get3A_508, %get3A_509] {strides = array<i32>} : memref<320x64xi32, #tpu.memory_space<vmem>>, vector<1x16xi32>,
      %get3A_511 = vector.shape_cast %get3A_510 : vector<1x16xi32> to vector<16xi32>
      %shift_right_arithmetic3A_512 = arith.constant 14 : i32
      %shift_right_arithmetic3A_513 = vector.broadcast %shift_right_arithmetic3A_512 : i32 to vector<16xi32>
      %shift_right_arithmetic3A_514 = arith.shrsi %get3A_511, %shift_right_arithmetic3A_513 : vector<16xi32>
      %swap3A_515 = arith.constant 0 : i32
      %swap3A_516 = arith.index_cast %swap3A_515 : i32 to index
      %swap3A_517 = arith.constant 48 : index
      %swap3A_518 = tpu.vector_load %arg6[%swap3A_516, %swap3A_517] {strides = array<i32>} : memref<4x64xi32, #tpu.memory_space<vmem>>, vector<1x16xi32>,
      %swap3A_519 = vector.shape_cast %swap3A_518 : vector<1x16xi32> to vector<16xi32>
      %swap3A_520 = vector.shape_cast %shift_right_arithmetic3A_514 : vector<16xi32> to vector<1x16xi32>
      tpu.vector_store %arg6[%swap3A_516, %swap3A_517], %swap3A_520 {strides = array<i32>} : memref<4x64xi32, #tpu.memory_space<vmem>>, vector<1x16xi32>,
      %and3A_521 = arith.constant 16383 : i32
      %and3A_522 = vector.broadcast %and3A_521 : i32 to vector<16xi32>
      %and3A_523 = arith.andi %get3A_511, %and3A_522 : vector<16xi32>
      %swap3A_524 = arith.constant 0 : i32
      %swap3A_525 = arith.index_cast %swap3A_524 : i32 to index
      %swap3A_526 = arith.constant 48 : index
      %swap3A_527 = tpu.vector_load %arg7[%swap3A_525, %swap3A_526] {strides = array<i32>} : memref<4x64xi32, #tpu.memory_space<vmem>>, vector<1x16xi32>,
      %swap3A_528 = vector.shape_cast %swap3A_527 : vector<1x16xi32> to vector<16xi32>
      %swap3A_529 = vector.shape_cast %and3A_523 : vector<16xi32> to vector<1x16xi32>
      tpu.vector_store %arg7[%swap3A_525, %swap3A_526], %swap3A_529 {strides = array<i32>} : memref<4x64xi32, #tpu.memory_space<vmem>>, vector<1x16xi32>,
      %dma_start3A_530 = arith.constant 0 : i32
      %dma_start3A_531 = arith.constant 0 : i32
      %dma_start3A_532 = tpu.memref_slice %arg6[%dma_start3A_530, %dma_start3A_531] : memref<4x64xi32, #tpu.memory_space<vmem>> -> memref<1x64xi32, #tpu.memory_space<vmem>>
      %dma_start3A_533 = tpu.memref_squeeze %dma_start3A_532 : memref<1x64xi32, #tpu.memory_space<vmem>> -> memref<64xi32, #tpu.memory_space<vmem>>
      %dma_start3A_534 = arith.constant 0 : i32
      %dma_start3A_535 = arith.constant 0 : i32
      %dma_start3A_536 = tpu.memref_slice %arg16[%dma_start3A_534, %dma_start3A_535] : memref<10240x32xf32, #tpu.memory_space<vmem_shared>> -> memref<10240x32xf32, #tpu.memory_space<vmem_shared>>
      tpu.enqueue_indirect_dma source(%dma_start3A_536 : memref<10240x32xf32, #tpu.memory_space<vmem_shared>>) target(%arg8 : memref<64x32xf32, #tpu.memory_space<vmem>>) offsets(%dma_start3A_533 : memref<64xi32, #tpu.memory_space<vmem>>) semaphore(%arg12 : memref<!tpu.dma_semaphore, #tpu.memory_space<semaphore_mem>>)
      %mul3A_537 = arith.constant 4 : i32
      %mul3A_538 = arith.muli %scan3A_428, %mul3A_537 : i32
      %add3A_539 = arith.constant 1 : i32
      %add3A_540 = arith.addi %mul3A_538, %add3A_539 : i32
      %dma_wait3A_541 = arith.constant 1 : i32
      %dma_wait3A_542 = arith.constant 0 : i32
      %dma_wait3A_543 = tpu.memref_slice %arg6[%dma_wait3A_541, %dma_wait3A_542] : memref<4x64xi32, #tpu.memory_space<vmem>> -> memref<1x64xi32, #tpu.memory_space<vmem>>
      %dma_wait3A_544 = tpu.memref_squeeze %dma_wait3A_543 : memref<1x64xi32, #tpu.memory_space<vmem>> -> memref<64xi32, #tpu.memory_space<vmem>>
      %dma_wait3A_545 = arith.constant 0 : i32
      %dma_wait3A_546 = arith.constant 0 : i32
      %dma_wait3A_547 = tpu.memref_slice %arg16[%dma_wait3A_545, %dma_wait3A_546] : memref<10240x32xf32, #tpu.memory_space<vmem_shared>> -> memref<10240x32xf32, #tpu.memory_space<vmem_shared>>
      tpu.wait_indirect_dma semaphore(%arg13 : memref<!tpu.dma_semaphore, #tpu.memory_space<semaphore_mem>>) src(%dma_wait3A_547 : memref<10240x32xf32, #tpu.memory_space<vmem_shared>>) dst(%arg9 : memref<64x32xf32, #tpu.memory_space<vmem>>)
      %run_scoped3A_548 = arith.constant 1 : i32
      "tpu.region"() ({
        %run_scoped3A_864 = tpu.sem_alloc : memref<!tpu.dma_semaphore, #tpu.memory_space<semaphore_mem>>
        %dma_start3A_865 = arith.constant 0 : i32
        %dma_start3A_866 = tpu.memref_slice %arg7[%run_scoped3A_548, %dma_start3A_865] : memref<4x64xi32, #tpu.memory_space<vmem>> -> memref<1x64xi32, #tpu.memory_space<vmem>>
        %dma_start3A_867 = tpu.memref_squeeze %dma_start3A_866 : memref<1x64xi32, #tpu.memory_space<vmem>> -> memref<64xi32, #tpu.memory_space<vmem>>
        %dma_start3A_868 = arith.constant 0 : i32
        %dma_start3A_869 = arith.constant 0 : i32
        %dma_start3A_870 = tpu.memref_slice %arg17[%dma_start3A_868, %dma_start3A_869] : memref<10240x32xf32, #tpu.memory_space<vmem_shared>> -> memref<10240x32xf32, #tpu.memory_space<vmem_shared>>
        tpu.enqueue_indirect_dma source(%arg9 : memref<64x32xf32, #tpu.memory_space<vmem>>) target(%dma_start3A_870 : memref<10240x32xf32, #tpu.memory_space<vmem_shared>>) offsets(%dma_start3A_867 : memref<64xi32, #tpu.memory_space<vmem>>) semaphore(%run_scoped3A_864 : memref<!tpu.dma_semaphore, #tpu.memory_space<semaphore_mem>>) {add = true}
        %dma_wait3A_871 = arith.constant 0 : i32
        %dma_wait3A_872 = tpu.memref_slice %arg7[%run_scoped3A_548, %dma_wait3A_871] : memref<4x64xi32, #tpu.memory_space<vmem>> -> memref<1x64xi32, #tpu.memory_space<vmem>>
        %dma_wait3A_873 = tpu.memref_squeeze %dma_wait3A_872 : memref<1x64xi32, #tpu.memory_space<vmem>> -> memref<64xi32, #tpu.memory_space<vmem>>
        %dma_wait3A_874 = arith.constant 0 : i32
        %dma_wait3A_875 = arith.constant 0 : i32
        %dma_wait3A_876 = tpu.memref_slice %arg17[%dma_wait3A_874, %dma_wait3A_875] : memref<10240x32xf32, #tpu.memory_space<vmem_shared>> -> memref<10240x32xf32, #tpu.memory_space<vmem_shared>>
        tpu.wait_indirect_dma semaphore(%run_scoped3A_864 : memref<!tpu.dma_semaphore, #tpu.memory_space<semaphore_mem>>) src(%arg9 : memref<64x32xf32, #tpu.memory_space<vmem>>) dst(%dma_wait3A_876 : memref<10240x32xf32, #tpu.memory_space<vmem_shared>>)
        tpu.yield
      }) : () -> ()
      %add3A_549 = arith.constant 4 : i32
      %add3A_550 = arith.addi %add3A_540, %add3A_549 : i32
      %get3A_551 = arith.index_cast %add3A_550 : i32 to index
      %get3A_552 = arith.constant 0 : index
      %get3A_553 = tpu.vector_load %arg5[%get3A_551, %get3A_552] {strides = array<i32>} : memref<320x64xi32, #tpu.memory_space<vmem>>, vector<1x16xi32>,
      %get3A_554 = vector.shape_cast %get3A_553 : vector<1x16xi32> to vector<16xi32>
      %shift_right_arithmetic3A_555 = arith.constant 14 : i32
      %shift_right_arithmetic3A_556 = vector.broadcast %shift_right_arithmetic3A_555 : i32 to vector<16xi32>
      %shift_right_arithmetic3A_557 = arith.shrsi %get3A_554, %shift_right_arithmetic3A_556 : vector<16xi32>
      %swap3A_558 = arith.constant 1 : i32
      %swap3A_559 = arith.index_cast %swap3A_558 : i32 to index
      %swap3A_560 = arith.constant 0 : index
      %swap3A_561 = tpu.vector_load %arg6[%swap3A_559, %swap3A_560] {strides = array<i32>} : memref<4x64xi32, #tpu.memory_space<vmem>>, vector<1x16xi32>,
      %swap3A_562 = vector.shape_cast %swap3A_561 : vector<1x16xi32> to vector<16xi32>
      %swap3A_563 = vector.shape_cast %shift_right_arithmetic3A_557 : vector<16xi32> to vector<1x16xi32>
      tpu.vector_store %arg6[%swap3A_559, %swap3A_560], %swap3A_563 {strides = array<i32>} : memref<4x64xi32, #tpu.memory_space<vmem>>, vector<1x16xi32>,
      %and3A_564 = arith.constant 16383 : i32
      %and3A_565 = vector.broadcast %and3A_564 : i32 to vector<16xi32>
      %and3A_566 = arith.andi %get3A_554, %and3A_565 : vector<16xi32>
      %swap3A_567 = arith.constant 1 : i32
      %swap3A_568 = arith.index_cast %swap3A_567 : i32 to index
      %swap3A_569 = arith.constant 0 : index
      %swap3A_570 = tpu.vector_load %arg7[%swap3A_568, %swap3A_569] {strides = array<i32>} : memref<4x64xi32, #tpu.memory_space<vmem>>, vector<1x16xi32>,
      %swap3A_571 = vector.shape_cast %swap3A_570 : vector<1x16xi32> to vector<16xi32>
      %swap3A_572 = vector.shape_cast %and3A_566 : vector<16xi32> to vector<1x16xi32>
      tpu.vector_store %arg7[%swap3A_568, %swap3A_569], %swap3A_572 {strides = array<i32>} : memref<4x64xi32, #tpu.memory_space<vmem>>, vector<1x16xi32>,
      %get3A_573 = arith.index_cast %add3A_550 : i32 to index
      %get3A_574 = arith.constant 16 : index
      %get3A_575 = tpu.vector_load %arg5[%get3A_573, %get3A_574] {strides = array<i32>} : memref<320x64xi32, #tpu.memory_space<vmem>>, vector<1x16xi32>,
      %get3A_576 = vector.shape_cast %get3A_575 : vector<1x16xi32> to vector<16xi32>
      %shift_right_arithmetic3A_577 = arith.constant 14 : i32
      %shift_right_arithmetic3A_578 = vector.broadcast %shift_right_arithmetic3A_577 : i32 to vector<16xi32>
      %shift_right_arithmetic3A_579 = arith.shrsi %get3A_576, %shift_right_arithmetic3A_578 : vector<16xi32>
      %swap3A_580 = arith.constant 1 : i32
      %swap3A_581 = arith.index_cast %swap3A_580 : i32 to index
      %swap3A_582 = arith.constant 16 : index
      %swap3A_583 = tpu.vector_load %arg6[%swap3A_581, %swap3A_582] {strides = array<i32>} : memref<4x64xi32, #tpu.memory_space<vmem>>, vector<1x16xi32>,
      %swap3A_584 = vector.shape_cast %swap3A_583 : vector<1x16xi32> to vector<16xi32>
      %swap3A_585 = vector.shape_cast %shift_right_arithmetic3A_579 : vector<16xi32> to vector<1x16xi32>
      tpu.vector_store %arg6[%swap3A_581, %swap3A_582], %swap3A_585 {strides = array<i32>} : memref<4x64xi32, #tpu.memory_space<vmem>>, vector<1x16xi32>,
      %and3A_586 = arith.constant 16383 : i32
      %and3A_587 = vector.broadcast %and3A_586 : i32 to vector<16xi32>
      %and3A_588 = arith.andi %get3A_576, %and3A_587 : vector<16xi32>
      %swap3A_589 = arith.constant 1 : i32
      %swap3A_590 = arith.index_cast %swap3A_589 : i32 to index
      %swap3A_591 = arith.constant 16 : index
      %swap3A_592 = tpu.vector_load %arg7[%swap3A_590, %swap3A_591] {strides = array<i32>} : memref<4x64xi32, #tpu.memory_space<vmem>>, vector<1x16xi32>,
      %swap3A_593 = vector.shape_cast %swap3A_592 : vector<1x16xi32> to vector<16xi32>
      %swap3A_594 = vector.shape_cast %and3A_588 : vector<16xi32> to vector<1x16xi32>
      tpu.vector_store %arg7[%swap3A_590, %swap3A_591], %swap3A_594 {strides = array<i32>} : memref<4x64xi32, #tpu.memory_space<vmem>>, vector<1x16xi32>,
      %get3A_595 = arith.index_cast %add3A_550 : i32 to index
      %get3A_596 = arith.constant 32 : index
      %get3A_597 = tpu.vector_load %arg5[%get3A_595, %get3A_596] {strides = array<i32>} : memref<320x64xi32, #tpu.memory_space<vmem>>, vector<1x16xi32>,
      %get3A_598 = vector.shape_cast %get3A_597 : vector<1x16xi32> to vector<16xi32>
      %shift_right_arithmetic3A_599 = arith.constant 14 : i32
      %shift_right_arithmetic3A_600 = vector.broadcast %shift_right_arithmetic3A_599 : i32 to vector<16xi32>
      %shift_right_arithmetic3A_601 = arith.shrsi %get3A_598, %shift_right_arithmetic3A_600 : vector<16xi32>
      %swap3A_602 = arith.constant 1 : i32
      %swap3A_603 = arith.index_cast %swap3A_602 : i32 to index
      %swap3A_604 = arith.constant 32 : index
      %swap3A_605 = tpu.vector_load %arg6[%swap3A_603, %swap3A_604] {strides = array<i32>} : memref<4x64xi32, #tpu.memory_space<vmem>>, vector<1x16xi32>,
      %swap3A_606 = vector.shape_cast %swap3A_605 : vector<1x16xi32> to vector<16xi32>
      %swap3A_607 = vector.shape_cast %shift_right_arithmetic3A_601 : vector<16xi32> to vector<1x16xi32>
      tpu.vector_store %arg6[%swap3A_603, %swap3A_604], %swap3A_607 {strides = array<i32>} : memref<4x64xi32, #tpu.memory_space<vmem>>, vector<1x16xi32>,
      %and3A_608 = arith.constant 16383 : i32
      %and3A_609 = vector.broadcast %and3A_608 : i32 to vector<16xi32>
      %and3A_610 = arith.andi %get3A_598, %and3A_609 : vector<16xi32>
      %swap3A_611 = arith.constant 1 : i32
      %swap3A_612 = arith.index_cast %swap3A_611 : i32 to index
      %swap3A_613 = arith.constant 32 : index
      %swap3A_614 = tpu.vector_load %arg7[%swap3A_612, %swap3A_613] {strides = array<i32>} : memref<4x64xi32, #tpu.memory_space<vmem>>, vector<1x16xi32>,
      %swap3A_615 = vector.shape_cast %swap3A_614 : vector<1x16xi32> to vector<16xi32>
      %swap3A_616 = vector.shape_cast %and3A_610 : vector<16xi32> to vector<1x16xi32>
      tpu.vector_store %arg7[%swap3A_612, %swap3A_613], %swap3A_616 {strides = array<i32>} : memref<4x64xi32, #tpu.memory_space<vmem>>, vector<1x16xi32>,
      %get3A_617 = arith.index_cast %add3A_550 : i32 to index
      %get3A_618 = arith.constant 48 : index
      %get3A_619 = tpu.vector_load %arg5[%get3A_617, %get3A_618] {strides = array<i32>} : memref<320x64xi32, #tpu.memory_space<vmem>>, vector<1x16xi32>,
      %get3A_620 = vector.shape_cast %get3A_619 : vector<1x16xi32> to vector<16xi32>
      %shift_right_arithmetic3A_621 = arith.constant 14 : i32
      %shift_right_arithmetic3A_622 = vector.broadcast %shift_right_arithmetic3A_621 : i32 to vector<16xi32>
      %shift_right_arithmetic3A_623 = arith.shrsi %get3A_620, %shift_right_arithmetic3A_622 : vector<16xi32>
      %swap3A_624 = arith.constant 1 : i32
      %swap3A_625 = arith.index_cast %swap3A_624 : i32 to index
      %swap3A_626 = arith.constant 48 : index
      %swap3A_627 = tpu.vector_load %arg6[%swap3A_625, %swap3A_626] {strides = array<i32>} : memref<4x64xi32, #tpu.memory_space<vmem>>, vector<1x16xi32>,
      %swap3A_628 = vector.shape_cast %swap3A_627 : vector<1x16xi32> to vector<16xi32>
      %swap3A_629 = vector.shape_cast %shift_right_arithmetic3A_623 : vector<16xi32> to vector<1x16xi32>
      tpu.vector_store %arg6[%swap3A_625, %swap3A_626], %swap3A_629 {strides = array<i32>} : memref<4x64xi32, #tpu.memory_space<vmem>>, vector<1x16xi32>,
      %and3A_630 = arith.constant 16383 : i32
      %and3A_631 = vector.broadcast %and3A_630 : i32 to vector<16xi32>
      %and3A_632 = arith.andi %get3A_620, %and3A_631 : vector<16xi32>
      %swap3A_633 = arith.constant 1 : i32
      %swap3A_634 = arith.index_cast %swap3A_633 : i32 to index
      %swap3A_635 = arith.constant 48 : index
      %swap3A_636 = tpu.vector_load %arg7[%swap3A_634, %swap3A_635] {strides = array<i32>} : memref<4x64xi32, #tpu.memory_space<vmem>>, vector<1x16xi32>,
      %swap3A_637 = vector.shape_cast %swap3A_636 : vector<1x16xi32> to vector<16xi32>
      %swap3A_638 = vector.shape_cast %and3A_632 : vector<16xi32> to vector<1x16xi32>
      tpu.vector_store %arg7[%swap3A_634, %swap3A_635], %swap3A_638 {strides = array<i32>} : memref<4x64xi32, #tpu.memory_space<vmem>>, vector<1x16xi32>,
      %dma_start3A_639 = arith.constant 1 : i32
      %dma_start3A_640 = arith.constant 0 : i32
      %dma_start3A_641 = tpu.memref_slice %arg6[%dma_start3A_639, %dma_start3A_640] : memref<4x64xi32, #tpu.memory_space<vmem>> -> memref<1x64xi32, #tpu.memory_space<vmem>>
      %dma_start3A_642 = tpu.memref_squeeze %dma_start3A_641 : memref<1x64xi32, #tpu.memory_space<vmem>> -> memref<64xi32, #tpu.memory_space<vmem>>
      %dma_start3A_643 = arith.constant 0 : i32
      %dma_start3A_644 = arith.constant 0 : i32
      %dma_start3A_645 = tpu.memref_slice %arg16[%dma_start3A_643, %dma_start3A_644] : memref<10240x32xf32, #tpu.memory_space<vmem_shared>> -> memref<10240x32xf32, #tpu.memory_space<vmem_shared>>
      tpu.enqueue_indirect_dma source(%dma_start3A_645 : memref<10240x32xf32, #tpu.memory_space<vmem_shared>>) target(%arg9 : memref<64x32xf32, #tpu.memory_space<vmem>>) offsets(%dma_start3A_642 : memref<64xi32, #tpu.memory_space<vmem>>) semaphore(%arg13 : memref<!tpu.dma_semaphore, #tpu.memory_space<semaphore_mem>>)
      %mul3A_646 = arith.constant 4 : i32
      %mul3A_647 = arith.muli %scan3A_428, %mul3A_646 : i32
      %add3A_648 = arith.constant 2 : i32
      %add3A_649 = arith.addi %mul3A_647, %add3A_648 : i32
      %dma_wait3A_650 = arith.constant 2 : i32
      %dma_wait3A_651 = arith.constant 0 : i32
      %dma_wait3A_652 = tpu.memref_slice %arg6[%dma_wait3A_650, %dma_wait3A_651] : memref<4x64xi32, #tpu.memory_space<vmem>> -> memref<1x64xi32, #tpu.memory_space<vmem>>
      %dma_wait3A_653 = tpu.memref_squeeze %dma_wait3A_652 : memref<1x64xi32, #tpu.memory_space<vmem>> -> memref<64xi32, #tpu.memory_space<vmem>>
      %dma_wait3A_654 = arith.constant 0 : i32
      %dma_wait3A_655 = arith.constant 0 : i32
      %dma_wait3A_656 = tpu.memref_slice %arg16[%dma_wait3A_654, %dma_wait3A_655] : memref<10240x32xf32, #tpu.memory_space<vmem_shared>> -> memref<10240x32xf32, #tpu.memory_space<vmem_shared>>
      tpu.wait_indirect_dma semaphore(%arg14 : memref<!tpu.dma_semaphore, #tpu.memory_space<semaphore_mem>>) src(%dma_wait3A_656 : memref<10240x32xf32, #tpu.memory_space<vmem_shared>>) dst(%arg10 : memref<64x32xf32, #tpu.memory_space<vmem>>)
      %run_scoped3A_657 = arith.constant 2 : i32
      "tpu.region"() ({
        %run_scoped3A_864 = tpu.sem_alloc : memref<!tpu.dma_semaphore, #tpu.memory_space<semaphore_mem>>
        %dma_start3A_865 = arith.constant 0 : i32
        %dma_start3A_866 = tpu.memref_slice %arg7[%run_scoped3A_657, %dma_start3A_865] : memref<4x64xi32, #tpu.memory_space<vmem>> -> memref<1x64xi32, #tpu.memory_space<vmem>>
        %dma_start3A_867 = tpu.memref_squeeze %dma_start3A_866 : memref<1x64xi32, #tpu.memory_space<vmem>> -> memref<64xi32, #tpu.memory_space<vmem>>
        %dma_start3A_868 = arith.constant 0 : i32
        %dma_start3A_869 = arith.constant 0 : i32
        %dma_start3A_870 = tpu.memref_slice %arg17[%dma_start3A_868, %dma_start3A_869] : memref<10240x32xf32, #tpu.memory_space<vmem_shared>> -> memref<10240x32xf32, #tpu.memory_space<vmem_shared>>
        tpu.enqueue_indirect_dma source(%arg10 : memref<64x32xf32, #tpu.memory_space<vmem>>) target(%dma_start3A_870 : memref<10240x32xf32, #tpu.memory_space<vmem_shared>>) offsets(%dma_start3A_867 : memref<64xi32, #tpu.memory_space<vmem>>) semaphore(%run_scoped3A_864 : memref<!tpu.dma_semaphore, #tpu.memory_space<semaphore_mem>>) {add = true}
        %dma_wait3A_871 = arith.constant 0 : i32
        %dma_wait3A_872 = tpu.memref_slice %arg7[%run_scoped3A_657, %dma_wait3A_871] : memref<4x64xi32, #tpu.memory_space<vmem>> -> memref<1x64xi32, #tpu.memory_space<vmem>>
        %dma_wait3A_873 = tpu.memref_squeeze %dma_wait3A_872 : memref<1x64xi32, #tpu.memory_space<vmem>> -> memref<64xi32, #tpu.memory_space<vmem>>
        %dma_wait3A_874 = arith.constant 0 : i32
        %dma_wait3A_875 = arith.constant 0 : i32
        %dma_wait3A_876 = tpu.memref_slice %arg17[%dma_wait3A_874, %dma_wait3A_875] : memref<10240x32xf32, #tpu.memory_space<vmem_shared>> -> memref<10240x32xf32, #tpu.memory_space<vmem_shared>>
        tpu.wait_indirect_dma semaphore(%run_scoped3A_864 : memref<!tpu.dma_semaphore, #tpu.memory_space<semaphore_mem>>) src(%arg10 : memref<64x32xf32, #tpu.memory_space<vmem>>) dst(%dma_wait3A_876 : memref<10240x32xf32, #tpu.memory_space<vmem_shared>>)
        tpu.yield
      }) : () -> ()
      %add3A_658 = arith.constant 4 : i32
      %add3A_659 = arith.addi %add3A_649, %add3A_658 : i32
      %get3A_660 = arith.index_cast %add3A_659 : i32 to index
      %get3A_661 = arith.constant 0 : index
      %get3A_662 = tpu.vector_load %arg5[%get3A_660, %get3A_661] {strides = array<i32>} : memref<320x64xi32, #tpu.memory_space<vmem>>, vector<1x16xi32>,
      %get3A_663 = vector.shape_cast %get3A_662 : vector<1x16xi32> to vector<16xi32>
      %shift_right_arithmetic3A_664 = arith.constant 14 : i32
      %shift_right_arithmetic3A_665 = vector.broadcast %shift_right_arithmetic3A_664 : i32 to vector<16xi32>
      %shift_right_arithmetic3A_666 = arith.shrsi %get3A_663, %shift_right_arithmetic3A_665 : vector<16xi32>
      %swap3A_667 = arith.constant 2 : i32
      %swap3A_668 = arith.index_cast %swap3A_667 : i32 to index
      %swap3A_669 = arith.constant 0 : index
      %swap3A_670 = tpu.vector_load %arg6[%swap3A_668, %swap3A_669] {strides = array<i32>} : memref<4x64xi32, #tpu.memory_space<vmem>>, vector<1x16xi32>,
      %swap3A_671 = vector.shape_cast %swap3A_670 : vector<1x16xi32> to vector<16xi32>
      %swap3A_672 = vector.shape_cast %shift_right_arithmetic3A_666 : vector<16xi32> to vector<1x16xi32>
      tpu.vector_store %arg6[%swap3A_668, %swap3A_669], %swap3A_672 {strides = array<i32>} : memref<4x64xi32, #tpu.memory_space<vmem>>, vector<1x16xi32>,
      %and3A_673 = arith.constant 16383 : i32
      %and3A_674 = vector.broadcast %and3A_673 : i32 to vector<16xi32>
      %and3A_675 = arith.andi %get3A_663, %and3A_674 : vector<16xi32>
      %swap3A_676 = arith.constant 2 : i32
      %swap3A_677 = arith.index_cast %swap3A_676 : i32 to index
      %swap3A_678 = arith.constant 0 : index
      %swap3A_679 = tpu.vector_load %arg7[%swap3A_677, %swap3A_678] {strides = array<i32>} : memref<4x64xi32, #tpu.memory_space<vmem>>, vector<1x16xi32>,
      %swap3A_680 = vector.shape_cast %swap3A_679 : vector<1x16xi32> to vector<16xi32>
      %swap3A_681 = vector.shape_cast %and3A_675 : vector<16xi32> to vector<1x16xi32>
      tpu.vector_store %arg7[%swap3A_677, %swap3A_678], %swap3A_681 {strides = array<i32>} : memref<4x64xi32, #tpu.memory_space<vmem>>, vector<1x16xi32>,
      %get3A_682 = arith.index_cast %add3A_659 : i32 to index
      %get3A_683 = arith.constant 16 : index
      %get3A_684 = tpu.vector_load %arg5[%get3A_682, %get3A_683] {strides = array<i32>} : memref<320x64xi32, #tpu.memory_space<vmem>>, vector<1x16xi32>,
      %get3A_685 = vector.shape_cast %get3A_684 : vector<1x16xi32> to vector<16xi32>
      %shift_right_arithmetic3A_686 = arith.constant 14 : i32
      %shift_right_arithmetic3A_687 = vector.broadcast %shift_right_arithmetic3A_686 : i32 to vector<16xi32>
      %shift_right_arithmetic3A_688 = arith.shrsi %get3A_685, %shift_right_arithmetic3A_687 : vector<16xi32>
      %swap3A_689 = arith.constant 2 : i32
      %swap3A_690 = arith.index_cast %swap3A_689 : i32 to index
      %swap3A_691 = arith.constant 16 : index
      %swap3A_692 = tpu.vector_load %arg6[%swap3A_690, %swap3A_691] {strides = array<i32>} : memref<4x64xi32, #tpu.memory_space<vmem>>, vector<1x16xi32>,
      %swap3A_693 = vector.shape_cast %swap3A_692 : vector<1x16xi32> to vector<16xi32>
      %swap3A_694 = vector.shape_cast %shift_right_arithmetic3A_688 : vector<16xi32> to vector<1x16xi32>
      tpu.vector_store %arg6[%swap3A_690, %swap3A_691], %swap3A_694 {strides = array<i32>} : memref<4x64xi32, #tpu.memory_space<vmem>>, vector<1x16xi32>,
      %and3A_695 = arith.constant 16383 : i32
      %and3A_696 = vector.broadcast %and3A_695 : i32 to vector<16xi32>
      %and3A_697 = arith.andi %get3A_685, %and3A_696 : vector<16xi32>
      %swap3A_698 = arith.constant 2 : i32
      %swap3A_699 = arith.index_cast %swap3A_698 : i32 to index
      %swap3A_700 = arith.constant 16 : index
      %swap3A_701 = tpu.vector_load %arg7[%swap3A_699, %swap3A_700] {strides = array<i32>} : memref<4x64xi32, #tpu.memory_space<vmem>>, vector<1x16xi32>,
      %swap3A_702 = vector.shape_cast %swap3A_701 : vector<1x16xi32> to vector<16xi32>
      %swap3A_703 = vector.shape_cast %and3A_697 : vector<16xi32> to vector<1x16xi32>
      tpu.vector_store %arg7[%swap3A_699, %swap3A_700], %swap3A_703 {strides = array<i32>} : memref<4x64xi32, #tpu.memory_space<vmem>>, vector<1x16xi32>,
      %get3A_704 = arith.index_cast %add3A_659 : i32 to index
      %get3A_705 = arith.constant 32 : index
      %get3A_706 = tpu.vector_load %arg5[%get3A_704, %get3A_705] {strides = array<i32>} : memref<320x64xi32, #tpu.memory_space<vmem>>, vector<1x16xi32>,
      %get3A_707 = vector.shape_cast %get3A_706 : vector<1x16xi32> to vector<16xi32>
      %shift_right_arithmetic3A_708 = arith.constant 14 : i32
      %shift_right_arithmetic3A_709 = vector.broadcast %shift_right_arithmetic3A_708 : i32 to vector<16xi32>
      %shift_right_arithmetic3A_710 = arith.shrsi %get3A_707, %shift_right_arithmetic3A_709 : vector<16xi32>
      %swap3A_711 = arith.constant 2 : i32
      %swap3A_712 = arith.index_cast %swap3A_711 : i32 to index
      %swap3A_713 = arith.constant 32 : index
      %swap3A_714 = tpu.vector_load %arg6[%swap3A_712, %swap3A_713] {strides = array<i32>} : memref<4x64xi32, #tpu.memory_space<vmem>>, vector<1x16xi32>,
      %swap3A_715 = vector.shape_cast %swap3A_714 : vector<1x16xi32> to vector<16xi32>
      %swap3A_716 = vector.shape_cast %shift_right_arithmetic3A_710 : vector<16xi32> to vector<1x16xi32>
      tpu.vector_store %arg6[%swap3A_712, %swap3A_713], %swap3A_716 {strides = array<i32>} : memref<4x64xi32, #tpu.memory_space<vmem>>, vector<1x16xi32>,
      %and3A_717 = arith.constant 16383 : i32
      %and3A_718 = vector.broadcast %and3A_717 : i32 to vector<16xi32>
      %and3A_719 = arith.andi %get3A_707, %and3A_718 : vector<16xi32>
      %swap3A_720 = arith.constant 2 : i32
      %swap3A_721 = arith.index_cast %swap3A_720 : i32 to index
      %swap3A_722 = arith.constant 32 : index
      %swap3A_723 = tpu.vector_load %arg7[%swap3A_721, %swap3A_722] {strides = array<i32>} : memref<4x64xi32, #tpu.memory_space<vmem>>, vector<1x16xi32>,
      %swap3A_724 = vector.shape_cast %swap3A_723 : vector<1x16xi32> to vector<16xi32>
      %swap3A_725 = vector.shape_cast %and3A_719 : vector<16xi32> to vector<1x16xi32>
      tpu.vector_store %arg7[%swap3A_721, %swap3A_722], %swap3A_725 {strides = array<i32>} : memref<4x64xi32, #tpu.memory_space<vmem>>, vector<1x16xi32>,
      %get3A_726 = arith.index_cast %add3A_659 : i32 to index
      %get3A_727 = arith.constant 48 : index
      %get3A_728 = tpu.vector_load %arg5[%get3A_726, %get3A_727] {strides = array<i32>} : memref<320x64xi32, #tpu.memory_space<vmem>>, vector<1x16xi32>,
      %get3A_729 = vector.shape_cast %get3A_728 : vector<1x16xi32> to vector<16xi32>
      %shift_right_arithmetic3A_730 = arith.constant 14 : i32
      %shift_right_arithmetic3A_731 = vector.broadcast %shift_right_arithmetic3A_730 : i32 to vector<16xi32>
      %shift_right_arithmetic3A_732 = arith.shrsi %get3A_729, %shift_right_arithmetic3A_731 : vector<16xi32>
      %swap3A_733 = arith.constant 2 : i32
      %swap3A_734 = arith.index_cast %swap3A_733 : i32 to index
      %swap3A_735 = arith.constant 48 : index
      %swap3A_736 = tpu.vector_load %arg6[%swap3A_734, %swap3A_735] {strides = array<i32>} : memref<4x64xi32, #tpu.memory_space<vmem>>, vector<1x16xi32>,
      %swap3A_737 = vector.shape_cast %swap3A_736 : vector<1x16xi32> to vector<16xi32>
      %swap3A_738 = vector.shape_cast %shift_right_arithmetic3A_732 : vector<16xi32> to vector<1x16xi32>
      tpu.vector_store %arg6[%swap3A_734, %swap3A_735], %swap3A_738 {strides = array<i32>} : memref<4x64xi32, #tpu.memory_space<vmem>>, vector<1x16xi32>,
      %and3A_739 = arith.constant 16383 : i32
      %and3A_740 = vector.broadcast %and3A_739 : i32 to vector<16xi32>
      %and3A_741 = arith.andi %get3A_729, %and3A_740 : vector<16xi32>
      %swap3A_742 = arith.constant 2 : i32
      %swap3A_743 = arith.index_cast %swap3A_742 : i32 to index
      %swap3A_744 = arith.constant 48 : index
      %swap3A_745 = tpu.vector_load %arg7[%swap3A_743, %swap3A_744] {strides = array<i32>} : memref<4x64xi32, #tpu.memory_space<vmem>>, vector<1x16xi32>,
      %swap3A_746 = vector.shape_cast %swap3A_745 : vector<1x16xi32> to vector<16xi32>
      %swap3A_747 = vector.shape_cast %and3A_741 : vector<16xi32> to vector<1x16xi32>
      tpu.vector_store %arg7[%swap3A_743, %swap3A_744], %swap3A_747 {strides = array<i32>} : memref<4x64xi32, #tpu.memory_space<vmem>>, vector<1x16xi32>,
      %dma_start3A_748 = arith.constant 2 : i32
      %dma_start3A_749 = arith.constant 0 : i32
      %dma_start3A_750 = tpu.memref_slice %arg6[%dma_start3A_748, %dma_start3A_749] : memref<4x64xi32, #tpu.memory_space<vmem>> -> memref<1x64xi32, #tpu.memory_space<vmem>>
      %dma_start3A_751 = tpu.memref_squeeze %dma_start3A_750 : memref<1x64xi32, #tpu.memory_space<vmem>> -> memref<64xi32, #tpu.memory_space<vmem>>
      %dma_start3A_752 = arith.constant 0 : i32
      %dma_start3A_753 = arith.constant 0 : i32
      %dma_start3A_754 = tpu.memref_slice %arg16[%dma_start3A_752, %dma_start3A_753] : memref<10240x32xf32, #tpu.memory_space<vmem_shared>> -> memref<10240x32xf32, #tpu.memory_space<vmem_shared>>
      tpu.enqueue_indirect_dma source(%dma_start3A_754 : memref<10240x32xf32, #tpu.memory_space<vmem_shared>>) target(%arg10 : memref<64x32xf32, #tpu.memory_space<vmem>>) offsets(%dma_start3A_751 : memref<64xi32, #tpu.memory_space<vmem>>) semaphore(%arg14 : memref<!tpu.dma_semaphore, #tpu.memory_space<semaphore_mem>>)
      %mul3A_755 = arith.constant 4 : i32
      %mul3A_756 = arith.muli %scan3A_428, %mul3A_755 : i32
      %add3A_757 = arith.constant 3 : i32
      %add3A_758 = arith.addi %mul3A_756, %add3A_757 : i32
      %dma_wait3A_759 = arith.constant 3 : i32
      %dma_wait3A_760 = arith.constant 0 : i32
      %dma_wait3A_761 = tpu.memref_slice %arg6[%dma_wait3A_759, %dma_wait3A_760] : memref<4x64xi32, #tpu.memory_space<vmem>> -> memref<1x64xi32, #tpu.memory_space<vmem>>
      %dma_wait3A_762 = tpu.memref_squeeze %dma_wait3A_761 : memref<1x64xi32, #tpu.memory_space<vmem>> -> memref<64xi32, #tpu.memory_space<vmem>>
      %dma_wait3A_763 = arith.constant 0 : i32
      %dma_wait3A_764 = arith.constant 0 : i32
      %dma_wait3A_765 = tpu.memref_slice %arg16[%dma_wait3A_763, %dma_wait3A_764] : memref<10240x32xf32, #tpu.memory_space<vmem_shared>> -> memref<10240x32xf32, #tpu.memory_space<vmem_shared>>
      tpu.wait_indirect_dma semaphore(%arg15 : memref<!tpu.dma_semaphore, #tpu.memory_space<semaphore_mem>>) src(%dma_wait3A_765 : memref<10240x32xf32, #tpu.memory_space<vmem_shared>>) dst(%arg11 : memref<64x32xf32, #tpu.memory_space<vmem>>)
      %run_scoped3A_766 = arith.constant 3 : i32
      "tpu.region"() ({
        %run_scoped3A_864 = tpu.sem_alloc : memref<!tpu.dma_semaphore, #tpu.memory_space<semaphore_mem>>
        %dma_start3A_865 = arith.constant 0 : i32
        %dma_start3A_866 = tpu.memref_slice %arg7[%run_scoped3A_766, %dma_start3A_865] : memref<4x64xi32, #tpu.memory_space<vmem>> -> memref<1x64xi32, #tpu.memory_space<vmem>>
        %dma_start3A_867 = tpu.memref_squeeze %dma_start3A_866 : memref<1x64xi32, #tpu.memory_space<vmem>> -> memref<64xi32, #tpu.memory_space<vmem>>
        %dma_start3A_868 = arith.constant 0 : i32
        %dma_start3A_869 = arith.constant 0 : i32
        %dma_start3A_870 = tpu.memref_slice %arg17[%dma_start3A_868, %dma_start3A_869] : memref<10240x32xf32, #tpu.memory_space<vmem_shared>> -> memref<10240x32xf32, #tpu.memory_space<vmem_shared>>
        tpu.enqueue_indirect_dma source(%arg11 : memref<64x32xf32, #tpu.memory_space<vmem>>) target(%dma_start3A_870 : memref<10240x32xf32, #tpu.memory_space<vmem_shared>>) offsets(%dma_start3A_867 : memref<64xi32, #tpu.memory_space<vmem>>) semaphore(%run_scoped3A_864 : memref<!tpu.dma_semaphore, #tpu.memory_space<semaphore_mem>>) {add = true}
        %dma_wait3A_871 = arith.constant 0 : i32
        %dma_wait3A_872 = tpu.memref_slice %arg7[%run_scoped3A_766, %dma_wait3A_871] : memref<4x64xi32, #tpu.memory_space<vmem>> -> memref<1x64xi32, #tpu.memory_space<vmem>>
        %dma_wait3A_873 = tpu.memref_squeeze %dma_wait3A_872 : memref<1x64xi32, #tpu.memory_space<vmem>> -> memref<64xi32, #tpu.memory_space<vmem>>
        %dma_wait3A_874 = arith.constant 0 : i32
        %dma_wait3A_875 = arith.constant 0 : i32
        %dma_wait3A_876 = tpu.memref_slice %arg17[%dma_wait3A_874, %dma_wait3A_875] : memref<10240x32xf32, #tpu.memory_space<vmem_shared>> -> memref<10240x32xf32, #tpu.memory_space<vmem_shared>>
        tpu.wait_indirect_dma semaphore(%run_scoped3A_864 : memref<!tpu.dma_semaphore, #tpu.memory_space<semaphore_mem>>) src(%arg11 : memref<64x32xf32, #tpu.memory_space<vmem>>) dst(%dma_wait3A_876 : memref<10240x32xf32, #tpu.memory_space<vmem_shared>>)
        tpu.yield
      }) : () -> ()
      %add3A_767 = arith.constant 4 : i32
      %add3A_768 = arith.addi %add3A_758, %add3A_767 : i32
      %get3A_769 = arith.index_cast %add3A_768 : i32 to index
      %get3A_770 = arith.constant 0 : index
      %get3A_771 = tpu.vector_load %arg5[%get3A_769, %get3A_770] {strides = array<i32>} : memref<320x64xi32, #tpu.memory_space<vmem>>, vector<1x16xi32>,
      %get3A_772 = vector.shape_cast %get3A_771 : vector<1x16xi32> to vector<16xi32>
      %shift_right_arithmetic3A_773 = arith.constant 14 : i32
      %shift_right_arithmetic3A_774 = vector.broadcast %shift_right_arithmetic3A_773 : i32 to vector<16xi32>
      %shift_right_arithmetic3A_775 = arith.shrsi %get3A_772, %shift_right_arithmetic3A_774 : vector<16xi32>
      %swap3A_776 = arith.constant 3 : i32
      %swap3A_777 = arith.index_cast %swap3A_776 : i32 to index
      %swap3A_778 = arith.constant 0 : index
      %swap3A_779 = tpu.vector_load %arg6[%swap3A_777, %swap3A_778] {strides = array<i32>} : memref<4x64xi32, #tpu.memory_space<vmem>>, vector<1x16xi32>,
      %swap3A_780 = vector.shape_cast %swap3A_779 : vector<1x16xi32> to vector<16xi32>
      %swap3A_781 = vector.shape_cast %shift_right_arithmetic3A_775 : vector<16xi32> to vector<1x16xi32>
      tpu.vector_store %arg6[%swap3A_777, %swap3A_778], %swap3A_781 {strides = array<i32>} : memref<4x64xi32, #tpu.memory_space<vmem>>, vector<1x16xi32>,
      %and3A_782 = arith.constant 16383 : i32
      %and3A_783 = vector.broadcast %and3A_782 : i32 to vector<16xi32>
      %and3A_784 = arith.andi %get3A_772, %and3A_783 : vector<16xi32>
      %swap3A_785 = arith.constant 3 : i32
      %swap3A_786 = arith.index_cast %swap3A_785 : i32 to index
      %swap3A_787 = arith.constant 0 : index
      %swap3A_788 = tpu.vector_load %arg7[%swap3A_786, %swap3A_787] {strides = array<i32>} : memref<4x64xi32, #tpu.memory_space<vmem>>, vector<1x16xi32>,
      %swap3A_789 = vector.shape_cast %swap3A_788 : vector<1x16xi32> to vector<16xi32>
      %swap3A_790 = vector.shape_cast %and3A_784 : vector<16xi32> to vector<1x16xi32>
      tpu.vector_store %arg7[%swap3A_786, %swap3A_787], %swap3A_790 {strides = array<i32>} : memref<4x64xi32, #tpu.memory_space<vmem>>, vector<1x16xi32>,
      %get3A_791 = arith.index_cast %add3A_768 : i32 to index
      %get3A_792 = arith.constant 16 : index
      %get3A_793 = tpu.vector_load %arg5[%get3A_791, %get3A_792] {strides = array<i32>} : memref<320x64xi32, #tpu.memory_space<vmem>>, vector<1x16xi32>,
      %get3A_794 = vector.shape_cast %get3A_793 : vector<1x16xi32> to vector<16xi32>
      %shift_right_arithmetic3A_795 = arith.constant 14 : i32
      %shift_right_arithmetic3A_796 = vector.broadcast %shift_right_arithmetic3A_795 : i32 to vector<16xi32>
      %shift_right_arithmetic3A_797 = arith.shrsi %get3A_794, %shift_right_arithmetic3A_796 : vector<16xi32>
      %swap3A_798 = arith.constant 3 : i32
      %swap3A_799 = arith.index_cast %swap3A_798 : i32 to index
      %swap3A_800 = arith.constant 16 : index
      %swap3A_801 = tpu.vector_load %arg6[%swap3A_799, %swap3A_800] {strides = array<i32>} : memref<4x64xi32, #tpu.memory_space<vmem>>, vector<1x16xi32>,
      %swap3A_802 = vector.shape_cast %swap3A_801 : vector<1x16xi32> to vector<16xi32>
      %swap3A_803 = vector.shape_cast %shift_right_arithmetic3A_797 : vector<16xi32> to vector<1x16xi32>
      tpu.vector_store %arg6[%swap3A_799, %swap3A_800], %swap3A_803 {strides = array<i32>} : memref<4x64xi32, #tpu.memory_space<vmem>>, vector<1x16xi32>,
      %and3A_804 = arith.constant 16383 : i32
      %and3A_805 = vector.broadcast %and3A_804 : i32 to vector<16xi32>
      %and3A_806 = arith.andi %get3A_794, %and3A_805 : vector<16xi32>
      %swap3A_807 = arith.constant 3 : i32
      %swap3A_808 = arith.index_cast %swap3A_807 : i32 to index
      %swap3A_809 = arith.constant 16 : index
      %swap3A_810 = tpu.vector_load %arg7[%swap3A_808, %swap3A_809] {strides = array<i32>} : memref<4x64xi32, #tpu.memory_space<vmem>>, vector<1x16xi32>,
      %swap3A_811 = vector.shape_cast %swap3A_810 : vector<1x16xi32> to vector<16xi32>
      %swap3A_812 = vector.shape_cast %and3A_806 : vector<16xi32> to vector<1x16xi32>
      tpu.vector_store %arg7[%swap3A_808, %swap3A_809], %swap3A_812 {strides = array<i32>} : memref<4x64xi32, #tpu.memory_space<vmem>>, vector<1x16xi32>,
      %get3A_813 = arith.index_cast %add3A_768 : i32 to index
      %get3A_814 = arith.constant 32 : index
      %get3A_815 = tpu.vector_load %arg5[%get3A_813, %get3A_814] {strides = array<i32>} : memref<320x64xi32, #tpu.memory_space<vmem>>, vector<1x16xi32>,
      %get3A_816 = vector.shape_cast %get3A_815 : vector<1x16xi32> to vector<16xi32>
      %shift_right_arithmetic3A_817 = arith.constant 14 : i32
      %shift_right_arithmetic3A_818 = vector.broadcast %shift_right_arithmetic3A_817 : i32 to vector<16xi32>
      %shift_right_arithmetic3A_819 = arith.shrsi %get3A_816, %shift_right_arithmetic3A_818 : vector<16xi32>
      %swap3A_820 = arith.constant 3 : i32
      %swap3A_821 = arith.index_cast %swap3A_820 : i32 to index
      %swap3A_822 = arith.constant 32 : index
      %swap3A_823 = tpu.vector_load %arg6[%swap3A_821, %swap3A_822] {strides = array<i32>} : memref<4x64xi32, #tpu.memory_space<vmem>>, vector<1x16xi32>,
      %swap3A_824 = vector.shape_cast %swap3A_823 : vector<1x16xi32> to vector<16xi32>
      %swap3A_825 = vector.shape_cast %shift_right_arithmetic3A_819 : vector<16xi32> to vector<1x16xi32>
      tpu.vector_store %arg6[%swap3A_821, %swap3A_822], %swap3A_825 {strides = array<i32>} : memref<4x64xi32, #tpu.memory_space<vmem>>, vector<1x16xi32>,
      %and3A_826 = arith.constant 16383 : i32
      %and3A_827 = vector.broadcast %and3A_826 : i32 to vector<16xi32>
      %and3A_828 = arith.andi %get3A_816, %and3A_827 : vector<16xi32>
      %swap3A_829 = arith.constant 3 : i32
      %swap3A_830 = arith.index_cast %swap3A_829 : i32 to index
      %swap3A_831 = arith.constant 32 : index
      %swap3A_832 = tpu.vector_load %arg7[%swap3A_830, %swap3A_831] {strides = array<i32>} : memref<4x64xi32, #tpu.memory_space<vmem>>, vector<1x16xi32>,
      %swap3A_833 = vector.shape_cast %swap3A_832 : vector<1x16xi32> to vector<16xi32>
      %swap3A_834 = vector.shape_cast %and3A_828 : vector<16xi32> to vector<1x16xi32>
      tpu.vector_store %arg7[%swap3A_830, %swap3A_831], %swap3A_834 {strides = array<i32>} : memref<4x64xi32, #tpu.memory_space<vmem>>, vector<1x16xi32>,
      %get3A_835 = arith.index_cast %add3A_768 : i32 to index
      %get3A_836 = arith.constant 48 : index
      %get3A_837 = tpu.vector_load %arg5[%get3A_835, %get3A_836] {strides = array<i32>} : memref<320x64xi32, #tpu.memory_space<vmem>>, vector<1x16xi32>,
      %get3A_838 = vector.shape_cast %get3A_837 : vector<1x16xi32> to vector<16xi32>
      %shift_right_arithmetic3A_839 = arith.constant 14 : i32
      %shift_right_arithmetic3A_840 = vector.broadcast %shift_right_arithmetic3A_839 : i32 to vector<16xi32>
      %shift_right_arithmetic3A_841 = arith.shrsi %get3A_838, %shift_right_arithmetic3A_840 : vector<16xi32>
      %swap3A_842 = arith.constant 3 : i32
      %swap3A_843 = arith.index_cast %swap3A_842 : i32 to index
      %swap3A_844 = arith.constant 48 : index
      %swap3A_845 = tpu.vector_load %arg6[%swap3A_843, %swap3A_844] {strides = array<i32>} : memref<4x64xi32, #tpu.memory_space<vmem>>, vector<1x16xi32>,
      %swap3A_846 = vector.shape_cast %swap3A_845 : vector<1x16xi32> to vector<16xi32>
      %swap3A_847 = vector.shape_cast %shift_right_arithmetic3A_841 : vector<16xi32> to vector<1x16xi32>
      tpu.vector_store %arg6[%swap3A_843, %swap3A_844], %swap3A_847 {strides = array<i32>} : memref<4x64xi32, #tpu.memory_space<vmem>>, vector<1x16xi32>,
      %and3A_848 = arith.constant 16383 : i32
      %and3A_849 = vector.broadcast %and3A_848 : i32 to vector<16xi32>
      %and3A_850 = arith.andi %get3A_838, %and3A_849 : vector<16xi32>
      %swap3A_851 = arith.constant 3 : i32
      %swap3A_852 = arith.index_cast %swap3A_851 : i32 to index
      %swap3A_853 = arith.constant 48 : index
      %swap3A_854 = tpu.vector_load %arg7[%swap3A_852, %swap3A_853] {strides = array<i32>} : memref<4x64xi32, #tpu.memory_space<vmem>>, vector<1x16xi32>,
      %swap3A_855 = vector.shape_cast %swap3A_854 : vector<1x16xi32> to vector<16xi32>
      %swap3A_856 = vector.shape_cast %and3A_850 : vector<16xi32> to vector<1x16xi32>
      tpu.vector_store %arg7[%swap3A_852, %swap3A_853], %swap3A_856 {strides = array<i32>} : memref<4x64xi32, #tpu.memory_space<vmem>>, vector<1x16xi32>,
      %dma_start3A_857 = arith.constant 3 : i32
      %dma_start3A_858 = arith.constant 0 : i32
      %dma_start3A_859 = tpu.memref_slice %arg6[%dma_start3A_857, %dma_start3A_858] : memref<4x64xi32, #tpu.memory_space<vmem>> -> memref<1x64xi32, #tpu.memory_space<vmem>>
      %dma_start3A_860 = tpu.memref_squeeze %dma_start3A_859 : memref<1x64xi32, #tpu.memory_space<vmem>> -> memref<64xi32, #tpu.memory_space<vmem>>
      %dma_start3A_861 = arith.constant 0 : i32
      %dma_start3A_862 = arith.constant 0 : i32
      %dma_start3A_863 = tpu.memref_slice %arg16[%dma_start3A_861, %dma_start3A_862] : memref<10240x32xf32, #tpu.memory_space<vmem_shared>> -> memref<10240x32xf32, #tpu.memory_space<vmem_shared>>
      tpu.enqueue_indirect_dma source(%dma_start3A_863 : memref<10240x32xf32, #tpu.memory_space<vmem_shared>>) target(%arg11 : memref<64x32xf32, #tpu.memory_space<vmem>>) offsets(%dma_start3A_860 : memref<64xi32, #tpu.memory_space<vmem>>) semaphore(%arg15 : memref<!tpu.dma_semaphore, #tpu.memory_space<semaphore_mem>>)
    }
    %scan3A_396 = arith.constant 79 : i32
    %dma_wait3A = arith.constant 0 : i32
    %dma_wait3A_397 = arith.constant 0 : i32
    %dma_wait3A_398 = tpu.memref_slice %arg6[%dma_wait3A, %dma_wait3A_397] : memref<4x64xi32, #tpu.memory_space<vmem>> -> memref<1x64xi32, #tpu.memory_space<vmem>>
    %dma_wait3A_399 = tpu.memref_squeeze %dma_wait3A_398 : memref<1x64xi32, #tpu.memory_space<vmem>> -> memref<64xi32, #tpu.memory_space<vmem>>
    %dma_wait3A_400 = arith.constant 0 : i32
    %dma_wait3A_401 = arith.constant 0 : i32
    %dma_wait3A_402 = tpu.memref_slice %arg16[%dma_wait3A_400, %dma_wait3A_401] : memref<10240x32xf32, #tpu.memory_space<vmem_shared>> -> memref<10240x32xf32, #tpu.memory_space<vmem_shared>>
    tpu.wait_indirect_dma semaphore(%arg12 : memref<!tpu.dma_semaphore, #tpu.memory_space<semaphore_mem>>) src(%dma_wait3A_402 : memref<10240x32xf32, #tpu.memory_space<vmem_shared>>) dst(%arg8 : memref<64x32xf32, #tpu.memory_space<vmem>>)
    %run_scoped3A = arith.constant 0 : i32
    "tpu.region"() ({
      %run_scoped3A_428 = tpu.sem_alloc : memref<!tpu.dma_semaphore, #tpu.memory_space<semaphore_mem>>
      %dma_start3A_429 = arith.constant 0 : i32
      %dma_start3A_430 = tpu.memref_slice %arg7[%run_scoped3A, %dma_start3A_429] : memref<4x64xi32, #tpu.memory_space<vmem>> -> memref<1x64xi32, #tpu.memory_space<vmem>>
      %dma_start3A_431 = tpu.memref_squeeze %dma_start3A_430 : memref<1x64xi32, #tpu.memory_space<vmem>> -> memref<64xi32, #tpu.memory_space<vmem>>
      %dma_start3A_432 = arith.constant 0 : i32
      %dma_start3A_433 = arith.constant 0 : i32
      %dma_start3A_434 = tpu.memref_slice %arg17[%dma_start3A_432, %dma_start3A_433] : memref<10240x32xf32, #tpu.memory_space<vmem_shared>> -> memref<10240x32xf32, #tpu.memory_space<vmem_shared>>
      tpu.enqueue_indirect_dma source(%arg8 : memref<64x32xf32, #tpu.memory_space<vmem>>) target(%dma_start3A_434 : memref<10240x32xf32, #tpu.memory_space<vmem_shared>>) offsets(%dma_start3A_431 : memref<64xi32, #tpu.memory_space<vmem>>) semaphore(%run_scoped3A_428 : memref<!tpu.dma_semaphore, #tpu.memory_space<semaphore_mem>>) {add = true}
      %dma_wait3A_435 = arith.constant 0 : i32
      %dma_wait3A_436 = tpu.memref_slice %arg7[%run_scoped3A, %dma_wait3A_435] : memref<4x64xi32, #tpu.memory_space<vmem>> -> memref<1x64xi32, #tpu.memory_space<vmem>>
      %dma_wait3A_437 = tpu.memref_squeeze %dma_wait3A_436 : memref<1x64xi32, #tpu.memory_space<vmem>> -> memref<64xi32, #tpu.memory_space<vmem>>
      %dma_wait3A_438 = arith.constant 0 : i32
      %dma_wait3A_439 = arith.constant 0 : i32
      %dma_wait3A_440 = tpu.memref_slice %arg17[%dma_wait3A_438, %dma_wait3A_439] : memref<10240x32xf32, #tpu.memory_space<vmem_shared>> -> memref<10240x32xf32, #tpu.memory_space<vmem_shared>>
      tpu.wait_indirect_dma semaphore(%run_scoped3A_428 : memref<!tpu.dma_semaphore, #tpu.memory_space<semaphore_mem>>) src(%arg8 : memref<64x32xf32, #tpu.memory_space<vmem>>) dst(%dma_wait3A_440 : memref<10240x32xf32, #tpu.memory_space<vmem_shared>>)
      tpu.yield
    }) : () -> ()
    %dma_wait3A_403 = arith.constant 1 : i32
    %dma_wait3A_404 = arith.constant 0 : i32
    %dma_wait3A_405 = tpu.memref_slice %arg6[%dma_wait3A_403, %dma_wait3A_404] : memref<4x64xi32, #tpu.memory_space<vmem>> -> memref<1x64xi32, #tpu.memory_space<vmem>>
    %dma_wait3A_406 = tpu.memref_squeeze %dma_wait3A_405 : memref<1x64xi32, #tpu.memory_space<vmem>> -> memref<64xi32, #tpu.memory_space<vmem>>
    %dma_wait3A_407 = arith.constant 0 : i32
    %dma_wait3A_408 = arith.constant 0 : i32
    %dma_wait3A_409 = tpu.memref_slice %arg16[%dma_wait3A_407, %dma_wait3A_408] : memref<10240x32xf32, #tpu.memory_space<vmem_shared>> -> memref<10240x32xf32, #tpu.memory_space<vmem_shared>>
    tpu.wait_indirect_dma semaphore(%arg13 : memref<!tpu.dma_semaphore, #tpu.memory_space<semaphore_mem>>) src(%dma_wait3A_409 : memref<10240x32xf32, #tpu.memory_space<vmem_shared>>) dst(%arg9 : memref<64x32xf32, #tpu.memory_space<vmem>>)
    %run_scoped3A_410 = arith.constant 1 : i32
    "tpu.region"() ({
      %run_scoped3A_428 = tpu.sem_alloc : memref<!tpu.dma_semaphore, #tpu.memory_space<semaphore_mem>>
      %dma_start3A_429 = arith.constant 0 : i32
      %dma_start3A_430 = tpu.memref_slice %arg7[%run_scoped3A_410, %dma_start3A_429] : memref<4x64xi32, #tpu.memory_space<vmem>> -> memref<1x64xi32, #tpu.memory_space<vmem>>
      %dma_start3A_431 = tpu.memref_squeeze %dma_start3A_430 : memref<1x64xi32, #tpu.memory_space<vmem>> -> memref<64xi32, #tpu.memory_space<vmem>>
      %dma_start3A_432 = arith.constant 0 : i32
      %dma_start3A_433 = arith.constant 0 : i32
      %dma_start3A_434 = tpu.memref_slice %arg17[%dma_start3A_432, %dma_start3A_433] : memref<10240x32xf32, #tpu.memory_space<vmem_shared>> -> memref<10240x32xf32, #tpu.memory_space<vmem_shared>>
      tpu.enqueue_indirect_dma source(%arg9 : memref<64x32xf32, #tpu.memory_space<vmem>>) target(%dma_start3A_434 : memref<10240x32xf32, #tpu.memory_space<vmem_shared>>) offsets(%dma_start3A_431 : memref<64xi32, #tpu.memory_space<vmem>>) semaphore(%run_scoped3A_428 : memref<!tpu.dma_semaphore, #tpu.memory_space<semaphore_mem>>) {add = true}
      %dma_wait3A_435 = arith.constant 0 : i32
      %dma_wait3A_436 = tpu.memref_slice %arg7[%run_scoped3A_410, %dma_wait3A_435] : memref<4x64xi32, #tpu.memory_space<vmem>> -> memref<1x64xi32, #tpu.memory_space<vmem>>
      %dma_wait3A_437 = tpu.memref_squeeze %dma_wait3A_436 : memref<1x64xi32, #tpu.memory_space<vmem>> -> memref<64xi32, #tpu.memory_space<vmem>>
      %dma_wait3A_438 = arith.constant 0 : i32
      %dma_wait3A_439 = arith.constant 0 : i32
      %dma_wait3A_440 = tpu.memref_slice %arg17[%dma_wait3A_438, %dma_wait3A_439] : memref<10240x32xf32, #tpu.memory_space<vmem_shared>> -> memref<10240x32xf32, #tpu.memory_space<vmem_shared>>
      tpu.wait_indirect_dma semaphore(%run_scoped3A_428 : memref<!tpu.dma_semaphore, #tpu.memory_space<semaphore_mem>>) src(%arg9 : memref<64x32xf32, #tpu.memory_space<vmem>>) dst(%dma_wait3A_440 : memref<10240x32xf32, #tpu.memory_space<vmem_shared>>)
      tpu.yield
    }) : () -> ()
    %dma_wait3A_411 = arith.constant 2 : i32
    %dma_wait3A_412 = arith.constant 0 : i32
    %dma_wait3A_413 = tpu.memref_slice %arg6[%dma_wait3A_411, %dma_wait3A_412] : memref<4x64xi32, #tpu.memory_space<vmem>> -> memref<1x64xi32, #tpu.memory_space<vmem>>
    %dma_wait3A_414 = tpu.memref_squeeze %dma_wait3A_413 : memref<1x64xi32, #tpu.memory_space<vmem>> -> memref<64xi32, #tpu.memory_space<vmem>>
    %dma_wait3A_415 = arith.constant 0 : i32
    %dma_wait3A_416 = arith.constant 0 : i32
    %dma_wait3A_417 = tpu.memref_slice %arg16[%dma_wait3A_415, %dma_wait3A_416] : memref<10240x32xf32, #tpu.memory_space<vmem_shared>> -> memref<10240x32xf32, #tpu.memory_space<vmem_shared>>
    tpu.wait_indirect_dma semaphore(%arg14 : memref<!tpu.dma_semaphore, #tpu.memory_space<semaphore_mem>>) src(%dma_wait3A_417 : memref<10240x32xf32, #tpu.memory_space<vmem_shared>>) dst(%arg10 : memref<64x32xf32, #tpu.memory_space<vmem>>)
    %run_scoped3A_418 = arith.constant 2 : i32
    "tpu.region"() ({
      %run_scoped3A_428 = tpu.sem_alloc : memref<!tpu.dma_semaphore, #tpu.memory_space<semaphore_mem>>
      %dma_start3A_429 = arith.constant 0 : i32
      %dma_start3A_430 = tpu.memref_slice %arg7[%run_scoped3A_418, %dma_start3A_429] : memref<4x64xi32, #tpu.memory_space<vmem>> -> memref<1x64xi32, #tpu.memory_space<vmem>>
      %dma_start3A_431 = tpu.memref_squeeze %dma_start3A_430 : memref<1x64xi32, #tpu.memory_space<vmem>> -> memref<64xi32, #tpu.memory_space<vmem>>
      %dma_start3A_432 = arith.constant 0 : i32
      %dma_start3A_433 = arith.constant 0 : i32
      %dma_start3A_434 = tpu.memref_slice %arg17[%dma_start3A_432, %dma_start3A_433] : memref<10240x32xf32, #tpu.memory_space<vmem_shared>> -> memref<10240x32xf32, #tpu.memory_space<vmem_shared>>
      tpu.enqueue_indirect_dma source(%arg10 : memref<64x32xf32, #tpu.memory_space<vmem>>) target(%dma_start3A_434 : memref<10240x32xf32, #tpu.memory_space<vmem_shared>>) offsets(%dma_start3A_431 : memref<64xi32, #tpu.memory_space<vmem>>) semaphore(%run_scoped3A_428 : memref<!tpu.dma_semaphore, #tpu.memory_space<semaphore_mem>>) {add = true}
      %dma_wait3A_435 = arith.constant 0 : i32
      %dma_wait3A_436 = tpu.memref_slice %arg7[%run_scoped3A_418, %dma_wait3A_435] : memref<4x64xi32, #tpu.memory_space<vmem>> -> memref<1x64xi32, #tpu.memory_space<vmem>>
      %dma_wait3A_437 = tpu.memref_squeeze %dma_wait3A_436 : memref<1x64xi32, #tpu.memory_space<vmem>> -> memref<64xi32, #tpu.memory_space<vmem>>
      %dma_wait3A_438 = arith.constant 0 : i32
      %dma_wait3A_439 = arith.constant 0 : i32
      %dma_wait3A_440 = tpu.memref_slice %arg17[%dma_wait3A_438, %dma_wait3A_439] : memref<10240x32xf32, #tpu.memory_space<vmem_shared>> -> memref<10240x32xf32, #tpu.memory_space<vmem_shared>>
      tpu.wait_indirect_dma semaphore(%run_scoped3A_428 : memref<!tpu.dma_semaphore, #tpu.memory_space<semaphore_mem>>) src(%arg10 : memref<64x32xf32, #tpu.memory_space<vmem>>) dst(%dma_wait3A_440 : memref<10240x32xf32, #tpu.memory_space<vmem_shared>>)
      tpu.yield
    }) : () -> ()
    %dma_wait3A_419 = arith.constant 3 : i32
    %dma_wait3A_420 = arith.constant 0 : i32
    %dma_wait3A_421 = tpu.memref_slice %arg6[%dma_wait3A_419, %dma_wait3A_420] : memref<4x64xi32, #tpu.memory_space<vmem>> -> memref<1x64xi32, #tpu.memory_space<vmem>>
    %dma_wait3A_422 = tpu.memref_squeeze %dma_wait3A_421 : memref<1x64xi32, #tpu.memory_space<vmem>> -> memref<64xi32, #tpu.memory_space<vmem>>
    %dma_wait3A_423 = arith.constant 0 : i32
    %dma_wait3A_424 = arith.constant 0 : i32
    %dma_wait3A_425 = tpu.memref_slice %arg16[%dma_wait3A_423, %dma_wait3A_424] : memref<10240x32xf32, #tpu.memory_space<vmem_shared>> -> memref<10240x32xf32, #tpu.memory_space<vmem_shared>>
    tpu.wait_indirect_dma semaphore(%arg15 : memref<!tpu.dma_semaphore, #tpu.memory_space<semaphore_mem>>) src(%dma_wait3A_425 : memref<10240x32xf32, #tpu.memory_space<vmem_shared>>) dst(%arg11 : memref<64x32xf32, #tpu.memory_space<vmem>>)
    %run_scoped3A_426 = arith.constant 3 : i32
    "tpu.region"() ({
      %run_scoped3A_428 = tpu.sem_alloc : memref<!tpu.dma_semaphore, #tpu.memory_space<semaphore_mem>>
      %dma_start3A_429 = arith.constant 0 : i32
      %dma_start3A_430 = tpu.memref_slice %arg7[%run_scoped3A_426, %dma_start3A_429] : memref<4x64xi32, #tpu.memory_space<vmem>> -> memref<1x64xi32, #tpu.memory_space<vmem>>
      %dma_start3A_431 = tpu.memref_squeeze %dma_start3A_430 : memref<1x64xi32, #tpu.memory_space<vmem>> -> memref<64xi32, #tpu.memory_space<vmem>>
      %dma_start3A_432 = arith.constant 0 : i32
      %dma_start3A_433 = arith.constant 0 : i32
      %dma_start3A_434 = tpu.memref_slice %arg17[%dma_start3A_432, %dma_start3A_433] : memref<10240x32xf32, #tpu.memory_space<vmem_shared>> -> memref<10240x32xf32, #tpu.memory_space<vmem_shared>>
      tpu.enqueue_indirect_dma source(%arg11 : memref<64x32xf32, #tpu.memory_space<vmem>>) target(%dma_start3A_434 : memref<10240x32xf32, #tpu.memory_space<vmem_shared>>) offsets(%dma_start3A_431 : memref<64xi32, #tpu.memory_space<vmem>>) semaphore(%run_scoped3A_428 : memref<!tpu.dma_semaphore, #tpu.memory_space<semaphore_mem>>) {add = true}
      %dma_wait3A_435 = arith.constant 0 : i32
      %dma_wait3A_436 = tpu.memref_slice %arg7[%run_scoped3A_426, %dma_wait3A_435] : memref<4x64xi32, #tpu.memory_space<vmem>> -> memref<1x64xi32, #tpu.memory_space<vmem>>
      %dma_wait3A_437 = tpu.memref_squeeze %dma_wait3A_436 : memref<1x64xi32, #tpu.memory_space<vmem>> -> memref<64xi32, #tpu.memory_space<vmem>>
      %dma_wait3A_438 = arith.constant 0 : i32
      %dma_wait3A_439 = arith.constant 0 : i32
      %dma_wait3A_440 = tpu.memref_slice %arg17[%dma_wait3A_438, %dma_wait3A_439] : memref<10240x32xf32, #tpu.memory_space<vmem_shared>> -> memref<10240x32xf32, #tpu.memory_space<vmem_shared>>
      tpu.wait_indirect_dma semaphore(%run_scoped3A_428 : memref<!tpu.dma_semaphore, #tpu.memory_space<semaphore_mem>>) src(%arg11 : memref<64x32xf32, #tpu.memory_space<vmem>>) dst(%dma_wait3A_440 : memref<10240x32xf32, #tpu.memory_space<vmem_shared>>)
      tpu.yield
    }) : () -> ()
    %barrier3A_427 = arith.constant 0 : index
    tpu.barrier barrier_id(%barrier3A_427)
    "tpu.region"() ({
      %run_scoped3A_428 = tpu.sem_alloc : memref<!tpu.dma_semaphore, #tpu.memory_space<semaphore_mem>>
      %dma_start3A_429 = arith.constant 0 : i32
      %dma_start3A_430 = arith.constant 0 : i32
      %dma_start3A_431 = tpu.memref_slice %arg4[%arg0, %dma_start3A_429, %dma_start3A_430] : memref<2x10240x32xf32, #tpu.memory_space<hbm>> -> memref<1x10240x32xf32, #tpu.memory_space<hbm>>
      %dma_start3A_432 = tpu.memref_squeeze %dma_start3A_431 : memref<1x10240x32xf32, #tpu.memory_space<hbm>> -> memref<10240x32xf32, #tpu.memory_space<hbm>>
      %dma_start3A_433 = arith.constant 0 : i32
      %dma_start3A_434 = tpu.memref_slice %dma_start3A_432[%mul3A_0, %dma_start3A_433] : memref<10240x32xf32, #tpu.memory_space<hbm>> -> memref<640x32xf32, #tpu.memory_space<hbm>>
      %dma_start3A_435 = arith.constant 0 : i32
      %dma_start3A_436 = tpu.memref_slice %arg17[%mul3A_0, %dma_start3A_435] : memref<10240x32xf32, #tpu.memory_space<vmem_shared>> -> memref<640x32xf32, #tpu.memory_space<vmem_shared>>
      tpu.enqueue_dma source(%dma_start3A_436 : memref<640x32xf32, #tpu.memory_space<vmem_shared>>) target(%dma_start3A_434 : memref<640x32xf32, #tpu.memory_space<hbm>>) target_semaphore(%run_scoped3A_428 : memref<!tpu.dma_semaphore, #tpu.memory_space<semaphore_mem>>)
      %dma_wait3A_437 = arith.constant 0 : i32
      %dma_wait3A_438 = arith.constant 0 : i32
      %dma_wait3A_439 = tpu.memref_slice %arg4[%arg0, %dma_wait3A_437, %dma_wait3A_438] : memref<2x10240x32xf32, #tpu.memory_space<hbm>> -> memref<1x10240x32xf32, #tpu.memory_space<hbm>>
      %dma_wait3A_440 = tpu.memref_squeeze %dma_wait3A_439 : memref<1x10240x32xf32, #tpu.memory_space<hbm>> -> memref<10240x32xf32, #tpu.memory_space<hbm>>
      %dma_wait3A_441 = arith.constant 0 : i32
      %dma_wait3A_442 = tpu.memref_slice %dma_wait3A_440[%mul3A_0, %dma_wait3A_441] : memref<10240x32xf32, #tpu.memory_space<hbm>> -> memref<640x32xf32, #tpu.memory_space<hbm>>
      %dma_wait3A_443 = arith.constant 0 : i32
      %dma_wait3A_444 = tpu.memref_slice %arg17[%mul3A_0, %dma_wait3A_443] : memref<10240x32xf32, #tpu.memory_space<vmem_shared>> -> memref<640x32xf32, #tpu.memory_space<vmem_shared>>
      tpu.wait_dma2 semaphore(%run_scoped3A_428 : memref<!tpu.dma_semaphore, #tpu.memory_space<semaphore_mem>>) src(%dma_wait3A_444 : memref<640x32xf32, #tpu.memory_space<vmem_shared>>) dst(%dma_wait3A_442 : memref<640x32xf32, #tpu.memory_space<hbm>>)
      tpu.yield
    }) : () -> ()
    return
  }
}

module attributes {stable_mosaic.version = 14 : i64} {
  func.func @_deg_mm_body(%arg0: i32, %arg1: memref<2x512x16xf32, #tpu.memory_space<vmem>>, %arg2: memref<512x128xf32, #tpu.memory_space<vmem>>, %arg3: memref<128x128xf32, #tpu.memory_space<vmem>>, %arg4: memref<2x512x64xf32, #tpu.memory_space<vmem>>, %arg5: memref<512x16xf32, #tpu.memory_space<vmem>>) attributes {dimension_semantics = [#tpu.dimension_semantics<arbitrary>], iteration_bounds = array<i64: 20>, scalar_prefetch = 0 : i64, scratch_operands = 0 : i64, tpu.core_type = #tpu.core_type<tc>, window_params = [{transform_indices = @transform_0, window_bounds = array<i64: 2, 512, 16>}, {transform_indices = @transform_1, window_bounds = array<i64: 512, 128>}, {pipeline_mode = #tpu.pipeline_mode<synchronous>, transform_indices = @transform_2, window_bounds = array<i64: 128, 128>}, {transform_indices = @transform_3, window_bounds = array<i64: 2, 512, 64>}, {transform_indices = @transform_4, window_bounds = array<i64: 512, 16>}]} {
    %get3A = arith.constant 0 : index
    %get3A_0 = arith.constant 0 : index
    %get3A_1 = arith.constant 0 : index
    %get3A_2 = vector.load %arg1[%get3A, %get3A_0, %get3A_1] : memref<2x512x16xf32, #tpu.memory_space<vmem>>, vector<1x512x16xf32>
    %get3A_3 = vector.shape_cast %get3A_2 : vector<1x512x16xf32> to vector<512x16xf32>
    %slice3A = vector.extract_strided_slice %get3A_3 {offsets = [0, 0], sizes = [512, 1], strides = [1, 1]} : vector<512x16xf32> to vector<512x1xf32>
    %get3A_4 = arith.constant 1 : index
    %get3A_5 = arith.constant 0 : index
    %get3A_6 = arith.constant 0 : index
    %get3A_7 = vector.load %arg1[%get3A_4, %get3A_5, %get3A_6] : memref<2x512x16xf32, #tpu.memory_space<vmem>>, vector<1x512x16xf32>
    %get3A_8 = vector.shape_cast %get3A_7 : vector<1x512x16xf32> to vector<512x16xf32>
    %slice3A_9 = vector.extract_strided_slice %get3A_8 {offsets = [0, 0], sizes = [512, 1], strides = [1, 1]} : vector<512x16xf32> to vector<512x1xf32>
    %add3A = arith.addf %slice3A, %slice3A_9 : vector<512x1xf32>
    %add3A_10 = arith.constant 1.000000e+00 : f32
    %add3A_11 = vector.broadcast %add3A_10 : f32 to vector<512x1xf32>
    %add3A_12 = arith.addf %add3A, %add3A_11 : vector<512x1xf32>
    %rsqrt3A = math.rsqrt %add3A_12 : vector<512x1xf32>
    %get3A_13 = arith.constant 0 : index
    %get3A_14 = arith.constant 0 : index
    %get3A_15 = vector.load %arg2[%get3A_13, %get3A_14] : memref<512x128xf32, #tpu.memory_space<vmem>>, vector<512x128xf32>
    %get3A_16 = arith.constant 0 : index
    %get3A_17 = arith.constant 0 : index
    %get3A_18 = vector.load %arg3[%get3A_16, %get3A_17] : memref<128x128xf32, #tpu.memory_space<vmem>>, vector<128x128xf32>
    %dot_general3A = arith.constant dense<0.000000e+00> : vector<512x128xf32>
    %dot_general3A_19 = tpu.matmul %get3A_15, %get3A_18, %dot_general3A {dimension_numbers = #tpu.dot_dimension_numbers<[1], [0], [0], [1], [0, 0, 1, 1], [], []>, transpose_lhs_hint = false} : vector<512x128xf32>, vector<128x128xf32>, vector<512x128xf32> -> vector<512x128xf32>
    %mul3A = vector.broadcast %rsqrt3A : vector<512x1xf32> to vector<512x128xf32>
    %mul3A_20 = arith.mulf %dot_general3A_19, %mul3A : vector<512x128xf32>
    %slice3A_21 = vector.extract_strided_slice %mul3A_20 {offsets = [0, 0], sizes = [512, 64], strides = [1, 1]} : vector<512x128xf32> to vector<512x64xf32>
    %swap3A = arith.constant 0 : index
    %swap3A_22 = arith.constant 0 : index
    %swap3A_23 = arith.constant 0 : index
    %swap3A_24 = vector.load %arg4[%swap3A, %swap3A_22, %swap3A_23] : memref<2x512x64xf32, #tpu.memory_space<vmem>>, vector<1x512x64xf32>
    %swap3A_25 = vector.shape_cast %swap3A_24 : vector<1x512x64xf32> to vector<512x64xf32>
    %swap3A_26 = vector.shape_cast %slice3A_21 : vector<512x64xf32> to vector<1x512x64xf32>
    tpu.vector_store %arg4[%swap3A, %swap3A_22, %swap3A_23], %swap3A_26 {strides = array<i32>} : memref<2x512x64xf32, #tpu.memory_space<vmem>>, vector<1x512x64xf32>,
    %slice3A_27 = vector.extract_strided_slice %mul3A_20 {offsets = [0, 64], sizes = [512, 64], strides = [1, 1]} : vector<512x128xf32> to vector<512x64xf32>
    %swap3A_28 = arith.constant 1 : index
    %swap3A_29 = arith.constant 0 : index
    %swap3A_30 = arith.constant 0 : index
    %swap3A_31 = vector.load %arg4[%swap3A_28, %swap3A_29, %swap3A_30] : memref<2x512x64xf32, #tpu.memory_space<vmem>>, vector<1x512x64xf32>
    %swap3A_32 = vector.shape_cast %swap3A_31 : vector<1x512x64xf32> to vector<512x64xf32>
    %swap3A_33 = vector.shape_cast %slice3A_27 : vector<512x64xf32> to vector<1x512x64xf32>
    tpu.vector_store %arg4[%swap3A_28, %swap3A_29, %swap3A_30], %swap3A_33 {strides = array<i32>} : memref<2x512x64xf32, #tpu.memory_space<vmem>>, vector<1x512x64xf32>,
    %broadcast_in_dim3A = vector.shape_cast %rsqrt3A : vector<512x1xf32> to vector<512x1xf32>
    %broadcast_in_dim3A_34 = vector.broadcast %broadcast_in_dim3A : vector<512x1xf32> to vector<512x16xf32>
    %swap3A_35 = arith.constant 0 : index
    %swap3A_36 = arith.constant 0 : index
    %swap3A_37 = vector.load %arg5[%swap3A_35, %swap3A_36] : memref<512x16xf32, #tpu.memory_space<vmem>>, vector<512x16xf32>
    tpu.vector_store %arg5[%swap3A_35, %swap3A_36], %broadcast_in_dim3A_34 {strides = array<i32>} : memref<512x16xf32, #tpu.memory_space<vmem>>, vector<512x16xf32>,
    return
  }
  func.func @transform_0(%arg0: i32) -> (i32, i32, i32) {
    %c0_i32 = arith.constant 0 : i32
    %c0_i32_0 = arith.constant 0 : i32
    %c0_i32_1 = arith.constant 0 : i32
    return %c0_i32, %arg0, %c0_i32_0 : i32, i32, i32
  }
  func.func @transform_1(%arg0: i32) -> (i32, i32) {
    %c0_i32 = arith.constant 0 : i32
    %c0_i32_0 = arith.constant 0 : i32
    return %arg0, %c0_i32 : i32, i32
  }
  func.func @transform_2(%arg0: i32) -> (i32, i32) {
    %c0_i32 = arith.constant 0 : i32
    %c0_i32_0 = arith.constant 0 : i32
    %c0_i32_1 = arith.constant 0 : i32
    return %c0_i32, %c0_i32_0 : i32, i32
  }
  func.func @transform_3(%arg0: i32) -> (i32, i32, i32) {
    %c0_i32 = arith.constant 0 : i32
    %c0_i32_0 = arith.constant 0 : i32
    %c0_i32_1 = arith.constant 0 : i32
    return %c0_i32, %arg0, %c0_i32_0 : i32, i32, i32
  }
  func.func @transform_4(%arg0: i32) -> (i32, i32) {
    %c0_i32 = arith.constant 0 : i32
    %c0_i32_0 = arith.constant 0 : i32
    return %arg0, %c0_i32 : i32, i32
  }
}

module attributes {stable_mosaic.version = 14 : i64} {
  func.func @_mid_body(%arg0: i32, %arg1: memref<2x512x64xf32, #tpu.memory_space<vmem>>, %arg2: memref<512x16xf32, #tpu.memory_space<vmem>>, %arg3: memref<1x128xf32, #tpu.memory_space<vmem>>, %arg4: memref<128x64xf32, #tpu.memory_space<vmem>>, %arg5: memref<2x512x32xf32, #tpu.memory_space<vmem>>) attributes {dimension_semantics = [#tpu.dimension_semantics<arbitrary>], iteration_bounds = array<i64: 20>, scalar_prefetch = 0 : i64, scratch_operands = 0 : i64, tpu.core_type = #tpu.core_type<tc>, window_params = [{transform_indices = @transform_0, window_bounds = array<i64: 2, 512, 64>}, {transform_indices = @transform_1, window_bounds = array<i64: 512, 16>}, {pipeline_mode = #tpu.pipeline_mode<synchronous>, transform_indices = @transform_2, window_bounds = array<i64: 1, 128>}, {pipeline_mode = #tpu.pipeline_mode<synchronous>, transform_indices = @transform_3, window_bounds = array<i64: 128, 64>}, {transform_indices = @transform_4, window_bounds = array<i64: 2, 512, 32>}]} {
    %get3A = arith.constant 0 : index
    %get3A_0 = arith.constant 0 : index
    %get3A_1 = vector.load %arg2[%get3A, %get3A_0] : memref<512x16xf32, #tpu.memory_space<vmem>>, vector<512x1xf32>
    %get3A_2 = arith.constant 0 : index
    %get3A_3 = arith.constant 0 : index
    %get3A_4 = arith.constant 0 : index
    %get3A_5 = vector.load %arg1[%get3A_2, %get3A_3, %get3A_4] : memref<2x512x64xf32, #tpu.memory_space<vmem>>, vector<1x512x64xf32>
    %get3A_6 = vector.shape_cast %get3A_5 : vector<1x512x64xf32> to vector<512x64xf32>
    %get3A_7 = arith.constant 1 : index
    %get3A_8 = arith.constant 0 : index
    %get3A_9 = arith.constant 0 : index
    %get3A_10 = vector.load %arg1[%get3A_7, %get3A_8, %get3A_9] : memref<2x512x64xf32, #tpu.memory_space<vmem>>, vector<1x512x64xf32>
    %get3A_11 = vector.shape_cast %get3A_10 : vector<1x512x64xf32> to vector<512x64xf32>
    %concatenate3A = tpu.concatenate %get3A_6, %get3A_11 in 1 : vector<512x64xf32>, vector<512x64xf32> -> vector<512x128xf32>
    %mul3A = vector.broadcast %get3A_1 : vector<512x1xf32> to vector<512x128xf32>
    %mul3A_12 = arith.mulf %concatenate3A, %mul3A : vector<512x128xf32>
    %get3A_13 = arith.constant 0 : index
    %get3A_14 = arith.constant 0 : index
    %get3A_15 = vector.load %arg3[%get3A_13, %get3A_14] : memref<1x128xf32, #tpu.memory_space<vmem>>, vector<1x128xf32>
    %add3A = vector.broadcast %get3A_15 : vector<1x128xf32> to vector<512x128xf32>
    %add3A_16 = arith.addf %mul3A_12, %add3A : vector<512x128xf32>
    %max3A = arith.constant 0.000000e+00 : f32
    %max3A_17 = vector.broadcast %max3A : f32 to vector<512x128xf32>
    %max3A_18 = arith.maximumf %add3A_16, %max3A_17 : vector<512x128xf32>
    %get3A_19 = arith.constant 0 : index
    %get3A_20 = arith.constant 0 : index
    %get3A_21 = vector.load %arg4[%get3A_19, %get3A_20] : memref<128x64xf32, #tpu.memory_space<vmem>>, vector<128x64xf32>
    %dot_general3A = arith.constant dense<0.000000e+00> : vector<512x64xf32>
    %dot_general3A_22 = tpu.matmul %max3A_18, %get3A_21, %dot_general3A {dimension_numbers = #tpu.dot_dimension_numbers<[1], [0], [0], [1], [0, 0, 1, 1], [], []>, transpose_lhs_hint = false} : vector<512x128xf32>, vector<128x64xf32>, vector<512x64xf32> -> vector<512x64xf32>
    %mul3A_23 = vector.broadcast %get3A_1 : vector<512x1xf32> to vector<512x64xf32>
    %mul3A_24 = arith.mulf %dot_general3A_22, %mul3A_23 : vector<512x64xf32>
    %slice3A = vector.extract_strided_slice %mul3A_24 {offsets = [0, 0], sizes = [512, 32], strides = [1, 1]} : vector<512x64xf32> to vector<512x32xf32>
    %swap3A = arith.constant 0 : index
    %swap3A_25 = arith.constant 0 : index
    %swap3A_26 = arith.constant 0 : index
    %swap3A_27 = vector.load %arg5[%swap3A, %swap3A_25, %swap3A_26] : memref<2x512x32xf32, #tpu.memory_space<vmem>>, vector<1x512x32xf32>
    %swap3A_28 = vector.shape_cast %swap3A_27 : vector<1x512x32xf32> to vector<512x32xf32>
    %swap3A_29 = vector.shape_cast %slice3A : vector<512x32xf32> to vector<1x512x32xf32>
    tpu.vector_store %arg5[%swap3A, %swap3A_25, %swap3A_26], %swap3A_29 {strides = array<i32>} : memref<2x512x32xf32, #tpu.memory_space<vmem>>, vector<1x512x32xf32>,
    %slice3A_30 = vector.extract_strided_slice %mul3A_24 {offsets = [0, 32], sizes = [512, 32], strides = [1, 1]} : vector<512x64xf32> to vector<512x32xf32>
    %swap3A_31 = arith.constant 1 : index
    %swap3A_32 = arith.constant 0 : index
    %swap3A_33 = arith.constant 0 : index
    %swap3A_34 = vector.load %arg5[%swap3A_31, %swap3A_32, %swap3A_33] : memref<2x512x32xf32, #tpu.memory_space<vmem>>, vector<1x512x32xf32>
    %swap3A_35 = vector.shape_cast %swap3A_34 : vector<1x512x32xf32> to vector<512x32xf32>
    %swap3A_36 = vector.shape_cast %slice3A_30 : vector<512x32xf32> to vector<1x512x32xf32>
    tpu.vector_store %arg5[%swap3A_31, %swap3A_32, %swap3A_33], %swap3A_36 {strides = array<i32>} : memref<2x512x32xf32, #tpu.memory_space<vmem>>, vector<1x512x32xf32>,
    return
  }
  func.func @transform_0(%arg0: i32) -> (i32, i32, i32) {
    %c0_i32 = arith.constant 0 : i32
    %c0_i32_0 = arith.constant 0 : i32
    %c0_i32_1 = arith.constant 0 : i32
    return %c0_i32, %arg0, %c0_i32_0 : i32, i32, i32
  }
  func.func @transform_1(%arg0: i32) -> (i32, i32) {
    %c0_i32 = arith.constant 0 : i32
    %c0_i32_0 = arith.constant 0 : i32
    return %arg0, %c0_i32 : i32, i32
  }
  func.func @transform_2(%arg0: i32) -> (i32, i32) {
    %c0_i32 = arith.constant 0 : i32
    %c0_i32_0 = arith.constant 0 : i32
    %c0_i32_1 = arith.constant 0 : i32
    return %c0_i32, %c0_i32_0 : i32, i32
  }
  func.func @transform_3(%arg0: i32) -> (i32, i32) {
    %c0_i32 = arith.constant 0 : i32
    %c0_i32_0 = arith.constant 0 : i32
    %c0_i32_1 = arith.constant 0 : i32
    return %c0_i32, %c0_i32_0 : i32, i32
  }
  func.func @transform_4(%arg0: i32) -> (i32, i32, i32) {
    %c0_i32 = arith.constant 0 : i32
    %c0_i32_0 = arith.constant 0 : i32
    %c0_i32_1 = arith.constant 0 : i32
    return %c0_i32, %arg0, %c0_i32_0 : i32, i32, i32
  }
}

module attributes {stable_mosaic.version = 14 : i64} {
  func.func @_final_body(%arg0: i32, %arg1: memref<2x400x32xf32, #tpu.memory_space<vmem>>, %arg2: memref<400x16xf32, #tpu.memory_space<vmem>>, %arg3: memref<1x64xf32, #tpu.memory_space<vmem>>, %arg4: memref<400x64xf32, #tpu.memory_space<vmem>>) attributes {dimension_semantics = [#tpu.dimension_semantics<arbitrary>], iteration_bounds = array<i64: 25>, scalar_prefetch = 0 : i64, scratch_operands = 0 : i64, tpu.core_type = #tpu.core_type<tc>, window_params = [{transform_indices = @transform_0, window_bounds = array<i64: 2, 400, 32>}, {transform_indices = @transform_1, window_bounds = array<i64: 400, 16>}, {pipeline_mode = #tpu.pipeline_mode<synchronous>, transform_indices = @transform_2, window_bounds = array<i64: 1, 64>}, {transform_indices = @transform_3, window_bounds = array<i64: 400, 64>}]} {
    %get3A = arith.constant 0 : index
    %get3A_0 = arith.constant 0 : index
    %get3A_1 = vector.load %arg2[%get3A, %get3A_0] : memref<400x16xf32, #tpu.memory_space<vmem>>, vector<400x1xf32>
    %get3A_2 = arith.constant 0 : index
    %get3A_3 = arith.constant 0 : index
    %get3A_4 = arith.constant 0 : index
    %get3A_5 = vector.load %arg1[%get3A_2, %get3A_3, %get3A_4] : memref<2x400x32xf32, #tpu.memory_space<vmem>>, vector<1x400x32xf32>
    %get3A_6 = vector.shape_cast %get3A_5 : vector<1x400x32xf32> to vector<400x32xf32>
    %get3A_7 = arith.constant 1 : index
    %get3A_8 = arith.constant 0 : index
    %get3A_9 = arith.constant 0 : index
    %get3A_10 = vector.load %arg1[%get3A_7, %get3A_8, %get3A_9] : memref<2x400x32xf32, #tpu.memory_space<vmem>>, vector<1x400x32xf32>
    %get3A_11 = vector.shape_cast %get3A_10 : vector<1x400x32xf32> to vector<400x32xf32>
    %concatenate3A = tpu.concatenate %get3A_6, %get3A_11 in 1 : vector<400x32xf32>, vector<400x32xf32> -> vector<400x64xf32>
    %mul3A = vector.broadcast %get3A_1 : vector<400x1xf32> to vector<400x64xf32>
    %mul3A_12 = arith.mulf %concatenate3A, %mul3A : vector<400x64xf32>
    %get3A_13 = arith.constant 0 : index
    %get3A_14 = arith.constant 0 : index
    %get3A_15 = vector.load %arg3[%get3A_13, %get3A_14] : memref<1x64xf32, #tpu.memory_space<vmem>>, vector<1x64xf32>
    %add3A = vector.broadcast %get3A_15 : vector<1x64xf32> to vector<400x64xf32>
    %add3A_16 = arith.addf %mul3A_12, %add3A : vector<400x64xf32>
    %swap3A = arith.constant 0 : index
    %swap3A_17 = arith.constant 0 : index
    %swap3A_18 = vector.load %arg4[%swap3A, %swap3A_17] : memref<400x64xf32, #tpu.memory_space<vmem>>, vector<400x64xf32>
    tpu.vector_store %arg4[%swap3A, %swap3A_17], %add3A_16 {strides = array<i32>} : memref<400x64xf32, #tpu.memory_space<vmem>>, vector<400x64xf32>,
    return
  }
  func.func @transform_0(%arg0: i32) -> (i32, i32, i32) {
    %c0_i32 = arith.constant 0 : i32
    %c0_i32_0 = arith.constant 0 : i32
    %c0_i32_1 = arith.constant 0 : i32
    return %c0_i32, %arg0, %c0_i32_0 : i32, i32, i32
  }
  func.func @transform_1(%arg0: i32) -> (i32, i32) {
    %c0_i32 = arith.constant 0 : i32
    %c0_i32_0 = arith.constant 0 : i32
    return %arg0, %c0_i32 : i32, i32
  }
  func.func @transform_2(%arg0: i32) -> (i32, i32) {
    %c0_i32 = arith.constant 0 : i32
    %c0_i32_0 = arith.constant 0 : i32
    %c0_i32_1 = arith.constant 0 : i32
    return %c0_i32, %c0_i32_0 : i32, i32
  }
  func.func @transform_3(%arg0: i32) -> (i32, i32) {
    %c0_i32 = arith.constant 0 : i32
    %c0_i32_0 = arith.constant 0 : i32
    return %arg0, %c0_i32 : i32, i32
  }
}

</mosaic_0001>

<sc_bundles>
// kernel: kernel.11.cloned.1.call-start
scs
__scs_entry_jumppad:
0x0: {  	(pc) =	sbr.rel $0x88, $3  }
0x1: {  	(tag) =	ssettag $0x0;
	lr =	simm.s32 $0x1  }
0x2: {  	[smem:$0x3F9B] =	sst lr;
	_ =	strace $0xD0000000  }
0x3: {  	_ = 	snop  }
0x4: {  	_ = 	snop  }
0x5: {  	_ = 	snop  }
0x6: {  	_ = 	snop  }
0x7: {  	_ = 	snop  }
__scs_overlays_trampoline_lowered:
0x8: {  	[smem:$0x3FAA] =	sst s0  }
0x9: {  	[smem:$0x3FAB] =	sst s1  }
0xa: {  	[smem:$0x3FAC] =	sst s2  }
0xb: {  	[smem:$0x3FAD] =	sst s3  }
0xc: {  	[smem:$0x3FAE] =	sst s4  }
0xd: {  	[smem:$0x3FAF] =	sst s5  }
0xe: {  	[smem:$0x3FB0] =	sst s6  }
0xf: {  	[smem:$0x3FB1] =	sst s7  }
0x10: {  	[smem:$0x3FB2] =	sst s8  }
0x11: {  	[smem:$0x3FB3] =	sst s9;
	s0 =	simm.s32 @!p0 $0x0  }
0x12: {  	s1 =	sld [smem:$0x3F99];
	s0 =	simm.s32 @p0 $0x1  }
0x13: {  	[smem:$0x3FB4] =	sst s0;
	s0 =	simm.s32 @!p1 $0x0  }
0x14: {  	s2 =	sld [smem:$0x3F98];
	s0 =	simm.s32 @p1 $0x1  }
0x15: {  	[smem:$0x3FB5] =	sst s0;
	s0 =	simm.s32 @!p2 $0x0  }
0x16: {  	s3 =	sld [smem:$0x3FDB];
	s0 =	simm.s32 @p2 $0x1  }
0x17: {  	s4 =	simm.s32 $0x1BF5;
	[smem:$0x3FB7] =	sst s0  }
0x18: {  	s0 =	sld [smem:$0x3F9A];
	_ =	swait.ge [sflag:s4], $0x0  }
0x19: {  	s7 =	sld [smem:$0x3F9B]  }
0x1a: {  	s8 =	sadd.s32 $0xFFFFE003, lr  }
0x1b: {  	s9 =	sadd.s32 $0xFFFFFEF7, lr;
	s5 =	simm.s32 $0xFFFFFFFF;
	p2 =	slt.u32 s8, $0xFFFFF086  }
0x1c: {  	p1 =	slt.u32 s9, $0xF7A;
	s5 =	simm.s32 @!p2 $0x0  }
0x1d: {  	s5 =	simm.s32 @p1 $0x1;
	p0 =	seq.s32 s7, s2  }
0x1e: {  	s7 =	smul.u32 @!p0 $0xF7A, s2;
	p2 =	seq.s32 @!p0 s5, $0x0  }
0x1f: {  	s9 =	smul.u32 $0xF7A, s1;
	s8 =	simm.s32 @!p0 $0x1BF5;
	p2 =	por !p2, p0  }
0x20: {  	[sflag:s8] =	ssyncset.s32 @!p0 $0xFFFFF086;
	s6 =	sadd.s32 @!p0 s3, s7;
	s7 =	simm.s32 @!p0 $0x108  }
0x21: {  	s3 =	sadd.s32 s3, s9;
	s6 =	sadd.s32 @!p0 $0x88, s6;
	s7 =	simm.s32 @p2 $0x1082  }
0x22: {  	[simem:s7], [sflag:s8] =	dma.local @!p0 [hbm:s6], $0xF7A  }
0x23: {  	s9 =	sor.u32 $0xD0000000, s2;
	s6 =	simm.s32 $0x108;
	_ =	swait.ge @!p0 [sflag:s8], $0x0  }
0x24: {  	s3 =	sadd.s32 $0x88, s3;
	s6 =	simm.s32 @!p1 $0x1082;
	[sflag:s4] =	ssyncset.s32 $0xFFFFF086  }
0x25: {  	[simem:s6], [sflag:s4] =	dma.local [hbm:s3], $0xF7A  }
0x26: {  	[smem:$0x3F9B] =	sst s1;
	(tag) =	ssettag s2;
	_ =	strace s9  }
0x27: {  	s1 =	sld [smem:$0x3FAB]  }
0x28: {  	s2 =	sld [smem:$0x3FAC]  }
0x29: {  	s4 =	sld [smem:$0x3FAE]  }
0x2a: {  	p0 =	seq.s32 s5, $0x0;
	s5 =	sld [smem:$0x3FAF]  }
0x2b: {  	s6 =	sld [smem:$0x3FB0]  }
0x2c: {  	s7 =	sld [smem:$0x3FB1]  }
0x2d: {  	s3 =	simm.s32 $0x108;
	s8 =	sld [smem:$0x3FB2]  }
0x2e: {  	s3 =	simm.s32 @!p0 $0x1082;
	s9 =	sld [smem:$0x3FB3]  }
0x2f: {  	lr =	sadd.s32 s0, s3;
	s0 =	sld [smem:$0x3FAA]  }
0x30: {  	s3 =	sld [smem:$0x3FAD]  }
0x31: {  	[smem:$0x3FB6] =	sst s10  }
0x32: {  	s10 =	sld [smem:$0x3FB4];
	_ =	sdelay $0x3  }
0x33: {  	p0 =	seq.s32 s10, $0x1;
	s10 =	sld [smem:$0x3FB6];
	_ =	sdelay $0x3  }
0x34: {  	[smem:$0x3FB6] =	sst s10  }
0x35: {  	s10 =	sld [smem:$0x3FB5];
	_ =	sdelay $0x3  }
0x36: {  	p1 =	seq.s32 s10, $0x1;
	s10 =	sld [smem:$0x3FB6];
	_ =	sdelay $0x3  }
0x37: {  	[smem:$0x3FB6] =	sst s10  }
0x38: {  	s10 =	sld [smem:$0x3FB7]  }
0x39: {  	_ = 	snop;
	(pc) =	sbr.ind lr, $3  }
0x3a: {  	_ = 	snop  }
0x3b: {  	_ = 	snop  }
0x3c: {  	p2 =	seq.s32 s10, $0x1;
	s10 =	sld [smem:$0x3FB6]  }
0x3d: {  	_ =	shalt  }
0x3e: {  	_ =	shalt  }
0x3f: {  	_ =	shalt  }
0x40: {  	_ =	shalt  }
0x41: {  	_ =	shalt  }
0x42: {  	_ =	shalt  }
0x43: {  	_ =	shalt  }
0x44: {  	_ =	shalt  }
0x45: {  	_ =	shalt  }
0x46: {  	_ =	shalt  }
0x47: {  	_ =	shalt  }
0x48: {  	_ =	shalt  }
0x49: {  	_ =	shalt  }
0x4a: {  	_ =	shalt  }
0x4b: {  	_ =	shalt  }
0x4c: {  	_ =	shalt  }
0x4d: {  	_ =	shalt  }
0x4e: {  	_ =	shalt  }
0x4f: {  	_ =	shalt  }
0x50: {  	_ =	shalt  }
0x51: {  	_ =	shalt  }
0x52: {  	_ =	shalt  }
0x53: {  	_ =	shalt  }
0x54: {  	_ =	shalt  }
0x55: {  	_ =	shalt  }
0x56: {  	_ =	shalt  }
0x57: {  	_ =	shalt  }
0x58: {  	_ =	shalt  }
0x59: {  	_ =	shalt  }
0x5a: {  	_ =	shalt  }
0x5b: {  	_ =	shalt  }
0x5c: {  	_ =	shalt  }
0x5d: {  	_ =	shalt  }
0x5e: {  	_ =	shalt  }
0x5f: {  	_ =	shalt  }
0x60: {  	_ =	shalt  }
0x61: {  	_ =	shalt  }
0x62: {  	_ =	shalt  }
0x63: {  	_ =	shalt  }
0x64: {  	_ =	shalt  }
0x65: {  	_ =	shalt  }
0x66: {  	_ =	shalt  }
0x67: {  	_ =	shalt  }
0x68: {  	_ =	shalt  }
0x69: {  	_ =	shalt  }
0x6a: {  	_ =	shalt  }
0x6b: {  	_ =	shalt  }
0x6c: {  	_ =	shalt  }
0x6d: {  	_ =	shalt  }
0x6e: {  	_ =	shalt  }
0x6f: {  	_ =	shalt  }
0x70: {  	_ =	shalt  }
0x71: {  	_ =	shalt  }
0x72: {  	_ =	shalt  }
0x73: {  	_ =	shalt  }
0x74: {  	_ =	shalt  }
0x75: {  	_ =	shalt  }
0x76: {  	_ =	shalt  }
0x77: {  	_ =	shalt  }
0x78: {  	_ =	shalt  }
0x79: {  	_ =	shalt  }
0x7a: {  	_ =	shalt  }
0x7b: {  	_ =	shalt  }
0x7c: {  	_ =	shalt  }
0x7d: {  	_ =	shalt  }
0x7e: {  	_ =	shalt  }
0x7f: {  	_ =	shalt  }
0x80: {  	_ =	shalt  }
0x81: {  	_ =	shalt  }
0x82: {  	_ =	shalt  }
0x83: {  	_ =	shalt  }
0x84: {  	_ =	shalt  }
0x85: {  	_ =	shalt  }
0x86: {  	_ =	shalt  }
0x87: {  	_ =	shalt  }
.Lfunc_end0:
.L_simem_size_0:
called_computation.1_lowered:
.L_overlay_start_0:
0x88: {  	s2 =	sld [smem:$0x3FD9]  }
0x89: {  	s3 =	sld [smem:$0x3FFE];
	_ =	sdelay $0x1  }
0x8a: {  	s1 =	srdreg.scid  }
0x8b: {  	s0 =	sand.u32 $0x1, s1  }
0x8c: {  	s17 =	sshll.u32 s0, $0xA;
	s2 =	sadd.s32 s3, s2  }
0x8d: {  	s2 =	sadd.s32 s2, s17  }
0x8e: {  	[smem:$0x3FC2] =	sst s2  }
0x8f: {  	_ = 	snop  }
0x90: {  	s2 =	sld [smem:$0x3FD0];
	(tm) =	ssettm $0x1  }
0x91: {  	s18 =	sld [smem:$0x3FFB];
	_ =	sdelay $0x3  }
0x92: {  	_ =	strace s18  }
0x93: {  	s3 =	sld [smem:$0x3FFC];
	_ =	sdelay $0x3  }
0x94: {  	_ =	strace s3  }
0x95: {  	s3 =	sld [smem:$0x3FFD];
	_ =	sdelay $0x3  }
0x96: {  	_ =	strace s3  }
0x97: {  	_ =	strace $0x8FFFFFFF  }
0x98: {  	s19 =	sld [smem:$0x3FDB];
	_ =	sdelay $0x1  }
0x99: {  	s4 =	simm.s32 $_scs_section_size  }
0x9a: {  	s5 =	simm.s32 $_size__tile_overlayer_lowered;
	s6 =	simm.s32 $_tile_overlayer_lowered  }
0x9b: {  	s22 =	simm.s32 $0x1BFF;
	s21 =	sshll.u32 s6, $0x1;
	s3 =	sadd.s32 s4, s19  }
0x9c: {  	s7 =	simm.s32 $0x0;
	s20 =	sshll.u32 s5, $0x1;
	s5 =	sadd.s32 s21, s3  }
0x9d: {  	[timem:s7], [sflag:s22] =	dma.local [hbm:s5], s20  }
0x9e: {  	_ =	swait.ge [sflag:s22], s20  }
0x9f: {  	s4 =	ssub.s32 $0x0, s20;
	[sflag:s22] =	ssyncset.done $0x0  }
0xa0: {  	[sflag:s22] =	ssyncadd.s32 s4;
	_ =	sdelay $0x1  }
0xa1: {  	s23 =	simm.s32 $0x1B8B  }
0xa2: {  	_ =	swait.ge [sflag:s23], $0x1  }
0xa3: {  	[sflag:s23] =	ssyncset.done $0x0  }
0xa4: {  	s25 =	simm.s32 $0x1B8E;
	s24 =	sld [smem:$0x3FFE];
	[sflag:s23] =	ssyncadd.s32 $0xFFFFFFFF  }
0xa5: {  	s26 =	simm.s32 $execute0_lowered;
	[smem:$0x3FD2] =	sst s25  }
0xa6: {  	s5 =	sshll.u32 s26, $0x1;
	_ =	strace $0x80000049;
	[dreg:$0x1] =	wrdreg $0xFFFFFFFF  }
0xa7: {  	s28 =	simm.s32 $_size_execute0_lowered;
	s3 =	sadd.s32 s3, s5;
	[dreg:$0x0] =	wrdreg $0x0  }
0xa8: {  	s5 =	sshll.u32 s28, $0x1;
	[dreg:$0x2] =	wrdreg s3  }
0xa9: {  	[dreg:$0x3] =	wrdreg s5  }
0xaa: {  	[dreg:$0x4] =	wrdreg $0xC0  }
0xab: {  	_ =	task [dreg:s7], $0x5FFFF  }
0xac: {  	[dreg:$0x1] =	wrdreg $0xFFFFFFFF  }
0xad: {  	[dreg:$0x0] =	wrdreg $0x60  }
0xae: {  	[dreg:$0x2] =	wrdreg s24  }
0xaf: {  	[dreg:$0x3] =	wrdreg s2  }
0xb0: {  	[dreg:$0x4] =	wrdreg $0x92000  }
0xb1: {  	[dreg:$0x5] =	wrdreg $0x132000  }
0xb2: {  	[dreg:$0x6] =	wrdreg $0x9  }
0xb3: {  	_ =	task.clear_ibuf [dreg:s7], $0x7FFFF;
	_ =	strace $0x90000049  }
0xb4: {  	s29 =	simm.s32 $0x9;
	_ =	strace $0x8000004B  }
0xb5: {  	_ =	swait.ge [sflag:s29], $0x1  }
0xb6: {  	[sflag:s29] =	ssyncadd.s32 $0xFFFFFFFF  }
0xb7: {  	_ =	strace $0x9000004B  }
0xb8: {  	_ =	sfence  }
0xb9: {  	s30 =	sld [smem:$0x0];
	_ =	sdelay $0x2  }
0xba: {  	s31 =	sshll.u32 s1, $0xD;
	s1 =	sshrl.u32 s1, $0x2  }
0xbb: {  	s3 =	sand.u32 $0x4000, s31;
	s1 =	sadd.s32 s1, s30  }
0xbc: {  	s0 =	sor.u32 s3, s0;
	s1 =	sshll.u32 s1, $0x11  }
0xbd: {  	s0 =	sor.u32 s1, s0  }
0xbe: {  	s0 =	sadd.s32 $0x8F2B, s0  }
0xbf: {  	[sflag:s0] =	ssyncadd.remote.s32 $0x1  }
0xc0: {  	_ =	sfence.sel $0xFFFF  }
0xc1: {  	[dreg:$0x0] =	wrdreg $0xFFFFFFFF;
	(pc) =	sbr.abs _section_cstart, $3  }
0xc2: {  	[dreg:$0x1] =	wrdreg $0xFFFFFFFF  }
0xc3: {  	_ =	task.clear_ibuf [dreg:s7], $0x2FFFF;
	_ =	strace $0x9FFFFFFF  }
0xc4: {  	(tm) =	ssettm $0x7FFFFFFF  }
0xc5: {  	_ =	shalt  }
tec
execute0_lowered:
.L_overlay_start_1:
0x0: {  	(tag) =	ssettag $0x1  }
0x1: {  	s0 =	rddreg [dreg:$0x0]  }
0x2: {  	s3 =	rddreg [dreg:$0x1]  }
0x3: {  	s1 =	rddreg [dreg:$0x2]  }
0x4: {  	s2 =	rddreg [dreg:$0x3]  }
0x5: {  	s4 =	srdreg.scid;
	s7 =	simm.s32 $0x0;
	s21 =	stileid.u32  }
0x6: {  	s12 =	simm.s32 $0x40;
	s13 =	simm.s32 $0x5000;
	s14 =	simm.s32 $0x5200  }
0x7: {  	s15 =	simm.s32 $0x5040;
	s16 =	simm.s32 $0x6200;
	s17 =	simm.s32 $0x5080  }
0x8: {  	s18 =	simm.s32 $0x7200;
	s19 =	simm.s32 $0x50C0;
	s20 =	simm.s32 $0x8200  }
0x9: {  	s28 =	simm.s32 $0x5180;
	s29 =	simm.s32 $0x4;
	s30 =	simm.s32 $0x51C0  }
0xa: {  	s31 =	simm.s32 $0x0;
	s5 =	sand.u32 $0x1, s4;
	s22 =	smul.u32 $0xA000, s21  }
0xb: {  	[smem:$0x7FF] =	sst s7;
	s9 =	smul.u32 $0xA00, s21;
	s26 =	sshll.u32 s21, $0x6  }
0xc: {  	s21 =	simm.s32 $0x1;
	s6 =	smul.u32 $0x14000, s5;
	s5 =	ssub.s32 $0x2, s5  }
0xd: {  	_ =	strace $0x8000004A;
	s23 =	sshrl.u32 s5, $0x1;
	s24 =	sshrl.u32 s22, $0x3  }
0xe: {  	s10 =	sadd.s32 s22, s1;
	s11 =	sadd.s32 s22, s2;
	s7 =	sadd.s32 s3, s9  }
0xf: {  	s22 =	simm.s32 $0x5100;
	s0 =	sadd.s32 s6, s0;
	s8 =	ssub.s32 s5, s23  }
0x10: {  	s6 =	sor.u32 $0x1C05, s26;
	s9 =	sshrl.u32 s10, $0x3;
	s10 =	simm.s32 $0x5  }
0x11: {  	s11 =	sshrl.u32 s11, $0x3;
	s23 =	simm.s32 $0x2;
	s26 =	simm.s32 $0x3  }
0x12: {  	s25 =	sadd.s32 s24, s0;
	s0 =	sadd.s32 $0x29800, s0;
	s8 =	smax.u32 s8, $0x1  }
0x13: {  	s5 =	sadd.s32 $0x1800, s25;
	s24 =	sadd.s32 s24, s0;
	s25 =	simm.s32 $0x5140  }
.LBB2_1:
0x14: {  	[spmem:s9], [sflag:s6] =	dma.local [hbm:s5], $0x1400  }
0x15: {  	_ =	swait.ge [sflag:s10], $0x1400  }
0x16: {  	[sflag:s10] =	ssyncset.done $0x0  }
0x17: {  	[sflag:s10] =	ssyncadd.s32 $0xFFFFEC00  }
0x18: {  	[spmem:s11], [sflag:s6] =	dma.local [hbm:s5], $0x1400  }
0x19: {  	_ =	swait.ge [sflag:s10], $0x1400  }
0x1a: {  	[sflag:s10] =	ssyncset.done $0x0  }
0x1b: {  	s0 =	simm.s32 $0x0;
	[sflag:s10] =	ssyncadd.s32 $0xFFFFEC00  }
0x1c: {  	[tilespmem:s0], [sflag:$0x5] =	stream.linear.gather [hbm4b:s7+s0], $0x5000, $0x38;
	[tilespmem:$0x1D200] =	vst v63  }
0x1d: {  	_ =	swait.ge [sflag:s10], $0x5000  }
0x1e: {  	[sflag:s10] =	ssyncset.done $0x0  }
0x1f: {  	[sflag:s10] =	ssyncadd.s32 $0xFFFFB000  }
0x20: {  	[bflag:$0x0] =	sbarrier.arrive $0xFFFF  }
0x21: {  	v0 =	vld [tilespmem:$0x0];
	_ =	sdelay $0x1  }
0x22: {  	v1 =	vld [tilespmem:$0x10];
	_ =	sdelay $0x1  }
0x23: {  	v2 =	vld [tilespmem:$0x20]  }
0x24: {  	v3 =	vshra.s32 v0, $0xE  }
0x25: {  	v6 =	vld [tilespmem:$0x30];
	v0 =	vand.u32 $0x3FFF, v0;
	[tilespmem:$0x5000] =	vst v3  }
0x26: {  	v7 =	vshra.s32 v1, $0xE;
	[tilespmem:$0x5100] =	vst v0  }
0x27: {  	v8 =	vand.u32 $0x3FFF, v1;
	[tilespmem:$0x5010] =	vst v7  }
0x28: {  	v9 =	vshra.s32 v2, $0xE;
	[tilespmem:$0x5110] =	vst v8  }
0x29: {  	v10 =	vand.u32 $0x3FFF, v2;
	[tilespmem:$0x5020] =	vst v9  }
0x2a: {  	v11 =	vshra.s32 v6, $0xE;
	[tilespmem:$0x5120] =	vst v10  }
0x2b: {  	v12 =	vand.u32 $0x3FFF, v6;
	[tilespmem:$0x5030] =	vst v11  }
0x2c: {  	[tilespmem:$0x5130] =	vst v12  }
0x2d: {  	[tilespmem:s14], [sflag:$0x1] =	stream.indirect.gather [spmem:s1], $0x40, s13, s12, $0xb8;
	[tilespmem:$0x1D200] =	vst v63  }
0x2e: {  	v13 =	vld [tilespmem:$0x40];
	_ =	sdelay $0x1  }
0x2f: {  	v14 =	vld [tilespmem:$0x50];
	_ =	sdelay $0x1  }
0x30: {  	v15 =	vld [tilespmem:$0x60]  }
0x31: {  	v16 =	vshra.s32 v13, $0xE  }
0x32: {  	v17 =	vld [tilespmem:$0x70];
	v0 =	vand.u32 $0x3FFF, v13;
	[tilespmem:$0x5040] =	vst v16  }
0x33: {  	v18 =	vshra.s32 v14, $0xE;
	[tilespmem:$0x5140] =	vst v0  }
0x34: {  	v19 =	vand.u32 $0x3FFF, v14;
	[tilespmem:$0x5050] =	vst v18  }
0x35: {  	v20 =	vshra.s32 v15, $0xE;
	[tilespmem:$0x5150] =	vst v19  }
0x36: {  	v21 =	vand.u32 $0x3FFF, v15;
	[tilespmem:$0x5060] =	vst v20  }
0x37: {  	v22 =	vshra.s32 v17, $0xE;
	[tilespmem:$0x5160] =	vst v21  }
0x38: {  	v23 =	vand.u32 $0x3FFF, v17;
	[tilespmem:$0x5070] =	vst v22  }
0x39: {  	[tilespmem:$0x5170] =	vst v23  }
0x3a: {  	[tilespmem:s16], [sflag:$0x2] =	stream.indirect.gather [spmem:s1], $0x40, s15, s12, $0xb8;
	[tilespmem:$0x1D200] =	vst v63  }
0x3b: {  	v24 =	vld [tilespmem:$0x80];
	_ =	sdelay $0x1  }
0x3c: {  	v25 =	vld [tilespmem:$0x90];
	_ =	sdelay $0x1  }
0x3d: {  	v26 =	vld [tilespmem:$0xA0]  }
0x3e: {  	v27 =	vshra.s32 v24, $0xE  }
0x3f: {  	v28 =	vld [tilespmem:$0xB0];
	v0 =	vand.u32 $0x3FFF, v24;
	[tilespmem:$0x5080] =	vst v27  }
0x40: {  	v29 =	vshra.s32 v25, $0xE;
	[tilespmem:$0x5180] =	vst v0  }
0x41: {  	v30 =	vand.u32 $0x3FFF, v25;
	[tilespmem:$0x5090] =	vst v29  }
0x42: {  	v31 =	vshra.s32 v26, $0xE;
	[tilespmem:$0x5190] =	vst v30  }
0x43: {  	v32 =	vand.u32 $0x3FFF, v26;
	[tilespmem:$0x50A0] =	vst v31  }
0x44: {  	v33 =	vshra.s32 v28, $0xE;
	[tilespmem:$0x51A0] =	vst v32  }
0x45: {  	v34 =	vand.u32 $0x3FFF, v28;
	[tilespmem:$0x50B0] =	vst v33  }
0x46: {  	[tilespmem:$0x51B0] =	vst v34  }
0x47: {  	[tilespmem:s18], [sflag:$0x3] =	stream.indirect.gather [spmem:s1], $0x40, s17, s12, $0xb8;
	[tilespmem:$0x1D200] =	vst v63  }
0x48: {  	v35 =	vld [tilespmem:$0xC0];
	_ =	sdelay $0x1  }
0x49: {  	v36 =	vld [tilespmem:$0xD0];
	_ =	sdelay $0x1  }
0x4a: {  	v37 =	vld [tilespmem:$0xE0]  }
0x4b: {  	v38 =	vshra.s32 v35, $0xE  }
0x4c: {  	v39 =	vld [tilespmem:$0xF0];
	v0 =	vand.u32 $0x3FFF, v35;
	[tilespmem:$0x50C0] =	vst v38  }
0x4d: {  	v40 =	vshra.s32 v36, $0xE;
	[tilespmem:$0x51C0] =	vst v0  }
0x4e: {  	v41 =	vand.u32 $0x3FFF, v36;
	[tilespmem:$0x50D0] =	vst v40  }
0x4f: {  	v42 =	vshra.s32 v37, $0xE;
	[tilespmem:$0x51D0] =	vst v41  }
0x50: {  	v43 =	vand.u32 $0x3FFF, v37;
	[tilespmem:$0x50E0] =	vst v42  }
0x51: {  	v44 =	vshra.s32 v39, $0xE;
	[tilespmem:$0x51E0] =	vst v43  }
0x52: {  	v45 =	vand.u32 $0x3FFF, v39;
	[tilespmem:$0x50F0] =	vst v44  }
0x53: {  	[tilespmem:$0x51F0] =	vst v45  }
0x54: {  	[tilespmem:s20], [sflag:$0x4] =	stream.indirect.gather [spmem:s1], $0x40, s19, s12, $0xb8;
	[tilespmem:$0x1D200] =	vst v63  }
0x55: {  	_ =	swait.ge [sflag:s21], $0x1000  }
0x56: {  	[sflag:s21] =	ssyncset.done $0x0  }
0x57: {  	[sflag:s21] =	ssyncadd.s32 $0xFFFFF000  }
0x58: {  	[spmem:s2] =	stream.indirect.scatter.add.f32 [tilespmem:s14], [sflag:$0x5], $0x40, s22, s12, $0xb8;
	[tilespmem:$0x1D200] =	vst v63  }
0x59: {  	_ =	swait.ge [sflag:s10], $0x1000  }
0x5a: {  	[sflag:s10] =	ssyncset.done $0x0  }
0x5b: {  	s0 =	simm.s32 $0x1F0;
	[sflag:s10] =	ssyncadd.s32 $0xFFFFF000  }
0x5c: {  	v46 =	vld [tilespmem:s0+$0xFFFFFF10];
	_ =	sdelay $0x4  }
0x5d: {  	v47 =	vshra.s32 v46, $0xE  }
0x5e: {  	v0 =	vand.u32 $0x3FFF, v46;
	[tilespmem:$0x5000] =	vst v47  }
0x5f: {  	[tilespmem:$0x5100] =	vst v0  }
0x60: {  	v0 =	vld [tilespmem:s0+$0xFFFFFF20];
	_ =	sdelay $0x4  }
0x61: {  	v48 =	vshra.s32 v0, $0xE  }
0x62: {  	v0 =	vand.u32 $0x3FFF, v0;
	[tilespmem:$0x5010] =	vst v48  }
0x63: {  	[tilespmem:$0x5110] =	vst v0  }
0x64: {  	v0 =	vld [tilespmem:s0+$0xFFFFFF30];
	_ =	sdelay $0x4  }
0x65: {  	v49 =	vshra.s32 v0, $0xE  }
0x66: {  	v0 =	vand.u32 $0x3FFF, v0;
	[tilespmem:$0x5020] =	vst v49  }
0x67: {  	[tilespmem:$0x5120] =	vst v0  }
0x68: {  	v0 =	vld [tilespmem:s0+$0xFFFFFF40];
	_ =	sdelay $0x4  }
0x69: {  	v50 =	vshra.s32 v0, $0xE  }
0x6a: {  	v0 =	vand.u32 $0x3FFF, v0;
	[tilespmem:$0x5030] =	vst v50  }
0x6b: {  	[tilespmem:$0x5130] =	vst v0  }
0x6c: {  	[tilespmem:s14], [sflag:$0x1] =	stream.indirect.gather [spmem:s1], $0x40, s13, s12, $0xb8;
	[tilespmem:$0x1D200] =	vst v63  }
0x6d: {  	_ =	swait.ge [sflag:s23], $0x1000  }
0x6e: {  	[sflag:s23] =	ssyncset.done $0x0  }
0x6f: {  	[sflag:s23] =	ssyncadd.s32 $0xFFFFF000  }
0x70: {  	[spmem:s2] =	stream.indirect.scatter.add.f32 [tilespmem:s16], [sflag:$0x5], $0x40, s25, s12, $0xb8;
	[tilespmem:$0x1D200] =	vst v63  }
0x71: {  	_ =	swait.ge [sflag:s10], $0x1000  }
0x72: {  	[sflag:s10] =	ssyncset.done $0x0  }
0x73: {  	[sflag:s10] =	ssyncadd.s32 $0xFFFFF000  }
0x74: {  	v51 =	vld [tilespmem:s0+$0xFFFFFF50];
	_ =	sdelay $0x4  }
0x75: {  	v52 =	vshra.s32 v51, $0xE  }
0x76: {  	v0 =	vand.u32 $0x3FFF, v51;
	[tilespmem:$0x5040] =	vst v52  }
0x77: {  	[tilespmem:$0x5140] =	vst v0  }
0x78: {  	v0 =	vld [tilespmem:s0+$0xFFFFFF60];
	_ =	sdelay $0x4  }
0x79: {  	v53 =	vshra.s32 v0, $0xE  }
0x7a: {  	v0 =	vand.u32 $0x3FFF, v0;
	[tilespmem:$0x5050] =	vst v53  }
0x7b: {  	[tilespmem:$0x5150] =	vst v0  }
0x7c: {  	v0 =	vld [tilespmem:s0+$0xFFFFFF70];
	_ =	sdelay $0x4  }
0x7d: {  	v54 =	vshra.s32 v0, $0xE  }
0x7e: {  	v0 =	vand.u32 $0x3FFF, v0;
	[tilespmem:$0x5060] =	vst v54  }
0x7f: {  	[tilespmem:$0x5160] =	vst v0  }
0x80: {  	v0 =	vld [tilespmem:s0+$0xFFFFFF80];
	_ =	sdelay $0x4  }
0x81: {  	v55 =	vshra.s32 v0, $0xE  }
0x82: {  	v0 =	vand.u32 $0x3FFF, v0;
	[tilespmem:$0x5070] =	vst v55  }
0x83: {  	[tilespmem:$0x5170] =	vst v0  }
0x84: {  	[tilespmem:s16], [sflag:$0x2] =	stream.indirect.gather [spmem:s1], $0x40, s15, s12, $0xb8;
	[tilespmem:$0x1D200] =	vst v63  }
0x85: {  	_ =	swait.ge [sflag:s26], $0x1000  }
0x86: {  	[sflag:s26] =	ssyncset.done $0x0  }
0x87: {  	[sflag:s26] =	ssyncadd.s32 $0xFFFFF000  }
0x88: {  	[spmem:s2] =	stream.indirect.scatter.add.f32 [tilespmem:s18], [sflag:$0x5], $0x40, s28, s12, $0xb8;
	[tilespmem:$0x1D200] =	vst v63  }
0x89: {  	_ =	swait.ge [sflag:s10], $0x1000  }
0x8a: {  	[sflag:s10] =	ssyncset.done $0x0  }
0x8b: {  	[sflag:s10] =	ssyncadd.s32 $0xFFFFF000  }
0x8c: {  	v56 =	vld [tilespmem:s0+$0xFFFFFF90];
	_ =	sdelay $0x4  }
0x8d: {  	v57 =	vshra.s32 v56, $0xE  }
0x8e: {  	v0 =	vand.u32 $0x3FFF, v56;
	[tilespmem:$0x5080] =	vst v57  }
0x8f: {  	[tilespmem:$0x5180] =	vst v0  }
0x90: {  	v0 =	vld [tilespmem:s0+$0xFFFFFFA0];
	_ =	sdelay $0x4  }
0x91: {  	v58 =	vshra.s32 v0, $0xE  }
0x92: {  	v0 =	vand.u32 $0x3FFF, v0;
	[tilespmem:$0x5090] =	vst v58  }
0x93: {  	[tilespmem:$0x5190] =	vst v0  }
0x94: {  	v0 =	vld [tilespmem:s0+$0xFFFFFFB0];
	_ =	sdelay $0x4  }
0x95: {  	v59 =	vshra.s32 v0, $0xE  }
0x96: {  	v0 =	vand.u32 $0x3FFF, v0;
	[tilespmem:$0x50A0] =	vst v59  }
0x97: {  	[tilespmem:$0x51A0] =	vst v0  }
0x98: {  	v0 =	vld [tilespmem:s0+$0xFFFFFFC0];
	_ =	sdelay $0x4  }
0x99: {  	v60 =	vshra.s32 v0, $0xE  }
0x9a: {  	v0 =	vand.u32 $0x3FFF, v0;
	[tilespmem:$0x50B0] =	vst v60  }
0x9b: {  	[tilespmem:$0x51B0] =	vst v0  }
0x9c: {  	[tilespmem:s18], [sflag:$0x3] =	stream.indirect.gather [spmem:s1], $0x40, s17, s12, $0xb8;
	[tilespmem:$0x1D200] =	vst v63  }
0x9d: {  	_ =	swait.ge [sflag:s29], $0x1000  }
0x9e: {  	[sflag:s29] =	ssyncset.done $0x0  }
0x9f: {  	[sflag:s29] =	ssyncadd.s32 $0xFFFFF000  }
0xa0: {  	[spmem:s2] =	stream.indirect.scatter.add.f32 [tilespmem:s20], [sflag:$0x5], $0x40, s30, s12, $0xb8;
	[tilespmem:$0x1D200] =	vst v63  }
0xa1: {  	_ =	swait.ge [sflag:s10], $0x1000  }
0xa2: {  	[sflag:s10] =	ssyncset.done $0x0  }
0xa3: {  	[sflag:s10] =	ssyncadd.s32 $0xFFFFF000  }
0xa4: {  	v61 =	vld [tilespmem:s0+$0xFFFFFFD0];
	_ =	sdelay $0x4  }
0xa5: {  	v62 =	vshra.s32 v61, $0xE  }
0xa6: {  	v0 =	vand.u32 $0x3FFF, v61;
	[tilespmem:$0x50C0] =	vst v62  }
0xa7: {  	[tilespmem:$0x51C0] =	vst v0  }
0xa8: {  	v0 =	vld [tilespmem:s0+$0xFFFFFFE0];
	_ =	sdelay $0x4  }
0xa9: {  	v63 =	vshra.s32 v0, $0xE  }
0xaa: {  	v0 =	vand.u32 $0x3FFF, v0;
	[tilespmem:$0x50D0] =	vst v63  }
0xab: {  	s3 =	simm.s32 $0xBC0;
	[tilespmem:$0x51D0] =	vst v0  }
.LBB2_2:
0xac: {  	p0 =	sne.s32 s3, $0x13FC0;
	v0 =	vld [tilespmem:s0+$0xFFFFFFF0];
	s4 =	smov.u32 s3;
	s3 =	sadd.s32 $0x400, s3  }
0xad: {  	_ =	sdelay $0x3  }
0xae: {  	v1 =	vshra.s32 v0, $0xE;
	v0 =	vand.u32 $0x3FFF, v0  }
0xaf: {  	[tilespmem:$0x50E0] =	vst v1  }
0xb0: {  	[tilespmem:$0x51E0] =	vst v0  }
0xb1: {  	v0 =	vld [tilespmem:s0+$0x0];
	_ =	sdelay $0x4  }
0xb2: {  	v1 =	vshra.s32 v0, $0xE;
	v0 =	vand.u32 $0x3FFF, v0  }
0xb3: {  	[tilespmem:$0x50F0] =	vst v1  }
0xb4: {  	[tilespmem:$0x51F0] =	vst v0  }
0xb5: {  	[tilespmem:s20], [sflag:$0x4] =	stream.indirect.gather [spmem:s1], $0x40, s19, s12, $0xb8;
	[tilespmem:$0x1D200] =	vst v63  }
0xb6: {  	_ =	swait.ge [sflag:s21], $0x1000  }
0xb7: {  	[sflag:s21] =	ssyncset.done $0x0  }
0xb8: {  	[sflag:s21] =	ssyncadd.s32 $0xFFFFF000  }
0xb9: {  	[spmem:s2] =	stream.indirect.scatter.add.f32 [tilespmem:s14], [sflag:$0x5], $0x40, s22, s12, $0xb8;
	[tilespmem:$0x1D200] =	vst v63  }
0xba: {  	_ =	swait.ge [sflag:s10], $0x1000  }
0xbb: {  	[sflag:s10] =	ssyncset.done $0x0  }
0xbc: {  	s0 =	sshra.s32 s4, $0x2;
	[sflag:s10] =	ssyncadd.s32 $0xFFFFF000  }
0xbd: {  	v0 =	vld [tilespmem:s0+$0xFFFFFF10];
	_ =	sdelay $0x4  }
0xbe: {  	v1 =	vshra.s32 v0, $0xE;
	v0 =	vand.u32 $0x3FFF, v0  }
0xbf: {  	[tilespmem:$0x5000] =	vst v1  }
0xc0: {  	[tilespmem:$0x5100] =	vst v0  }
0xc1: {  	v0 =	vld [tilespmem:s0+$0xFFFFFF20];
	_ =	sdelay $0x4  }
0xc2: {  	v1 =	vshra.s32 v0, $0xE;
	v0 =	vand.u32 $0x3FFF, v0  }
0xc3: {  	[tilespmem:$0x5010] =	vst v1  }
0xc4: {  	[tilespmem:$0x5110] =	vst v0  }
0xc5: {  	v0 =	vld [tilespmem:s0+$0xFFFFFF30];
	_ =	sdelay $0x4  }
0xc6: {  	v1 =	vshra.s32 v0, $0xE;
	v0 =	vand.u32 $0x3FFF, v0  }
0xc7: {  	[tilespmem:$0x5020] =	vst v1  }
0xc8: {  	[tilespmem:$0x5120] =	vst v0  }
0xc9: {  	v0 =	vld [tilespmem:s0+$0xFFFFFF40];
	_ =	sdelay $0x4  }
0xca: {  	v1 =	vshra.s32 v0, $0xE;
	v0 =	vand.u32 $0x3FFF, v0  }
0xcb: {  	[tilespmem:$0x5030] =	vst v1  }
0xcc: {  	[tilespmem:$0x5130] =	vst v0  }
0xcd: {  	[tilespmem:s14], [sflag:$0x1] =	stream.indirect.gather [spmem:s1], $0x40, s13, s12, $0xb8;
	[tilespmem:$0x1D200] =	vst v63  }
0xce: {  	_ =	swait.ge [sflag:s23], $0x1000  }
0xcf: {  	[sflag:s23] =	ssyncset.done $0x0  }
0xd0: {  	[sflag:s23] =	ssyncadd.s32 $0xFFFFF000  }
0xd1: {  	[spmem:s2] =	stream.indirect.scatter.add.f32 [tilespmem:s16], [sflag:$0x5], $0x40, s25, s12, $0xb8;
	[tilespmem:$0x1D200] =	vst v63  }
0xd2: {  	_ =	swait.ge [sflag:s10], $0x1000  }
0xd3: {  	[sflag:s10] =	ssyncset.done $0x0  }
0xd4: {  	[sflag:s10] =	ssyncadd.s32 $0xFFFFF000  }
0xd5: {  	v0 =	vld [tilespmem:s0+$0xFFFFFF50];
	_ =	sdelay $0x4  }
0xd6: {  	v1 =	vshra.s32 v0, $0xE;
	v0 =	vand.u32 $0x3FFF, v0  }
0xd7: {  	[tilespmem:$0x5040] =	vst v1  }
0xd8: {  	[tilespmem:$0x5140] =	vst v0  }
0xd9: {  	v0 =	vld [tilespmem:s0+$0xFFFFFF60];
	_ =	sdelay $0x4  }
0xda: {  	v1 =	vshra.s32 v0, $0xE;
	v0 =	vand.u32 $0x3FFF, v0  }
0xdb: {  	[tilespmem:$0x5050] =	vst v1  }
0xdc: {  	[tilespmem:$0x5150] =	vst v0  }
0xdd: {  	v0 =	vld [tilespmem:s0+$0xFFFFFF70];
	_ =	sdelay $0x4  }
0xde: {  	v1 =	vshra.s32 v0, $0xE;
	v0 =	vand.u32 $0x3FFF, v0  }
0xdf: {  	[tilespmem:$0x5060] =	vst v1  }
0xe0: {  	[tilespmem:$0x5160] =	vst v0  }
0xe1: {  	v0 =	vld [tilespmem:s0+$0xFFFFFF80];
	_ =	sdelay $0x4  }
0xe2: {  	v1 =	vshra.s32 v0, $0xE;
	v0 =	vand.u32 $0x3FFF, v0  }
0xe3: {  	[tilespmem:$0x5070] =	vst v1  }
0xe4: {  	[tilespmem:$0x5170] =	vst v0  }
0xe5: {  	[tilespmem:s16], [sflag:$0x2] =	stream.indirect.gather [spmem:s1], $0x40, s15, s12, $0xb8;
	[tilespmem:$0x1D200] =	vst v63  }
0xe6: {  	_ =	swait.ge [sflag:s26], $0x1000  }
0xe7: {  	[sflag:s26] =	ssyncset.done $0x0  }
0xe8: {  	[sflag:s26] =	ssyncadd.s32 $0xFFFFF000  }
0xe9: {  	[spmem:s2] =	stream.indirect.scatter.add.f32 [tilespmem:s18], [sflag:$0x5], $0x40, s28, s12, $0xb8;
	[tilespmem:$0x1D200] =	vst v63  }
0xea: {  	_ =	swait.ge [sflag:s10], $0x1000  }
0xeb: {  	[sflag:s10] =	ssyncset.done $0x0  }
0xec: {  	[sflag:s10] =	ssyncadd.s32 $0xFFFFF000  }
0xed: {  	v0 =	vld [tilespmem:s0+$0xFFFFFF90];
	_ =	sdelay $0x4  }
0xee: {  	v1 =	vshra.s32 v0, $0xE;
	v0 =	vand.u32 $0x3FFF, v0  }
0xef: {  	[tilespmem:$0x5080] =	vst v1  }
0xf0: {  	[tilespmem:$0x5180] =	vst v0  }
0xf1: {  	v0 =	vld [tilespmem:s0+$0xFFFFFFA0];
	_ =	sdelay $0x4  }
0xf2: {  	v1 =	vshra.s32 v0, $0xE;
	v0 =	vand.u32 $0x3FFF, v0  }
0xf3: {  	[tilespmem:$0x5090] =	vst v1  }
0xf4: {  	[tilespmem:$0x5190] =	vst v0  }
0xf5: {  	v0 =	vld [tilespmem:s0+$0xFFFFFFB0];
	_ =	sdelay $0x4  }
0xf6: {  	v1 =	vshra.s32 v0, $0xE;
	v0 =	vand.u32 $0x3FFF, v0  }
0xf7: {  	[tilespmem:$0x50A0] =	vst v1  }
0xf8: {  	[tilespmem:$0x51A0] =	vst v0  }
0xf9: {  	v0 =	vld [tilespmem:s0+$0xFFFFFFC0];
	_ =	sdelay $0x4  }
0xfa: {  	v1 =	vshra.s32 v0, $0xE;
	v0 =	vand.u32 $0x3FFF, v0  }
0xfb: {  	[tilespmem:$0x50B0] =	vst v1  }
0xfc: {  	[tilespmem:$0x51B0] =	vst v0  }
0xfd: {  	[tilespmem:s18], [sflag:$0x3] =	stream.indirect.gather [spmem:s1], $0x40, s17, s12, $0xb8;
	[tilespmem:$0x1D200] =	vst v63  }
0xfe: {  	_ =	swait.ge [sflag:s29], $0x1000  }
0xff: {  	[sflag:s29] =	ssyncset.done $0x0  }
0x100: {  	[sflag:s29] =	ssyncadd.s32 $0xFFFFF000  }
0x101: {  	[spmem:s2] =	stream.indirect.scatter.add.f32 [tilespmem:s20], [sflag:$0x5], $0x40, s30, s12, $0xb8;
	[tilespmem:$0x1D200] =	vst v63  }
0x102: {  	_ =	swait.ge [sflag:s10], $0x1000  }
0x103: {  	[sflag:s10] =	ssyncset.done $0x0  }
0x104: {  	[sflag:s10] =	ssyncadd.s32 $0xFFFFF000  }
0x105: {  	v0 =	vld [tilespmem:s0+$0xFFFFFFD0];
	_ =	sdelay $0x4  }
0x106: {  	v1 =	vshra.s32 v0, $0xE;
	v0 =	vand.u32 $0x3FFF, v0  }
0x107: {  	[tilespmem:$0x50C0] =	vst v1  }
0x108: {  	[tilespmem:$0x51C0] =	vst v0  }
0x109: {  	v0 =	vld [tilespmem:s0+$0xFFFFFFE0];
	_ =	sdelay $0x2  }
.Ltmp0:
0x10a: {  	(pc) =	sbr.rel @p0 .LBB2_2-.Ltmp0, $4  }
0x10b: {  	_ = 	snop  }
0x10c: {  	v1 =	vshra.s32 v0, $0xE;
	v0 =	vand.u32 $0x3FFF, v0  }
0x10d: {  	[tilespmem:$0x50D0] =	vst v1  }
0x10e: {  	[tilespmem:$0x51D0] =	vst v0  }
0x10f: {  	v0 =	vld [tilespmem:s0+$0xFFFFFFF0];
	_ =	sdelay $0x4  }
0x110: {  	v1 =	vshra.s32 v0, $0xE  }
0x111: {  	v0 =	vand.u32 $0x3FFF, v0;
	[tilespmem:$0x50E0] =	vst v1  }
0x112: {  	[tilespmem:$0x51E0] =	vst v0  }
0x113: {  	v0 =	vld [tilespmem:s0+$0x0];
	_ =	sdelay $0x4  }
0x114: {  	v63 =	vshra.s32 v0, $0xE  }
0x115: {  	v0 =	vand.u32 $0x3FFF, v0;
	[tilespmem:$0x50F0] =	vst v63  }
0x116: {  	[tilespmem:$0x51F0] =	vst v0  }
0x117: {  	[tilespmem:s20], [sflag:$0x4] =	stream.indirect.gather [spmem:s1], $0x40, s19, s12, $0xb8;
	[tilespmem:$0x1D200] =	vst v63  }
0x118: {  	_ =	swait.ge [sflag:s21], $0x1000  }
0x119: {  	[sflag:s21] =	ssyncset.done $0x0  }
0x11a: {  	[sflag:s21] =	ssyncadd.s32 $0xFFFFF000  }
0x11b: {  	[spmem:s2] =	stream.indirect.scatter.add.f32 [tilespmem:s14], [sflag:$0x5], $0x40, s22, s12, $0xb8;
	[tilespmem:$0x1D200] =	vst v63  }
0x11c: {  	_ =	swait.ge [sflag:s10], $0x1000  }
0x11d: {  	[sflag:s10] =	ssyncset.done $0x0  }
0x11e: {  	[sflag:s10] =	ssyncadd.s32 $0xFFFFF000  }
0x11f: {  	_ =	swait.ge [sflag:s23], $0x1000  }
0x120: {  	[sflag:s23] =	ssyncset.done $0x0  }
0x121: {  	[sflag:s23] =	ssyncadd.s32 $0xFFFFF000  }
0x122: {  	[spmem:s2] =	stream.indirect.scatter.add.f32 [tilespmem:s16], [sflag:$0x5], $0x40, s25, s12, $0xb8;
	[tilespmem:$0x1D200] =	vst v63  }
0x123: {  	_ =	swait.ge [sflag:s10], $0x1000  }
0x124: {  	[sflag:s10] =	ssyncset.done $0x0  }
0x125: {  	[sflag:s10] =	ssyncadd.s32 $0xFFFFF000  }
0x126: {  	_ =	swait.ge [sflag:s26], $0x1000  }
0x127: {  	[sflag:s26] =	ssyncset.done $0x0  }
0x128: {  	[sflag:s26] =	ssyncadd.s32 $0xFFFFF000  }
0x129: {  	[spmem:s2] =	stream.indirect.scatter.add.f32 [tilespmem:s18], [sflag:$0x5], $0x40, s28, s12, $0xb8;
	[tilespmem:$0x1D200] =	vst v63  }
0x12a: {  	_ =	swait.ge [sflag:s10], $0x1000  }
0x12b: {  	[sflag:s10] =	ssyncset.done $0x0  }
0x12c: {  	[sflag:s10] =	ssyncadd.s32 $0xFFFFF000  }
0x12d: {  	_ =	swait.ge [sflag:s29], $0x1000  }
0x12e: {  	[sflag:s29] =	ssyncset.done $0x0  }
0x12f: {  	[sflag:s29] =	ssyncadd.s32 $0xFFFFF000  }
0x130: {  	[spmem:s2] =	stream.indirect.scatter.add.f32 [tilespmem:s20], [sflag:$0x5], $0x40, s30, s12, $0xb8;
	[tilespmem:$0x1D200] =	vst v63  }
0x131: {  	_ =	swait.ge [sflag:s10], $0x1000  }
0x132: {  	s31 =	sadd.s32 $0x1, s31;
	[sflag:s10] =	ssyncset.done $0x0  }
0x133: {  	p0 =	sne.s32 s31, s8;
	[sflag:s10] =	ssyncadd.s32 $0xFFFFF000  }
.Ltmp1:
0x134: {  	[bflag:$0x0] =	sbarrier.arrive $0xFFFF;
	(pc) =	sbr.rel @p0 .LBB2_1-.Ltmp1, $4  }
0x135: {  	[hbm:s24], [sflag:s6] =	dma.local [spmem:s11], $0x1400  }
0x136: {  	_ =	swait.ge [sflag:s10], $0x1400  }
0x137: {  	[sflag:s10] =	ssyncset.done $0x0  }
0x138: {  	[sflag:s10] =	ssyncadd.s32 $0xFFFFEC00  }
0x139: {  	_ =	sfence.sel $0x180000  }
0x13a: {  	[bflag:$0x0] =	sbarrier.arrive $0xFFFF  }
0x13b: {  	_ =	strace $0x9000004A  }
0x13c: {  	s0 =	stileid.u32;
	[bflag:$0x2] =	sbarrier.arrive $0xFFFF  }
0x13d: {  	p0 =	sne.s32 s0, $0x0;
	s0 =	rddreg [dreg:$0x4]  }
0x13e: {  	s0 =	sadd.s32 @!p0 $0x100000, s0  }
0x13f: {  	[sflag:s0] =	ssyncadd.tile.s32 @!p0 $0x1;
	_ =	shalt  }
.Lfunc_end2:
_tile_overlayer_lowered:
.L_overlay_start_2:
0x140: {  	(tag) =	ssettag $0x2  }
0x141: {  	s0 =	rddreg [dreg:$0x0];
	s2 =	stileid.u32  }
0x142: {  	s1 =	rddreg [dreg:$0x1];
	p0 =	sne.s32 s2, $0x0  }
0x143: {  	s3 =	rddreg [dreg:$0x2];
	[bflag:$0x3] =	sbarrier.arrive $0xFFFF;
	s2 =	simm.s32 @!p0 $0x1C05  }
0x144: {  	[timem:s3], [sflag:s2] =	dma.local @!p0 [hbm:s0], s1  }
0x145: {  	s0 =	simm.s32 @!p0 $0x5  }
0x146: {  	_ =	swait.ge @!p0 [sflag:s0], s1  }
0x147: {  	s1 =	ssub.s32 @!p0 $0x0, s1;
	[sflag:s0] =	ssyncset.done @!p0 $0x0  }
0x148: {  	[sflag:s0] =	ssyncadd.s32 @!p0 s1  }
0x149: {  	[bflag:$0x3] =	sbarrier.arrive $0xFFFF  }
0x14a: {  	_ =	shalt  }

// kernel: kernel.14.cloned.1.call-start
scs
__scs_entry_jumppad:
0x0: {  	(pc) =	sbr.rel $0x88, $3  }
0x1: {  	(tag) =	ssettag $0x0;
	lr =	simm.s32 $0x1  }
0x2: {  	[smem:$0x3F9B] =	sst lr;
	_ =	strace $0xD0000000  }
0x3: {  	_ = 	snop  }
0x4: {  	_ = 	snop  }
0x5: {  	_ = 	snop  }
0x6: {  	_ = 	snop  }
0x7: {  	_ = 	snop  }
__scs_overlays_trampoline_lowered:
0x8: {  	[smem:$0x3FAA] =	sst s0  }
0x9: {  	[smem:$0x3FAB] =	sst s1  }
0xa: {  	[smem:$0x3FAC] =	sst s2  }
0xb: {  	[smem:$0x3FAD] =	sst s3  }
0xc: {  	[smem:$0x3FAE] =	sst s4  }
0xd: {  	[smem:$0x3FAF] =	sst s5  }
0xe: {  	[smem:$0x3FB0] =	sst s6  }
0xf: {  	[smem:$0x3FB1] =	sst s7  }
0x10: {  	[smem:$0x3FB2] =	sst s8  }
0x11: {  	[smem:$0x3FB3] =	sst s9;
	s0 =	simm.s32 @!p0 $0x0  }
0x12: {  	s1 =	sld [smem:$0x3F99];
	s0 =	simm.s32 @p0 $0x1  }
0x13: {  	[smem:$0x3FB4] =	sst s0;
	s0 =	simm.s32 @!p1 $0x0  }
0x14: {  	s2 =	sld [smem:$0x3F98];
	s0 =	simm.s32 @p1 $0x1  }
0x15: {  	[smem:$0x3FB5] =	sst s0;
	s0 =	simm.s32 @!p2 $0x0  }
0x16: {  	s3 =	sld [smem:$0x3FDB];
	s0 =	simm.s32 @p2 $0x1  }
0x17: {  	s4 =	simm.s32 $0x1BF5;
	[smem:$0x3FB7] =	sst s0  }
0x18: {  	s0 =	sld [smem:$0x3F9A];
	_ =	swait.ge [sflag:s4], $0x0  }
0x19: {  	s7 =	sld [smem:$0x3F9B]  }
0x1a: {  	s8 =	sadd.s32 $0xFFFFE003, lr  }
0x1b: {  	s9 =	sadd.s32 $0xFFFFFEF7, lr;
	s5 =	simm.s32 $0xFFFFFFFF;
	p2 =	slt.u32 s8, $0xFFFFF086  }
0x1c: {  	p1 =	slt.u32 s9, $0xF7A;
	s5 =	simm.s32 @!p2 $0x0  }
0x1d: {  	s5 =	simm.s32 @p1 $0x1;
	p0 =	seq.s32 s7, s2  }
0x1e: {  	s7 =	smul.u32 @!p0 $0xF7A, s2;
	p2 =	seq.s32 @!p0 s5, $0x0  }
0x1f: {  	s9 =	smul.u32 $0xF7A, s1;
	s8 =	simm.s32 @!p0 $0x1BF5;
	p2 =	por !p2, p0  }
0x20: {  	[sflag:s8] =	ssyncset.s32 @!p0 $0xFFFFF086;
	s6 =	sadd.s32 @!p0 s3, s7;
	s7 =	simm.s32 @!p0 $0x108  }
0x21: {  	s3 =	sadd.s32 s3, s9;
	s6 =	sadd.s32 @!p0 $0x88, s6;
	s7 =	simm.s32 @p2 $0x1082  }
0x22: {  	[simem:s7], [sflag:s8] =	dma.local @!p0 [hbm:s6], $0xF7A  }
0x23: {  	s9 =	sor.u32 $0xD0000000, s2;
	s6 =	simm.s32 $0x108;
	_ =	swait.ge @!p0 [sflag:s8], $0x0  }
0x24: {  	s3 =	sadd.s32 $0x88, s3;
	s6 =	simm.s32 @!p1 $0x1082;
	[sflag:s4] =	ssyncset.s32 $0xFFFFF086  }
0x25: {  	[simem:s6], [sflag:s4] =	dma.local [hbm:s3], $0xF7A  }
0x26: {  	[smem:$0x3F9B] =	sst s1;
	(tag) =	ssettag s2;
	_ =	strace s9  }
0x27: {  	s1 =	sld [smem:$0x3FAB]  }
0x28: {  	s2 =	sld [smem:$0x3FAC]  }
0x29: {  	s4 =	sld [smem:$0x3FAE]  }
0x2a: {  	p0 =	seq.s32 s5, $0x0;
	s5 =	sld [smem:$0x3FAF]  }
0x2b: {  	s6 =	sld [smem:$0x3FB0]  }
0x2c: {  	s7 =	sld [smem:$0x3FB1]  }
0x2d: {  	s3 =	simm.s32 $0x108;
	s8 =	sld [smem:$0x3FB2]  }
0x2e: {  	s3 =	simm.s32 @!p0 $0x1082;
	s9 =	sld [smem:$0x3FB3]  }
0x2f: {  	lr =	sadd.s32 s0, s3;
	s0 =	sld [smem:$0x3FAA]  }
0x30: {  	s3 =	sld [smem:$0x3FAD]  }
0x31: {  	[smem:$0x3FB6] =	sst s10  }
0x32: {  	s10 =	sld [smem:$0x3FB4];
	_ =	sdelay $0x3  }
0x33: {  	p0 =	seq.s32 s10, $0x1;
	s10 =	sld [smem:$0x3FB6];
	_ =	sdelay $0x3  }
0x34: {  	[smem:$0x3FB6] =	sst s10  }
0x35: {  	s10 =	sld [smem:$0x3FB5];
	_ =	sdelay $0x3  }
0x36: {  	p1 =	seq.s32 s10, $0x1;
	s10 =	sld [smem:$0x3FB6];
	_ =	sdelay $0x3  }
0x37: {  	[smem:$0x3FB6] =	sst s10  }
0x38: {  	s10 =	sld [smem:$0x3FB7]  }
0x39: {  	_ = 	snop;
	(pc) =	sbr.ind lr, $3  }
0x3a: {  	_ = 	snop  }
0x3b: {  	_ = 	snop  }
0x3c: {  	p2 =	seq.s32 s10, $0x1;
	s10 =	sld [smem:$0x3FB6]  }
0x3d: {  	_ =	shalt  }
0x3e: {  	_ =	shalt  }
0x3f: {  	_ =	shalt  }
0x40: {  	_ =	shalt  }
0x41: {  	_ =	shalt  }
0x42: {  	_ =	shalt  }
0x43: {  	_ =	shalt  }
0x44: {  	_ =	shalt  }
0x45: {  	_ =	shalt  }
0x46: {  	_ =	shalt  }
0x47: {  	_ =	shalt  }
0x48: {  	_ =	shalt  }
0x49: {  	_ =	shalt  }
0x4a: {  	_ =	shalt  }
0x4b: {  	_ =	shalt  }
0x4c: {  	_ =	shalt  }
0x4d: {  	_ =	shalt  }
0x4e: {  	_ =	shalt  }
0x4f: {  	_ =	shalt  }
0x50: {  	_ =	shalt  }
0x51: {  	_ =	shalt  }
0x52: {  	_ =	shalt  }
0x53: {  	_ =	shalt  }
0x54: {  	_ =	shalt  }
0x55: {  	_ =	shalt  }
0x56: {  	_ =	shalt  }
0x57: {  	_ =	shalt  }
0x58: {  	_ =	shalt  }
0x59: {  	_ =	shalt  }
0x5a: {  	_ =	shalt  }
0x5b: {  	_ =	shalt  }
0x5c: {  	_ =	shalt  }
0x5d: {  	_ =	shalt  }
0x5e: {  	_ =	shalt  }
0x5f: {  	_ =	shalt  }
0x60: {  	_ =	shalt  }
0x61: {  	_ =	shalt  }
0x62: {  	_ =	shalt  }
0x63: {  	_ =	shalt  }
0x64: {  	_ =	shalt  }
0x65: {  	_ =	shalt  }
0x66: {  	_ =	shalt  }
0x67: {  	_ =	shalt  }
0x68: {  	_ =	shalt  }
0x69: {  	_ =	shalt  }
0x6a: {  	_ =	shalt  }
0x6b: {  	_ =	shalt  }
0x6c: {  	_ =	shalt  }
0x6d: {  	_ =	shalt  }
0x6e: {  	_ =	shalt  }
0x6f: {  	_ =	shalt  }
0x70: {  	_ =	shalt  }
0x71: {  	_ =	shalt  }
0x72: {  	_ =	shalt  }
0x73: {  	_ =	shalt  }
0x74: {  	_ =	shalt  }
0x75: {  	_ =	shalt  }
0x76: {  	_ =	shalt  }
0x77: {  	_ =	shalt  }
0x78: {  	_ =	shalt  }
0x79: {  	_ =	shalt  }
0x7a: {  	_ =	shalt  }
0x7b: {  	_ =	shalt  }
0x7c: {  	_ =	shalt  }
0x7d: {  	_ =	shalt  }
0x7e: {  	_ =	shalt  }
0x7f: {  	_ =	shalt  }
0x80: {  	_ =	shalt  }
0x81: {  	_ =	shalt  }
0x82: {  	_ =	shalt  }
0x83: {  	_ =	shalt  }
0x84: {  	_ =	shalt  }
0x85: {  	_ =	shalt  }
0x86: {  	_ =	shalt  }
0x87: {  	_ =	shalt  }
.Lfunc_end0:
.L_simem_size_0:
called_computation.2_lowered:
.L_overlay_start_0:
0x88: {  	s2 =	sld [smem:$0x3FD9]  }
0x89: {  	s3 =	sld [smem:$0x3FFE];
	_ =	sdelay $0x1  }
0x8a: {  	s1 =	srdreg.scid  }
0x8b: {  	s0 =	sand.u32 $0x1, s1  }
0x8c: {  	s17 =	sshll.u32 s0, $0xA;
	s2 =	sadd.s32 s3, s2  }
0x8d: {  	s2 =	sadd.s32 s2, s17  }
0x8e: {  	[smem:$0x3FC2] =	sst s2  }
0x8f: {  	_ = 	snop  }
0x90: {  	s2 =	sld [smem:$0x3FD0];
	(tm) =	ssettm $0x1  }
0x91: {  	s18 =	sld [smem:$0x3FFB];
	_ =	sdelay $0x3  }
0x92: {  	_ =	strace s18  }
0x93: {  	s3 =	sld [smem:$0x3FFC];
	_ =	sdelay $0x3  }
0x94: {  	_ =	strace s3  }
0x95: {  	s3 =	sld [smem:$0x3FFD];
	_ =	sdelay $0x3  }
0x96: {  	_ =	strace s3  }
0x97: {  	_ =	strace $0x8FFFFFFF  }
0x98: {  	s19 =	sld [smem:$0x3FDB];
	_ =	sdelay $0x1  }
0x99: {  	s4 =	simm.s32 $_scs_section_size  }
0x9a: {  	s5 =	simm.s32 $_size__tile_overlayer_lowered;
	s6 =	simm.s32 $_tile_overlayer_lowered  }
0x9b: {  	s22 =	simm.s32 $0x1BFF;
	s21 =	sshll.u32 s6, $0x1;
	s3 =	sadd.s32 s4, s19  }
0x9c: {  	s7 =	simm.s32 $0x0;
	s20 =	sshll.u32 s5, $0x1;
	s5 =	sadd.s32 s21, s3  }
0x9d: {  	[timem:s7], [sflag:s22] =	dma.local [hbm:s5], s20  }
0x9e: {  	_ =	swait.ge [sflag:s22], s20  }
0x9f: {  	s4 =	ssub.s32 $0x0, s20;
	[sflag:s22] =	ssyncset.done $0x0  }
0xa0: {  	[sflag:s22] =	ssyncadd.s32 s4;
	_ =	sdelay $0x1  }
0xa1: {  	s23 =	simm.s32 $0x1B8B  }
0xa2: {  	_ =	swait.ge [sflag:s23], $0x1  }
0xa3: {  	[sflag:s23] =	ssyncset.done $0x0  }
0xa4: {  	s25 =	simm.s32 $0x1B8E;
	s24 =	sld [smem:$0x3FFE];
	[sflag:s23] =	ssyncadd.s32 $0xFFFFFFFF  }
0xa5: {  	s26 =	simm.s32 $execute0_lowered;
	[smem:$0x3FD2] =	sst s25  }
0xa6: {  	s5 =	sshll.u32 s26, $0x1;
	_ =	strace $0x8000004C;
	[dreg:$0x1] =	wrdreg $0xFFFFFFFF  }
0xa7: {  	s28 =	simm.s32 $_size_execute0_lowered;
	s3 =	sadd.s32 s3, s5;
	[dreg:$0x0] =	wrdreg $0x0  }
0xa8: {  	s5 =	sshll.u32 s28, $0x1;
	[dreg:$0x2] =	wrdreg s3  }
0xa9: {  	[dreg:$0x3] =	wrdreg s5  }
0xaa: {  	[dreg:$0x4] =	wrdreg $0xC0  }
0xab: {  	_ =	task [dreg:s7], $0x5FFFF  }
0xac: {  	[dreg:$0x1] =	wrdreg $0xFFFFFFFF  }
0xad: {  	[dreg:$0x0] =	wrdreg $0x60  }
0xae: {  	[dreg:$0x2] =	wrdreg s24  }
0xaf: {  	[dreg:$0x3] =	wrdreg s2  }
0xb0: {  	[dreg:$0x4] =	wrdreg $0x72000  }
0xb1: {  	[dreg:$0x5] =	wrdreg $0xC2000  }
0xb2: {  	[dreg:$0x6] =	wrdreg $0x9  }
0xb3: {  	_ =	task.clear_ibuf [dreg:s7], $0x7FFFF;
	_ =	strace $0x9000004C  }
0xb4: {  	s29 =	simm.s32 $0x9;
	_ =	strace $0x8000004E  }
0xb5: {  	_ =	swait.ge [sflag:s29], $0x1  }
0xb6: {  	[sflag:s29] =	ssyncadd.s32 $0xFFFFFFFF  }
0xb7: {  	_ =	strace $0x9000004E  }
0xb8: {  	_ =	sfence  }
0xb9: {  	s30 =	sld [smem:$0x0];
	_ =	sdelay $0x2  }
0xba: {  	s31 =	sshll.u32 s1, $0xD;
	s1 =	sshrl.u32 s1, $0x2  }
0xbb: {  	s3 =	sand.u32 $0x4000, s31;
	s1 =	sadd.s32 s1, s30  }
0xbc: {  	s0 =	sor.u32 s3, s0;
	s1 =	sshll.u32 s1, $0x11  }
0xbd: {  	s0 =	sor.u32 s1, s0  }
0xbe: {  	s0 =	sadd.s32 $0x8F2B, s0  }
0xbf: {  	[sflag:s0] =	ssyncadd.remote.s32 $0x1  }
0xc0: {  	_ =	sfence.sel $0xFFFF  }
0xc1: {  	[dreg:$0x0] =	wrdreg $0xFFFFFFFF;
	(pc) =	sbr.abs _section_cstart, $3  }
0xc2: {  	[dreg:$0x1] =	wrdreg $0xFFFFFFFF  }
0xc3: {  	_ =	task.clear_ibuf [dreg:s7], $0x2FFFF;
	_ =	strace $0x9FFFFFFF  }
0xc4: {  	(tm) =	ssettm $0x7FFFFFFF  }
0xc5: {  	_ =	shalt  }
tec
execute0_lowered:
.L_overlay_start_1:
0x0: {  	(tag) =	ssettag $0x1  }
0x1: {  	s0 =	rddreg [dreg:$0x0]  }
0x2: {  	s3 =	rddreg [dreg:$0x1]  }
0x3: {  	s1 =	rddreg [dreg:$0x2]  }
0x4: {  	s2 =	rddreg [dreg:$0x3]  }
0x5: {  	s4 =	srdreg.scid;
	s7 =	simm.s32 $0x0;
	s21 =	stileid.u32  }
0x6: {  	s12 =	simm.s32 $0x40;
	s13 =	simm.s32 $0x5000;
	s14 =	simm.s32 $0x5200  }
0x7: {  	s15 =	simm.s32 $0x5040;
	s16 =	simm.s32 $0x5A00;
	s17 =	simm.s32 $0x5080  }
0x8: {  	s18 =	simm.s32 $0x6200;
	s19 =	simm.s32 $0x50C0;
	s20 =	simm.s32 $0x6A00  }
0x9: {  	s28 =	simm.s32 $0x5180;
	s29 =	simm.s32 $0x4;
	s30 =	simm.s32 $0x51C0  }
0xa: {  	s31 =	simm.s32 $0x0;
	s5 =	sand.u32 $0x1, s4;
	s22 =	smul.u32 $0x5000, s21  }
0xb: {  	[smem:$0x7FF] =	sst s7;
	s9 =	smul.u32 $0xA00, s21;
	s26 =	sshll.u32 s21, $0x6  }
0xc: {  	s21 =	simm.s32 $0x1;
	s6 =	smul.u32 $0xA000, s5;
	s5 =	ssub.s32 $0x2, s5  }
0xd: {  	_ =	strace $0x8000004D;
	s23 =	sshrl.u32 s5, $0x1;
	s24 =	sshrl.u32 s22, $0x3  }
0xe: {  	s10 =	sadd.s32 s22, s1;
	s11 =	sadd.s32 s22, s2;
	s7 =	sadd.s32 s3, s9  }
0xf: {  	s22 =	simm.s32 $0x5100;
	s0 =	sadd.s32 s6, s0;
	s8 =	ssub.s32 s5, s23  }
0x10: {  	s6 =	sor.u32 $0x1C05, s26;
	s9 =	sshrl.u32 s10, $0x3;
	s10 =	simm.s32 $0x5  }
0x11: {  	s11 =	sshrl.u32 s11, $0x3;
	s23 =	simm.s32 $0x2;
	s26 =	simm.s32 $0x3  }
0x12: {  	s25 =	sadd.s32 s24, s0;
	s0 =	sadd.s32 $0x15800, s0;
	s8 =	smax.u32 s8, $0x1  }
0x13: {  	s5 =	sadd.s32 $0x1800, s25;
	s24 =	sadd.s32 s24, s0;
	s25 =	simm.s32 $0x5140  }
.LBB2_1:
0x14: {  	[spmem:s9], [sflag:s6] =	dma.local [hbm:s5], $0xA00  }
0x15: {  	_ =	swait.ge [sflag:s10], $0xA00  }
0x16: {  	[sflag:s10] =	ssyncset.done $0x0  }
0x17: {  	[sflag:s10] =	ssyncadd.s32 $0xFFFFF600  }
0x18: {  	[spmem:s11], [sflag:s6] =	dma.local [hbm:s5], $0xA00  }
0x19: {  	_ =	swait.ge [sflag:s10], $0xA00  }
0x1a: {  	[sflag:s10] =	ssyncset.done $0x0  }
0x1b: {  	s0 =	simm.s32 $0x0;
	[sflag:s10] =	ssyncadd.s32 $0xFFFFF600  }
0x1c: {  	[tilespmem:s0], [sflag:$0x5] =	stream.linear.gather [hbm4b:s7+s0], $0x5000, $0x38;
	[tilespmem:$0x11200] =	vst v63  }
0x1d: {  	_ =	swait.ge [sflag:s10], $0x5000  }
0x1e: {  	[sflag:s10] =	ssyncset.done $0x0  }
0x1f: {  	[sflag:s10] =	ssyncadd.s32 $0xFFFFB000  }
0x20: {  	[bflag:$0x0] =	sbarrier.arrive $0xFFFF  }
0x21: {  	v0 =	vld [tilespmem:$0x0];
	_ =	sdelay $0x1  }
0x22: {  	v1 =	vld [tilespmem:$0x10];
	_ =	sdelay $0x1  }
0x23: {  	v2 =	vld [tilespmem:$0x20]  }
0x24: {  	v3 =	vshra.s32 v0, $0xE  }
0x25: {  	v6 =	vld [tilespmem:$0x30];
	v0 =	vand.u32 $0x3FFF, v0;
	[tilespmem:$0x5000] =	vst v3  }
0x26: {  	v7 =	vshra.s32 v1, $0xE;
	[tilespmem:$0x5100] =	vst v0  }
0x27: {  	v8 =	vand.u32 $0x3FFF, v1;
	[tilespmem:$0x5010] =	vst v7  }
0x28: {  	v9 =	vshra.s32 v2, $0xE;
	[tilespmem:$0x5110] =	vst v8  }
0x29: {  	v10 =	vand.u32 $0x3FFF, v2;
	[tilespmem:$0x5020] =	vst v9  }
0x2a: {  	v11 =	vshra.s32 v6, $0xE;
	[tilespmem:$0x5120] =	vst v10  }
0x2b: {  	v12 =	vand.u32 $0x3FFF, v6;
	[tilespmem:$0x5030] =	vst v11  }
0x2c: {  	[tilespmem:$0x5130] =	vst v12  }
0x2d: {  	[tilespmem:s14], [sflag:$0x1] =	stream.indirect.gather [spmem:s1], $0x20, s13, s12, $0xb8;
	[tilespmem:$0x11200] =	vst v63  }
0x2e: {  	v13 =	vld [tilespmem:$0x40];
	_ =	sdelay $0x1  }
0x2f: {  	v14 =	vld [tilespmem:$0x50];
	_ =	sdelay $0x1  }
0x30: {  	v15 =	vld [tilespmem:$0x60]  }
0x31: {  	v16 =	vshra.s32 v13, $0xE  }
0x32: {  	v17 =	vld [tilespmem:$0x70];
	v0 =	vand.u32 $0x3FFF, v13;
	[tilespmem:$0x5040] =	vst v16  }
0x33: {  	v18 =	vshra.s32 v14, $0xE;
	[tilespmem:$0x5140] =	vst v0  }
0x34: {  	v19 =	vand.u32 $0x3FFF, v14;
	[tilespmem:$0x5050] =	vst v18  }
0x35: {  	v20 =	vshra.s32 v15, $0xE;
	[tilespmem:$0x5150] =	vst v19  }
0x36: {  	v21 =	vand.u32 $0x3FFF, v15;
	[tilespmem:$0x5060] =	vst v20  }
0x37: {  	v22 =	vshra.s32 v17, $0xE;
	[tilespmem:$0x5160] =	vst v21  }
0x38: {  	v23 =	vand.u32 $0x3FFF, v17;
	[tilespmem:$0x5070] =	vst v22  }
0x39: {  	[tilespmem:$0x5170] =	vst v23  }
0x3a: {  	[tilespmem:s16], [sflag:$0x2] =	stream.indirect.gather [spmem:s1], $0x20, s15, s12, $0xb8;
	[tilespmem:$0x11200] =	vst v63  }
0x3b: {  	v24 =	vld [tilespmem:$0x80];
	_ =	sdelay $0x1  }
0x3c: {  	v25 =	vld [tilespmem:$0x90];
	_ =	sdelay $0x1  }
0x3d: {  	v26 =	vld [tilespmem:$0xA0]  }
0x3e: {  	v27 =	vshra.s32 v24, $0xE  }
0x3f: {  	v28 =	vld [tilespmem:$0xB0];
	v0 =	vand.u32 $0x3FFF, v24;
	[tilespmem:$0x5080] =	vst v27  }
0x40: {  	v29 =	vshra.s32 v25, $0xE;
	[tilespmem:$0x5180] =	vst v0  }
0x41: {  	v30 =	vand.u32 $0x3FFF, v25;
	[tilespmem:$0x5090] =	vst v29  }
0x42: {  	v31 =	vshra.s32 v26, $0xE;
	[tilespmem:$0x5190] =	vst v30  }
0x43: {  	v32 =	vand.u32 $0x3FFF, v26;
	[tilespmem:$0x50A0] =	vst v31  }
0x44: {  	v33 =	vshra.s32 v28, $0xE;
	[tilespmem:$0x51A0] =	vst v32  }
0x45: {  	v34 =	vand.u32 $0x3FFF, v28;
	[tilespmem:$0x50B0] =	vst v33  }
0x46: {  	[tilespmem:$0x51B0] =	vst v34  }
0x47: {  	[tilespmem:s18], [sflag:$0x3] =	stream.indirect.gather [spmem:s1], $0x20, s17, s12, $0xb8;
	[tilespmem:$0x11200] =	vst v63  }
0x48: {  	v35 =	vld [tilespmem:$0xC0];
	_ =	sdelay $0x1  }
0x49: {  	v36 =	vld [tilespmem:$0xD0];
	_ =	sdelay $0x1  }
0x4a: {  	v37 =	vld [tilespmem:$0xE0]  }
0x4b: {  	v38 =	vshra.s32 v35, $0xE  }
0x4c: {  	v39 =	vld [tilespmem:$0xF0];
	v0 =	vand.u32 $0x3FFF, v35;
	[tilespmem:$0x50C0] =	vst v38  }
0x4d: {  	v40 =	vshra.s32 v36, $0xE;
	[tilespmem:$0x51C0] =	vst v0  }
0x4e: {  	v41 =	vand.u32 $0x3FFF, v36;
	[tilespmem:$0x50D0] =	vst v40  }
0x4f: {  	v42 =	vshra.s32 v37, $0xE;
	[tilespmem:$0x51D0] =	vst v41  }
0x50: {  	v43 =	vand.u32 $0x3FFF, v37;
	[tilespmem:$0x50E0] =	vst v42  }
0x51: {  	v44 =	vshra.s32 v39, $0xE;
	[tilespmem:$0x51E0] =	vst v43  }
0x52: {  	v45 =	vand.u32 $0x3FFF, v39;
	[tilespmem:$0x50F0] =	vst v44  }
0x53: {  	[tilespmem:$0x51F0] =	vst v45  }
0x54: {  	[tilespmem:s20], [sflag:$0x4] =	stream.indirect.gather [spmem:s1], $0x20, s19, s12, $0xb8;
	[tilespmem:$0x11200] =	vst v63  }
0x55: {  	_ =	swait.ge [sflag:s21], $0x800  }
0x56: {  	[sflag:s21] =	ssyncset.done $0x0  }
0x57: {  	[sflag:s21] =	ssyncadd.s32 $0xFFFFF800  }
0x58: {  	[spmem:s2] =	stream.indirect.scatter.add.f32 [tilespmem:s14], [sflag:$0x5], $0x20, s22, s12, $0xb8;
	[tilespmem:$0x11200] =	vst v63  }
0x59: {  	_ =	swait.ge [sflag:s10], $0x800  }
0x5a: {  	[sflag:s10] =	ssyncset.done $0x0  }
0x5b: {  	s0 =	simm.s32 $0x1F0;
	[sflag:s10] =	ssyncadd.s32 $0xFFFFF800  }
0x5c: {  	v46 =	vld [tilespmem:s0+$0xFFFFFF10];
	_ =	sdelay $0x4  }
0x5d: {  	v47 =	vshra.s32 v46, $0xE  }
0x5e: {  	v0 =	vand.u32 $0x3FFF, v46;
	[tilespmem:$0x5000] =	vst v47  }
0x5f: {  	[tilespmem:$0x5100] =	vst v0  }
0x60: {  	v0 =	vld [tilespmem:s0+$0xFFFFFF20];
	_ =	sdelay $0x4  }
0x61: {  	v48 =	vshra.s32 v0, $0xE  }
0x62: {  	v0 =	vand.u32 $0x3FFF, v0;
	[tilespmem:$0x5010] =	vst v48  }
0x63: {  	[tilespmem:$0x5110] =	vst v0  }
0x64: {  	v0 =	vld [tilespmem:s0+$0xFFFFFF30];
	_ =	sdelay $0x4  }
0x65: {  	v49 =	vshra.s32 v0, $0xE  }
0x66: {  	v0 =	vand.u32 $0x3FFF, v0;
	[tilespmem:$0x5020] =	vst v49  }
0x67: {  	[tilespmem:$0x5120] =	vst v0  }
0x68: {  	v0 =	vld [tilespmem:s0+$0xFFFFFF40];
	_ =	sdelay $0x4  }
0x69: {  	v50 =	vshra.s32 v0, $0xE  }
0x6a: {  	v0 =	vand.u32 $0x3FFF, v0;
	[tilespmem:$0x5030] =	vst v50  }
0x6b: {  	[tilespmem:$0x5130] =	vst v0  }
0x6c: {  	[tilespmem:s14], [sflag:$0x1] =	stream.indirect.gather [spmem:s1], $0x20, s13, s12, $0xb8;
	[tilespmem:$0x11200] =	vst v63  }
0x6d: {  	_ =	swait.ge [sflag:s23], $0x800  }
0x6e: {  	[sflag:s23] =	ssyncset.done $0x0  }
0x6f: {  	[sflag:s23] =	ssyncadd.s32 $0xFFFFF800  }
0x70: {  	[spmem:s2] =	stream.indirect.scatter.add.f32 [tilespmem:s16], [sflag:$0x5], $0x20, s25, s12, $0xb8;
	[tilespmem:$0x11200] =	vst v63  }
0x71: {  	_ =	swait.ge [sflag:s10], $0x800  }
0x72: {  	[sflag:s10] =	ssyncset.done $0x0  }
0x73: {  	[sflag:s10] =	ssyncadd.s32 $0xFFFFF800  }
0x74: {  	v51 =	vld [tilespmem:s0+$0xFFFFFF50];
	_ =	sdelay $0x4  }
0x75: {  	v52 =	vshra.s32 v51, $0xE  }
0x76: {  	v0 =	vand.u32 $0x3FFF, v51;
	[tilespmem:$0x5040] =	vst v52  }
0x77: {  	[tilespmem:$0x5140] =	vst v0  }
0x78: {  	v0 =	vld [tilespmem:s0+$0xFFFFFF60];
	_ =	sdelay $0x4  }
0x79: {  	v53 =	vshra.s32 v0, $0xE  }
0x7a: {  	v0 =	vand.u32 $0x3FFF, v0;
	[tilespmem:$0x5050] =	vst v53  }
0x7b: {  	[tilespmem:$0x5150] =	vst v0  }
0x7c: {  	v0 =	vld [tilespmem:s0+$0xFFFFFF70];
	_ =	sdelay $0x4  }
0x7d: {  	v54 =	vshra.s32 v0, $0xE  }
0x7e: {  	v0 =	vand.u32 $0x3FFF, v0;
	[tilespmem:$0x5060] =	vst v54  }
0x7f: {  	[tilespmem:$0x5160] =	vst v0  }
0x80: {  	v0 =	vld [tilespmem:s0+$0xFFFFFF80];
	_ =	sdelay $0x4  }
0x81: {  	v55 =	vshra.s32 v0, $0xE  }
0x82: {  	v0 =	vand.u32 $0x3FFF, v0;
	[tilespmem:$0x5070] =	vst v55  }
0x83: {  	[tilespmem:$0x5170] =	vst v0  }
0x84: {  	[tilespmem:s16], [sflag:$0x2] =	stream.indirect.gather [spmem:s1], $0x20, s15, s12, $0xb8;
	[tilespmem:$0x11200] =	vst v63  }
0x85: {  	_ =	swait.ge [sflag:s26], $0x800  }
0x86: {  	[sflag:s26] =	ssyncset.done $0x0  }
0x87: {  	[sflag:s26] =	ssyncadd.s32 $0xFFFFF800  }
0x88: {  	[spmem:s2] =	stream.indirect.scatter.add.f32 [tilespmem:s18], [sflag:$0x5], $0x20, s28, s12, $0xb8;
	[tilespmem:$0x11200] =	vst v63  }
0x89: {  	_ =	swait.ge [sflag:s10], $0x800  }
0x8a: {  	[sflag:s10] =	ssyncset.done $0x0  }
0x8b: {  	[sflag:s10] =	ssyncadd.s32 $0xFFFFF800  }
0x8c: {  	v56 =	vld [tilespmem:s0+$0xFFFFFF90];
	_ =	sdelay $0x4  }
0x8d: {  	v57 =	vshra.s32 v56, $0xE  }
0x8e: {  	v0 =	vand.u32 $0x3FFF, v56;
	[tilespmem:$0x5080] =	vst v57  }
0x8f: {  	[tilespmem:$0x5180] =	vst v0  }
0x90: {  	v0 =	vld [tilespmem:s0+$0xFFFFFFA0];
	_ =	sdelay $0x4  }
0x91: {  	v58 =	vshra.s32 v0, $0xE  }
0x92: {  	v0 =	vand.u32 $0x3FFF, v0;
	[tilespmem:$0x5090] =	vst v58  }
0x93: {  	[tilespmem:$0x5190] =	vst v0  }
0x94: {  	v0 =	vld [tilespmem:s0+$0xFFFFFFB0];
	_ =	sdelay $0x4  }
0x95: {  	v59 =	vshra.s32 v0, $0xE  }
0x96: {  	v0 =	vand.u32 $0x3FFF, v0;
	[tilespmem:$0x50A0] =	vst v59  }
0x97: {  	[tilespmem:$0x51A0] =	vst v0  }
0x98: {  	v0 =	vld [tilespmem:s0+$0xFFFFFFC0];
	_ =	sdelay $0x4  }
0x99: {  	v60 =	vshra.s32 v0, $0xE  }
0x9a: {  	v0 =	vand.u32 $0x3FFF, v0;
	[tilespmem:$0x50B0] =	vst v60  }
0x9b: {  	[tilespmem:$0x51B0] =	vst v0  }
0x9c: {  	[tilespmem:s18], [sflag:$0x3] =	stream.indirect.gather [spmem:s1], $0x20, s17, s12, $0xb8;
	[tilespmem:$0x11200] =	vst v63  }
0x9d: {  	_ =	swait.ge [sflag:s29], $0x800  }
0x9e: {  	[sflag:s29] =	ssyncset.done $0x0  }
0x9f: {  	[sflag:s29] =	ssyncadd.s32 $0xFFFFF800  }
0xa0: {  	[spmem:s2] =	stream.indirect.scatter.add.f32 [tilespmem:s20], [sflag:$0x5], $0x20, s30, s12, $0xb8;
	[tilespmem:$0x11200] =	vst v63  }
0xa1: {  	_ =	swait.ge [sflag:s10], $0x800  }
0xa2: {  	[sflag:s10] =	ssyncset.done $0x0  }
0xa3: {  	[sflag:s10] =	ssyncadd.s32 $0xFFFFF800  }
0xa4: {  	v61 =	vld [tilespmem:s0+$0xFFFFFFD0];
	_ =	sdelay $0x4  }
0xa5: {  	v62 =	vshra.s32 v61, $0xE  }
0xa6: {  	v0 =	vand.u32 $0x3FFF, v61;
	[tilespmem:$0x50C0] =	vst v62  }
0xa7: {  	[tilespmem:$0x51C0] =	vst v0  }
0xa8: {  	v0 =	vld [tilespmem:s0+$0xFFFFFFE0];
	_ =	sdelay $0x4  }
0xa9: {  	v63 =	vshra.s32 v0, $0xE  }
0xaa: {  	v0 =	vand.u32 $0x3FFF, v0;
	[tilespmem:$0x50D0] =	vst v63  }
0xab: {  	s3 =	simm.s32 $0xBC0;
	[tilespmem:$0x51D0] =	vst v0  }
.LBB2_2:
0xac: {  	p0 =	sne.s32 s3, $0x13FC0;
	v0 =	vld [tilespmem:s0+$0xFFFFFFF0];
	s4 =	smov.u32 s3;
	s3 =	sadd.s32 $0x400, s3  }
0xad: {  	_ =	sdelay $0x3  }
0xae: {  	v1 =	vshra.s32 v0, $0xE;
	v0 =	vand.u32 $0x3FFF, v0  }
0xaf: {  	[tilespmem:$0x50E0] =	vst v1  }
0xb0: {  	[tilespmem:$0x51E0] =	vst v0  }
0xb1: {  	v0 =	vld [tilespmem:s0+$0x0];
	_ =	sdelay $0x4  }
0xb2: {  	v1 =	vshra.s32 v0, $0xE;
	v0 =	vand.u32 $0x3FFF, v0  }
0xb3: {  	[tilespmem:$0x50F0] =	vst v1  }
0xb4: {  	[tilespmem:$0x51F0] =	vst v0  }
0xb5: {  	[tilespmem:s20], [sflag:$0x4] =	stream.indirect.gather [spmem:s1], $0x20, s19, s12, $0xb8;
	[tilespmem:$0x11200] =	vst v63  }
0xb6: {  	_ =	swait.ge [sflag:s21], $0x800  }
0xb7: {  	[sflag:s21] =	ssyncset.done $0x0  }
0xb8: {  	[sflag:s21] =	ssyncadd.s32 $0xFFFFF800  }
0xb9: {  	[spmem:s2] =	stream.indirect.scatter.add.f32 [tilespmem:s14], [sflag:$0x5], $0x20, s22, s12, $0xb8;
	[tilespmem:$0x11200] =	vst v63  }
0xba: {  	_ =	swait.ge [sflag:s10], $0x800  }
0xbb: {  	[sflag:s10] =	ssyncset.done $0x0  }
0xbc: {  	s0 =	sshra.s32 s4, $0x2;
	[sflag:s10] =	ssyncadd.s32 $0xFFFFF800  }
0xbd: {  	v0 =	vld [tilespmem:s0+$0xFFFFFF10];
	_ =	sdelay $0x4  }
0xbe: {  	v1 =	vshra.s32 v0, $0xE;
	v0 =	vand.u32 $0x3FFF, v0  }
0xbf: {  	[tilespmem:$0x5000] =	vst v1  }
0xc0: {  	[tilespmem:$0x5100] =	vst v0  }
0xc1: {  	v0 =	vld [tilespmem:s0+$0xFFFFFF20];
	_ =	sdelay $0x4  }
0xc2: {  	v1 =	vshra.s32 v0, $0xE;
	v0 =	vand.u32 $0x3FFF, v0  }
0xc3: {  	[tilespmem:$0x5010] =	vst v1  }
0xc4: {  	[tilespmem:$0x5110] =	vst v0  }
0xc5: {  	v0 =	vld [tilespmem:s0+$0xFFFFFF30];
	_ =	sdelay $0x4  }
0xc6: {  	v1 =	vshra.s32 v0, $0xE;
	v0 =	vand.u32 $0x3FFF, v0  }
0xc7: {  	[tilespmem:$0x5020] =	vst v1  }
0xc8: {  	[tilespmem:$0x5120] =	vst v0  }
0xc9: {  	v0 =	vld [tilespmem:s0+$0xFFFFFF40];
	_ =	sdelay $0x4  }
0xca: {  	v1 =	vshra.s32 v0, $0xE;
	v0 =	vand.u32 $0x3FFF, v0  }
0xcb: {  	[tilespmem:$0x5030] =	vst v1  }
0xcc: {  	[tilespmem:$0x5130] =	vst v0  }
0xcd: {  	[tilespmem:s14], [sflag:$0x1] =	stream.indirect.gather [spmem:s1], $0x20, s13, s12, $0xb8;
	[tilespmem:$0x11200] =	vst v63  }
0xce: {  	_ =	swait.ge [sflag:s23], $0x800  }
0xcf: {  	[sflag:s23] =	ssyncset.done $0x0  }
0xd0: {  	[sflag:s23] =	ssyncadd.s32 $0xFFFFF800  }
0xd1: {  	[spmem:s2] =	stream.indirect.scatter.add.f32 [tilespmem:s16], [sflag:$0x5], $0x20, s25, s12, $0xb8;
	[tilespmem:$0x11200] =	vst v63  }
0xd2: {  	_ =	swait.ge [sflag:s10], $0x800  }
0xd3: {  	[sflag:s10] =	ssyncset.done $0x0  }
0xd4: {  	[sflag:s10] =	ssyncadd.s32 $0xFFFFF800  }
0xd5: {  	v0 =	vld [tilespmem:s0+$0xFFFFFF50];
	_ =	sdelay $0x4  }
0xd6: {  	v1 =	vshra.s32 v0, $0xE;
	v0 =	vand.u32 $0x3FFF, v0  }
0xd7: {  	[tilespmem:$0x5040] =	vst v1  }
0xd8: {  	[tilespmem:$0x5140] =	vst v0  }
0xd9: {  	v0 =	vld [tilespmem:s0+$0xFFFFFF60];
	_ =	sdelay $0x4  }
0xda: {  	v1 =	vshra.s32 v0, $0xE;
	v0 =	vand.u32 $0x3FFF, v0  }
0xdb: {  	[tilespmem:$0x5050] =	vst v1  }
0xdc: {  	[tilespmem:$0x5150] =	vst v0  }
0xdd: {  	v0 =	vld [tilespmem:s0+$0xFFFFFF70];
	_ =	sdelay $0x4  }
0xde: {  	v1 =	vshra.s32 v0, $0xE;
	v0 =	vand.u32 $0x3FFF, v0  }
0xdf: {  	[tilespmem:$0x5060] =	vst v1  }
0xe0: {  	[tilespmem:$0x5160] =	vst v0  }
0xe1: {  	v0 =	vld [tilespmem:s0+$0xFFFFFF80];
	_ =	sdelay $0x4  }
0xe2: {  	v1 =	vshra.s32 v0, $0xE;
	v0 =	vand.u32 $0x3FFF, v0  }
0xe3: {  	[tilespmem:$0x5070] =	vst v1  }
0xe4: {  	[tilespmem:$0x5170] =	vst v0  }
0xe5: {  	[tilespmem:s16], [sflag:$0x2] =	stream.indirect.gather [spmem:s1], $0x20, s15, s12, $0xb8;
	[tilespmem:$0x11200] =	vst v63  }
0xe6: {  	_ =	swait.ge [sflag:s26], $0x800  }
0xe7: {  	[sflag:s26] =	ssyncset.done $0x0  }
0xe8: {  	[sflag:s26] =	ssyncadd.s32 $0xFFFFF800  }
0xe9: {  	[spmem:s2] =	stream.indirect.scatter.add.f32 [tilespmem:s18], [sflag:$0x5], $0x20, s28, s12, $0xb8;
	[tilespmem:$0x11200] =	vst v63  }
0xea: {  	_ =	swait.ge [sflag:s10], $0x800  }
0xeb: {  	[sflag:s10] =	ssyncset.done $0x0  }
0xec: {  	[sflag:s10] =	ssyncadd.s32 $0xFFFFF800  }
0xed: {  	v0 =	vld [tilespmem:s0+$0xFFFFFF90];
	_ =	sdelay $0x4  }
0xee: {  	v1 =	vshra.s32 v0, $0xE;
	v0 =	vand.u32 $0x3FFF, v0  }
0xef: {  	[tilespmem:$0x5080] =	vst v1  }
0xf0: {  	[tilespmem:$0x5180] =	vst v0  }
0xf1: {  	v0 =	vld [tilespmem:s0+$0xFFFFFFA0];
	_ =	sdelay $0x4  }
0xf2: {  	v1 =	vshra.s32 v0, $0xE;
	v0 =	vand.u32 $0x3FFF, v0  }
0xf3: {  	[tilespmem:$0x5090] =	vst v1  }
0xf4: {  	[tilespmem:$0x5190] =	vst v0  }
0xf5: {  	v0 =	vld [tilespmem:s0+$0xFFFFFFB0];
	_ =	sdelay $0x4  }
0xf6: {  	v1 =	vshra.s32 v0, $0xE;
	v0 =	vand.u32 $0x3FFF, v0  }
0xf7: {  	[tilespmem:$0x50A0] =	vst v1  }
0xf8: {  	[tilespmem:$0x51A0] =	vst v0  }
0xf9: {  	v0 =	vld [tilespmem:s0+$0xFFFFFFC0];
	_ =	sdelay $0x4  }
0xfa: {  	v1 =	vshra.s32 v0, $0xE;
	v0 =	vand.u32 $0x3FFF, v0  }
0xfb: {  	[tilespmem:$0x50B0] =	vst v1  }
0xfc: {  	[tilespmem:$0x51B0] =	vst v0  }
0xfd: {  	[tilespmem:s18], [sflag:$0x3] =	stream.indirect.gather [spmem:s1], $0x20, s17, s12, $0xb8;
	[tilespmem:$0x11200] =	vst v63  }
0xfe: {  	_ =	swait.ge [sflag:s29], $0x800  }
0xff: {  	[sflag:s29] =	ssyncset.done $0x0  }
0x100: {  	[sflag:s29] =	ssyncadd.s32 $0xFFFFF800  }
0x101: {  	[spmem:s2] =	stream.indirect.scatter.add.f32 [tilespmem:s20], [sflag:$0x5], $0x20, s30, s12, $0xb8;
	[tilespmem:$0x11200] =	vst v63  }
0x102: {  	_ =	swait.ge [sflag:s10], $0x800  }
0x103: {  	[sflag:s10] =	ssyncset.done $0x0  }
0x104: {  	[sflag:s10] =	ssyncadd.s32 $0xFFFFF800  }
0x105: {  	v0 =	vld [tilespmem:s0+$0xFFFFFFD0];
	_ =	sdelay $0x4  }
0x106: {  	v1 =	vshra.s32 v0, $0xE;
	v0 =	vand.u32 $0x3FFF, v0  }
0x107: {  	[tilespmem:$0x50C0] =	vst v1  }
0x108: {  	[tilespmem:$0x51C0] =	vst v0  }
0x109: {  	v0 =	vld [tilespmem:s0+$0xFFFFFFE0];
	_ =	sdelay $0x2  }
.Ltmp0:
0x10a: {  	(pc) =	sbr.rel @p0 .LBB2_2-.Ltmp0, $4  }
0x10b: {  	_ = 	snop  }
0x10c: {  	v1 =	vshra.s32 v0, $0xE;
	v0 =	vand.u32 $0x3FFF, v0  }
0x10d: {  	[tilespmem:$0x50D0] =	vst v1  }
0x10e: {  	[tilespmem:$0x51D0] =	vst v0  }
0x10f: {  	v0 =	vld [tilespmem:s0+$0xFFFFFFF0];
	_ =	sdelay $0x4  }
0x110: {  	v1 =	vshra.s32 v0, $0xE  }
0x111: {  	v0 =	vand.u32 $0x3FFF, v0;
	[tilespmem:$0x50E0] =	vst v1  }
0x112: {  	[tilespmem:$0x51E0] =	vst v0  }
0x113: {  	v0 =	vld [tilespmem:s0+$0x0];
	_ =	sdelay $0x4  }
0x114: {  	v63 =	vshra.s32 v0, $0xE  }
0x115: {  	v0 =	vand.u32 $0x3FFF, v0;
	[tilespmem:$0x50F0] =	vst v63  }
0x116: {  	[tilespmem:$0x51F0] =	vst v0  }
0x117: {  	[tilespmem:s20], [sflag:$0x4] =	stream.indirect.gather [spmem:s1], $0x20, s19, s12, $0xb8;
	[tilespmem:$0x11200] =	vst v63  }
0x118: {  	_ =	swait.ge [sflag:s21], $0x800  }
0x119: {  	[sflag:s21] =	ssyncset.done $0x0  }
0x11a: {  	[sflag:s21] =	ssyncadd.s32 $0xFFFFF800  }
0x11b: {  	[spmem:s2] =	stream.indirect.scatter.add.f32 [tilespmem:s14], [sflag:$0x5], $0x20, s22, s12, $0xb8;
	[tilespmem:$0x11200] =	vst v63  }
0x11c: {  	_ =	swait.ge [sflag:s10], $0x800  }
0x11d: {  	[sflag:s10] =	ssyncset.done $0x0  }
0x11e: {  	[sflag:s10] =	ssyncadd.s32 $0xFFFFF800  }
0x11f: {  	_ =	swait.ge [sflag:s23], $0x800  }
0x120: {  	[sflag:s23] =	ssyncset.done $0x0  }
0x121: {  	[sflag:s23] =	ssyncadd.s32 $0xFFFFF800  }
0x122: {  	[spmem:s2] =	stream.indirect.scatter.add.f32 [tilespmem:s16], [sflag:$0x5], $0x20, s25, s12, $0xb8;
	[tilespmem:$0x11200] =	vst v63  }
0x123: {  	_ =	swait.ge [sflag:s10], $0x800  }
0x124: {  	[sflag:s10] =	ssyncset.done $0x0  }
0x125: {  	[sflag:s10] =	ssyncadd.s32 $0xFFFFF800  }
0x126: {  	_ =	swait.ge [sflag:s26], $0x800  }
0x127: {  	[sflag:s26] =	ssyncset.done $0x0  }
0x128: {  	[sflag:s26] =	ssyncadd.s32 $0xFFFFF800  }
0x129: {  	[spmem:s2] =	stream.indirect.scatter.add.f32 [tilespmem:s18], [sflag:$0x5], $0x20, s28, s12, $0xb8;
	[tilespmem:$0x11200] =	vst v63  }
0x12a: {  	_ =	swait.ge [sflag:s10], $0x800  }
0x12b: {  	[sflag:s10] =	ssyncset.done $0x0  }
0x12c: {  	[sflag:s10] =	ssyncadd.s32 $0xFFFFF800  }
0x12d: {  	_ =	swait.ge [sflag:s29], $0x800  }
0x12e: {  	[sflag:s29] =	ssyncset.done $0x0  }
0x12f: {  	[sflag:s29] =	ssyncadd.s32 $0xFFFFF800  }
0x130: {  	[spmem:s2] =	stream.indirect.scatter.add.f32 [tilespmem:s20], [sflag:$0x5], $0x20, s30, s12, $0xb8;
	[tilespmem:$0x11200] =	vst v63  }
0x131: {  	_ =	swait.ge [sflag:s10], $0x800  }
0x132: {  	s31 =	sadd.s32 $0x1, s31;
	[sflag:s10] =	ssyncset.done $0x0  }
0x133: {  	p0 =	sne.s32 s31, s8;
	[sflag:s10] =	ssyncadd.s32 $0xFFFFF800  }
.Ltmp1:
0x134: {  	[bflag:$0x0] =	sbarrier.arrive $0xFFFF;
	(pc) =	sbr.rel @p0 .LBB2_1-.Ltmp1, $4  }
0x135: {  	[hbm:s24], [sflag:s6] =	dma.local [spmem:s11], $0xA00  }
0x136: {  	_ =	swait.ge [sflag:s10], $0xA00  }
0x137: {  	[sflag:s10] =	ssyncset.done $0x0  }
0x138: {  	[sflag:s10] =	ssyncadd.s32 $0xFFFFF600  }
0x139: {  	_ =	sfence.sel $0x180000  }
0x13a: {  	[bflag:$0x0] =	sbarrier.arrive $0xFFFF  }
0x13b: {  	_ =	strace $0x9000004D  }
0x13c: {  	s0 =	stileid.u32;
	[bflag:$0x2] =	sbarrier.arrive $0xFFFF  }
0x13d: {  	p0 =	sne.s32 s0, $0x0;
	s0 =	rddreg [dreg:$0x4]  }
0x13e: {  	s0 =	sadd.s32 @!p0 $0x100000, s0  }
0x13f: {  	[sflag:s0] =	ssyncadd.tile.s32 @!p0 $0x1;
	_ =	shalt  }
.Lfunc_end2:
_tile_overlayer_lowered:
.L_overlay_start_2:
0x140: {  	(tag) =	ssettag $0x2  }
0x141: {  	s0 =	rddreg [dreg:$0x0];
	s2 =	stileid.u32  }
0x142: {  	s1 =	rddreg [dreg:$0x1];
	p0 =	sne.s32 s2, $0x0  }
0x143: {  	s3 =	rddreg [dreg:$0x2];
	[bflag:$0x3] =	sbarrier.arrive $0xFFFF;
	s2 =	simm.s32 @!p0 $0x1C05  }
0x144: {  	[timem:s3], [sflag:s2] =	dma.local @!p0 [hbm:s0], s1  }
0x145: {  	s0 =	simm.s32 @!p0 $0x5  }
0x146: {  	_ =	swait.ge @!p0 [sflag:s0], s1  }
0x147: {  	s1 =	ssub.s32 @!p0 $0x0, s1;
	[sflag:s0] =	ssyncset.done @!p0 $0x0  }
0x148: {  	[sflag:s0] =	ssyncadd.s32 @!p0 s1  }
0x149: {  	[bflag:$0x3] =	sbarrier.arrive $0xFFFF  }
0x14a: {  	_ =	shalt  }

// kernel: kernel.8.cloned.1.call-start
scs
__scs_entry_jumppad:
0x0: {  	(pc) =	sbr.rel $0x88, $3  }
0x1: {  	(tag) =	ssettag $0x0;
	lr =	simm.s32 $0x1  }
0x2: {  	[smem:$0x3F9B] =	sst lr;
	_ =	strace $0xD0000000  }
0x3: {  	_ = 	snop  }
0x4: {  	_ = 	snop  }
0x5: {  	_ = 	snop  }
0x6: {  	_ = 	snop  }
0x7: {  	_ = 	snop  }
__scs_overlays_trampoline_lowered:
0x8: {  	[smem:$0x3FAA] =	sst s0  }
0x9: {  	[smem:$0x3FAB] =	sst s1  }
0xa: {  	[smem:$0x3FAC] =	sst s2  }
0xb: {  	[smem:$0x3FAD] =	sst s3  }
0xc: {  	[smem:$0x3FAE] =	sst s4  }
0xd: {  	[smem:$0x3FAF] =	sst s5  }
0xe: {  	[smem:$0x3FB0] =	sst s6  }
0xf: {  	[smem:$0x3FB1] =	sst s7  }
0x10: {  	[smem:$0x3FB2] =	sst s8  }
0x11: {  	[smem:$0x3FB3] =	sst s9;
	s0 =	simm.s32 @!p0 $0x0  }
0x12: {  	s1 =	sld [smem:$0x3F99];
	s0 =	simm.s32 @p0 $0x1  }
0x13: {  	[smem:$0x3FB4] =	sst s0;
	s0 =	simm.s32 @!p1 $0x0  }
0x14: {  	s2 =	sld [smem:$0x3F98];
	s0 =	simm.s32 @p1 $0x1  }
0x15: {  	[smem:$0x3FB5] =	sst s0;
	s0 =	simm.s32 @!p2 $0x0  }
0x16: {  	s3 =	sld [smem:$0x3FDB];
	s0 =	simm.s32 @p2 $0x1  }
0x17: {  	s4 =	simm.s32 $0x1BF5;
	[smem:$0x3FB7] =	sst s0  }
0x18: {  	s0 =	sld [smem:$0x3F9A];
	_ =	swait.ge [sflag:s4], $0x0  }
0x19: {  	s7 =	sld [smem:$0x3F9B]  }
0x1a: {  	s8 =	sadd.s32 $0xFFFFE003, lr  }
0x1b: {  	s9 =	sadd.s32 $0xFFFFFEF7, lr;
	s5 =	simm.s32 $0xFFFFFFFF;
	p2 =	slt.u32 s8, $0xFFFFF086  }
0x1c: {  	p1 =	slt.u32 s9, $0xF7A;
	s5 =	simm.s32 @!p2 $0x0  }
0x1d: {  	s5 =	simm.s32 @p1 $0x1;
	p0 =	seq.s32 s7, s2  }
0x1e: {  	s7 =	smul.u32 @!p0 $0xF7A, s2;
	p2 =	seq.s32 @!p0 s5, $0x0  }
0x1f: {  	s9 =	smul.u32 $0xF7A, s1;
	s8 =	simm.s32 @!p0 $0x1BF5;
	p2 =	por !p2, p0  }
0x20: {  	[sflag:s8] =	ssyncset.s32 @!p0 $0xFFFFF086;
	s6 =	sadd.s32 @!p0 s3, s7;
	s7 =	simm.s32 @!p0 $0x108  }
0x21: {  	s3 =	sadd.s32 s3, s9;
	s6 =	sadd.s32 @!p0 $0x88, s6;
	s7 =	simm.s32 @p2 $0x1082  }
0x22: {  	[simem:s7], [sflag:s8] =	dma.local @!p0 [hbm:s6], $0xF7A  }
0x23: {  	s9 =	sor.u32 $0xD0000000, s2;
	s6 =	simm.s32 $0x108;
	_ =	swait.ge @!p0 [sflag:s8], $0x0  }
0x24: {  	s3 =	sadd.s32 $0x88, s3;
	s6 =	simm.s32 @!p1 $0x1082;
	[sflag:s4] =	ssyncset.s32 $0xFFFFF086  }
0x25: {  	[simem:s6], [sflag:s4] =	dma.local [hbm:s3], $0xF7A  }
0x26: {  	[smem:$0x3F9B] =	sst s1;
	(tag) =	ssettag s2;
	_ =	strace s9  }
0x27: {  	s1 =	sld [smem:$0x3FAB]  }
0x28: {  	s2 =	sld [smem:$0x3FAC]  }
0x29: {  	s4 =	sld [smem:$0x3FAE]  }
0x2a: {  	p0 =	seq.s32 s5, $0x0;
	s5 =	sld [smem:$0x3FAF]  }
0x2b: {  	s6 =	sld [smem:$0x3FB0]  }
0x2c: {  	s7 =	sld [smem:$0x3FB1]  }
0x2d: {  	s3 =	simm.s32 $0x108;
	s8 =	sld [smem:$0x3FB2]  }
0x2e: {  	s3 =	simm.s32 @!p0 $0x1082;
	s9 =	sld [smem:$0x3FB3]  }
0x2f: {  	lr =	sadd.s32 s0, s3;
	s0 =	sld [smem:$0x3FAA]  }
0x30: {  	s3 =	sld [smem:$0x3FAD]  }
0x31: {  	[smem:$0x3FB6] =	sst s10  }
0x32: {  	s10 =	sld [smem:$0x3FB4];
	_ =	sdelay $0x3  }
0x33: {  	p0 =	seq.s32 s10, $0x1;
	s10 =	sld [smem:$0x3FB6];
	_ =	sdelay $0x3  }
0x34: {  	[smem:$0x3FB6] =	sst s10  }
0x35: {  	s10 =	sld [smem:$0x3FB5];
	_ =	sdelay $0x3  }
0x36: {  	p1 =	seq.s32 s10, $0x1;
	s10 =	sld [smem:$0x3FB6];
	_ =	sdelay $0x3  }
0x37: {  	[smem:$0x3FB6] =	sst s10  }
0x38: {  	s10 =	sld [smem:$0x3FB7]  }
0x39: {  	_ = 	snop;
	(pc) =	sbr.ind lr, $3  }
0x3a: {  	_ = 	snop  }
0x3b: {  	_ = 	snop  }
0x3c: {  	p2 =	seq.s32 s10, $0x1;
	s10 =	sld [smem:$0x3FB6]  }
0x3d: {  	_ =	shalt  }
0x3e: {  	_ =	shalt  }
0x3f: {  	_ =	shalt  }
0x40: {  	_ =	shalt  }
0x41: {  	_ =	shalt  }
0x42: {  	_ =	shalt  }
0x43: {  	_ =	shalt  }
0x44: {  	_ =	shalt  }
0x45: {  	_ =	shalt  }
0x46: {  	_ =	shalt  }
0x47: {  	_ =	shalt  }
0x48: {  	_ =	shalt  }
0x49: {  	_ =	shalt  }
0x4a: {  	_ =	shalt  }
0x4b: {  	_ =	shalt  }
0x4c: {  	_ =	shalt  }
0x4d: {  	_ =	shalt  }
0x4e: {  	_ =	shalt  }
0x4f: {  	_ =	shalt  }
0x50: {  	_ =	shalt  }
0x51: {  	_ =	shalt  }
0x52: {  	_ =	shalt  }
0x53: {  	_ =	shalt  }
0x54: {  	_ =	shalt  }
0x55: {  	_ =	shalt  }
0x56: {  	_ =	shalt  }
0x57: {  	_ =	shalt  }
0x58: {  	_ =	shalt  }
0x59: {  	_ =	shalt  }
0x5a: {  	_ =	shalt  }
0x5b: {  	_ =	shalt  }
0x5c: {  	_ =	shalt  }
0x5d: {  	_ =	shalt  }
0x5e: {  	_ =	shalt  }
0x5f: {  	_ =	shalt  }
0x60: {  	_ =	shalt  }
0x61: {  	_ =	shalt  }
0x62: {  	_ =	shalt  }
0x63: {  	_ =	shalt  }
0x64: {  	_ =	shalt  }
0x65: {  	_ =	shalt  }
0x66: {  	_ =	shalt  }
0x67: {  	_ =	shalt  }
0x68: {  	_ =	shalt  }
0x69: {  	_ =	shalt  }
0x6a: {  	_ =	shalt  }
0x6b: {  	_ =	shalt  }
0x6c: {  	_ =	shalt  }
0x6d: {  	_ =	shalt  }
0x6e: {  	_ =	shalt  }
0x6f: {  	_ =	shalt  }
0x70: {  	_ =	shalt  }
0x71: {  	_ =	shalt  }
0x72: {  	_ =	shalt  }
0x73: {  	_ =	shalt  }
0x74: {  	_ =	shalt  }
0x75: {  	_ =	shalt  }
0x76: {  	_ =	shalt  }
0x77: {  	_ =	shalt  }
0x78: {  	_ =	shalt  }
0x79: {  	_ =	shalt  }
0x7a: {  	_ =	shalt  }
0x7b: {  	_ =	shalt  }
0x7c: {  	_ =	shalt  }
0x7d: {  	_ =	shalt  }
0x7e: {  	_ =	shalt  }
0x7f: {  	_ =	shalt  }
0x80: {  	_ =	shalt  }
0x81: {  	_ =	shalt  }
0x82: {  	_ =	shalt  }
0x83: {  	_ =	shalt  }
0x84: {  	_ =	shalt  }
0x85: {  	_ =	shalt  }
0x86: {  	_ =	shalt  }
0x87: {  	_ =	shalt  }
.Lfunc_end0:
.L_simem_size_0:
called_computation_lowered:
.L_overlay_start_0:
0x88: {  	s2 =	sld [smem:$0x3FD9]  }
0x89: {  	s3 =	sld [smem:$0x3FFE];
	_ =	sdelay $0x1  }
0x8a: {  	s1 =	srdreg.scid  }
0x8b: {  	s0 =	sand.u32 $0x1, s1  }
0x8c: {  	s16 =	sshll.u32 s0, $0xA;
	s2 =	sadd.s32 s3, s2  }
0x8d: {  	s2 =	sadd.s32 s2, s16  }
0x8e: {  	[smem:$0x3FC2] =	sst s2  }
0x8f: {  	_ = 	snop  }
0x90: {  	(tm) =	ssettm $0x1  }
0x91: {  	s17 =	sld [smem:$0x3FFB];
	_ =	sdelay $0x3  }
0x92: {  	_ =	strace s17  }
0x93: {  	s2 =	sld [smem:$0x3FFC];
	_ =	sdelay $0x3  }
0x94: {  	_ =	strace s2  }
0x95: {  	s2 =	sld [smem:$0x3FFD];
	_ =	sdelay $0x3  }
0x96: {  	_ =	strace s2  }
0x97: {  	_ =	strace $0x8FFFFFFF  }
0x98: {  	s18 =	sld [smem:$0x3FDB];
	_ =	sdelay $0x1  }
0x99: {  	s19 =	simm.s32 $_scs_section_size  }
0x9a: {  	s4 =	simm.s32 $_size__tile_overlayer_lowered;
	s5 =	simm.s32 $_tile_overlayer_lowered  }
0x9b: {  	s22 =	simm.s32 $0x1BFF;
	s21 =	sshll.u32 s5, $0x1;
	s2 =	sadd.s32 s19, s18  }
0x9c: {  	s6 =	simm.s32 $0x0;
	s20 =	sshll.u32 s4, $0x1;
	s4 =	sadd.s32 s21, s2  }
0x9d: {  	[timem:s6], [sflag:s22] =	dma.local [hbm:s4], s20  }
0x9e: {  	_ =	swait.ge [sflag:s22], s20  }
0x9f: {  	s3 =	ssub.s32 $0x0, s20;
	[sflag:s22] =	ssyncset.done $0x0  }
0xa0: {  	[sflag:s22] =	ssyncadd.s32 s3;
	_ =	sdelay $0x1  }
0xa1: {  	s23 =	simm.s32 $0x1B8B  }
0xa2: {  	_ =	swait.ge [sflag:s23], $0x1  }
0xa3: {  	[sflag:s23] =	ssyncset.done $0x0  }
0xa4: {  	s25 =	simm.s32 $0x1B8E;
	s24 =	sld [smem:$0x3FFE];
	[sflag:s23] =	ssyncadd.s32 $0xFFFFFFFF  }
0xa5: {  	s26 =	simm.s32 $execute0_lowered;
	[smem:$0x3FD2] =	sst s25  }
0xa6: {  	s4 =	sshll.u32 s26, $0x1;
	_ =	strace $0x80000046;
	[dreg:$0x1] =	wrdreg $0xFFFFFFFF  }
0xa7: {  	s28 =	simm.s32 $_size_execute0_lowered;
	s2 =	sadd.s32 s2, s4;
	[dreg:$0x0] =	wrdreg $0x0  }
0xa8: {  	s4 =	sshll.u32 s28, $0x1;
	[dreg:$0x2] =	wrdreg s2  }
0xa9: {  	[dreg:$0x3] =	wrdreg s4  }
0xaa: {  	[dreg:$0x4] =	wrdreg $0xC0  }
0xab: {  	_ =	task [dreg:s6], $0x5FFFF  }
0xac: {  	[dreg:$0x1] =	wrdreg $0xFFFFFFFF  }
0xad: {  	[dreg:$0x0] =	wrdreg $0x60  }
0xae: {  	[dreg:$0x2] =	wrdreg s24  }
0xaf: {  	[dreg:$0x3] =	wrdreg $0x30000  }
0xb0: {  	[dreg:$0x4] =	wrdreg $0x9  }
0xb1: {  	_ =	task.clear_ibuf [dreg:s6], $0x5FFFF;
	_ =	strace $0x90000046  }
0xb2: {  	s29 =	simm.s32 $0x9;
	_ =	strace $0x80000048  }
0xb3: {  	_ =	swait.ge [sflag:s29], $0x1  }
0xb4: {  	[sflag:s29] =	ssyncadd.s32 $0xFFFFFFFF  }
0xb5: {  	_ =	strace $0x90000048  }
0xb6: {  	_ =	sfence  }
0xb7: {  	s30 =	sld [smem:$0x0];
	_ =	sdelay $0x2  }
0xb8: {  	s31 =	sshll.u32 s1, $0xD;
	s1 =	sshrl.u32 s1, $0x2  }
0xb9: {  	s3 =	sand.u32 $0x4000, s31;
	s1 =	sadd.s32 s1, s30  }
0xba: {  	s0 =	sor.u32 s3, s0;
	s1 =	sshll.u32 s1, $0x11  }
0xbb: {  	s0 =	sor.u32 s1, s0  }
0xbc: {  	s0 =	sadd.s32 $0x8F2B, s0  }
0xbd: {  	[sflag:s0] =	ssyncadd.remote.s32 $0x1  }
0xbe: {  	_ =	sfence.sel $0xFFFF  }
0xbf: {  	[dreg:$0x0] =	wrdreg $0xFFFFFFFF;
	(pc) =	sbr.abs _section_cstart, $3  }
0xc0: {  	[dreg:$0x1] =	wrdreg $0xFFFFFFFF  }
0xc1: {  	_ =	task.clear_ibuf [dreg:s6], $0x2FFFF;
	_ =	strace $0x9FFFFFFF  }
0xc2: {  	(tm) =	ssettm $0x7FFFFFFF  }
0xc3: {  	_ =	shalt  }
tec
execute0_lowered:
.L_overlay_start_1:
0x0: {  	(tag) =	ssettag $0x1  }
0x1: {  	s5 =	rddreg [dreg:$0x0]  }
0x2: {  	s0 =	srdreg.scid;
	s2 =	rddreg [dreg:$0x1]  }
0x3: {  	s3 =	simm.s32 $0x0;
	s4 =	sand.u32 $0x1, s0;
	s0 =	stileid.u32  }
0x4: {  	[smem:$0x7FF] =	sst s3;
	s7 =	smul.u32 $0x2800, s0  }
0x5: {  	s1 =	sshll.u32 s4, $0x4;
	s29 =	smul.u32 $0x5000, s4;
	s9 =	ssub.s32 $0x2, s4  }
0x6: {  	s4 =	sadd.s32 $0x10800, s5;
	s30 =	sshll.u32 s0, $0x6;
	s6 =	sor.u32 s0, s1  }
0x7: {  	s1 =	rddreg [dreg:$0x2];
	_ =	strace $0x80000047;
	s11 =	sshrl.u32 s9, $0x1  }
0x8: {  	s6 =	smul.u32 $0x500, s6;
	s13 =	sshrl.u32 s7, $0x3;
	s12 =	sadd.s32 s29, s5  }
0x9: {  	s9 =	ssub.s32 s9, s11;
	s31 =	sadd.s32 s7, s2;
	s11 =	simm.s32 $0x2800  }
0xa: {  	s10 =	sadd.s32 s13, s5;
	s14 =	sadd.s32 $0x10A00, s12;
	s12 =	simm.s32 $0x80  }
0xb: {  	s8 =	sadd.s32 s6, s5;
	s5 =	sadd.s32 $0xB800, s10;
	s6 =	sor.u32 $0x1C01, s30  }
0xc: {  	s10 =	simm.s32 $0x1;
	s13 =	sadd.s32 s13, s14;
	s14 =	simm.s32 $0x0  }
0xd: {  	s7 =	sadd.s32 $0x1800, s8;
	s8 =	smax.u32 s9, $0x1;
	s9 =	sshrl.u32 s31, $0x3  }
.LBB2_1:
0xe: {  	[spmem:s9], [sflag:s6] =	dma.local [hbm:s5], $0x500  }
0xf: {  	_ =	swait.ge [sflag:s10], $0x500  }
0x10: {  	[sflag:s10] =	ssyncset.done $0x0  }
0x11: {  	[sflag:s10] =	ssyncadd.s32 $0xFFFFFB00  }
0x12: {  	[tilespmem:s11], [sflag:$0x1] =	stream.linear.gather [hbm4b:s4+s3], $0x800, $0x38;
	[tilespmem:$0x5800] =	vst v63  }
0x13: {  	_ =	swait.ge [sflag:s10], $0x800  }
0x14: {  	[sflag:s10] =	ssyncset.done $0x0  }
0x15: {  	[sflag:s10] =	ssyncadd.s32 $0xFFFFF800  }
0x16: {  	[tilespmem:s3], [sflag:$0x1] =	stream.linear.gather [hbm4b:s7+s3], $0x2800, $0x38;
	[tilespmem:$0x5800] =	vst v63  }
0x17: {  	_ =	swait.ge [sflag:s10], $0x2800  }
0x18: {  	[sflag:s10] =	ssyncset.done $0x0  }
0x19: {  	[sflag:s10] =	ssyncadd.s32 $0xFFFFD800  }
0x1a: {  	s15 =	simm.s32 $0x0;
	[bflag:$0x0] =	sbarrier.arrive $0xFFFF  }
0x1b: {  	[spmem:s2] =	stream.indirect.scatter.add.f32 [tilespmem:s11], [sflag:$0x1], $0x10, s15, s12, $0xb8;
	[tilespmem:$0x5800] =	vst v63  }
0x1c: {  	_ =	swait.ge [sflag:s10], $0x800  }
0x1d: {  	s15 =	simm.s32 $0x200;
	[sflag:s10] =	ssyncset.done $0x0  }
.LBB2_2:
0x1e: {  	s16 =	sshra.s32 s15, $0x2;
	[sflag:s10] =	ssyncadd.s32 $0xFFFFF800;
	p0 =	sne.s32 s15, $0x9E00  }
0x1f: {  	[spmem:s2] =	stream.indirect.scatter.add.f32 [tilespmem:s11], [sflag:$0x1], $0x10, s16, s12, $0xb8;
	[tilespmem:$0x5800] =	vst v63  }
.Ltmp0:
0x20: {  	_ = 	snop;
	(pc) =	sbr.rel @p0 .LBB2_2-.Ltmp0, $4  }
0x21: {  	_ = 	snop  }
0x22: {  	s15 =	sadd.s32 $0x200, s15  }
0x23: {  	_ =	swait.ge [sflag:s10], $0x800  }
0x24: {  	[sflag:s10] =	ssyncset.done $0x0  }
0x25: {  	s14 =	sadd.s32 $0x1, s14  }
0x26: {  	[sflag:s10] =	ssyncadd.s32 $0xFFFFF800;
	p0 =	sne.s32 s14, s8  }
.Ltmp1:
0x27: {  	[bflag:$0x0] =	sbarrier.arrive $0xFFFF;
	(pc) =	sbr.rel @p0 .LBB2_1-.Ltmp1, $4  }
0x28: {  	[hbm:s13], [sflag:s6] =	dma.local [spmem:s9], $0x500  }
0x29: {  	_ =	swait.ge [sflag:s10], $0x500  }
0x2a: {  	[sflag:s10] =	ssyncset.done $0x0  }
0x2b: {  	[sflag:s10] =	ssyncadd.s32 $0xFFFFFB00  }
0x2c: {  	_ =	sfence.sel $0x180000  }
0x2d: {  	[bflag:$0x0] =	sbarrier.arrive $0xFFFF  }
0x2e: {  	p0 =	sne.s32 s0, $0x0;
	_ =	strace $0x90000047  }
0x2f: {  	s0 =	sadd.s32 @!p0 $0x100000, s1;
	[bflag:$0x2] =	sbarrier.arrive $0xFFFF  }
0x30: {  	[sflag:s0] =	ssyncadd.tile.s32 @!p0 $0x1;
	_ =	shalt  }
.Lfunc_end2:
_tile_overlayer_lowered:
.L_overlay_start_2:
0x31: {  	(tag) =	ssettag $0x2  }
0x32: {  	s0 =	rddreg [dreg:$0x0];
	s2 =	stileid.u32  }
0x33: {  	s1 =	rddreg [dreg:$0x1];
	p0 =	sne.s32 s2, $0x0  }
0x34: {  	s3 =	rddreg [dreg:$0x2];
	[bflag:$0x3] =	sbarrier.arrive $0xFFFF;
	s2 =	simm.s32 @!p0 $0x1C01  }
0x35: {  	[timem:s3], [sflag:s2] =	dma.local @!p0 [hbm:s0], s1  }
0x36: {  	s0 =	simm.s32 @!p0 $0x1  }
0x37: {  	_ =	swait.ge @!p0 [sflag:s0], s1  }
0x38: {  	s1 =	ssub.s32 @!p0 $0x0, s1;
	[sflag:s0] =	ssyncset.done @!p0 $0x0  }
0x39: {  	[sflag:s0] =	ssyncadd.s32 @!p0 s1  }
0x3a: {  	[bflag:$0x3] =	sbarrier.arrive $0xFFFF  }
0x3b: {  	_ =	shalt  }

</sc_bundles>
